<compile_context>
chip_gen: v7x
topology: tpu7x:2x2x1
jax: 0.10.2.dev20260603
libtpu: 0.0.44.dev20260713+nightly
codegen_flags: <defaults>
</compile_context>

<pallas_src>
import functools

import jax
import jax.numpy as jnp
from jax import lax
from jax.experimental import pallas as pl
from jax.experimental.pallas import tpu as pltpu
from jax.experimental.pallas import tpu_sc as plsc

EPS = 0.01
H, W = 352, 1216
HW = H * W
RADIUS_PX = 4.0
WS = float(min(H, W))
RADIUS = RADIUS_PX / float(max(H, W)) * 2.0
TAPS = ((-1, -1), (-1, 0), (-1, 1), (0, -1), (0, 0), (0, 1), (1, -1), (1, 0), (1, 1))

BAND_ROWS = 16
BAND_PX = BAND_ROWS * W
NBANDS = H // BAND_ROWS
NB_PER_CORE = NBANDS // 2
NSUB = 16
CH = 65536 // NSUB
STRIPE = BAND_PX // NSUB
R = 64
RZ = 64
FLUSH_HI = 512
PEND_CAP = FLUSH_HI + CH + 2 * R
WQ_SCALE = 8192.0
FLAT_MASK = 0x7FFFF


def _phase_a_body(sx_ref, sy_ref, sz_ref, i0_ref, j0_ref, pk_ref):
    sx = sx_ref[0, 0]
    sy = sy_ref[0, 0]
    sz = sz_ref[0, 0]
    i0 = i0_ref[0, 0]
    j0 = j0_ref[0, 0]
    r2 = RADIUS * RADIUS
    words = []
    for di, dj in TAPS:
        ii = i0 + di
        jj = j0 + dj
        xc = (W - 1.0 - 2.0 * jj.astype(jnp.float32)) / WS
        yc = (H - 1.0 - 2.0 * ii.astype(jnp.float32)) / WS
        d2 = (sx - xc) ** 2 + (sy - yc) ** 2
        inside = ((d2 < r2) & (ii >= 0) & (ii < H) & (jj >= 0) & (jj < W)
                  & (sz > 0.0))
        dist = d2 / r2
        alpha = 1.0 - jnp.sqrt(jnp.clip(dist, 0.001, 1.0))
        wq = jnp.round(alpha * WQ_SCALE).astype(jnp.int32)
        flat = (jnp.clip(ii, 0, H - 1) * W + jnp.clip(jj, 0, W - 1))
        word = jnp.where(inside, flat | (wq << 19), HW)
        words.append(word)
    pk_ref[0, 0] = jnp.stack(words, axis=0)


def _project(pts3D, K):
    nK = jnp.zeros_like(K)
    nK = nK.at[:, 0, :].set(K[:, 0, :] / WS)
    nK = nK.at[:, 1, :].set(K[:, 1, :] / WS)
    nK = nK.at[:, 2, 2].set(1.0)
    xy_proj = jnp.einsum('bij,bjn->bin', nK, pts3D)
    mask = jnp.abs(xy_proj[:, 2:3, :]) < EPS
    zs = jnp.where(mask, EPS, xy_proj[:, 2:3, :])
    sampler = jnp.concatenate([
        2.0 * xy_proj[:, 0:1, :] / -zs + W / WS,
        2.0 * xy_proj[:, 1:2, :] / -zs + H / WS,
        xy_proj[:, 2:3, :]], axis=1)
    sampler = jnp.where(jnp.broadcast_to(mask, sampler.shape), -10.0, sampler)
    sx = sampler[:, 0:1, :]
    sy = sampler[:, 1:2, :]
    sz = sampler[:, 2:3, :]
    j0 = jnp.round((W - 1.0 - sx * WS) / 2.0).astype(jnp.int32)
    i0 = jnp.round((H - 1.0 - sy * WS) / 2.0).astype(jnp.int32)
    return sx, sy, sz, i0, j0


def _phase_a(pts3D, K):
    B = pts3D.shape[0]
    N = pts3D.shape[2]
    sx, sy, sz, i0, j0 = _project(pts3D, K)
    grid = (B, NSUB)
    pk = pl.pallas_call(
        _phase_a_body,
        grid=grid,
        in_specs=[
            pl.BlockSpec((1, 1, CH), lambda b, s: (b, 0, s)),
            pl.BlockSpec((1, 1, CH), lambda b, s: (b, 0, s)),
            pl.BlockSpec((1, 1, CH), lambda b, s: (b, 0, s)),
            pl.BlockSpec((1, 1, CH), lambda b, s: (b, 0, s)),
            pl.BlockSpec((1, 1, CH), lambda b, s: (b, 0, s)),
        ],
        out_specs=pl.BlockSpec((1, 1, 9, CH), lambda b, s: (b, s, 0, 0)),
        out_shape=jax.ShapeDtypeStruct((B, NSUB, 9, CH), jnp.int32),
    )(sx, sy, sz, i0, j0)
    return pk


def _sc_splat(pk, feat2, B, N):
    mesh = plsc.VectorSubcoreMesh(core_axis_name="c", subcore_axis_name="s")

    @functools.partial(
        pl.kernel,
        mesh=mesh,
        out_type=jax.ShapeDtypeStruct((B * HW, 64), jnp.float32),
        compiler_params=pltpu.CompilerParams(
            use_tc_tiling_on_sc=False, needs_layout_passes=False),
        scratch_types=[
            pltpu.VMEM((9, CH), jnp.int32),
            pltpu.VMEM((PEND_CAP,), jnp.int32),
            pltpu.VMEM((R,), jnp.int32),
            pltpu.VMEM((R,), jnp.int32),
            pltpu.VMEM((R,), jnp.float32),
            pltpu.VMEM((R, 64), jnp.float32),
            pltpu.VMEM_SHARED((BAND_PX + 8, 64), jnp.float32),
            pltpu.SemaphoreType.DMA,
        ],
    )
    def k(pk_hbm, feat_hbm, out_hbm, words, pend, idx_sub, pid_sub, w_sub,
          rows, acc, sem):
        cid = lax.axis_index("c")
        sid = lax.axis_index("s")
        col0 = sid * CH
        zf16 = jnp.zeros((16,), jnp.float32)
        lane = jnp.arange(16, dtype=jnp.int32)
        dnums = lax.GatherDimensionNumbers(
            offset_dims=(), collapsed_slice_dims=(0,), start_index_map=(0,))

        def bcast_lane(vec, l):
            idx = jnp.full((16, 1), l, jnp.int32)
            return lax.gather(vec, idx, dimension_numbers=dnums,
                              slice_sizes=(1,),
                              mode=lax.GatherScatterMode.PROMISE_IN_BOUNDS)


        def band_body(it, _):
            b = it // NB_PER_CORE
            band = (it % NB_PER_CORE) * 2 + cid
            lo = band * BAND_PX
            hi = lo + BAND_PX
            pid_base = b * N + col0

            def zr_body(r, _):
                for c4 in range(4):
                    rows[r, pl.ds(c4 * 16, 16)] = zf16
                return 0
            lax.fori_loop(0, RZ, zr_body, 0)

            def z_body(kz, _):
                pltpu.sync_copy(rows.at[pl.ds(0, RZ)],
                                acc.at[pl.ds(sid * STRIPE + kz * RZ, RZ)])
                return 0
            lax.fori_loop(0, STRIPE // RZ, z_body, 0)
            pltpu.sync_copy(pk_hbm.at[b, sid], words)
            plsc.subcore_barrier()

            def flush_if(cnt, thresh):
                nb = jnp.where(cnt >= thresh, (cnt + (R - 1)) // R, 0)

                def j_body(j, _):
                    off = j * R
                    for q in range(R // 16):
                        gpos = off + q * 16 + lane
                        mv = gpos < cnt
                        p16 = pend[pl.ds(off + q * 16, 16)]
                        wd = plsc.load_gather(
                            words, [p16 >> 12, p16 & (CH - 1)], mask=mv)
                        fl = wd & FLAT_MASK
                        wv = (((wd >> 19) & 0x1FFF).astype(jnp.float32)
                              / WQ_SCALE)
                        idx_sub[pl.ds(q * 16, 16)] = jnp.where(mv, fl - lo,
                                                               BAND_PX)
                        pid_sub[pl.ds(q * 16, 16)] = jnp.where(
                            mv, pid_base + (p16 & (CH - 1)), 0)
                        w_sub[pl.ds(q * 16, 16)] = jnp.where(mv, wv, 0.0)
                    pltpu.async_copy(feat_hbm.at[pid_sub], rows, sem).wait()

                    def q_body(q, _):
                        w16 = w_sub[pl.ds(q * 16, 16)]
                        for l in range(16):
                            wb = bcast_lane(w16, l)
                            ri = q * 16 + l
                            for c4 in range(4):
                                rows[ri, pl.ds(c4 * 16, 16)] = (
                                    rows[ri, pl.ds(c4 * 16, 16)] * wb)
                        return 0
                    lax.fori_loop(0, R // 16, q_body, 0)
                    pltpu.sync_copy(rows, acc.at[idx_sub], add=True)
                    return 0
                lax.fori_loop(0, nb, j_body, 0)
                return jnp.where(nb > 0, 0, cnt)

            def row_body(t, cnt):
                def g_body(g, cnt):
                    gbase = g * 64
                    incls = []
                    masks = []
                    for u in range(4):
                        wd = words[t, pl.ds(gbase + u * 16, 16)]
                        fl = wd & FLAT_MASK
                        m = (fl >= lo) & (fl < hi)
                        incls.append(plsc.cumsum(m.astype(jnp.int32)))
                        masks.append(m)
                    for u in range(4):
                        plsc.store_scatter(pend, [cnt + incls[u] - 1],
                                           t * CH + gbase + u * 16 + lane,
                                           mask=masks[u])
                        cnt = cnt + incls[u][15]
                    return cnt
                cnt = lax.fori_loop(0, CH // 64, g_body, cnt)
                return flush_if(cnt, FLUSH_HI)

            cnt = lax.fori_loop(0, 9, row_body, jnp.int32(0))
            flush_if(cnt, 1)
            plsc.subcore_barrier()

            def wb_body(kz, _):
                row0 = sid * STRIPE + kz * RZ
                pltpu.sync_copy(acc.at[pl.ds(row0, RZ)],
                                out_hbm.at[pl.ds(b * HW + lo + row0, RZ)])
                return 0
            lax.fori_loop(0, STRIPE // RZ, wb_body, 0)
            plsc.subcore_barrier()
            return 0

        lax.fori_loop(0, B * NB_PER_CORE, band_body, 0)

    return k(pk, feat2)


def kernel(src_feat, pts3D, K):
    B, C, N = src_feat.shape
    pk = _phase_a(pts3D, K)
    feat2 = jnp.transpose(src_feat, (0, 2, 1)).reshape(B * N, C)
    out = _sc_splat(pk, feat2, B, N)
    return jnp.transpose(out.reshape(B, H, W, C), (0, 3, 1, 2))

# --- scband reference (transcript-rebuilt; emitter-appended) ---
"""Pipeline reference for scband-pts-manipulator-34419867910825 (READ-ONLY COPY).

The authoritative reference and input builder live on the scoring server;
editing this copy changes nothing except your own understanding.
"""

import jax, jax.numpy as jnp
import numpy as np

EPS = 0.01
H, W = 352, 1216
RAD_POW = 2.0
TAU = 1.0
RADIUS_PX = 4.0


def setup_inputs(seed: int = 0):
    key = jax.random.key(seed)
    k1, k2, k3 = jax.random.split(key, 3)
    B, C, N = 2, 64, 65536
    src_feat = jax.random.normal(k1, (B, C, N), dtype=jnp.float32)
    pts3D = jax.random.normal(k2, (B, 3, N), dtype=jnp.float32)
    K = jax.random.normal(k3, (B, 3, 3), dtype=jnp.float32)
    return {"src_feat": src_feat, "pts3D": pts3D, "K": K}


def _project_pts(pts3D, K):
    ws = float(min(H, W))
    nK = jnp.zeros_like(K)
    nK = nK.at[:, 0, :].set(K[:, 0, :] / ws)
    nK = nK.at[:, 1, :].set(K[:, 1, :] / ws)
    nK = nK.at[:, 2, 2].set(1.0)
    xy_proj = jnp.einsum('bij,bjn->bin', nK, pts3D)
    mask = jnp.abs(xy_proj[:, 2:3, :]) < EPS
    zs = jnp.where(mask, EPS, xy_proj[:, 2:3, :])
    sampler = jnp.concatenate([
        2.0 * xy_proj[:, 0:1, :] / -zs + W / ws,
        2.0 * xy_proj[:, 1:2, :] / -zs + H / ws,
        xy_proj[:, 2:3, :]], axis=1)
    sampler = jnp.where(jnp.broadcast_to(mask, sampler.shape), -10.0, sampler)
    return sampler


def _splat_wsum(sampler, src):
    B, C, N = src.shape
    ws = float(min(H, W))
    radius = RADIUS_PX / float(max(H, W)) * 2.0
    x = sampler[:, 0, :]
    y = sampler[:, 1, :]
    z = sampler[:, 2, :]
    jf = (W - 1.0 - x * ws) / 2.0
    iff = (H - 1.0 - y * ws) / 2.0
    j0 = jnp.round(jf).astype(jnp.int32)
    i0 = jnp.round(iff).astype(jnp.int32)
    srcT = jnp.transpose(src, (0, 2, 1))
    out = jnp.zeros((B, H * W, C), dtype=src.dtype)

    def scatter_one(o, f, v):
        return o.at[f].add(v)

    for di in (-1, 0, 1):
        for dj in (-1, 0, 1):
            ii = i0 + di
            jj = j0 + dj
            xc = (W - 1.0 - 2.0 * jj.astype(jnp.float32)) / ws
            yc = (H - 1.0 - 2.0 * ii.astype(jnp.float32)) / ws
            d2 = (x - xc) ** 2 + (y - yc) ** 2
            inside = (d2 < radius * radius) & (ii >= 0) & (ii < H) & (jj >= 0) & (jj < W) & (z > 0.0)
            dist = d2 / (radius ** RAD_POW)
            alpha = (1.0 - jnp.sqrt(jnp.clip(dist, 0.001, 1.0))) ** TAU
            w = jnp.where(inside, alpha, 0.0)
            flat = jnp.clip(ii, 0, H - 1) * W + jnp.clip(jj, 0, W - 1)
            vals = srcT * w[:, :, None]
            out = jax.vmap(scatter_one)(out, flat, vals)
    return jnp.transpose(out.reshape(B, H, W, C), (0, 3, 1, 2))


def reference(src_feat, pts3D, K):
    sampler = _project_pts(pts3D, K)
    return _splat_wsum(sampler, src_feat)

if __name__ == "__main__":
    import jax
    _d = setup_inputs()
    print(jax.jit(kernel)(*tuple(_d.values())))

</pallas_src>

<mosaic_0001>
#map = affine_map<(d0, d1) -> (0, 0, 0, 0)>
#map1 = affine_map<(d0, d1) -> (0, 0)>
module attributes {stable_mosaic.version = 14 : i64} {
  func.func @k(%arg0: i32, %arg1: i32, %arg2: memref<2x16x9x4096xi32, #tpu.memory_space<hbm>>, %arg3: memref<131072x64xf32, #tpu.memory_space<hbm>>, %arg4: memref<856064x64xf32, #tpu.memory_space<hbm>>, %arg5: memref<9x4096xi32, #tpu.memory_space<vmem>>, %arg6: memref<4736xi32, #tpu.memory_space<vmem>>, %arg7: memref<64xi32, #tpu.memory_space<vmem>>, %arg8: memref<64xi32, #tpu.memory_space<vmem>>, %arg9: memref<64xf32, #tpu.memory_space<vmem>>, %arg10: memref<64x64xf32, #tpu.memory_space<vmem>>, %arg11: memref<19464x64xf32, #tpu.memory_space<vmem_shared>>, %arg12: memref<!tpu.dma_semaphore, #tpu.memory_space<semaphore_mem>>) attributes {dimension_semantics = [#tpu.dimension_semantics<core_parallel>, #tpu.dimension_semantics<subcore_parallel>], iteration_bounds = array<i64: 2, 16>, scalar_prefetch = 0 : i64, scratch_operands = 8 : i64, tpu.core_type = #tpu.core_type<sc_vector_subcore>, window_params = [{transform_indices = #map}, {transform_indices = #map1}, {transform_indices = #map1}]} {
    %mul3A = arith.constant 4096 : i32
    %mul3A_0 = arith.muli %arg1, %mul3A : i32
    %broadcast_in_dim3A = arith.constant 0.000000e+00 : f32
    %broadcast_in_dim3A_1 = vector.broadcast %broadcast_in_dim3A : f32 to vector<16xf32>
    %iota3A = tpu.iota {dimensions = array<i32: 0>} : vector<16xi32>
    %scan3A = arith.constant 0 : i32
    %scan3A_2 = arith.constant 0 : i32
    %scan3A_3 = arith.constant 22 : i32
    %scan3A_4 = arith.addi %scan3A_2, %scan3A_3 : i32
    %scan3A_5 = arith.constant 1 : i32
    %scan3A_6 = scf.for %scan3A_8 = %scan3A_2 to %scan3A_4 step %scan3A_5 iter_args(%scan3A_9 = %scan3A) -> (i32)  : i32 {
      %jit3A = arith.constant 11 : i32
      %div3A = arith.divsi %scan3A_8, %jit3A : i32
      %sign3A = arith.constant 0 : i32
      %sign3A_10 = arith.cmpi sgt, %scan3A_8, %sign3A : i32
      %sign3A_11 = arith.extui %sign3A_10 : i1 to i32
      %sign3A_12 = arith.constant 0 : i32
      %sign3A_13 = arith.cmpi slt, %scan3A_8, %sign3A_12 : i32
      %sign3A_14 = arith.extui %sign3A_13 : i1 to i32
      %sign3A_15 = arith.subi %sign3A_11, %sign3A_14 : i32
      %sign3A_16 = arith.constant 0 : i32
      %sign3A_17 = arith.cmpi sgt, %jit3A, %sign3A_16 : i32
      %sign3A_18 = arith.extui %sign3A_17 : i1 to i32
      %sign3A_19 = arith.constant 0 : i32
      %sign3A_20 = arith.cmpi slt, %jit3A, %sign3A_19 : i32
      %sign3A_21 = arith.extui %sign3A_20 : i1 to i32
      %sign3A_22 = arith.subi %sign3A_18, %sign3A_21 : i32
      %ne3A = arith.cmpi ne, %sign3A_15, %sign3A_22 : i32
      %rem3A = arith.remsi %scan3A_8, %jit3A : i32
      %ne3A_23 = arith.constant 0 : i32
      %ne3A_24 = arith.cmpi ne, %rem3A, %ne3A_23 : i32
      %and3A = arith.andi %ne3A, %ne3A_24 : i1
      %sub3A = arith.constant 1 : i32
      %sub3A_25 = arith.subi %div3A, %sub3A : i32
      %select_n3A = arith.select %and3A, %sub3A_25, %div3A : i32
      %jit3A_26 = arith.constant 11 : i32
      %eq3A = arith.constant 0 : i32
      %eq3A_27 = arith.cmpi eq, %jit3A_26, %eq3A : i32
      %jit3A_28 = arith.constant 1 : i32
      %select_n3A_29 = arith.select %eq3A_27, %jit3A_28, %jit3A_26 : i32
      %rem3A_30 = arith.remsi %scan3A_8, %select_n3A_29 : i32
      %ne3A_31 = arith.constant 0 : i32
      %ne3A_32 = arith.cmpi ne, %rem3A_30, %ne3A_31 : i32
      %lt3A = arith.constant 0 : i32
      %lt3A_33 = arith.cmpi slt, %rem3A_30, %lt3A : i32
      %lt3A_34 = arith.constant 0 : i32
      %lt3A_35 = arith.cmpi slt, %select_n3A_29, %lt3A_34 : i32
      %ne3A_36 = arith.xori %lt3A_33, %lt3A_35 : i1
      %and3A_37 = arith.andi %ne3A_36, %ne3A_32 : i1
      %add3A = arith.addi %rem3A_30, %select_n3A_29 : i32
      %select_n3A_38 = arith.select %and3A_37, %add3A, %rem3A_30 : i32
      %mul3A_39 = arith.constant 2 : i32
      %mul3A_40 = arith.muli %select_n3A_38, %mul3A_39 : i32
      %add3A_41 = arith.addi %mul3A_40, %arg0 : i32
      %mul3A_42 = arith.constant 19456 : i32
      %mul3A_43 = arith.muli %add3A_41, %mul3A_42 : i32
      %add3A_44 = arith.constant 19456 : i32
      %add3A_45 = arith.addi %mul3A_43, %add3A_44 : i32
      %mul3A_46 = arith.constant 65536 : i32
      %mul3A_47 = arith.muli %select_n3A, %mul3A_46 : i32
      %add3A_48 = arith.addi %mul3A_47, %mul3A_0 : i32
      %scan3A_49 = arith.constant 0 : i32
      %scan3A_50 = arith.constant 0 : i32
      %scan3A_51 = arith.constant 64 : i32
      %scan3A_52 = arith.addi %scan3A_50, %scan3A_51 : i32
      %scan3A_53 = arith.constant 1 : i32
      %scan3A_54 = scf.for %scan3A_123 = %scan3A_50 to %scan3A_52 step %scan3A_53 iter_args(%scan3A_124 = %scan3A_49) -> (i32)  : i32 {
        %swap3A = arith.index_cast %scan3A_123 : i32 to index
        %swap3A_125 = arith.constant 0 : index
        %swap3A_126 = tpu.vector_load %arg10[%swap3A, %swap3A_125] {strides = array<i32>} : memref<64x64xf32, #tpu.memory_space<vmem>>, vector<16xf32>,
        tpu.vector_store %arg10[%swap3A, %swap3A_125], %broadcast_in_dim3A_1 {strides = array<i32>} : memref<64x64xf32, #tpu.memory_space<vmem>>, vector<16xf32>,
        %swap3A_127 = arith.index_cast %scan3A_123 : i32 to index
        %swap3A_128 = arith.constant 16 : index
        %swap3A_129 = tpu.vector_load %arg10[%swap3A_127, %swap3A_128] {strides = array<i32>} : memref<64x64xf32, #tpu.memory_space<vmem>>, vector<16xf32>,
        tpu.vector_store %arg10[%swap3A_127, %swap3A_128], %broadcast_in_dim3A_1 {strides = array<i32>} : memref<64x64xf32, #tpu.memory_space<vmem>>, vector<16xf32>,
        %swap3A_130 = arith.index_cast %scan3A_123 : i32 to index
        %swap3A_131 = arith.constant 32 : index
        %swap3A_132 = tpu.vector_load %arg10[%swap3A_130, %swap3A_131] {strides = array<i32>} : memref<64x64xf32, #tpu.memory_space<vmem>>, vector<16xf32>,
        tpu.vector_store %arg10[%swap3A_130, %swap3A_131], %broadcast_in_dim3A_1 {strides = array<i32>} : memref<64x64xf32, #tpu.memory_space<vmem>>, vector<16xf32>,
        %swap3A_133 = arith.index_cast %scan3A_123 : i32 to index
        %swap3A_134 = arith.constant 48 : index
        %swap3A_135 = tpu.vector_load %arg10[%swap3A_133, %swap3A_134] {strides = array<i32>} : memref<64x64xf32, #tpu.memory_space<vmem>>, vector<16xf32>,
        tpu.vector_store %arg10[%swap3A_133, %swap3A_134], %broadcast_in_dim3A_1 {strides = array<i32>} : memref<64x64xf32, #tpu.memory_space<vmem>>, vector<16xf32>,
        %scan3A_136 = arith.constant 0 : i32
        scf.yield %scan3A_136 : i32
      }
      %scan3A_55 = arith.constant 64 : i32
      %scan3A_56 = arith.constant 0 : i32
      %scan3A_57 = arith.constant 0 : i32
      %scan3A_58 = arith.constant 19 : i32
      %scan3A_59 = arith.addi %scan3A_57, %scan3A_58 : i32
      %scan3A_60 = arith.constant 1 : i32
      %scan3A_61 = scf.for %scan3A_123 = %scan3A_57 to %scan3A_59 step %scan3A_60 iter_args(%scan3A_124 = %scan3A_56) -> (i32)  : i32 {
        %mul3A_125 = arith.constant 1216 : i32
        %mul3A_126 = arith.muli %arg1, %mul3A_125 : i32
        %mul3A_127 = arith.constant 64 : i32
        %mul3A_128 = arith.muli %scan3A_123, %mul3A_127 : i32
        %add3A_129 = arith.addi %mul3A_126, %mul3A_128 : i32
        "tpu.region"() ({
          %run_scoped3A = tpu.sem_alloc : memref<!tpu.dma_semaphore, #tpu.memory_space<semaphore_mem>>
          %dma_start3A = arith.constant 0 : i32
          %dma_start3A_131 = arith.constant 0 : i32
          %dma_start3A_132 = tpu.memref_slice %arg10[%dma_start3A, %dma_start3A_131] : memref<64x64xf32, #tpu.memory_space<vmem>> -> memref<64x64xf32, #tpu.memory_space<vmem>>
          %dma_start3A_133 = arith.constant 0 : i32
          %dma_start3A_134 = tpu.memref_slice %arg11[%add3A_129, %dma_start3A_133] : memref<19464x64xf32, #tpu.memory_space<vmem_shared>> -> memref<64x64xf32, #tpu.memory_space<vmem_shared>>
          %dma_start3A_135 = arith.constant 0 : i32
          %dma_start3A_136 = tpu.memref_slice %arg11[%add3A_129, %dma_start3A_135] : memref<19464x64xf32, #tpu.memory_space<vmem_shared>> -> memref<64x64xf32, #tpu.memory_space<vmem_shared>>
          %dma_start3A_137 = arith.constant 0 : i32
          %dma_start3A_138 = arith.constant 0 : i32
          %dma_start3A_139 = tpu.memref_slice %arg10[%dma_start3A_137, %dma_start3A_138] : memref<64x64xf32, #tpu.memory_space<vmem>> -> memref<64x64xf32, #tpu.memory_space<vmem>>
          tpu.enqueue_dma source(%dma_start3A_139 : memref<64x64xf32, #tpu.memory_space<vmem>>) target(%dma_start3A_136 : memref<64x64xf32, #tpu.memory_space<vmem_shared>>) target_semaphore(%run_scoped3A : memref<!tpu.dma_semaphore, #tpu.memory_space<semaphore_mem>>)
          %dma_wait3A = arith.constant 0 : i32
          %dma_wait3A_140 = arith.constant 0 : i32
          %dma_wait3A_141 = tpu.memref_slice %arg10[%dma_wait3A, %dma_wait3A_140] : memref<64x64xf32, #tpu.memory_space<vmem>> -> memref<64x64xf32, #tpu.memory_space<vmem>>
          %dma_wait3A_142 = arith.constant 0 : i32
          %dma_wait3A_143 = tpu.memref_slice %arg11[%add3A_129, %dma_wait3A_142] : memref<19464x64xf32, #tpu.memory_space<vmem_shared>> -> memref<64x64xf32, #tpu.memory_space<vmem_shared>>
          %dma_wait3A_144 = arith.constant 0 : i32
          %dma_wait3A_145 = tpu.memref_slice %arg11[%add3A_129, %dma_wait3A_144] : memref<19464x64xf32, #tpu.memory_space<vmem_shared>> -> memref<64x64xf32, #tpu.memory_space<vmem_shared>>
          %dma_wait3A_146 = arith.constant 0 : i32
          %dma_wait3A_147 = arith.constant 0 : i32
          %dma_wait3A_148 = tpu.memref_slice %arg10[%dma_wait3A_146, %dma_wait3A_147] : memref<64x64xf32, #tpu.memory_space<vmem>> -> memref<64x64xf32, #tpu.memory_space<vmem>>
          tpu.wait_dma2 semaphore(%run_scoped3A : memref<!tpu.dma_semaphore, #tpu.memory_space<semaphore_mem>>) src(%dma_wait3A_148 : memref<64x64xf32, #tpu.memory_space<vmem>>) dst(%dma_wait3A_145 : memref<64x64xf32, #tpu.memory_space<vmem_shared>>)
          tpu.yield
        }) : () -> ()
        %scan3A_130 = arith.constant 0 : i32
        scf.yield %scan3A_130 : i32
      }
      %scan3A_62 = arith.constant 19 : i32
      "tpu.region"() ({
        %run_scoped3A = tpu.sem_alloc : memref<!tpu.dma_semaphore, #tpu.memory_space<semaphore_mem>>
        %dma_start3A = arith.constant 0 : i32
        %dma_start3A_123 = arith.constant 0 : i32
        %dma_start3A_124 = tpu.memref_slice %arg2[%select_n3A, %arg1, %dma_start3A, %dma_start3A_123] : memref<2x16x9x4096xi32, #tpu.memory_space<hbm>> -> memref<1x1x9x4096xi32, #tpu.memory_space<hbm>>
        %dma_start3A_125 = tpu.memref_squeeze %dma_start3A_124 : memref<1x1x9x4096xi32, #tpu.memory_space<hbm>> -> memref<9x4096xi32, #tpu.memory_space<hbm>>
        %dma_start3A_126 = arith.constant 0 : i32
        %dma_start3A_127 = arith.constant 0 : i32
        %dma_start3A_128 = tpu.memref_slice %arg2[%select_n3A, %arg1, %dma_start3A_126, %dma_start3A_127] : memref<2x16x9x4096xi32, #tpu.memory_space<hbm>> -> memref<1x1x9x4096xi32, #tpu.memory_space<hbm>>
        %dma_start3A_129 = tpu.memref_squeeze %dma_start3A_128 : memref<1x1x9x4096xi32, #tpu.memory_space<hbm>> -> memref<9x4096xi32, #tpu.memory_space<hbm>>
        tpu.enqueue_dma source(%dma_start3A_129 : memref<9x4096xi32, #tpu.memory_space<hbm>>) target(%arg5 : memref<9x4096xi32, #tpu.memory_space<vmem>>) target_semaphore(%run_scoped3A : memref<!tpu.dma_semaphore, #tpu.memory_space<semaphore_mem>>)
        %dma_wait3A = arith.constant 0 : i32
        %dma_wait3A_130 = arith.constant 0 : i32
        %dma_wait3A_131 = tpu.memref_slice %arg2[%select_n3A, %arg1, %dma_wait3A, %dma_wait3A_130] : memref<2x16x9x4096xi32, #tpu.memory_space<hbm>> -> memref<1x1x9x4096xi32, #tpu.memory_space<hbm>>
        %dma_wait3A_132 = tpu.memref_squeeze %dma_wait3A_131 : memref<1x1x9x4096xi32, #tpu.memory_space<hbm>> -> memref<9x4096xi32, #tpu.memory_space<hbm>>
        %dma_wait3A_133 = arith.constant 0 : i32
        %dma_wait3A_134 = arith.constant 0 : i32
        %dma_wait3A_135 = tpu.memref_slice %arg2[%select_n3A, %arg1, %dma_wait3A_133, %dma_wait3A_134] : memref<2x16x9x4096xi32, #tpu.memory_space<hbm>> -> memref<1x1x9x4096xi32, #tpu.memory_space<hbm>>
        %dma_wait3A_136 = tpu.memref_squeeze %dma_wait3A_135 : memref<1x1x9x4096xi32, #tpu.memory_space<hbm>> -> memref<9x4096xi32, #tpu.memory_space<hbm>>
        tpu.wait_dma2 semaphore(%run_scoped3A : memref<!tpu.dma_semaphore, #tpu.memory_space<semaphore_mem>>) src(%dma_wait3A_136 : memref<9x4096xi32, #tpu.memory_space<hbm>>) dst(%arg5 : memref<9x4096xi32, #tpu.memory_space<vmem>>)
        tpu.yield
      }) : () -> ()
      %barrier3A = arith.constant 0 : index
      tpu.barrier barrier_id(%barrier3A)
      %scan3A_63 = arith.constant 0 : i32
      %scan3A_64 = arith.constant 0 : i32
      %scan3A_65 = arith.constant 9 : i32
      %scan3A_66 = arith.addi %scan3A_64, %scan3A_65 : i32
      %scan3A_67 = arith.constant 1 : i32
      %scan3A_68 = scf.for %scan3A_123 = %scan3A_64 to %scan3A_66 step %scan3A_67 iter_args(%scan3A_124 = %scan3A_63) -> (i32)  : i32 {
        %scan3A_125 = arith.constant 0 : i32
        %scan3A_126 = arith.constant 64 : i32
        %scan3A_127 = arith.addi %scan3A_125, %scan3A_126 : i32
        %scan3A_128 = arith.constant 1 : i32
        %scan3A_129 = scf.for %scan3A_177 = %scan3A_125 to %scan3A_127 step %scan3A_128 iter_args(%scan3A_178 = %scan3A_124) -> (i32)  : i32 {
          %mul3A_179 = arith.constant 64 : i32
          %mul3A_180 = arith.muli %scan3A_177, %mul3A_179 : i32
          %add3A_181 = arith.constant 0 : i32
          %add3A_182 = arith.addi %mul3A_180, %add3A_181 : i32
          %get3A = arith.index_cast %scan3A_123 : i32 to index
          %get3A_183 = arith.index_cast %add3A_182 : i32 to index
          %get3A_184 = tpu.vector_load %arg5[%get3A, %get3A_183] {strides = array<i32>} : memref<9x4096xi32, #tpu.memory_space<vmem>>, vector<16xi32>,
          %and3A_185 = arith.constant 524287 : i32
          %and3A_186 = vector.broadcast %and3A_185 : i32 to vector<16xi32>
          %and3A_187 = arith.andi %get3A_184, %and3A_186 : vector<16xi32>
          %ge3A_188 = vector.broadcast %mul3A_43 : i32 to vector<16xi32>
          %ge3A_189 = arith.cmpi sge, %and3A_187, %ge3A_188 : vector<16xi32>
          %lt3A_190 = vector.broadcast %add3A_45 : i32 to vector<16xi32>
          %lt3A_191 = arith.cmpi slt, %and3A_187, %lt3A_190 : vector<16xi32>
          %and3A_192 = arith.andi %ge3A_189, %lt3A_191 : vector<16xi1>
          %convert_element_type3A = arith.extui %and3A_192 : vector<16xi1> to vector<16xi32>
          %broadcast_in_dim3A_193 = arith.constant true
          %broadcast_in_dim3A_194 = vector.broadcast %broadcast_in_dim3A_193 : i1 to vector<16xi1>
          %masked_cumsum3A = tpu.scan <sum>, %convert_element_type3A masked %broadcast_in_dim3A_194 : vector<16xi32>, vector<16xi1> -> vector<16xi32>
          %add3A_195 = arith.constant 16 : i32
          %add3A_196 = arith.addi %mul3A_180, %add3A_195 : i32
          %get3A_197 = arith.index_cast %scan3A_123 : i32 to index
          %get3A_198 = arith.index_cast %add3A_196 : i32 to index
          %get3A_199 = tpu.vector_load %arg5[%get3A_197, %get3A_198] {strides = array<i32>} : memref<9x4096xi32, #tpu.memory_space<vmem>>, vector<16xi32>,
          %and3A_200 = arith.constant 524287 : i32
          %and3A_201 = vector.broadcast %and3A_200 : i32 to vector<16xi32>
          %and3A_202 = arith.andi %get3A_199, %and3A_201 : vector<16xi32>
          %ge3A_203 = vector.broadcast %mul3A_43 : i32 to vector<16xi32>
          %ge3A_204 = arith.cmpi sge, %and3A_202, %ge3A_203 : vector<16xi32>
          %lt3A_205 = vector.broadcast %add3A_45 : i32 to vector<16xi32>
          %lt3A_206 = arith.cmpi slt, %and3A_202, %lt3A_205 : vector<16xi32>
          %and3A_207 = arith.andi %ge3A_204, %lt3A_206 : vector<16xi1>
          %convert_element_type3A_208 = arith.extui %and3A_207 : vector<16xi1> to vector<16xi32>
          %broadcast_in_dim3A_209 = arith.constant true
          %broadcast_in_dim3A_210 = vector.broadcast %broadcast_in_dim3A_209 : i1 to vector<16xi1>
          %masked_cumsum3A_211 = tpu.scan <sum>, %convert_element_type3A_208 masked %broadcast_in_dim3A_210 : vector<16xi32>, vector<16xi1> -> vector<16xi32>
          %add3A_212 = arith.constant 32 : i32
          %add3A_213 = arith.addi %mul3A_180, %add3A_212 : i32
          %get3A_214 = arith.index_cast %scan3A_123 : i32 to index
          %get3A_215 = arith.index_cast %add3A_213 : i32 to index
          %get3A_216 = tpu.vector_load %arg5[%get3A_214, %get3A_215] {strides = array<i32>} : memref<9x4096xi32, #tpu.memory_space<vmem>>, vector<16xi32>,
          %and3A_217 = arith.constant 524287 : i32
          %and3A_218 = vector.broadcast %and3A_217 : i32 to vector<16xi32>
          %and3A_219 = arith.andi %get3A_216, %and3A_218 : vector<16xi32>
          %ge3A_220 = vector.broadcast %mul3A_43 : i32 to vector<16xi32>
          %ge3A_221 = arith.cmpi sge, %and3A_219, %ge3A_220 : vector<16xi32>
          %lt3A_222 = vector.broadcast %add3A_45 : i32 to vector<16xi32>
          %lt3A_223 = arith.cmpi slt, %and3A_219, %lt3A_222 : vector<16xi32>
          %and3A_224 = arith.andi %ge3A_221, %lt3A_223 : vector<16xi1>
          %convert_element_type3A_225 = arith.extui %and3A_224 : vector<16xi1> to vector<16xi32>
          %broadcast_in_dim3A_226 = arith.constant true
          %broadcast_in_dim3A_227 = vector.broadcast %broadcast_in_dim3A_226 : i1 to vector<16xi1>
          %masked_cumsum3A_228 = tpu.scan <sum>, %convert_element_type3A_225 masked %broadcast_in_dim3A_227 : vector<16xi32>, vector<16xi1> -> vector<16xi32>
          %add3A_229 = arith.constant 48 : i32
          %add3A_230 = arith.addi %mul3A_180, %add3A_229 : i32
          %get3A_231 = arith.index_cast %scan3A_123 : i32 to index
          %get3A_232 = arith.index_cast %add3A_230 : i32 to index
          %get3A_233 = tpu.vector_load %arg5[%get3A_231, %get3A_232] {strides = array<i32>} : memref<9x4096xi32, #tpu.memory_space<vmem>>, vector<16xi32>,
          %and3A_234 = arith.constant 524287 : i32
          %and3A_235 = vector.broadcast %and3A_234 : i32 to vector<16xi32>
          %and3A_236 = arith.andi %get3A_233, %and3A_235 : vector<16xi32>
          %ge3A_237 = vector.broadcast %mul3A_43 : i32 to vector<16xi32>
          %ge3A_238 = arith.cmpi sge, %and3A_236, %ge3A_237 : vector<16xi32>
          %lt3A_239 = vector.broadcast %add3A_45 : i32 to vector<16xi32>
          %lt3A_240 = arith.cmpi slt, %and3A_236, %lt3A_239 : vector<16xi32>
          %and3A_241 = arith.andi %ge3A_238, %lt3A_240 : vector<16xi1>
          %convert_element_type3A_242 = arith.extui %and3A_241 : vector<16xi1> to vector<16xi32>
          %broadcast_in_dim3A_243 = arith.constant true
          %broadcast_in_dim3A_244 = vector.broadcast %broadcast_in_dim3A_243 : i1 to vector<16xi1>
          %masked_cumsum3A_245 = tpu.scan <sum>, %convert_element_type3A_242 masked %broadcast_in_dim3A_244 : vector<16xi32>, vector<16xi1> -> vector<16xi32>
          %add3A_246 = vector.broadcast %scan3A_178 : i32 to vector<16xi32>
          %add3A_247 = arith.addi %add3A_246, %masked_cumsum3A : vector<16xi32>
          %sub3A_248 = arith.constant 1 : i32
          %sub3A_249 = vector.broadcast %sub3A_248 : i32 to vector<16xi32>
          %sub3A_250 = arith.subi %add3A_247, %sub3A_249 : vector<16xi32>
          %mul3A_251 = arith.constant 4096 : i32
          %mul3A_252 = arith.muli %scan3A_123, %mul3A_251 : i32
          %add3A_253 = arith.addi %mul3A_252, %mul3A_180 : i32
          %add3A_254 = arith.constant 0 : i32
          %add3A_255 = arith.addi %add3A_253, %add3A_254 : i32
          %add3A_256 = vector.broadcast %add3A_255 : i32 to vector<16xi32>
          %add3A_257 = arith.addi %add3A_256, %iota3A : vector<16xi32>
          tpu.vector_store_idx %arg6[%sub3A_250], %add3A_257 masked %and3A_192 : memref<4736xi32, #tpu.memory_space<vmem>>[vector<16xi32>], vector<16xi32>, vector<16xi1>
          %slice3A = vector.extract_strided_slice %masked_cumsum3A {offsets = [15], sizes = [1], strides = [1]} : vector<16xi32> to vector<1xi32>
          %squeeze3A = vector.extract %slice3A[0] : i32 from vector<1xi32>
          %add3A_258 = arith.addi %scan3A_178, %squeeze3A : i32
          %add3A_259 = vector.broadcast %add3A_258 : i32 to vector<16xi32>
          %add3A_260 = arith.addi %add3A_259, %masked_cumsum3A_211 : vector<16xi32>
          %sub3A_261 = arith.constant 1 : i32
          %sub3A_262 = vector.broadcast %sub3A_261 : i32 to vector<16xi32>
          %sub3A_263 = arith.subi %add3A_260, %sub3A_262 : vector<16xi32>
          %mul3A_264 = arith.constant 4096 : i32
          %mul3A_265 = arith.muli %scan3A_123, %mul3A_264 : i32
          %add3A_266 = arith.addi %mul3A_265, %mul3A_180 : i32
          %add3A_267 = arith.constant 16 : i32
          %add3A_268 = arith.addi %add3A_266, %add3A_267 : i32
          %add3A_269 = vector.broadcast %add3A_268 : i32 to vector<16xi32>
          %add3A_270 = arith.addi %add3A_269, %iota3A : vector<16xi32>
          tpu.vector_store_idx %arg6[%sub3A_263], %add3A_270 masked %and3A_207 : memref<4736xi32, #tpu.memory_space<vmem>>[vector<16xi32>], vector<16xi32>, vector<16xi1>
          %slice3A_271 = vector.extract_strided_slice %masked_cumsum3A_211 {offsets = [15], sizes = [1], strides = [1]} : vector<16xi32> to vector<1xi32>
          %squeeze3A_272 = vector.extract %slice3A_271[0] : i32 from vector<1xi32>
          %add3A_273 = arith.addi %add3A_258, %squeeze3A_272 : i32
          %add3A_274 = vector.broadcast %add3A_273 : i32 to vector<16xi32>
          %add3A_275 = arith.addi %add3A_274, %masked_cumsum3A_228 : vector<16xi32>
          %sub3A_276 = arith.constant 1 : i32
          %sub3A_277 = vector.broadcast %sub3A_276 : i32 to vector<16xi32>
          %sub3A_278 = arith.subi %add3A_275, %sub3A_277 : vector<16xi32>
          %mul3A_279 = arith.constant 4096 : i32
          %mul3A_280 = arith.muli %scan3A_123, %mul3A_279 : i32
          %add3A_281 = arith.addi %mul3A_280, %mul3A_180 : i32
          %add3A_282 = arith.constant 32 : i32
          %add3A_283 = arith.addi %add3A_281, %add3A_282 : i32
          %add3A_284 = vector.broadcast %add3A_283 : i32 to vector<16xi32>
          %add3A_285 = arith.addi %add3A_284, %iota3A : vector<16xi32>
          tpu.vector_store_idx %arg6[%sub3A_278], %add3A_285 masked %and3A_224 : memref<4736xi32, #tpu.memory_space<vmem>>[vector<16xi32>], vector<16xi32>, vector<16xi1>
          %slice3A_286 = vector.extract_strided_slice %masked_cumsum3A_228 {offsets = [15], sizes = [1], strides = [1]} : vector<16xi32> to vector<1xi32>
          %squeeze3A_287 = vector.extract %slice3A_286[0] : i32 from vector<1xi32>
          %add3A_288 = arith.addi %add3A_273, %squeeze3A_287 : i32
          %add3A_289 = vector.broadcast %add3A_288 : i32 to vector<16xi32>
          %add3A_290 = arith.addi %add3A_289, %masked_cumsum3A_245 : vector<16xi32>
          %sub3A_291 = arith.constant 1 : i32
          %sub3A_292 = vector.broadcast %sub3A_291 : i32 to vector<16xi32>
          %sub3A_293 = arith.subi %add3A_290, %sub3A_292 : vector<16xi32>
          %mul3A_294 = arith.constant 4096 : i32
          %mul3A_295 = arith.muli %scan3A_123, %mul3A_294 : i32
          %add3A_296 = arith.addi %mul3A_295, %mul3A_180 : i32
          %add3A_297 = arith.constant 48 : i32
          %add3A_298 = arith.addi %add3A_296, %add3A_297 : i32
          %add3A_299 = vector.broadcast %add3A_298 : i32 to vector<16xi32>
          %add3A_300 = arith.addi %add3A_299, %iota3A : vector<16xi32>
          tpu.vector_store_idx %arg6[%sub3A_293], %add3A_300 masked %and3A_241 : memref<4736xi32, #tpu.memory_space<vmem>>[vector<16xi32>], vector<16xi32>, vector<16xi1>
          %slice3A_301 = vector.extract_strided_slice %masked_cumsum3A_245 {offsets = [15], sizes = [1], strides = [1]} : vector<16xi32> to vector<1xi32>
          %squeeze3A_302 = vector.extract %slice3A_301[0] : i32 from vector<1xi32>
          %add3A_303 = arith.addi %add3A_288, %squeeze3A_302 : i32
          scf.yield %add3A_303 : i32
        }
        %scan3A_130 = arith.constant 64 : i32
        %ge3A_131 = arith.constant 512 : i32
        %ge3A_132 = arith.cmpi sge, %scan3A_129, %ge3A_131 : i32
        %add3A_133 = arith.constant 63 : i32
        %add3A_134 = arith.addi %scan3A_129, %add3A_133 : i32
        %jit3A_135 = arith.constant 64 : i32
        %div3A_136 = arith.divsi %add3A_134, %jit3A_135 : i32
        %sign3A_137 = arith.constant 0 : i32
        %sign3A_138 = arith.cmpi sgt, %add3A_134, %sign3A_137 : i32
        %sign3A_139 = arith.extui %sign3A_138 : i1 to i32
        %sign3A_140 = arith.constant 0 : i32
        %sign3A_141 = arith.cmpi slt, %add3A_134, %sign3A_140 : i32
        %sign3A_142 = arith.extui %sign3A_141 : i1 to i32
        %sign3A_143 = arith.subi %sign3A_139, %sign3A_142 : i32
        %sign3A_144 = arith.constant 0 : i32
        %sign3A_145 = arith.cmpi sgt, %jit3A_135, %sign3A_144 : i32
        %sign3A_146 = arith.extui %sign3A_145 : i1 to i32
        %sign3A_147 = arith.constant 0 : i32
        %sign3A_148 = arith.cmpi slt, %jit3A_135, %sign3A_147 : i32
        %sign3A_149 = arith.extui %sign3A_148 : i1 to i32
        %sign3A_150 = arith.subi %sign3A_146, %sign3A_149 : i32
        %ne3A_151 = arith.cmpi ne, %sign3A_143, %sign3A_150 : i32
        %rem3A_152 = arith.remsi %add3A_134, %jit3A_135 : i32
        %ne3A_153 = arith.constant 0 : i32
        %ne3A_154 = arith.cmpi ne, %rem3A_152, %ne3A_153 : i32
        %and3A_155 = arith.andi %ne3A_151, %ne3A_154 : i1
        %sub3A_156 = arith.constant 1 : i32
        %sub3A_157 = arith.subi %div3A_136, %sub3A_156 : i32
        %select_n3A_158 = arith.select %and3A_155, %sub3A_157, %div3A_136 : i32
        %jit3A_159 = arith.constant 0 : i32
        %select_n3A_160 = arith.select %ge3A_132, %select_n3A_158, %jit3A_159 : i32
        %while3A_161 = arith.constant 0 : i32
        %while3A_162 = arith.constant 0 : i32
        %while3A_163 = arith.subi %select_n3A_160, %while3A_161 : i32
        %while3A_164 = arith.addi %while3A_161, %while3A_163 : i32
        %while3A_165 = arith.constant 1 : i32
        %while3A_166 = arith.divsi %while3A_163, %while3A_165 : i32
        %while3A_167 = arith.muli %while3A_166, %while3A_165 : i32
        %while3A_168 = arith.addi %while3A_161, %while3A_167 : i32
        %while3A_169 = arith.constant 1 : i32
        %while3A_170 = scf.for %while3A_177 = %while3A_161 to %while3A_168 step %while3A_169 iter_args(%while3A_178 = %while3A_162) -> (i32)  : i32 {
          %mul3A_179 = arith.constant 64 : i32
          %mul3A_180 = arith.muli %while3A_177, %mul3A_179 : i32
          %add3A_181 = arith.constant 0 : i32
          %add3A_182 = arith.addi %mul3A_180, %add3A_181 : i32
          %add3A_183 = vector.broadcast %add3A_182 : i32 to vector<16xi32>
          %add3A_184 = arith.addi %add3A_183, %iota3A : vector<16xi32>
          %lt3A_185 = vector.broadcast %scan3A_129 : i32 to vector<16xi32>
          %lt3A_186 = arith.cmpi slt, %add3A_184, %lt3A_185 : vector<16xi32>
          %add3A_187 = arith.constant 0 : i32
          %add3A_188 = arith.addi %mul3A_180, %add3A_187 : i32
          %get3A = arith.index_cast %add3A_188 : i32 to index
          %get3A_189 = tpu.vector_load %arg6[%get3A] {strides = array<i32>} : memref<4736xi32, #tpu.memory_space<vmem>>, vector<16xi32>,
          %shift_right_arithmetic3A = arith.constant 12 : i32
          %shift_right_arithmetic3A_190 = vector.broadcast %shift_right_arithmetic3A : i32 to vector<16xi32>
          %shift_right_arithmetic3A_191 = arith.shrsi %get3A_189, %shift_right_arithmetic3A_190 : vector<16xi32>
          %and3A_192 = arith.constant 4095 : i32
          %and3A_193 = vector.broadcast %and3A_192 : i32 to vector<16xi32>
          %and3A_194 = arith.andi %get3A_189, %and3A_193 : vector<16xi32>
          %gather3A = tpu.vector_load_idx %arg5[%shift_right_arithmetic3A_191, %and3A_194] masked %lt3A_186 : memref<9x4096xi32, #tpu.memory_space<vmem>>[vector<16xi32>, vector<16xi32>], vector<16xi32>, vector<16xi1>
          %and3A_195 = arith.constant 524287 : i32
          %and3A_196 = vector.broadcast %and3A_195 : i32 to vector<16xi32>
          %and3A_197 = arith.andi %gather3A, %and3A_196 : vector<16xi32>
          %shift_right_arithmetic3A_198 = arith.constant 19 : i32
          %shift_right_arithmetic3A_199 = vector.broadcast %shift_right_arithmetic3A_198 : i32 to vector<16xi32>
          %shift_right_arithmetic3A_200 = arith.shrsi %gather3A, %shift_right_arithmetic3A_199 : vector<16xi32>
          %and3A_201 = arith.constant 8191 : i32
          %and3A_202 = vector.broadcast %and3A_201 : i32 to vector<16xi32>
          %and3A_203 = arith.andi %shift_right_arithmetic3A_200, %and3A_202 : vector<16xi32>
          %convert_element_type3A = arith.sitofp %and3A_203 : vector<16xi32> to vector<16xf32>
          %div3A_204 = arith.constant 8.192000e+03 : f32
          %div3A_205 = vector.broadcast %div3A_204 : f32 to vector<16xf32>
          %div3A_206 = arith.divf %convert_element_type3A, %div3A_205 : vector<16xf32>
          %sub3A_207 = vector.broadcast %mul3A_43 : i32 to vector<16xi32>
          %sub3A_208 = arith.subi %and3A_197, %sub3A_207 : vector<16xi32>
          %jit3A_209 = arith.constant 19456 : i32
          %broadcast_in_dim3A_210 = vector.broadcast %jit3A_209 : i32 to vector<16xi32>
          %select_n3A_211 = arith.select %lt3A_186, %sub3A_208, %broadcast_in_dim3A_210 : vector<16xi1>, vector<16xi32>
          %swap3A = arith.constant 0 : index
          %swap3A_212 = tpu.vector_load %arg7[%swap3A] {strides = array<i32>} : memref<64xi32, #tpu.memory_space<vmem>>, vector<16xi32>,
          tpu.vector_store %arg7[%swap3A], %select_n3A_211 {strides = array<i32>} : memref<64xi32, #tpu.memory_space<vmem>>, vector<16xi32>,
          %and3A_213 = arith.constant 4095 : i32
          %and3A_214 = vector.broadcast %and3A_213 : i32 to vector<16xi32>
          %and3A_215 = arith.andi %get3A_189, %and3A_214 : vector<16xi32>
          %add3A_216 = vector.broadcast %add3A_48 : i32 to vector<16xi32>
          %add3A_217 = arith.addi %add3A_216, %and3A_215 : vector<16xi32>
          %jit3A_218 = arith.constant 0 : i32
          %broadcast_in_dim3A_219 = vector.broadcast %jit3A_218 : i32 to vector<16xi32>
          %select_n3A_220 = arith.select %lt3A_186, %add3A_217, %broadcast_in_dim3A_219 : vector<16xi1>, vector<16xi32>
          %swap3A_221 = arith.constant 0 : index
          %swap3A_222 = tpu.vector_load %arg8[%swap3A_221] {strides = array<i32>} : memref<64xi32, #tpu.memory_space<vmem>>, vector<16xi32>,
          tpu.vector_store %arg8[%swap3A_221], %select_n3A_220 {strides = array<i32>} : memref<64xi32, #tpu.memory_space<vmem>>, vector<16xi32>,
          %jit3A_223 = arith.constant 0.000000e+00 : f32
          %broadcast_in_dim3A_224 = vector.broadcast %jit3A_223 : f32 to vector<16xf32>
          %select_n3A_225 = arith.select %lt3A_186, %div3A_206, %broadcast_in_dim3A_224 : vector<16xi1>, vector<16xf32>
          %swap3A_226 = arith.constant 0 : index
          %swap3A_227 = tpu.vector_load %arg9[%swap3A_226] {strides = array<i32>} : memref<64xf32, #tpu.memory_space<vmem>>, vector<16xf32>,
          tpu.vector_store %arg9[%swap3A_226], %select_n3A_225 {strides = array<i32>} : memref<64xf32, #tpu.memory_space<vmem>>, vector<16xf32>,
          %add3A_228 = arith.constant 16 : i32
          %add3A_229 = arith.addi %mul3A_180, %add3A_228 : i32
          %add3A_230 = vector.broadcast %add3A_229 : i32 to vector<16xi32>
          %add3A_231 = arith.addi %add3A_230, %iota3A : vector<16xi32>
          %lt3A_232 = vector.broadcast %scan3A_129 : i32 to vector<16xi32>
          %lt3A_233 = arith.cmpi slt, %add3A_231, %lt3A_232 : vector<16xi32>
          %add3A_234 = arith.constant 16 : i32
          %add3A_235 = arith.addi %mul3A_180, %add3A_234 : i32
          %get3A_236 = arith.index_cast %add3A_235 : i32 to index
          %get3A_237 = tpu.vector_load %arg6[%get3A_236] {strides = array<i32>} : memref<4736xi32, #tpu.memory_space<vmem>>, vector<16xi32>,
          %shift_right_arithmetic3A_238 = arith.constant 12 : i32
          %shift_right_arithmetic3A_239 = vector.broadcast %shift_right_arithmetic3A_238 : i32 to vector<16xi32>
          %shift_right_arithmetic3A_240 = arith.shrsi %get3A_237, %shift_right_arithmetic3A_239 : vector<16xi32>
          %and3A_241 = arith.constant 4095 : i32
          %and3A_242 = vector.broadcast %and3A_241 : i32 to vector<16xi32>
          %and3A_243 = arith.andi %get3A_237, %and3A_242 : vector<16xi32>
          %gather3A_244 = tpu.vector_load_idx %arg5[%shift_right_arithmetic3A_240, %and3A_243] masked %lt3A_233 : memref<9x4096xi32, #tpu.memory_space<vmem>>[vector<16xi32>, vector<16xi32>], vector<16xi32>, vector<16xi1>
          %and3A_245 = arith.constant 524287 : i32
          %and3A_246 = vector.broadcast %and3A_245 : i32 to vector<16xi32>
          %and3A_247 = arith.andi %gather3A_244, %and3A_246 : vector<16xi32>
          %shift_right_arithmetic3A_248 = arith.constant 19 : i32
          %shift_right_arithmetic3A_249 = vector.broadcast %shift_right_arithmetic3A_248 : i32 to vector<16xi32>
          %shift_right_arithmetic3A_250 = arith.shrsi %gather3A_244, %shift_right_arithmetic3A_249 : vector<16xi32>
          %and3A_251 = arith.constant 8191 : i32
          %and3A_252 = vector.broadcast %and3A_251 : i32 to vector<16xi32>
          %and3A_253 = arith.andi %shift_right_arithmetic3A_250, %and3A_252 : vector<16xi32>
          %convert_element_type3A_254 = arith.sitofp %and3A_253 : vector<16xi32> to vector<16xf32>
          %div3A_255 = arith.constant 8.192000e+03 : f32
          %div3A_256 = vector.broadcast %div3A_255 : f32 to vector<16xf32>
          %div3A_257 = arith.divf %convert_element_type3A_254, %div3A_256 : vector<16xf32>
          %sub3A_258 = vector.broadcast %mul3A_43 : i32 to vector<16xi32>
          %sub3A_259 = arith.subi %and3A_247, %sub3A_258 : vector<16xi32>
          %jit3A_260 = arith.constant 19456 : i32
          %broadcast_in_dim3A_261 = vector.broadcast %jit3A_260 : i32 to vector<16xi32>
          %select_n3A_262 = arith.select %lt3A_233, %sub3A_259, %broadcast_in_dim3A_261 : vector<16xi1>, vector<16xi32>
          %swap3A_263 = arith.constant 16 : index
          %swap3A_264 = tpu.vector_load %arg7[%swap3A_263] {strides = array<i32>} : memref<64xi32, #tpu.memory_space<vmem>>, vector<16xi32>,
          tpu.vector_store %arg7[%swap3A_263], %select_n3A_262 {strides = array<i32>} : memref<64xi32, #tpu.memory_space<vmem>>, vector<16xi32>,
          %and3A_265 = arith.constant 4095 : i32
          %and3A_266 = vector.broadcast %and3A_265 : i32 to vector<16xi32>
          %and3A_267 = arith.andi %get3A_237, %and3A_266 : vector<16xi32>
          %add3A_268 = vector.broadcast %add3A_48 : i32 to vector<16xi32>
          %add3A_269 = arith.addi %add3A_268, %and3A_267 : vector<16xi32>
          %jit3A_270 = arith.constant 0 : i32
          %broadcast_in_dim3A_271 = vector.broadcast %jit3A_270 : i32 to vector<16xi32>
          %select_n3A_272 = arith.select %lt3A_233, %add3A_269, %broadcast_in_dim3A_271 : vector<16xi1>, vector<16xi32>
          %swap3A_273 = arith.constant 16 : index
          %swap3A_274 = tpu.vector_load %arg8[%swap3A_273] {strides = array<i32>} : memref<64xi32, #tpu.memory_space<vmem>>, vector<16xi32>,
          tpu.vector_store %arg8[%swap3A_273], %select_n3A_272 {strides = array<i32>} : memref<64xi32, #tpu.memory_space<vmem>>, vector<16xi32>,
          %jit3A_275 = arith.constant 0.000000e+00 : f32
          %broadcast_in_dim3A_276 = vector.broadcast %jit3A_275 : f32 to vector<16xf32>
          %select_n3A_277 = arith.select %lt3A_233, %div3A_257, %broadcast_in_dim3A_276 : vector<16xi1>, vector<16xf32>
          %swap3A_278 = arith.constant 16 : index
          %swap3A_279 = tpu.vector_load %arg9[%swap3A_278] {strides = array<i32>} : memref<64xf32, #tpu.memory_space<vmem>>, vector<16xf32>,
          tpu.vector_store %arg9[%swap3A_278], %select_n3A_277 {strides = array<i32>} : memref<64xf32, #tpu.memory_space<vmem>>, vector<16xf32>,
          %add3A_280 = arith.constant 32 : i32
          %add3A_281 = arith.addi %mul3A_180, %add3A_280 : i32
          %add3A_282 = vector.broadcast %add3A_281 : i32 to vector<16xi32>
          %add3A_283 = arith.addi %add3A_282, %iota3A : vector<16xi32>
          %lt3A_284 = vector.broadcast %scan3A_129 : i32 to vector<16xi32>
          %lt3A_285 = arith.cmpi slt, %add3A_283, %lt3A_284 : vector<16xi32>
          %add3A_286 = arith.constant 32 : i32
          %add3A_287 = arith.addi %mul3A_180, %add3A_286 : i32
          %get3A_288 = arith.index_cast %add3A_287 : i32 to index
          %get3A_289 = tpu.vector_load %arg6[%get3A_288] {strides = array<i32>} : memref<4736xi32, #tpu.memory_space<vmem>>, vector<16xi32>,
          %shift_right_arithmetic3A_290 = arith.constant 12 : i32
          %shift_right_arithmetic3A_291 = vector.broadcast %shift_right_arithmetic3A_290 : i32 to vector<16xi32>
          %shift_right_arithmetic3A_292 = arith.shrsi %get3A_289, %shift_right_arithmetic3A_291 : vector<16xi32>
          %and3A_293 = arith.constant 4095 : i32
          %and3A_294 = vector.broadcast %and3A_293 : i32 to vector<16xi32>
          %and3A_295 = arith.andi %get3A_289, %and3A_294 : vector<16xi32>
          %gather3A_296 = tpu.vector_load_idx %arg5[%shift_right_arithmetic3A_292, %and3A_295] masked %lt3A_285 : memref<9x4096xi32, #tpu.memory_space<vmem>>[vector<16xi32>, vector<16xi32>], vector<16xi32>, vector<16xi1>
          %and3A_297 = arith.constant 524287 : i32
          %and3A_298 = vector.broadcast %and3A_297 : i32 to vector<16xi32>
          %and3A_299 = arith.andi %gather3A_296, %and3A_298 : vector<16xi32>
          %shift_right_arithmetic3A_300 = arith.constant 19 : i32
          %shift_right_arithmetic3A_301 = vector.broadcast %shift_right_arithmetic3A_300 : i32 to vector<16xi32>
          %shift_right_arithmetic3A_302 = arith.shrsi %gather3A_296, %shift_right_arithmetic3A_301 : vector<16xi32>
          %and3A_303 = arith.constant 8191 : i32
          %and3A_304 = vector.broadcast %and3A_303 : i32 to vector<16xi32>
          %and3A_305 = arith.andi %shift_right_arithmetic3A_302, %and3A_304 : vector<16xi32>
          %convert_element_type3A_306 = arith.sitofp %and3A_305 : vector<16xi32> to vector<16xf32>
          %div3A_307 = arith.constant 8.192000e+03 : f32
          %div3A_308 = vector.broadcast %div3A_307 : f32 to vector<16xf32>
          %div3A_309 = arith.divf %convert_element_type3A_306, %div3A_308 : vector<16xf32>
          %sub3A_310 = vector.broadcast %mul3A_43 : i32 to vector<16xi32>
          %sub3A_311 = arith.subi %and3A_299, %sub3A_310 : vector<16xi32>
          %jit3A_312 = arith.constant 19456 : i32
          %broadcast_in_dim3A_313 = vector.broadcast %jit3A_312 : i32 to vector<16xi32>
          %select_n3A_314 = arith.select %lt3A_285, %sub3A_311, %broadcast_in_dim3A_313 : vector<16xi1>, vector<16xi32>
          %swap3A_315 = arith.constant 32 : index
          %swap3A_316 = tpu.vector_load %arg7[%swap3A_315] {strides = array<i32>} : memref<64xi32, #tpu.memory_space<vmem>>, vector<16xi32>,
          tpu.vector_store %arg7[%swap3A_315], %select_n3A_314 {strides = array<i32>} : memref<64xi32, #tpu.memory_space<vmem>>, vector<16xi32>,
          %and3A_317 = arith.constant 4095 : i32
          %and3A_318 = vector.broadcast %and3A_317 : i32 to vector<16xi32>
          %and3A_319 = arith.andi %get3A_289, %and3A_318 : vector<16xi32>
          %add3A_320 = vector.broadcast %add3A_48 : i32 to vector<16xi32>
          %add3A_321 = arith.addi %add3A_320, %and3A_319 : vector<16xi32>
          %jit3A_322 = arith.constant 0 : i32
          %broadcast_in_dim3A_323 = vector.broadcast %jit3A_322 : i32 to vector<16xi32>
          %select_n3A_324 = arith.select %lt3A_285, %add3A_321, %broadcast_in_dim3A_323 : vector<16xi1>, vector<16xi32>
          %swap3A_325 = arith.constant 32 : index
          %swap3A_326 = tpu.vector_load %arg8[%swap3A_325] {strides = array<i32>} : memref<64xi32, #tpu.memory_space<vmem>>, vector<16xi32>,
          tpu.vector_store %arg8[%swap3A_325], %select_n3A_324 {strides = array<i32>} : memref<64xi32, #tpu.memory_space<vmem>>, vector<16xi32>,
          %jit3A_327 = arith.constant 0.000000e+00 : f32
          %broadcast_in_dim3A_328 = vector.broadcast %jit3A_327 : f32 to vector<16xf32>
          %select_n3A_329 = arith.select %lt3A_285, %div3A_309, %broadcast_in_dim3A_328 : vector<16xi1>, vector<16xf32>
          %swap3A_330 = arith.constant 32 : index
          %swap3A_331 = tpu.vector_load %arg9[%swap3A_330] {strides = array<i32>} : memref<64xf32, #tpu.memory_space<vmem>>, vector<16xf32>,
          tpu.vector_store %arg9[%swap3A_330], %select_n3A_329 {strides = array<i32>} : memref<64xf32, #tpu.memory_space<vmem>>, vector<16xf32>,
          %add3A_332 = arith.constant 48 : i32
          %add3A_333 = arith.addi %mul3A_180, %add3A_332 : i32
          %add3A_334 = vector.broadcast %add3A_333 : i32 to vector<16xi32>
          %add3A_335 = arith.addi %add3A_334, %iota3A : vector<16xi32>
          %lt3A_336 = vector.broadcast %scan3A_129 : i32 to vector<16xi32>
          %lt3A_337 = arith.cmpi slt, %add3A_335, %lt3A_336 : vector<16xi32>
          %add3A_338 = arith.constant 48 : i32
          %add3A_339 = arith.addi %mul3A_180, %add3A_338 : i32
          %get3A_340 = arith.index_cast %add3A_339 : i32 to index
          %get3A_341 = tpu.vector_load %arg6[%get3A_340] {strides = array<i32>} : memref<4736xi32, #tpu.memory_space<vmem>>, vector<16xi32>,
          %shift_right_arithmetic3A_342 = arith.constant 12 : i32
          %shift_right_arithmetic3A_343 = vector.broadcast %shift_right_arithmetic3A_342 : i32 to vector<16xi32>
          %shift_right_arithmetic3A_344 = arith.shrsi %get3A_341, %shift_right_arithmetic3A_343 : vector<16xi32>
          %and3A_345 = arith.constant 4095 : i32
          %and3A_346 = vector.broadcast %and3A_345 : i32 to vector<16xi32>
          %and3A_347 = arith.andi %get3A_341, %and3A_346 : vector<16xi32>
          %gather3A_348 = tpu.vector_load_idx %arg5[%shift_right_arithmetic3A_344, %and3A_347] masked %lt3A_337 : memref<9x4096xi32, #tpu.memory_space<vmem>>[vector<16xi32>, vector<16xi32>], vector<16xi32>, vector<16xi1>
          %and3A_349 = arith.constant 524287 : i32
          %and3A_350 = vector.broadcast %and3A_349 : i32 to vector<16xi32>
          %and3A_351 = arith.andi %gather3A_348, %and3A_350 : vector<16xi32>
          %shift_right_arithmetic3A_352 = arith.constant 19 : i32
          %shift_right_arithmetic3A_353 = vector.broadcast %shift_right_arithmetic3A_352 : i32 to vector<16xi32>
          %shift_right_arithmetic3A_354 = arith.shrsi %gather3A_348, %shift_right_arithmetic3A_353 : vector<16xi32>
          %and3A_355 = arith.constant 8191 : i32
          %and3A_356 = vector.broadcast %and3A_355 : i32 to vector<16xi32>
          %and3A_357 = arith.andi %shift_right_arithmetic3A_354, %and3A_356 : vector<16xi32>
          %convert_element_type3A_358 = arith.sitofp %and3A_357 : vector<16xi32> to vector<16xf32>
          %div3A_359 = arith.constant 8.192000e+03 : f32
          %div3A_360 = vector.broadcast %div3A_359 : f32 to vector<16xf32>
          %div3A_361 = arith.divf %convert_element_type3A_358, %div3A_360 : vector<16xf32>
          %sub3A_362 = vector.broadcast %mul3A_43 : i32 to vector<16xi32>
          %sub3A_363 = arith.subi %and3A_351, %sub3A_362 : vector<16xi32>
          %jit3A_364 = arith.constant 19456 : i32
          %broadcast_in_dim3A_365 = vector.broadcast %jit3A_364 : i32 to vector<16xi32>
          %select_n3A_366 = arith.select %lt3A_337, %sub3A_363, %broadcast_in_dim3A_365 : vector<16xi1>, vector<16xi32>
          %swap3A_367 = arith.constant 48 : index
          %swap3A_368 = tpu.vector_load %arg7[%swap3A_367] {strides = array<i32>} : memref<64xi32, #tpu.memory_space<vmem>>, vector<16xi32>,
          tpu.vector_store %arg7[%swap3A_367], %select_n3A_366 {strides = array<i32>} : memref<64xi32, #tpu.memory_space<vmem>>, vector<16xi32>,
          %and3A_369 = arith.constant 4095 : i32
          %and3A_370 = vector.broadcast %and3A_369 : i32 to vector<16xi32>
          %and3A_371 = arith.andi %get3A_341, %and3A_370 : vector<16xi32>
          %add3A_372 = vector.broadcast %add3A_48 : i32 to vector<16xi32>
          %add3A_373 = arith.addi %add3A_372, %and3A_371 : vector<16xi32>
          %jit3A_374 = arith.constant 0 : i32
          %broadcast_in_dim3A_375 = vector.broadcast %jit3A_374 : i32 to vector<16xi32>
          %select_n3A_376 = arith.select %lt3A_337, %add3A_373, %broadcast_in_dim3A_375 : vector<16xi1>, vector<16xi32>
          %swap3A_377 = arith.constant 48 : index
          %swap3A_378 = tpu.vector_load %arg8[%swap3A_377] {strides = array<i32>} : memref<64xi32, #tpu.memory_space<vmem>>, vector<16xi32>,
          tpu.vector_store %arg8[%swap3A_377], %select_n3A_376 {strides = array<i32>} : memref<64xi32, #tpu.memory_space<vmem>>, vector<16xi32>,
          %jit3A_379 = arith.constant 0.000000e+00 : f32
          %broadcast_in_dim3A_380 = vector.broadcast %jit3A_379 : f32 to vector<16xf32>
          %select_n3A_381 = arith.select %lt3A_337, %div3A_361, %broadcast_in_dim3A_380 : vector<16xi1>, vector<16xf32>
          %swap3A_382 = arith.constant 48 : index
          %swap3A_383 = tpu.vector_load %arg9[%swap3A_382] {strides = array<i32>} : memref<64xf32, #tpu.memory_space<vmem>>, vector<16xf32>,
          tpu.vector_store %arg9[%swap3A_382], %select_n3A_381 {strides = array<i32>} : memref<64xf32, #tpu.memory_space<vmem>>, vector<16xf32>,
          %dma_start3A = arith.constant 0 : i32
          %dma_start3A_384 = arith.constant 0 : i32
          %dma_start3A_385 = tpu.memref_slice %arg3[%dma_start3A, %dma_start3A_384] : memref<131072x64xf32, #tpu.memory_space<hbm>> -> memref<131072x64xf32, #tpu.memory_space<hbm>>
          tpu.enqueue_indirect_dma source(%dma_start3A_385 : memref<131072x64xf32, #tpu.memory_space<hbm>>) target(%arg10 : memref<64x64xf32, #tpu.memory_space<vmem>>) offsets(%arg8 : memref<64xi32, #tpu.memory_space<vmem>>) semaphore(%arg12 : memref<!tpu.dma_semaphore, #tpu.memory_space<semaphore_mem>>)
          %dma_wait3A = arith.constant 0 : i32
          %dma_wait3A_386 = arith.constant 0 : i32
          %dma_wait3A_387 = tpu.memref_slice %arg3[%dma_wait3A, %dma_wait3A_386] : memref<131072x64xf32, #tpu.memory_space<hbm>> -> memref<131072x64xf32, #tpu.memory_space<hbm>>
          tpu.wait_indirect_dma semaphore(%arg12 : memref<!tpu.dma_semaphore, #tpu.memory_space<semaphore_mem>>) src(%dma_wait3A_387 : memref<131072x64xf32, #tpu.memory_space<hbm>>) dst(%arg10 : memref<64x64xf32, #tpu.memory_space<vmem>>)
          %scan3A_388 = arith.constant 0 : i32
          %scan3A_389 = arith.constant 0 : i32
          %scan3A_390 = arith.constant 4 : i32
          %scan3A_391 = arith.addi %scan3A_389, %scan3A_390 : i32
          %scan3A_392 = arith.constant 1 : i32
          %scan3A_393 = scf.for %scan3A_396 = %scan3A_389 to %scan3A_391 step %scan3A_392 iter_args(%scan3A_397 = %scan3A_388) -> (i32)  : i32 {
            %mul3A_398 = arith.constant 16 : i32
            %mul3A_399 = arith.muli %scan3A_396, %mul3A_398 : i32
            %get3A_400 = arith.index_cast %mul3A_399 : i32 to index
            %get3A_401 = tpu.vector_load %arg9[%get3A_400] {strides = array<i32>} : memref<64xf32, #tpu.memory_space<vmem>>, vector<16xf32>,
            %broadcast_in_dim3A_402 = arith.constant 0 : i32
            %broadcast_in_dim3A_403 = vector.broadcast %broadcast_in_dim3A_402 : i32 to vector<16x1xi32>
            %gather3A_404 = vector.shape_cast %broadcast_in_dim3A_403 : vector<16x1xi32> to vector<16xi32>
            %gather3A_405 = tpu.dynamic_gather %get3A_401[%gather3A_404] in [0] : vector<16xf32>, vector<16xi32> -> vector<16xf32>
            %mul3A_406 = arith.constant 16 : i32
            %mul3A_407 = arith.muli %scan3A_396, %mul3A_406 : i32
            %add3A_408 = arith.constant 0 : i32
            %add3A_409 = arith.addi %mul3A_407, %add3A_408 : i32
            %get3A_410 = arith.index_cast %add3A_409 : i32 to index
            %get3A_411 = arith.constant 0 : index
            %get3A_412 = tpu.vector_load %arg10[%get3A_410, %get3A_411] {strides = array<i32>} : memref<64x64xf32, #tpu.memory_space<vmem>>, vector<16xf32>,
            %mul3A_413 = arith.mulf %get3A_412, %gather3A_405 : vector<16xf32>
            %swap3A_414 = arith.index_cast %add3A_409 : i32 to index
            %swap3A_415 = arith.constant 0 : index
            %swap3A_416 = tpu.vector_load %arg10[%swap3A_414, %swap3A_415] {strides = array<i32>} : memref<64x64xf32, #tpu.memory_space<vmem>>, vector<16xf32>,
            tpu.vector_store %arg10[%swap3A_414, %swap3A_415], %mul3A_413 {strides = array<i32>} : memref<64x64xf32, #tpu.memory_space<vmem>>, vector<16xf32>,
            %get3A_417 = arith.index_cast %add3A_409 : i32 to index
            %get3A_418 = arith.constant 16 : index
            %get3A_419 = tpu.vector_load %arg10[%get3A_417, %get3A_418] {strides = array<i32>} : memref<64x64xf32, #tpu.memory_space<vmem>>, vector<16xf32>,
            %mul3A_420 = arith.mulf %get3A_419, %gather3A_405 : vector<16xf32>
            %swap3A_421 = arith.index_cast %add3A_409 : i32 to index
            %swap3A_422 = arith.constant 16 : index
            %swap3A_423 = tpu.vector_load %arg10[%swap3A_421, %swap3A_422] {strides = array<i32>} : memref<64x64xf32, #tpu.memory_space<vmem>>, vector<16xf32>,
            tpu.vector_store %arg10[%swap3A_421, %swap3A_422], %mul3A_420 {strides = array<i32>} : memref<64x64xf32, #tpu.memory_space<vmem>>, vector<16xf32>,
            %get3A_424 = arith.index_cast %add3A_409 : i32 to index
            %get3A_425 = arith.constant 32 : index
            %get3A_426 = tpu.vector_load %arg10[%get3A_424, %get3A_425] {strides = array<i32>} : memref<64x64xf32, #tpu.memory_space<vmem>>, vector<16xf32>,
            %mul3A_427 = arith.mulf %get3A_426, %gather3A_405 : vector<16xf32>
            %swap3A_428 = arith.index_cast %add3A_409 : i32 to index
            %swap3A_429 = arith.constant 32 : index
            %swap3A_430 = tpu.vector_load %arg10[%swap3A_428, %swap3A_429] {strides = array<i32>} : memref<64x64xf32, #tpu.memory_space<vmem>>, vector<16xf32>,
            tpu.vector_store %arg10[%swap3A_428, %swap3A_429], %mul3A_427 {strides = array<i32>} : memref<64x64xf32, #tpu.memory_space<vmem>>, vector<16xf32>,
            %get3A_431 = arith.index_cast %add3A_409 : i32 to index
            %get3A_432 = arith.constant 48 : index
            %get3A_433 = tpu.vector_load %arg10[%get3A_431, %get3A_432] {strides = array<i32>} : memref<64x64xf32, #tpu.memory_space<vmem>>, vector<16xf32>,
            %mul3A_434 = arith.mulf %get3A_433, %gather3A_405 : vector<16xf32>
            %swap3A_435 = arith.index_cast %add3A_409 : i32 to index
            %swap3A_436 = arith.constant 48 : index
            %swap3A_437 = tpu.vector_load %arg10[%swap3A_435, %swap3A_436] {strides = array<i32>} : memref<64x64xf32, #tpu.memory_space<vmem>>, vector<16xf32>,
            tpu.vector_store %arg10[%swap3A_435, %swap3A_436], %mul3A_434 {strides = array<i32>} : memref<64x64xf32, #tpu.memory_space<vmem>>, vector<16xf32>,
            %broadcast_in_dim3A_438 = arith.constant 1 : i32
            %broadcast_in_dim3A_439 = vector.broadcast %broadcast_in_dim3A_438 : i32 to vector<16x1xi32>
            %gather3A_440 = vector.shape_cast %broadcast_in_dim3A_439 : vector<16x1xi32> to vector<16xi32>
            %gather3A_441 = tpu.dynamic_gather %get3A_401[%gather3A_440] in [0] : vector<16xf32>, vector<16xi32> -> vector<16xf32>
            %mul3A_442 = arith.constant 16 : i32
            %mul3A_443 = arith.muli %scan3A_396, %mul3A_442 : i32
            %add3A_444 = arith.constant 1 : i32
            %add3A_445 = arith.addi %mul3A_443, %add3A_444 : i32
            %get3A_446 = arith.index_cast %add3A_445 : i32 to index
            %get3A_447 = arith.constant 0 : index
            %get3A_448 = tpu.vector_load %arg10[%get3A_446, %get3A_447] {strides = array<i32>} : memref<64x64xf32, #tpu.memory_space<vmem>>, vector<16xf32>,
            %mul3A_449 = arith.mulf %get3A_448, %gather3A_441 : vector<16xf32>
            %swap3A_450 = arith.index_cast %add3A_445 : i32 to index
            %swap3A_451 = arith.constant 0 : index
            %swap3A_452 = tpu.vector_load %arg10[%swap3A_450, %swap3A_451] {strides = array<i32>} : memref<64x64xf32, #tpu.memory_space<vmem>>, vector<16xf32>,
            tpu.vector_store %arg10[%swap3A_450, %swap3A_451], %mul3A_449 {strides = array<i32>} : memref<64x64xf32, #tpu.memory_space<vmem>>, vector<16xf32>,
            %get3A_453 = arith.index_cast %add3A_445 : i32 to index
            %get3A_454 = arith.constant 16 : index
            %get3A_455 = tpu.vector_load %arg10[%get3A_453, %get3A_454] {strides = array<i32>} : memref<64x64xf32, #tpu.memory_space<vmem>>, vector<16xf32>,
            %mul3A_456 = arith.mulf %get3A_455, %gather3A_441 : vector<16xf32>
            %swap3A_457 = arith.index_cast %add3A_445 : i32 to index
            %swap3A_458 = arith.constant 16 : index
            %swap3A_459 = tpu.vector_load %arg10[%swap3A_457, %swap3A_458] {strides = array<i32>} : memref<64x64xf32, #tpu.memory_space<vmem>>, vector<16xf32>,
            tpu.vector_store %arg10[%swap3A_457, %swap3A_458], %mul3A_456 {strides = array<i32>} : memref<64x64xf32, #tpu.memory_space<vmem>>, vector<16xf32>,
            %get3A_460 = arith.index_cast %add3A_445 : i32 to index
            %get3A_461 = arith.constant 32 : index
            %get3A_462 = tpu.vector_load %arg10[%get3A_460, %get3A_461] {strides = array<i32>} : memref<64x64xf32, #tpu.memory_space<vmem>>, vector<16xf32>,
            %mul3A_463 = arith.mulf %get3A_462, %gather3A_441 : vector<16xf32>
            %swap3A_464 = arith.index_cast %add3A_445 : i32 to index
            %swap3A_465 = arith.constant 32 : index
            %swap3A_466 = tpu.vector_load %arg10[%swap3A_464, %swap3A_465] {strides = array<i32>} : memref<64x64xf32, #tpu.memory_space<vmem>>, vector<16xf32>,
            tpu.vector_store %arg10[%swap3A_464, %swap3A_465], %mul3A_463 {strides = array<i32>} : memref<64x64xf32, #tpu.memory_space<vmem>>, vector<16xf32>,
            %get3A_467 = arith.index_cast %add3A_445 : i32 to index
            %get3A_468 = arith.constant 48 : index
            %get3A_469 = tpu.vector_load %arg10[%get3A_467, %get3A_468] {strides = array<i32>} : memref<64x64xf32, #tpu.memory_space<vmem>>, vector<16xf32>,
            %mul3A_470 = arith.mulf %get3A_469, %gather3A_441 : vector<16xf32>
            %swap3A_471 = arith.index_cast %add3A_445 : i32 to index
            %swap3A_472 = arith.constant 48 : index
            %swap3A_473 = tpu.vector_load %arg10[%swap3A_471, %swap3A_472] {strides = array<i32>} : memref<64x64xf32, #tpu.memory_space<vmem>>, vector<16xf32>,
            tpu.vector_store %arg10[%swap3A_471, %swap3A_472], %mul3A_470 {strides = array<i32>} : memref<64x64xf32, #tpu.memory_space<vmem>>, vector<16xf32>,
            %broadcast_in_dim3A_474 = arith.constant 2 : i32
            %broadcast_in_dim3A_475 = vector.broadcast %broadcast_in_dim3A_474 : i32 to vector<16x1xi32>
            %gather3A_476 = vector.shape_cast %broadcast_in_dim3A_475 : vector<16x1xi32> to vector<16xi32>
            %gather3A_477 = tpu.dynamic_gather %get3A_401[%gather3A_476] in [0] : vector<16xf32>, vector<16xi32> -> vector<16xf32>
            %mul3A_478 = arith.constant 16 : i32
            %mul3A_479 = arith.muli %scan3A_396, %mul3A_478 : i32
            %add3A_480 = arith.constant 2 : i32
            %add3A_481 = arith.addi %mul3A_479, %add3A_480 : i32
            %get3A_482 = arith.index_cast %add3A_481 : i32 to index
            %get3A_483 = arith.constant 0 : index
            %get3A_484 = tpu.vector_load %arg10[%get3A_482, %get3A_483] {strides = array<i32>} : memref<64x64xf32, #tpu.memory_space<vmem>>, vector<16xf32>,
            %mul3A_485 = arith.mulf %get3A_484, %gather3A_477 : vector<16xf32>
            %swap3A_486 = arith.index_cast %add3A_481 : i32 to index
            %swap3A_487 = arith.constant 0 : index
            %swap3A_488 = tpu.vector_load %arg10[%swap3A_486, %swap3A_487] {strides = array<i32>} : memref<64x64xf32, #tpu.memory_space<vmem>>, vector<16xf32>,
            tpu.vector_store %arg10[%swap3A_486, %swap3A_487], %mul3A_485 {strides = array<i32>} : memref<64x64xf32, #tpu.memory_space<vmem>>, vector<16xf32>,
            %get3A_489 = arith.index_cast %add3A_481 : i32 to index
            %get3A_490 = arith.constant 16 : index
            %get3A_491 = tpu.vector_load %arg10[%get3A_489, %get3A_490] {strides = array<i32>} : memref<64x64xf32, #tpu.memory_space<vmem>>, vector<16xf32>,
            %mul3A_492 = arith.mulf %get3A_491, %gather3A_477 : vector<16xf32>
            %swap3A_493 = arith.index_cast %add3A_481 : i32 to index
            %swap3A_494 = arith.constant 16 : index
            %swap3A_495 = tpu.vector_load %arg10[%swap3A_493, %swap3A_494] {strides = array<i32>} : memref<64x64xf32, #tpu.memory_space<vmem>>, vector<16xf32>,
            tpu.vector_store %arg10[%swap3A_493, %swap3A_494], %mul3A_492 {strides = array<i32>} : memref<64x64xf32, #tpu.memory_space<vmem>>, vector<16xf32>,
            %get3A_496 = arith.index_cast %add3A_481 : i32 to index
            %get3A_497 = arith.constant 32 : index
            %get3A_498 = tpu.vector_load %arg10[%get3A_496, %get3A_497] {strides = array<i32>} : memref<64x64xf32, #tpu.memory_space<vmem>>, vector<16xf32>,
            %mul3A_499 = arith.mulf %get3A_498, %gather3A_477 : vector<16xf32>
            %swap3A_500 = arith.index_cast %add3A_481 : i32 to index
            %swap3A_501 = arith.constant 32 : index
            %swap3A_502 = tpu.vector_load %arg10[%swap3A_500, %swap3A_501] {strides = array<i32>} : memref<64x64xf32, #tpu.memory_space<vmem>>, vector<16xf32>,
            tpu.vector_store %arg10[%swap3A_500, %swap3A_501], %mul3A_499 {strides = array<i32>} : memref<64x64xf32, #tpu.memory_space<vmem>>, vector<16xf32>,
            %get3A_503 = arith.index_cast %add3A_481 : i32 to index
            %get3A_504 = arith.constant 48 : index
            %get3A_505 = tpu.vector_load %arg10[%get3A_503, %get3A_504] {strides = array<i32>} : memref<64x64xf32, #tpu.memory_space<vmem>>, vector<16xf32>,
            %mul3A_506 = arith.mulf %get3A_505, %gather3A_477 : vector<16xf32>
            %swap3A_507 = arith.index_cast %add3A_481 : i32 to index
            %swap3A_508 = arith.constant 48 : index
            %swap3A_509 = tpu.vector_load %arg10[%swap3A_507, %swap3A_508] {strides = array<i32>} : memref<64x64xf32, #tpu.memory_space<vmem>>, vector<16xf32>,
            tpu.vector_store %arg10[%swap3A_507, %swap3A_508], %mul3A_506 {strides = array<i32>} : memref<64x64xf32, #tpu.memory_space<vmem>>, vector<16xf32>,
            %broadcast_in_dim3A_510 = arith.constant 3 : i32
            %broadcast_in_dim3A_511 = vector.broadcast %broadcast_in_dim3A_510 : i32 to vector<16x1xi32>
            %gather3A_512 = vector.shape_cast %broadcast_in_dim3A_511 : vector<16x1xi32> to vector<16xi32>
            %gather3A_513 = tpu.dynamic_gather %get3A_401[%gather3A_512] in [0] : vector<16xf32>, vector<16xi32> -> vector<16xf32>
            %mul3A_514 = arith.constant 16 : i32
            %mul3A_515 = arith.muli %scan3A_396, %mul3A_514 : i32
            %add3A_516 = arith.constant 3 : i32
            %add3A_517 = arith.addi %mul3A_515, %add3A_516 : i32
            %get3A_518 = arith.index_cast %add3A_517 : i32 to index
            %get3A_519 = arith.constant 0 : index
            %get3A_520 = tpu.vector_load %arg10[%get3A_518, %get3A_519] {strides = array<i32>} : memref<64x64xf32, #tpu.memory_space<vmem>>, vector<16xf32>,
            %mul3A_521 = arith.mulf %get3A_520, %gather3A_513 : vector<16xf32>
            %swap3A_522 = arith.index_cast %add3A_517 : i32 to index
            %swap3A_523 = arith.constant 0 : index
            %swap3A_524 = tpu.vector_load %arg10[%swap3A_522, %swap3A_523] {strides = array<i32>} : memref<64x64xf32, #tpu.memory_space<vmem>>, vector<16xf32>,
            tpu.vector_store %arg10[%swap3A_522, %swap3A_523], %mul3A_521 {strides = array<i32>} : memref<64x64xf32, #tpu.memory_space<vmem>>, vector<16xf32>,
            %get3A_525 = arith.index_cast %add3A_517 : i32 to index
            %get3A_526 = arith.constant 16 : index
            %get3A_527 = tpu.vector_load %arg10[%get3A_525, %get3A_526] {strides = array<i32>} : memref<64x64xf32, #tpu.memory_space<vmem>>, vector<16xf32>,
            %mul3A_528 = arith.mulf %get3A_527, %gather3A_513 : vector<16xf32>
            %swap3A_529 = arith.index_cast %add3A_517 : i32 to index
            %swap3A_530 = arith.constant 16 : index
            %swap3A_531 = tpu.vector_load %arg10[%swap3A_529, %swap3A_530] {strides = array<i32>} : memref<64x64xf32, #tpu.memory_space<vmem>>, vector<16xf32>,
            tpu.vector_store %arg10[%swap3A_529, %swap3A_530], %mul3A_528 {strides = array<i32>} : memref<64x64xf32, #tpu.memory_space<vmem>>, vector<16xf32>,
            %get3A_532 = arith.index_cast %add3A_517 : i32 to index
            %get3A_533 = arith.constant 32 : index
            %get3A_534 = tpu.vector_load %arg10[%get3A_532, %get3A_533] {strides = array<i32>} : memref<64x64xf32, #tpu.memory_space<vmem>>, vector<16xf32>,
            %mul3A_535 = arith.mulf %get3A_534, %gather3A_513 : vector<16xf32>
            %swap3A_536 = arith.index_cast %add3A_517 : i32 to index
            %swap3A_537 = arith.constant 32 : index
            %swap3A_538 = tpu.vector_load %arg10[%swap3A_536, %swap3A_537] {strides = array<i32>} : memref<64x64xf32, #tpu.memory_space<vmem>>, vector<16xf32>,
            tpu.vector_store %arg10[%swap3A_536, %swap3A_537], %mul3A_535 {strides = array<i32>} : memref<64x64xf32, #tpu.memory_space<vmem>>, vector<16xf32>,
            %get3A_539 = arith.index_cast %add3A_517 : i32 to index
            %get3A_540 = arith.constant 48 : index
            %get3A_541 = tpu.vector_load %arg10[%get3A_539, %get3A_540] {strides = array<i32>} : memref<64x64xf32, #tpu.memory_space<vmem>>, vector<16xf32>,
            %mul3A_542 = arith.mulf %get3A_541, %gather3A_513 : vector<16xf32>
            %swap3A_543 = arith.index_cast %add3A_517 : i32 to index
            %swap3A_544 = arith.constant 48 : index
            %swap3A_545 = tpu.vector_load %arg10[%swap3A_543, %swap3A_544] {strides = array<i32>} : memref<64x64xf32, #tpu.memory_space<vmem>>, vector<16xf32>,
            tpu.vector_store %arg10[%swap3A_543, %swap3A_544], %mul3A_542 {strides = array<i32>} : memref<64x64xf32, #tpu.memory_space<vmem>>, vector<16xf32>,
            %broadcast_in_dim3A_546 = arith.constant 4 : i32
            %broadcast_in_dim3A_547 = vector.broadcast %broadcast_in_dim3A_546 : i32 to vector<16x1xi32>
            %gather3A_548 = vector.shape_cast %broadcast_in_dim3A_547 : vector<16x1xi32> to vector<16xi32>
            %gather3A_549 = tpu.dynamic_gather %get3A_401[%gather3A_548] in [0] : vector<16xf32>, vector<16xi32> -> vector<16xf32>
            %mul3A_550 = arith.constant 16 : i32
            %mul3A_551 = arith.muli %scan3A_396, %mul3A_550 : i32
            %add3A_552 = arith.constant 4 : i32
            %add3A_553 = arith.addi %mul3A_551, %add3A_552 : i32
            %get3A_554 = arith.index_cast %add3A_553 : i32 to index
            %get3A_555 = arith.constant 0 : index
            %get3A_556 = tpu.vector_load %arg10[%get3A_554, %get3A_555] {strides = array<i32>} : memref<64x64xf32, #tpu.memory_space<vmem>>, vector<16xf32>,
            %mul3A_557 = arith.mulf %get3A_556, %gather3A_549 : vector<16xf32>
            %swap3A_558 = arith.index_cast %add3A_553 : i32 to index
            %swap3A_559 = arith.constant 0 : index
            %swap3A_560 = tpu.vector_load %arg10[%swap3A_558, %swap3A_559] {strides = array<i32>} : memref<64x64xf32, #tpu.memory_space<vmem>>, vector<16xf32>,
            tpu.vector_store %arg10[%swap3A_558, %swap3A_559], %mul3A_557 {strides = array<i32>} : memref<64x64xf32, #tpu.memory_space<vmem>>, vector<16xf32>,
            %get3A_561 = arith.index_cast %add3A_553 : i32 to index
            %get3A_562 = arith.constant 16 : index
            %get3A_563 = tpu.vector_load %arg10[%get3A_561, %get3A_562] {strides = array<i32>} : memref<64x64xf32, #tpu.memory_space<vmem>>, vector<16xf32>,
            %mul3A_564 = arith.mulf %get3A_563, %gather3A_549 : vector<16xf32>
            %swap3A_565 = arith.index_cast %add3A_553 : i32 to index
            %swap3A_566 = arith.constant 16 : index
            %swap3A_567 = tpu.vector_load %arg10[%swap3A_565, %swap3A_566] {strides = array<i32>} : memref<64x64xf32, #tpu.memory_space<vmem>>, vector<16xf32>,
            tpu.vector_store %arg10[%swap3A_565, %swap3A_566], %mul3A_564 {strides = array<i32>} : memref<64x64xf32, #tpu.memory_space<vmem>>, vector<16xf32>,
            %get3A_568 = arith.index_cast %add3A_553 : i32 to index
            %get3A_569 = arith.constant 32 : index
            %get3A_570 = tpu.vector_load %arg10[%get3A_568, %get3A_569] {strides = array<i32>} : memref<64x64xf32, #tpu.memory_space<vmem>>, vector<16xf32>,
            %mul3A_571 = arith.mulf %get3A_570, %gather3A_549 : vector<16xf32>
            %swap3A_572 = arith.index_cast %add3A_553 : i32 to index
            %swap3A_573 = arith.constant 32 : index
            %swap3A_574 = tpu.vector_load %arg10[%swap3A_572, %swap3A_573] {strides = array<i32>} : memref<64x64xf32, #tpu.memory_space<vmem>>, vector<16xf32>,
            tpu.vector_store %arg10[%swap3A_572, %swap3A_573], %mul3A_571 {strides = array<i32>} : memref<64x64xf32, #tpu.memory_space<vmem>>, vector<16xf32>,
            %get3A_575 = arith.index_cast %add3A_553 : i32 to index
            %get3A_576 = arith.constant 48 : index
            %get3A_577 = tpu.vector_load %arg10[%get3A_575, %get3A_576] {strides = array<i32>} : memref<64x64xf32, #tpu.memory_space<vmem>>, vector<16xf32>,
            %mul3A_578 = arith.mulf %get3A_577, %gather3A_549 : vector<16xf32>
            %swap3A_579 = arith.index_cast %add3A_553 : i32 to index
            %swap3A_580 = arith.constant 48 : index
            %swap3A_581 = tpu.vector_load %arg10[%swap3A_579, %swap3A_580] {strides = array<i32>} : memref<64x64xf32, #tpu.memory_space<vmem>>, vector<16xf32>,
            tpu.vector_store %arg10[%swap3A_579, %swap3A_580], %mul3A_578 {strides = array<i32>} : memref<64x64xf32, #tpu.memory_space<vmem>>, vector<16xf32>,
            %broadcast_in_dim3A_582 = arith.constant 5 : i32
            %broadcast_in_dim3A_583 = vector.broadcast %broadcast_in_dim3A_582 : i32 to vector<16x1xi32>
            %gather3A_584 = vector.shape_cast %broadcast_in_dim3A_583 : vector<16x1xi32> to vector<16xi32>
            %gather3A_585 = tpu.dynamic_gather %get3A_401[%gather3A_584] in [0] : vector<16xf32>, vector<16xi32> -> vector<16xf32>
            %mul3A_586 = arith.constant 16 : i32
            %mul3A_587 = arith.muli %scan3A_396, %mul3A_586 : i32
            %add3A_588 = arith.constant 5 : i32
            %add3A_589 = arith.addi %mul3A_587, %add3A_588 : i32
            %get3A_590 = arith.index_cast %add3A_589 : i32 to index
            %get3A_591 = arith.constant 0 : index
            %get3A_592 = tpu.vector_load %arg10[%get3A_590, %get3A_591] {strides = array<i32>} : memref<64x64xf32, #tpu.memory_space<vmem>>, vector<16xf32>,
            %mul3A_593 = arith.mulf %get3A_592, %gather3A_585 : vector<16xf32>
            %swap3A_594 = arith.index_cast %add3A_589 : i32 to index
            %swap3A_595 = arith.constant 0 : index
            %swap3A_596 = tpu.vector_load %arg10[%swap3A_594, %swap3A_595] {strides = array<i32>} : memref<64x64xf32, #tpu.memory_space<vmem>>, vector<16xf32>,
            tpu.vector_store %arg10[%swap3A_594, %swap3A_595], %mul3A_593 {strides = array<i32>} : memref<64x64xf32, #tpu.memory_space<vmem>>, vector<16xf32>,
            %get3A_597 = arith.index_cast %add3A_589 : i32 to index
            %get3A_598 = arith.constant 16 : index
            %get3A_599 = tpu.vector_load %arg10[%get3A_597, %get3A_598] {strides = array<i32>} : memref<64x64xf32, #tpu.memory_space<vmem>>, vector<16xf32>,
            %mul3A_600 = arith.mulf %get3A_599, %gather3A_585 : vector<16xf32>
            %swap3A_601 = arith.index_cast %add3A_589 : i32 to index
            %swap3A_602 = arith.constant 16 : index
            %swap3A_603 = tpu.vector_load %arg10[%swap3A_601, %swap3A_602] {strides = array<i32>} : memref<64x64xf32, #tpu.memory_space<vmem>>, vector<16xf32>,
            tpu.vector_store %arg10[%swap3A_601, %swap3A_602], %mul3A_600 {strides = array<i32>} : memref<64x64xf32, #tpu.memory_space<vmem>>, vector<16xf32>,
            %get3A_604 = arith.index_cast %add3A_589 : i32 to index
            %get3A_605 = arith.constant 32 : index
            %get3A_606 = tpu.vector_load %arg10[%get3A_604, %get3A_605] {strides = array<i32>} : memref<64x64xf32, #tpu.memory_space<vmem>>, vector<16xf32>,
            %mul3A_607 = arith.mulf %get3A_606, %gather3A_585 : vector<16xf32>
            %swap3A_608 = arith.index_cast %add3A_589 : i32 to index
            %swap3A_609 = arith.constant 32 : index
            %swap3A_610 = tpu.vector_load %arg10[%swap3A_608, %swap3A_609] {strides = array<i32>} : memref<64x64xf32, #tpu.memory_space<vmem>>, vector<16xf32>,
            tpu.vector_store %arg10[%swap3A_608, %swap3A_609], %mul3A_607 {strides = array<i32>} : memref<64x64xf32, #tpu.memory_space<vmem>>, vector<16xf32>,
            %get3A_611 = arith.index_cast %add3A_589 : i32 to index
            %get3A_612 = arith.constant 48 : index
            %get3A_613 = tpu.vector_load %arg10[%get3A_611, %get3A_612] {strides = array<i32>} : memref<64x64xf32, #tpu.memory_space<vmem>>, vector<16xf32>,
            %mul3A_614 = arith.mulf %get3A_613, %gather3A_585 : vector<16xf32>
            %swap3A_615 = arith.index_cast %add3A_589 : i32 to index
            %swap3A_616 = arith.constant 48 : index
            %swap3A_617 = tpu.vector_load %arg10[%swap3A_615, %swap3A_616] {strides = array<i32>} : memref<64x64xf32, #tpu.memory_space<vmem>>, vector<16xf32>,
            tpu.vector_store %arg10[%swap3A_615, %swap3A_616], %mul3A_614 {strides = array<i32>} : memref<64x64xf32, #tpu.memory_space<vmem>>, vector<16xf32>,
            %broadcast_in_dim3A_618 = arith.constant 6 : i32
            %broadcast_in_dim3A_619 = vector.broadcast %broadcast_in_dim3A_618 : i32 to vector<16x1xi32>
            %gather3A_620 = vector.shape_cast %broadcast_in_dim3A_619 : vector<16x1xi32> to vector<16xi32>
            %gather3A_621 = tpu.dynamic_gather %get3A_401[%gather3A_620] in [0] : vector<16xf32>, vector<16xi32> -> vector<16xf32>
            %mul3A_622 = arith.constant 16 : i32
            %mul3A_623 = arith.muli %scan3A_396, %mul3A_622 : i32
            %add3A_624 = arith.constant 6 : i32
            %add3A_625 = arith.addi %mul3A_623, %add3A_624 : i32
            %get3A_626 = arith.index_cast %add3A_625 : i32 to index
            %get3A_627 = arith.constant 0 : index
            %get3A_628 = tpu.vector_load %arg10[%get3A_626, %get3A_627] {strides = array<i32>} : memref<64x64xf32, #tpu.memory_space<vmem>>, vector<16xf32>,
            %mul3A_629 = arith.mulf %get3A_628, %gather3A_621 : vector<16xf32>
            %swap3A_630 = arith.index_cast %add3A_625 : i32 to index
            %swap3A_631 = arith.constant 0 : index
            %swap3A_632 = tpu.vector_load %arg10[%swap3A_630, %swap3A_631] {strides = array<i32>} : memref<64x64xf32, #tpu.memory_space<vmem>>, vector<16xf32>,
            tpu.vector_store %arg10[%swap3A_630, %swap3A_631], %mul3A_629 {strides = array<i32>} : memref<64x64xf32, #tpu.memory_space<vmem>>, vector<16xf32>,
            %get3A_633 = arith.index_cast %add3A_625 : i32 to index
            %get3A_634 = arith.constant 16 : index
            %get3A_635 = tpu.vector_load %arg10[%get3A_633, %get3A_634] {strides = array<i32>} : memref<64x64xf32, #tpu.memory_space<vmem>>, vector<16xf32>,
            %mul3A_636 = arith.mulf %get3A_635, %gather3A_621 : vector<16xf32>
            %swap3A_637 = arith.index_cast %add3A_625 : i32 to index
            %swap3A_638 = arith.constant 16 : index
            %swap3A_639 = tpu.vector_load %arg10[%swap3A_637, %swap3A_638] {strides = array<i32>} : memref<64x64xf32, #tpu.memory_space<vmem>>, vector<16xf32>,
            tpu.vector_store %arg10[%swap3A_637, %swap3A_638], %mul3A_636 {strides = array<i32>} : memref<64x64xf32, #tpu.memory_space<vmem>>, vector<16xf32>,
            %get3A_640 = arith.index_cast %add3A_625 : i32 to index
            %get3A_641 = arith.constant 32 : index
            %get3A_642 = tpu.vector_load %arg10[%get3A_640, %get3A_641] {strides = array<i32>} : memref<64x64xf32, #tpu.memory_space<vmem>>, vector<16xf32>,
            %mul3A_643 = arith.mulf %get3A_642, %gather3A_621 : vector<16xf32>
            %swap3A_644 = arith.index_cast %add3A_625 : i32 to index
            %swap3A_645 = arith.constant 32 : index
            %swap3A_646 = tpu.vector_load %arg10[%swap3A_644, %swap3A_645] {strides = array<i32>} : memref<64x64xf32, #tpu.memory_space<vmem>>, vector<16xf32>,
            tpu.vector_store %arg10[%swap3A_644, %swap3A_645], %mul3A_643 {strides = array<i32>} : memref<64x64xf32, #tpu.memory_space<vmem>>, vector<16xf32>,
            %get3A_647 = arith.index_cast %add3A_625 : i32 to index
            %get3A_648 = arith.constant 48 : index
            %get3A_649 = tpu.vector_load %arg10[%get3A_647, %get3A_648] {strides = array<i32>} : memref<64x64xf32, #tpu.memory_space<vmem>>, vector<16xf32>,
            %mul3A_650 = arith.mulf %get3A_649, %gather3A_621 : vector<16xf32>
            %swap3A_651 = arith.index_cast %add3A_625 : i32 to index
            %swap3A_652 = arith.constant 48 : index
            %swap3A_653 = tpu.vector_load %arg10[%swap3A_651, %swap3A_652] {strides = array<i32>} : memref<64x64xf32, #tpu.memory_space<vmem>>, vector<16xf32>,
            tpu.vector_store %arg10[%swap3A_651, %swap3A_652], %mul3A_650 {strides = array<i32>} : memref<64x64xf32, #tpu.memory_space<vmem>>, vector<16xf32>,
            %broadcast_in_dim3A_654 = arith.constant 7 : i32
            %broadcast_in_dim3A_655 = vector.broadcast %broadcast_in_dim3A_654 : i32 to vector<16x1xi32>
            %gather3A_656 = vector.shape_cast %broadcast_in_dim3A_655 : vector<16x1xi32> to vector<16xi32>
            %gather3A_657 = tpu.dynamic_gather %get3A_401[%gather3A_656] in [0] : vector<16xf32>, vector<16xi32> -> vector<16xf32>
            %mul3A_658 = arith.constant 16 : i32
            %mul3A_659 = arith.muli %scan3A_396, %mul3A_658 : i32
            %add3A_660 = arith.constant 7 : i32
            %add3A_661 = arith.addi %mul3A_659, %add3A_660 : i32
            %get3A_662 = arith.index_cast %add3A_661 : i32 to index
            %get3A_663 = arith.constant 0 : index
            %get3A_664 = tpu.vector_load %arg10[%get3A_662, %get3A_663] {strides = array<i32>} : memref<64x64xf32, #tpu.memory_space<vmem>>, vector<16xf32>,
            %mul3A_665 = arith.mulf %get3A_664, %gather3A_657 : vector<16xf32>
            %swap3A_666 = arith.index_cast %add3A_661 : i32 to index
            %swap3A_667 = arith.constant 0 : index
            %swap3A_668 = tpu.vector_load %arg10[%swap3A_666, %swap3A_667] {strides = array<i32>} : memref<64x64xf32, #tpu.memory_space<vmem>>, vector<16xf32>,
            tpu.vector_store %arg10[%swap3A_666, %swap3A_667], %mul3A_665 {strides = array<i32>} : memref<64x64xf32, #tpu.memory_space<vmem>>, vector<16xf32>,
            %get3A_669 = arith.index_cast %add3A_661 : i32 to index
            %get3A_670 = arith.constant 16 : index
            %get3A_671 = tpu.vector_load %arg10[%get3A_669, %get3A_670] {strides = array<i32>} : memref<64x64xf32, #tpu.memory_space<vmem>>, vector<16xf32>,
            %mul3A_672 = arith.mulf %get3A_671, %gather3A_657 : vector<16xf32>
            %swap3A_673 = arith.index_cast %add3A_661 : i32 to index
            %swap3A_674 = arith.constant 16 : index
            %swap3A_675 = tpu.vector_load %arg10[%swap3A_673, %swap3A_674] {strides = array<i32>} : memref<64x64xf32, #tpu.memory_space<vmem>>, vector<16xf32>,
            tpu.vector_store %arg10[%swap3A_673, %swap3A_674], %mul3A_672 {strides = array<i32>} : memref<64x64xf32, #tpu.memory_space<vmem>>, vector<16xf32>,
            %get3A_676 = arith.index_cast %add3A_661 : i32 to index
            %get3A_677 = arith.constant 32 : index
            %get3A_678 = tpu.vector_load %arg10[%get3A_676, %get3A_677] {strides = array<i32>} : memref<64x64xf32, #tpu.memory_space<vmem>>, vector<16xf32>,
            %mul3A_679 = arith.mulf %get3A_678, %gather3A_657 : vector<16xf32>
            %swap3A_680 = arith.index_cast %add3A_661 : i32 to index
            %swap3A_681 = arith.constant 32 : index
            %swap3A_682 = tpu.vector_load %arg10[%swap3A_680, %swap3A_681] {strides = array<i32>} : memref<64x64xf32, #tpu.memory_space<vmem>>, vector<16xf32>,
            tpu.vector_store %arg10[%swap3A_680, %swap3A_681], %mul3A_679 {strides = array<i32>} : memref<64x64xf32, #tpu.memory_space<vmem>>, vector<16xf32>,
            %get3A_683 = arith.index_cast %add3A_661 : i32 to index
            %get3A_684 = arith.constant 48 : index
            %get3A_685 = tpu.vector_load %arg10[%get3A_683, %get3A_684] {strides = array<i32>} : memref<64x64xf32, #tpu.memory_space<vmem>>, vector<16xf32>,
            %mul3A_686 = arith.mulf %get3A_685, %gather3A_657 : vector<16xf32>
            %swap3A_687 = arith.index_cast %add3A_661 : i32 to index
            %swap3A_688 = arith.constant 48 : index
            %swap3A_689 = tpu.vector_load %arg10[%swap3A_687, %swap3A_688] {strides = array<i32>} : memref<64x64xf32, #tpu.memory_space<vmem>>, vector<16xf32>,
            tpu.vector_store %arg10[%swap3A_687, %swap3A_688], %mul3A_686 {strides = array<i32>} : memref<64x64xf32, #tpu.memory_space<vmem>>, vector<16xf32>,
            %broadcast_in_dim3A_690 = arith.constant 8 : i32
            %broadcast_in_dim3A_691 = vector.broadcast %broadcast_in_dim3A_690 : i32 to vector<16x1xi32>
            %gather3A_692 = vector.shape_cast %broadcast_in_dim3A_691 : vector<16x1xi32> to vector<16xi32>
            %gather3A_693 = tpu.dynamic_gather %get3A_401[%gather3A_692] in [0] : vector<16xf32>, vector<16xi32> -> vector<16xf32>
            %mul3A_694 = arith.constant 16 : i32
            %mul3A_695 = arith.muli %scan3A_396, %mul3A_694 : i32
            %add3A_696 = arith.constant 8 : i32
            %add3A_697 = arith.addi %mul3A_695, %add3A_696 : i32
            %get3A_698 = arith.index_cast %add3A_697 : i32 to index
            %get3A_699 = arith.constant 0 : index
            %get3A_700 = tpu.vector_load %arg10[%get3A_698, %get3A_699] {strides = array<i32>} : memref<64x64xf32, #tpu.memory_space<vmem>>, vector<16xf32>,
            %mul3A_701 = arith.mulf %get3A_700, %gather3A_693 : vector<16xf32>
            %swap3A_702 = arith.index_cast %add3A_697 : i32 to index
            %swap3A_703 = arith.constant 0 : index
            %swap3A_704 = tpu.vector_load %arg10[%swap3A_702, %swap3A_703] {strides = array<i32>} : memref<64x64xf32, #tpu.memory_space<vmem>>, vector<16xf32>,
            tpu.vector_store %arg10[%swap3A_702, %swap3A_703], %mul3A_701 {strides = array<i32>} : memref<64x64xf32, #tpu.memory_space<vmem>>, vector<16xf32>,
            %get3A_705 = arith.index_cast %add3A_697 : i32 to index
            %get3A_706 = arith.constant 16 : index
            %get3A_707 = tpu.vector_load %arg10[%get3A_705, %get3A_706] {strides = array<i32>} : memref<64x64xf32, #tpu.memory_space<vmem>>, vector<16xf32>,
            %mul3A_708 = arith.mulf %get3A_707, %gather3A_693 : vector<16xf32>
            %swap3A_709 = arith.index_cast %add3A_697 : i32 to index
            %swap3A_710 = arith.constant 16 : index
            %swap3A_711 = tpu.vector_load %arg10[%swap3A_709, %swap3A_710] {strides = array<i32>} : memref<64x64xf32, #tpu.memory_space<vmem>>, vector<16xf32>,
            tpu.vector_store %arg10[%swap3A_709, %swap3A_710], %mul3A_708 {strides = array<i32>} : memref<64x64xf32, #tpu.memory_space<vmem>>, vector<16xf32>,
            %get3A_712 = arith.index_cast %add3A_697 : i32 to index
            %get3A_713 = arith.constant 32 : index
            %get3A_714 = tpu.vector_load %arg10[%get3A_712, %get3A_713] {strides = array<i32>} : memref<64x64xf32, #tpu.memory_space<vmem>>, vector<16xf32>,
            %mul3A_715 = arith.mulf %get3A_714, %gather3A_693 : vector<16xf32>
            %swap3A_716 = arith.index_cast %add3A_697 : i32 to index
            %swap3A_717 = arith.constant 32 : index
            %swap3A_718 = tpu.vector_load %arg10[%swap3A_716, %swap3A_717] {strides = array<i32>} : memref<64x64xf32, #tpu.memory_space<vmem>>, vector<16xf32>,
            tpu.vector_store %arg10[%swap3A_716, %swap3A_717], %mul3A_715 {strides = array<i32>} : memref<64x64xf32, #tpu.memory_space<vmem>>, vector<16xf32>,
            %get3A_719 = arith.index_cast %add3A_697 : i32 to index
            %get3A_720 = arith.constant 48 : index
            %get3A_721 = tpu.vector_load %arg10[%get3A_719, %get3A_720] {strides = array<i32>} : memref<64x64xf32, #tpu.memory_space<vmem>>, vector<16xf32>,
            %mul3A_722 = arith.mulf %get3A_721, %gather3A_693 : vector<16xf32>
            %swap3A_723 = arith.index_cast %add3A_697 : i32 to index
            %swap3A_724 = arith.constant 48 : index
            %swap3A_725 = tpu.vector_load %arg10[%swap3A_723, %swap3A_724] {strides = array<i32>} : memref<64x64xf32, #tpu.memory_space<vmem>>, vector<16xf32>,
            tpu.vector_store %arg10[%swap3A_723, %swap3A_724], %mul3A_722 {strides = array<i32>} : memref<64x64xf32, #tpu.memory_space<vmem>>, vector<16xf32>,
            %broadcast_in_dim3A_726 = arith.constant 9 : i32
            %broadcast_in_dim3A_727 = vector.broadcast %broadcast_in_dim3A_726 : i32 to vector<16x1xi32>
            %gather3A_728 = vector.shape_cast %broadcast_in_dim3A_727 : vector<16x1xi32> to vector<16xi32>
            %gather3A_729 = tpu.dynamic_gather %get3A_401[%gather3A_728] in [0] : vector<16xf32>, vector<16xi32> -> vector<16xf32>
            %mul3A_730 = arith.constant 16 : i32
            %mul3A_731 = arith.muli %scan3A_396, %mul3A_730 : i32
            %add3A_732 = arith.constant 9 : i32
            %add3A_733 = arith.addi %mul3A_731, %add3A_732 : i32
            %get3A_734 = arith.index_cast %add3A_733 : i32 to index
            %get3A_735 = arith.constant 0 : index
            %get3A_736 = tpu.vector_load %arg10[%get3A_734, %get3A_735] {strides = array<i32>} : memref<64x64xf32, #tpu.memory_space<vmem>>, vector<16xf32>,
            %mul3A_737 = arith.mulf %get3A_736, %gather3A_729 : vector<16xf32>
            %swap3A_738 = arith.index_cast %add3A_733 : i32 to index
            %swap3A_739 = arith.constant 0 : index
            %swap3A_740 = tpu.vector_load %arg10[%swap3A_738, %swap3A_739] {strides = array<i32>} : memref<64x64xf32, #tpu.memory_space<vmem>>, vector<16xf32>,
            tpu.vector_store %arg10[%swap3A_738, %swap3A_739], %mul3A_737 {strides = array<i32>} : memref<64x64xf32, #tpu.memory_space<vmem>>, vector<16xf32>,
            %get3A_741 = arith.index_cast %add3A_733 : i32 to index
            %get3A_742 = arith.constant 16 : index
            %get3A_743 = tpu.vector_load %arg10[%get3A_741, %get3A_742] {strides = array<i32>} : memref<64x64xf32, #tpu.memory_space<vmem>>, vector<16xf32>,
            %mul3A_744 = arith.mulf %get3A_743, %gather3A_729 : vector<16xf32>
            %swap3A_745 = arith.index_cast %add3A_733 : i32 to index
            %swap3A_746 = arith.constant 16 : index
            %swap3A_747 = tpu.vector_load %arg10[%swap3A_745, %swap3A_746] {strides = array<i32>} : memref<64x64xf32, #tpu.memory_space<vmem>>, vector<16xf32>,
            tpu.vector_store %arg10[%swap3A_745, %swap3A_746], %mul3A_744 {strides = array<i32>} : memref<64x64xf32, #tpu.memory_space<vmem>>, vector<16xf32>,
            %get3A_748 = arith.index_cast %add3A_733 : i32 to index
            %get3A_749 = arith.constant 32 : index
            %get3A_750 = tpu.vector_load %arg10[%get3A_748, %get3A_749] {strides = array<i32>} : memref<64x64xf32, #tpu.memory_space<vmem>>, vector<16xf32>,
            %mul3A_751 = arith.mulf %get3A_750, %gather3A_729 : vector<16xf32>
            %swap3A_752 = arith.index_cast %add3A_733 : i32 to index
            %swap3A_753 = arith.constant 32 : index
            %swap3A_754 = tpu.vector_load %arg10[%swap3A_752, %swap3A_753] {strides = array<i32>} : memref<64x64xf32, #tpu.memory_space<vmem>>, vector<16xf32>,
            tpu.vector_store %arg10[%swap3A_752, %swap3A_753], %mul3A_751 {strides = array<i32>} : memref<64x64xf32, #tpu.memory_space<vmem>>, vector<16xf32>,
            %get3A_755 = arith.index_cast %add3A_733 : i32 to index
            %get3A_756 = arith.constant 48 : index
            %get3A_757 = tpu.vector_load %arg10[%get3A_755, %get3A_756] {strides = array<i32>} : memref<64x64xf32, #tpu.memory_space<vmem>>, vector<16xf32>,
            %mul3A_758 = arith.mulf %get3A_757, %gather3A_729 : vector<16xf32>
            %swap3A_759 = arith.index_cast %add3A_733 : i32 to index
            %swap3A_760 = arith.constant 48 : index
            %swap3A_761 = tpu.vector_load %arg10[%swap3A_759, %swap3A_760] {strides = array<i32>} : memref<64x64xf32, #tpu.memory_space<vmem>>, vector<16xf32>,
            tpu.vector_store %arg10[%swap3A_759, %swap3A_760], %mul3A_758 {strides = array<i32>} : memref<64x64xf32, #tpu.memory_space<vmem>>, vector<16xf32>,
            %broadcast_in_dim3A_762 = arith.constant 10 : i32
            %broadcast_in_dim3A_763 = vector.broadcast %broadcast_in_dim3A_762 : i32 to vector<16x1xi32>
            %gather3A_764 = vector.shape_cast %broadcast_in_dim3A_763 : vector<16x1xi32> to vector<16xi32>
            %gather3A_765 = tpu.dynamic_gather %get3A_401[%gather3A_764] in [0] : vector<16xf32>, vector<16xi32> -> vector<16xf32>
            %mul3A_766 = arith.constant 16 : i32
            %mul3A_767 = arith.muli %scan3A_396, %mul3A_766 : i32
            %add3A_768 = arith.constant 10 : i32
            %add3A_769 = arith.addi %mul3A_767, %add3A_768 : i32
            %get3A_770 = arith.index_cast %add3A_769 : i32 to index
            %get3A_771 = arith.constant 0 : index
            %get3A_772 = tpu.vector_load %arg10[%get3A_770, %get3A_771] {strides = array<i32>} : memref<64x64xf32, #tpu.memory_space<vmem>>, vector<16xf32>,
            %mul3A_773 = arith.mulf %get3A_772, %gather3A_765 : vector<16xf32>
            %swap3A_774 = arith.index_cast %add3A_769 : i32 to index
            %swap3A_775 = arith.constant 0 : index
            %swap3A_776 = tpu.vector_load %arg10[%swap3A_774, %swap3A_775] {strides = array<i32>} : memref<64x64xf32, #tpu.memory_space<vmem>>, vector<16xf32>,
            tpu.vector_store %arg10[%swap3A_774, %swap3A_775], %mul3A_773 {strides = array<i32>} : memref<64x64xf32, #tpu.memory_space<vmem>>, vector<16xf32>,
            %get3A_777 = arith.index_cast %add3A_769 : i32 to index
            %get3A_778 = arith.constant 16 : index
            %get3A_779 = tpu.vector_load %arg10[%get3A_777, %get3A_778] {strides = array<i32>} : memref<64x64xf32, #tpu.memory_space<vmem>>, vector<16xf32>,
            %mul3A_780 = arith.mulf %get3A_779, %gather3A_765 : vector<16xf32>
            %swap3A_781 = arith.index_cast %add3A_769 : i32 to index
            %swap3A_782 = arith.constant 16 : index
            %swap3A_783 = tpu.vector_load %arg10[%swap3A_781, %swap3A_782] {strides = array<i32>} : memref<64x64xf32, #tpu.memory_space<vmem>>, vector<16xf32>,
            tpu.vector_store %arg10[%swap3A_781, %swap3A_782], %mul3A_780 {strides = array<i32>} : memref<64x64xf32, #tpu.memory_space<vmem>>, vector<16xf32>,
            %get3A_784 = arith.index_cast %add3A_769 : i32 to index
            %get3A_785 = arith.constant 32 : index
            %get3A_786 = tpu.vector_load %arg10[%get3A_784, %get3A_785] {strides = array<i32>} : memref<64x64xf32, #tpu.memory_space<vmem>>, vector<16xf32>,
            %mul3A_787 = arith.mulf %get3A_786, %gather3A_765 : vector<16xf32>
            %swap3A_788 = arith.index_cast %add3A_769 : i32 to index
            %swap3A_789 = arith.constant 32 : index
            %swap3A_790 = tpu.vector_load %arg10[%swap3A_788, %swap3A_789] {strides = array<i32>} : memref<64x64xf32, #tpu.memory_space<vmem>>, vector<16xf32>,
            tpu.vector_store %arg10[%swap3A_788, %swap3A_789], %mul3A_787 {strides = array<i32>} : memref<64x64xf32, #tpu.memory_space<vmem>>, vector<16xf32>,
            %get3A_791 = arith.index_cast %add3A_769 : i32 to index
            %get3A_792 = arith.constant 48 : index
            %get3A_793 = tpu.vector_load %arg10[%get3A_791, %get3A_792] {strides = array<i32>} : memref<64x64xf32, #tpu.memory_space<vmem>>, vector<16xf32>,
            %mul3A_794 = arith.mulf %get3A_793, %gather3A_765 : vector<16xf32>
            %swap3A_795 = arith.index_cast %add3A_769 : i32 to index
            %swap3A_796 = arith.constant 48 : index
            %swap3A_797 = tpu.vector_load %arg10[%swap3A_795, %swap3A_796] {strides = array<i32>} : memref<64x64xf32, #tpu.memory_space<vmem>>, vector<16xf32>,
            tpu.vector_store %arg10[%swap3A_795, %swap3A_796], %mul3A_794 {strides = array<i32>} : memref<64x64xf32, #tpu.memory_space<vmem>>, vector<16xf32>,
            %broadcast_in_dim3A_798 = arith.constant 11 : i32
            %broadcast_in_dim3A_799 = vector.broadcast %broadcast_in_dim3A_798 : i32 to vector<16x1xi32>
            %gather3A_800 = vector.shape_cast %broadcast_in_dim3A_799 : vector<16x1xi32> to vector<16xi32>
            %gather3A_801 = tpu.dynamic_gather %get3A_401[%gather3A_800] in [0] : vector<16xf32>, vector<16xi32> -> vector<16xf32>
            %mul3A_802 = arith.constant 16 : i32
            %mul3A_803 = arith.muli %scan3A_396, %mul3A_802 : i32
            %add3A_804 = arith.constant 11 : i32
            %add3A_805 = arith.addi %mul3A_803, %add3A_804 : i32
            %get3A_806 = arith.index_cast %add3A_805 : i32 to index
            %get3A_807 = arith.constant 0 : index
            %get3A_808 = tpu.vector_load %arg10[%get3A_806, %get3A_807] {strides = array<i32>} : memref<64x64xf32, #tpu.memory_space<vmem>>, vector<16xf32>,
            %mul3A_809 = arith.mulf %get3A_808, %gather3A_801 : vector<16xf32>
            %swap3A_810 = arith.index_cast %add3A_805 : i32 to index
            %swap3A_811 = arith.constant 0 : index
            %swap3A_812 = tpu.vector_load %arg10[%swap3A_810, %swap3A_811] {strides = array<i32>} : memref<64x64xf32, #tpu.memory_space<vmem>>, vector<16xf32>,
            tpu.vector_store %arg10[%swap3A_810, %swap3A_811], %mul3A_809 {strides = array<i32>} : memref<64x64xf32, #tpu.memory_space<vmem>>, vector<16xf32>,
            %get3A_813 = arith.index_cast %add3A_805 : i32 to index
            %get3A_814 = arith.constant 16 : index
            %get3A_815 = tpu.vector_load %arg10[%get3A_813, %get3A_814] {strides = array<i32>} : memref<64x64xf32, #tpu.memory_space<vmem>>, vector<16xf32>,
            %mul3A_816 = arith.mulf %get3A_815, %gather3A_801 : vector<16xf32>
            %swap3A_817 = arith.index_cast %add3A_805 : i32 to index
            %swap3A_818 = arith.constant 16 : index
            %swap3A_819 = tpu.vector_load %arg10[%swap3A_817, %swap3A_818] {strides = array<i32>} : memref<64x64xf32, #tpu.memory_space<vmem>>, vector<16xf32>,
            tpu.vector_store %arg10[%swap3A_817, %swap3A_818], %mul3A_816 {strides = array<i32>} : memref<64x64xf32, #tpu.memory_space<vmem>>, vector<16xf32>,
            %get3A_820 = arith.index_cast %add3A_805 : i32 to index
            %get3A_821 = arith.constant 32 : index
            %get3A_822 = tpu.vector_load %arg10[%get3A_820, %get3A_821] {strides = array<i32>} : memref<64x64xf32, #tpu.memory_space<vmem>>, vector<16xf32>,
            %mul3A_823 = arith.mulf %get3A_822, %gather3A_801 : vector<16xf32>
            %swap3A_824 = arith.index_cast %add3A_805 : i32 to index
            %swap3A_825 = arith.constant 32 : index
            %swap3A_826 = tpu.vector_load %arg10[%swap3A_824, %swap3A_825] {strides = array<i32>} : memref<64x64xf32, #tpu.memory_space<vmem>>, vector<16xf32>,
            tpu.vector_store %arg10[%swap3A_824, %swap3A_825], %mul3A_823 {strides = array<i32>} : memref<64x64xf32, #tpu.memory_space<vmem>>, vector<16xf32>,
            %get3A_827 = arith.index_cast %add3A_805 : i32 to index
            %get3A_828 = arith.constant 48 : index
            %get3A_829 = tpu.vector_load %arg10[%get3A_827, %get3A_828] {strides = array<i32>} : memref<64x64xf32, #tpu.memory_space<vmem>>, vector<16xf32>,
            %mul3A_830 = arith.mulf %get3A_829, %gather3A_801 : vector<16xf32>
            %swap3A_831 = arith.index_cast %add3A_805 : i32 to index
            %swap3A_832 = arith.constant 48 : index
            %swap3A_833 = tpu.vector_load %arg10[%swap3A_831, %swap3A_832] {strides = array<i32>} : memref<64x64xf32, #tpu.memory_space<vmem>>, vector<16xf32>,
            tpu.vector_store %arg10[%swap3A_831, %swap3A_832], %mul3A_830 {strides = array<i32>} : memref<64x64xf32, #tpu.memory_space<vmem>>, vector<16xf32>,
            %broadcast_in_dim3A_834 = arith.constant 12 : i32
            %broadcast_in_dim3A_835 = vector.broadcast %broadcast_in_dim3A_834 : i32 to vector<16x1xi32>
            %gather3A_836 = vector.shape_cast %broadcast_in_dim3A_835 : vector<16x1xi32> to vector<16xi32>
            %gather3A_837 = tpu.dynamic_gather %get3A_401[%gather3A_836] in [0] : vector<16xf32>, vector<16xi32> -> vector<16xf32>
            %mul3A_838 = arith.constant 16 : i32
            %mul3A_839 = arith.muli %scan3A_396, %mul3A_838 : i32
            %add3A_840 = arith.constant 12 : i32
            %add3A_841 = arith.addi %mul3A_839, %add3A_840 : i32
            %get3A_842 = arith.index_cast %add3A_841 : i32 to index
            %get3A_843 = arith.constant 0 : index
            %get3A_844 = tpu.vector_load %arg10[%get3A_842, %get3A_843] {strides = array<i32>} : memref<64x64xf32, #tpu.memory_space<vmem>>, vector<16xf32>,
            %mul3A_845 = arith.mulf %get3A_844, %gather3A_837 : vector<16xf32>
            %swap3A_846 = arith.index_cast %add3A_841 : i32 to index
            %swap3A_847 = arith.constant 0 : index
            %swap3A_848 = tpu.vector_load %arg10[%swap3A_846, %swap3A_847] {strides = array<i32>} : memref<64x64xf32, #tpu.memory_space<vmem>>, vector<16xf32>,
            tpu.vector_store %arg10[%swap3A_846, %swap3A_847], %mul3A_845 {strides = array<i32>} : memref<64x64xf32, #tpu.memory_space<vmem>>, vector<16xf32>,
            %get3A_849 = arith.index_cast %add3A_841 : i32 to index
            %get3A_850 = arith.constant 16 : index
            %get3A_851 = tpu.vector_load %arg10[%get3A_849, %get3A_850] {strides = array<i32>} : memref<64x64xf32, #tpu.memory_space<vmem>>, vector<16xf32>,
            %mul3A_852 = arith.mulf %get3A_851, %gather3A_837 : vector<16xf32>
            %swap3A_853 = arith.index_cast %add3A_841 : i32 to index
            %swap3A_854 = arith.constant 16 : index
            %swap3A_855 = tpu.vector_load %arg10[%swap3A_853, %swap3A_854] {strides = array<i32>} : memref<64x64xf32, #tpu.memory_space<vmem>>, vector<16xf32>,
            tpu.vector_store %arg10[%swap3A_853, %swap3A_854], %mul3A_852 {strides = array<i32>} : memref<64x64xf32, #tpu.memory_space<vmem>>, vector<16xf32>,
            %get3A_856 = arith.index_cast %add3A_841 : i32 to index
            %get3A_857 = arith.constant 32 : index
            %get3A_858 = tpu.vector_load %arg10[%get3A_856, %get3A_857] {strides = array<i32>} : memref<64x64xf32, #tpu.memory_space<vmem>>, vector<16xf32>,
            %mul3A_859 = arith.mulf %get3A_858, %gather3A_837 : vector<16xf32>
            %swap3A_860 = arith.index_cast %add3A_841 : i32 to index
            %swap3A_861 = arith.constant 32 : index
            %swap3A_862 = tpu.vector_load %arg10[%swap3A_860, %swap3A_861] {strides = array<i32>} : memref<64x64xf32, #tpu.memory_space<vmem>>, vector<16xf32>,
            tpu.vector_store %arg10[%swap3A_860, %swap3A_861], %mul3A_859 {strides = array<i32>} : memref<64x64xf32, #tpu.memory_space<vmem>>, vector<16xf32>,
            %get3A_863 = arith.index_cast %add3A_841 : i32 to index
            %get3A_864 = arith.constant 48 : index
            %get3A_865 = tpu.vector_load %arg10[%get3A_863, %get3A_864] {strides = array<i32>} : memref<64x64xf32, #tpu.memory_space<vmem>>, vector<16xf32>,
            %mul3A_866 = arith.mulf %get3A_865, %gather3A_837 : vector<16xf32>
            %swap3A_867 = arith.index_cast %add3A_841 : i32 to index
            %swap3A_868 = arith.constant 48 : index
            %swap3A_869 = tpu.vector_load %arg10[%swap3A_867, %swap3A_868] {strides = array<i32>} : memref<64x64xf32, #tpu.memory_space<vmem>>, vector<16xf32>,
            tpu.vector_store %arg10[%swap3A_867, %swap3A_868], %mul3A_866 {strides = array<i32>} : memref<64x64xf32, #tpu.memory_space<vmem>>, vector<16xf32>,
            %broadcast_in_dim3A_870 = arith.constant 13 : i32
            %broadcast_in_dim3A_871 = vector.broadcast %broadcast_in_dim3A_870 : i32 to vector<16x1xi32>
            %gather3A_872 = vector.shape_cast %broadcast_in_dim3A_871 : vector<16x1xi32> to vector<16xi32>
            %gather3A_873 = tpu.dynamic_gather %get3A_401[%gather3A_872] in [0] : vector<16xf32>, vector<16xi32> -> vector<16xf32>
            %mul3A_874 = arith.constant 16 : i32
            %mul3A_875 = arith.muli %scan3A_396, %mul3A_874 : i32
            %add3A_876 = arith.constant 13 : i32
            %add3A_877 = arith.addi %mul3A_875, %add3A_876 : i32
            %get3A_878 = arith.index_cast %add3A_877 : i32 to index
            %get3A_879 = arith.constant 0 : index
            %get3A_880 = tpu.vector_load %arg10[%get3A_878, %get3A_879] {strides = array<i32>} : memref<64x64xf32, #tpu.memory_space<vmem>>, vector<16xf32>,
            %mul3A_881 = arith.mulf %get3A_880, %gather3A_873 : vector<16xf32>
            %swap3A_882 = arith.index_cast %add3A_877 : i32 to index
            %swap3A_883 = arith.constant 0 : index
            %swap3A_884 = tpu.vector_load %arg10[%swap3A_882, %swap3A_883] {strides = array<i32>} : memref<64x64xf32, #tpu.memory_space<vmem>>, vector<16xf32>,
            tpu.vector_store %arg10[%swap3A_882, %swap3A_883], %mul3A_881 {strides = array<i32>} : memref<64x64xf32, #tpu.memory_space<vmem>>, vector<16xf32>,
            %get3A_885 = arith.index_cast %add3A_877 : i32 to index
            %get3A_886 = arith.constant 16 : index
            %get3A_887 = tpu.vector_load %arg10[%get3A_885, %get3A_886] {strides = array<i32>} : memref<64x64xf32, #tpu.memory_space<vmem>>, vector<16xf32>,
            %mul3A_888 = arith.mulf %get3A_887, %gather3A_873 : vector<16xf32>
            %swap3A_889 = arith.index_cast %add3A_877 : i32 to index
            %swap3A_890 = arith.constant 16 : index
            %swap3A_891 = tpu.vector_load %arg10[%swap3A_889, %swap3A_890] {strides = array<i32>} : memref<64x64xf32, #tpu.memory_space<vmem>>, vector<16xf32>,
            tpu.vector_store %arg10[%swap3A_889, %swap3A_890], %mul3A_888 {strides = array<i32>} : memref<64x64xf32, #tpu.memory_space<vmem>>, vector<16xf32>,
            %get3A_892 = arith.index_cast %add3A_877 : i32 to index
            %get3A_893 = arith.constant 32 : index
            %get3A_894 = tpu.vector_load %arg10[%get3A_892, %get3A_893] {strides = array<i32>} : memref<64x64xf32, #tpu.memory_space<vmem>>, vector<16xf32>,
            %mul3A_895 = arith.mulf %get3A_894, %gather3A_873 : vector<16xf32>
            %swap3A_896 = arith.index_cast %add3A_877 : i32 to index
            %swap3A_897 = arith.constant 32 : index
            %swap3A_898 = tpu.vector_load %arg10[%swap3A_896, %swap3A_897] {strides = array<i32>} : memref<64x64xf32, #tpu.memory_space<vmem>>, vector<16xf32>,
            tpu.vector_store %arg10[%swap3A_896, %swap3A_897], %mul3A_895 {strides = array<i32>} : memref<64x64xf32, #tpu.memory_space<vmem>>, vector<16xf32>,
            %get3A_899 = arith.index_cast %add3A_877 : i32 to index
            %get3A_900 = arith.constant 48 : index
            %get3A_901 = tpu.vector_load %arg10[%get3A_899, %get3A_900] {strides = array<i32>} : memref<64x64xf32, #tpu.memory_space<vmem>>, vector<16xf32>,
            %mul3A_902 = arith.mulf %get3A_901, %gather3A_873 : vector<16xf32>
            %swap3A_903 = arith.index_cast %add3A_877 : i32 to index
            %swap3A_904 = arith.constant 48 : index
            %swap3A_905 = tpu.vector_load %arg10[%swap3A_903, %swap3A_904] {strides = array<i32>} : memref<64x64xf32, #tpu.memory_space<vmem>>, vector<16xf32>,
            tpu.vector_store %arg10[%swap3A_903, %swap3A_904], %mul3A_902 {strides = array<i32>} : memref<64x64xf32, #tpu.memory_space<vmem>>, vector<16xf32>,
            %broadcast_in_dim3A_906 = arith.constant 14 : i32
            %broadcast_in_dim3A_907 = vector.broadcast %broadcast_in_dim3A_906 : i32 to vector<16x1xi32>
            %gather3A_908 = vector.shape_cast %broadcast_in_dim3A_907 : vector<16x1xi32> to vector<16xi32>
            %gather3A_909 = tpu.dynamic_gather %get3A_401[%gather3A_908] in [0] : vector<16xf32>, vector<16xi32> -> vector<16xf32>
            %mul3A_910 = arith.constant 16 : i32
            %mul3A_911 = arith.muli %scan3A_396, %mul3A_910 : i32
            %add3A_912 = arith.constant 14 : i32
            %add3A_913 = arith.addi %mul3A_911, %add3A_912 : i32
            %get3A_914 = arith.index_cast %add3A_913 : i32 to index
            %get3A_915 = arith.constant 0 : index
            %get3A_916 = tpu.vector_load %arg10[%get3A_914, %get3A_915] {strides = array<i32>} : memref<64x64xf32, #tpu.memory_space<vmem>>, vector<16xf32>,
            %mul3A_917 = arith.mulf %get3A_916, %gather3A_909 : vector<16xf32>
            %swap3A_918 = arith.index_cast %add3A_913 : i32 to index
            %swap3A_919 = arith.constant 0 : index
            %swap3A_920 = tpu.vector_load %arg10[%swap3A_918, %swap3A_919] {strides = array<i32>} : memref<64x64xf32, #tpu.memory_space<vmem>>, vector<16xf32>,
            tpu.vector_store %arg10[%swap3A_918, %swap3A_919], %mul3A_917 {strides = array<i32>} : memref<64x64xf32, #tpu.memory_space<vmem>>, vector<16xf32>,
            %get3A_921 = arith.index_cast %add3A_913 : i32 to index
            %get3A_922 = arith.constant 16 : index
            %get3A_923 = tpu.vector_load %arg10[%get3A_921, %get3A_922] {strides = array<i32>} : memref<64x64xf32, #tpu.memory_space<vmem>>, vector<16xf32>,
            %mul3A_924 = arith.mulf %get3A_923, %gather3A_909 : vector<16xf32>
            %swap3A_925 = arith.index_cast %add3A_913 : i32 to index
            %swap3A_926 = arith.constant 16 : index
            %swap3A_927 = tpu.vector_load %arg10[%swap3A_925, %swap3A_926] {strides = array<i32>} : memref<64x64xf32, #tpu.memory_space<vmem>>, vector<16xf32>,
            tpu.vector_store %arg10[%swap3A_925, %swap3A_926], %mul3A_924 {strides = array<i32>} : memref<64x64xf32, #tpu.memory_space<vmem>>, vector<16xf32>,
            %get3A_928 = arith.index_cast %add3A_913 : i32 to index
            %get3A_929 = arith.constant 32 : index
            %get3A_930 = tpu.vector_load %arg10[%get3A_928, %get3A_929] {strides = array<i32>} : memref<64x64xf32, #tpu.memory_space<vmem>>, vector<16xf32>,
            %mul3A_931 = arith.mulf %get3A_930, %gather3A_909 : vector<16xf32>
            %swap3A_932 = arith.index_cast %add3A_913 : i32 to index
            %swap3A_933 = arith.constant 32 : index
            %swap3A_934 = tpu.vector_load %arg10[%swap3A_932, %swap3A_933] {strides = array<i32>} : memref<64x64xf32, #tpu.memory_space<vmem>>, vector<16xf32>,
            tpu.vector_store %arg10[%swap3A_932, %swap3A_933], %mul3A_931 {strides = array<i32>} : memref<64x64xf32, #tpu.memory_space<vmem>>, vector<16xf32>,
            %get3A_935 = arith.index_cast %add3A_913 : i32 to index
            %get3A_936 = arith.constant 48 : index
            %get3A_937 = tpu.vector_load %arg10[%get3A_935, %get3A_936] {strides = array<i32>} : memref<64x64xf32, #tpu.memory_space<vmem>>, vector<16xf32>,
            %mul3A_938 = arith.mulf %get3A_937, %gather3A_909 : vector<16xf32>
            %swap3A_939 = arith.index_cast %add3A_913 : i32 to index
            %swap3A_940 = arith.constant 48 : index
            %swap3A_941 = tpu.vector_load %arg10[%swap3A_939, %swap3A_940] {strides = array<i32>} : memref<64x64xf32, #tpu.memory_space<vmem>>, vector<16xf32>,
            tpu.vector_store %arg10[%swap3A_939, %swap3A_940], %mul3A_938 {strides = array<i32>} : memref<64x64xf32, #tpu.memory_space<vmem>>, vector<16xf32>,
            %broadcast_in_dim3A_942 = arith.constant 15 : i32
            %broadcast_in_dim3A_943 = vector.broadcast %broadcast_in_dim3A_942 : i32 to vector<16x1xi32>
            %gather3A_944 = vector.shape_cast %broadcast_in_dim3A_943 : vector<16x1xi32> to vector<16xi32>
            %gather3A_945 = tpu.dynamic_gather %get3A_401[%gather3A_944] in [0] : vector<16xf32>, vector<16xi32> -> vector<16xf32>
            %mul3A_946 = arith.constant 16 : i32
            %mul3A_947 = arith.muli %scan3A_396, %mul3A_946 : i32
            %add3A_948 = arith.constant 15 : i32
            %add3A_949 = arith.addi %mul3A_947, %add3A_948 : i32
            %get3A_950 = arith.index_cast %add3A_949 : i32 to index
            %get3A_951 = arith.constant 0 : index
            %get3A_952 = tpu.vector_load %arg10[%get3A_950, %get3A_951] {strides = array<i32>} : memref<64x64xf32, #tpu.memory_space<vmem>>, vector<16xf32>,
            %mul3A_953 = arith.mulf %get3A_952, %gather3A_945 : vector<16xf32>
            %swap3A_954 = arith.index_cast %add3A_949 : i32 to index
            %swap3A_955 = arith.constant 0 : index
            %swap3A_956 = tpu.vector_load %arg10[%swap3A_954, %swap3A_955] {strides = array<i32>} : memref<64x64xf32, #tpu.memory_space<vmem>>, vector<16xf32>,
            tpu.vector_store %arg10[%swap3A_954, %swap3A_955], %mul3A_953 {strides = array<i32>} : memref<64x64xf32, #tpu.memory_space<vmem>>, vector<16xf32>,
            %get3A_957 = arith.index_cast %add3A_949 : i32 to index
            %get3A_958 = arith.constant 16 : index
            %get3A_959 = tpu.vector_load %arg10[%get3A_957, %get3A_958] {strides = array<i32>} : memref<64x64xf32, #tpu.memory_space<vmem>>, vector<16xf32>,
            %mul3A_960 = arith.mulf %get3A_959, %gather3A_945 : vector<16xf32>
            %swap3A_961 = arith.index_cast %add3A_949 : i32 to index
            %swap3A_962 = arith.constant 16 : index
            %swap3A_963 = tpu.vector_load %arg10[%swap3A_961, %swap3A_962] {strides = array<i32>} : memref<64x64xf32, #tpu.memory_space<vmem>>, vector<16xf32>,
            tpu.vector_store %arg10[%swap3A_961, %swap3A_962], %mul3A_960 {strides = array<i32>} : memref<64x64xf32, #tpu.memory_space<vmem>>, vector<16xf32>,
            %get3A_964 = arith.index_cast %add3A_949 : i32 to index
            %get3A_965 = arith.constant 32 : index
            %get3A_966 = tpu.vector_load %arg10[%get3A_964, %get3A_965] {strides = array<i32>} : memref<64x64xf32, #tpu.memory_space<vmem>>, vector<16xf32>,
            %mul3A_967 = arith.mulf %get3A_966, %gather3A_945 : vector<16xf32>
            %swap3A_968 = arith.index_cast %add3A_949 : i32 to index
            %swap3A_969 = arith.constant 32 : index
            %swap3A_970 = tpu.vector_load %arg10[%swap3A_968, %swap3A_969] {strides = array<i32>} : memref<64x64xf32, #tpu.memory_space<vmem>>, vector<16xf32>,
            tpu.vector_store %arg10[%swap3A_968, %swap3A_969], %mul3A_967 {strides = array<i32>} : memref<64x64xf32, #tpu.memory_space<vmem>>, vector<16xf32>,
            %get3A_971 = arith.index_cast %add3A_949 : i32 to index
            %get3A_972 = arith.constant 48 : index
            %get3A_973 = tpu.vector_load %arg10[%get3A_971, %get3A_972] {strides = array<i32>} : memref<64x64xf32, #tpu.memory_space<vmem>>, vector<16xf32>,
            %mul3A_974 = arith.mulf %get3A_973, %gather3A_945 : vector<16xf32>
            %swap3A_975 = arith.index_cast %add3A_949 : i32 to index
            %swap3A_976 = arith.constant 48 : index
            %swap3A_977 = tpu.vector_load %arg10[%swap3A_975, %swap3A_976] {strides = array<i32>} : memref<64x64xf32, #tpu.memory_space<vmem>>, vector<16xf32>,
            tpu.vector_store %arg10[%swap3A_975, %swap3A_976], %mul3A_974 {strides = array<i32>} : memref<64x64xf32, #tpu.memory_space<vmem>>, vector<16xf32>,
            %scan3A_978 = arith.constant 0 : i32
            scf.yield %scan3A_978 : i32
          }
          %scan3A_394 = arith.constant 4 : i32
          "tpu.region"() ({
            %run_scoped3A = tpu.sem_alloc : memref<!tpu.dma_semaphore, #tpu.memory_space<semaphore_mem>>
            %dma_start3A_396 = arith.constant 0 : i32
            %dma_start3A_397 = arith.constant 0 : i32
            %dma_start3A_398 = tpu.memref_slice %arg11[%dma_start3A_396, %dma_start3A_397] : memref<19464x64xf32, #tpu.memory_space<vmem_shared>> -> memref<19464x64xf32, #tpu.memory_space<vmem_shared>>
            tpu.enqueue_indirect_dma source(%arg10 : memref<64x64xf32, #tpu.memory_space<vmem>>) target(%dma_start3A_398 : memref<19464x64xf32, #tpu.memory_space<vmem_shared>>) offsets(%arg7 : memref<64xi32, #tpu.memory_space<vmem>>) semaphore(%run_scoped3A : memref<!tpu.dma_semaphore, #tpu.memory_space<semaphore_mem>>) {add = true}
            %dma_wait3A_399 = arith.constant 0 : i32
            %dma_wait3A_400 = arith.constant 0 : i32
            %dma_wait3A_401 = tpu.memref_slice %arg11[%dma_wait3A_399, %dma_wait3A_400] : memref<19464x64xf32, #tpu.memory_space<vmem_shared>> -> memref<19464x64xf32, #tpu.memory_space<vmem_shared>>
            tpu.wait_indirect_dma semaphore(%run_scoped3A : memref<!tpu.dma_semaphore, #tpu.memory_space<semaphore_mem>>) src(%arg10 : memref<64x64xf32, #tpu.memory_space<vmem>>) dst(%dma_wait3A_401 : memref<19464x64xf32, #tpu.memory_space<vmem_shared>>)
            tpu.yield
          }) : () -> ()
          %while3A_395 = arith.constant 0 : i32
          scf.yield %while3A_395 : i32
        }
        %while3A_171 = arith.constant 1 : i32
        %while3A_172 = scf.for %while3A_177 = %while3A_168 to %while3A_164 step %while3A_171 iter_args(%while3A_178 = %while3A_170) -> (i32)  : i32 {
          %mul3A_179 = arith.constant 64 : i32
          %mul3A_180 = arith.muli %while3A_177, %mul3A_179 : i32
          %add3A_181 = arith.constant 0 : i32
          %add3A_182 = arith.addi %mul3A_180, %add3A_181 : i32
          %add3A_183 = vector.broadcast %add3A_182 : i32 to vector<16xi32>
          %add3A_184 = arith.addi %add3A_183, %iota3A : vector<16xi32>
          %lt3A_185 = vector.broadcast %scan3A_129 : i32 to vector<16xi32>
          %lt3A_186 = arith.cmpi slt, %add3A_184, %lt3A_185 : vector<16xi32>
          %add3A_187 = arith.constant 0 : i32
          %add3A_188 = arith.addi %mul3A_180, %add3A_187 : i32
          %get3A = arith.index_cast %add3A_188 : i32 to index
          %get3A_189 = tpu.vector_load %arg6[%get3A] {strides = array<i32>} : memref<4736xi32, #tpu.memory_space<vmem>>, vector<16xi32>,
          %shift_right_arithmetic3A = arith.constant 12 : i32
          %shift_right_arithmetic3A_190 = vector.broadcast %shift_right_arithmetic3A : i32 to vector<16xi32>
          %shift_right_arithmetic3A_191 = arith.shrsi %get3A_189, %shift_right_arithmetic3A_190 : vector<16xi32>
          %and3A_192 = arith.constant 4095 : i32
          %and3A_193 = vector.broadcast %and3A_192 : i32 to vector<16xi32>
          %and3A_194 = arith.andi %get3A_189, %and3A_193 : vector<16xi32>
          %gather3A = tpu.vector_load_idx %arg5[%shift_right_arithmetic3A_191, %and3A_194] masked %lt3A_186 : memref<9x4096xi32, #tpu.memory_space<vmem>>[vector<16xi32>, vector<16xi32>], vector<16xi32>, vector<16xi1>
          %and3A_195 = arith.constant 524287 : i32
          %and3A_196 = vector.broadcast %and3A_195 : i32 to vector<16xi32>
          %and3A_197 = arith.andi %gather3A, %and3A_196 : vector<16xi32>
          %shift_right_arithmetic3A_198 = arith.constant 19 : i32
          %shift_right_arithmetic3A_199 = vector.broadcast %shift_right_arithmetic3A_198 : i32 to vector<16xi32>
          %shift_right_arithmetic3A_200 = arith.shrsi %gather3A, %shift_right_arithmetic3A_199 : vector<16xi32>
          %and3A_201 = arith.constant 8191 : i32
          %and3A_202 = vector.broadcast %and3A_201 : i32 to vector<16xi32>
          %and3A_203 = arith.andi %shift_right_arithmetic3A_200, %and3A_202 : vector<16xi32>
          %convert_element_type3A = arith.sitofp %and3A_203 : vector<16xi32> to vector<16xf32>
          %div3A_204 = arith.constant 8.192000e+03 : f32
          %div3A_205 = vector.broadcast %div3A_204 : f32 to vector<16xf32>
          %div3A_206 = arith.divf %convert_element_type3A, %div3A_205 : vector<16xf32>
          %sub3A_207 = vector.broadcast %mul3A_43 : i32 to vector<16xi32>
          %sub3A_208 = arith.subi %and3A_197, %sub3A_207 : vector<16xi32>
          %jit3A_209 = arith.constant 19456 : i32
          %broadcast_in_dim3A_210 = vector.broadcast %jit3A_209 : i32 to vector<16xi32>
          %select_n3A_211 = arith.select %lt3A_186, %sub3A_208, %broadcast_in_dim3A_210 : vector<16xi1>, vector<16xi32>
          %swap3A = arith.constant 0 : index
          %swap3A_212 = tpu.vector_load %arg7[%swap3A] {strides = array<i32>} : memref<64xi32, #tpu.memory_space<vmem>>, vector<16xi32>,
          tpu.vector_store %arg7[%swap3A], %select_n3A_211 {strides = array<i32>} : memref<64xi32, #tpu.memory_space<vmem>>, vector<16xi32>,
          %and3A_213 = arith.constant 4095 : i32
          %and3A_214 = vector.broadcast %and3A_213 : i32 to vector<16xi32>
          %and3A_215 = arith.andi %get3A_189, %and3A_214 : vector<16xi32>
          %add3A_216 = vector.broadcast %add3A_48 : i32 to vector<16xi32>
          %add3A_217 = arith.addi %add3A_216, %and3A_215 : vector<16xi32>
          %jit3A_218 = arith.constant 0 : i32
          %broadcast_in_dim3A_219 = vector.broadcast %jit3A_218 : i32 to vector<16xi32>
          %select_n3A_220 = arith.select %lt3A_186, %add3A_217, %broadcast_in_dim3A_219 : vector<16xi1>, vector<16xi32>
          %swap3A_221 = arith.constant 0 : index
          %swap3A_222 = tpu.vector_load %arg8[%swap3A_221] {strides = array<i32>} : memref<64xi32, #tpu.memory_space<vmem>>, vector<16xi32>,
          tpu.vector_store %arg8[%swap3A_221], %select_n3A_220 {strides = array<i32>} : memref<64xi32, #tpu.memory_space<vmem>>, vector<16xi32>,
          %jit3A_223 = arith.constant 0.000000e+00 : f32
          %broadcast_in_dim3A_224 = vector.broadcast %jit3A_223 : f32 to vector<16xf32>
          %select_n3A_225 = arith.select %lt3A_186, %div3A_206, %broadcast_in_dim3A_224 : vector<16xi1>, vector<16xf32>
          %swap3A_226 = arith.constant 0 : index
          %swap3A_227 = tpu.vector_load %arg9[%swap3A_226] {strides = array<i32>} : memref<64xf32, #tpu.memory_space<vmem>>, vector<16xf32>,
          tpu.vector_store %arg9[%swap3A_226], %select_n3A_225 {strides = array<i32>} : memref<64xf32, #tpu.memory_space<vmem>>, vector<16xf32>,
          %add3A_228 = arith.constant 16 : i32
          %add3A_229 = arith.addi %mul3A_180, %add3A_228 : i32
          %add3A_230 = vector.broadcast %add3A_229 : i32 to vector<16xi32>
          %add3A_231 = arith.addi %add3A_230, %iota3A : vector<16xi32>
          %lt3A_232 = vector.broadcast %scan3A_129 : i32 to vector<16xi32>
          %lt3A_233 = arith.cmpi slt, %add3A_231, %lt3A_232 : vector<16xi32>
          %add3A_234 = arith.constant 16 : i32
          %add3A_235 = arith.addi %mul3A_180, %add3A_234 : i32
          %get3A_236 = arith.index_cast %add3A_235 : i32 to index
          %get3A_237 = tpu.vector_load %arg6[%get3A_236] {strides = array<i32>} : memref<4736xi32, #tpu.memory_space<vmem>>, vector<16xi32>,
          %shift_right_arithmetic3A_238 = arith.constant 12 : i32
          %shift_right_arithmetic3A_239 = vector.broadcast %shift_right_arithmetic3A_238 : i32 to vector<16xi32>
          %shift_right_arithmetic3A_240 = arith.shrsi %get3A_237, %shift_right_arithmetic3A_239 : vector<16xi32>
          %and3A_241 = arith.constant 4095 : i32
          %and3A_242 = vector.broadcast %and3A_241 : i32 to vector<16xi32>
          %and3A_243 = arith.andi %get3A_237, %and3A_242 : vector<16xi32>
          %gather3A_244 = tpu.vector_load_idx %arg5[%shift_right_arithmetic3A_240, %and3A_243] masked %lt3A_233 : memref<9x4096xi32, #tpu.memory_space<vmem>>[vector<16xi32>, vector<16xi32>], vector<16xi32>, vector<16xi1>
          %and3A_245 = arith.constant 524287 : i32
          %and3A_246 = vector.broadcast %and3A_245 : i32 to vector<16xi32>
          %and3A_247 = arith.andi %gather3A_244, %and3A_246 : vector<16xi32>
          %shift_right_arithmetic3A_248 = arith.constant 19 : i32
          %shift_right_arithmetic3A_249 = vector.broadcast %shift_right_arithmetic3A_248 : i32 to vector<16xi32>
          %shift_right_arithmetic3A_250 = arith.shrsi %gather3A_244, %shift_right_arithmetic3A_249 : vector<16xi32>
          %and3A_251 = arith.constant 8191 : i32
          %and3A_252 = vector.broadcast %and3A_251 : i32 to vector<16xi32>
          %and3A_253 = arith.andi %shift_right_arithmetic3A_250, %and3A_252 : vector<16xi32>
          %convert_element_type3A_254 = arith.sitofp %and3A_253 : vector<16xi32> to vector<16xf32>
          %div3A_255 = arith.constant 8.192000e+03 : f32
          %div3A_256 = vector.broadcast %div3A_255 : f32 to vector<16xf32>
          %div3A_257 = arith.divf %convert_element_type3A_254, %div3A_256 : vector<16xf32>
          %sub3A_258 = vector.broadcast %mul3A_43 : i32 to vector<16xi32>
          %sub3A_259 = arith.subi %and3A_247, %sub3A_258 : vector<16xi32>
          %jit3A_260 = arith.constant 19456 : i32
          %broadcast_in_dim3A_261 = vector.broadcast %jit3A_260 : i32 to vector<16xi32>
          %select_n3A_262 = arith.select %lt3A_233, %sub3A_259, %broadcast_in_dim3A_261 : vector<16xi1>, vector<16xi32>
          %swap3A_263 = arith.constant 16 : index
          %swap3A_264 = tpu.vector_load %arg7[%swap3A_263] {strides = array<i32>} : memref<64xi32, #tpu.memory_space<vmem>>, vector<16xi32>,
          tpu.vector_store %arg7[%swap3A_263], %select_n3A_262 {strides = array<i32>} : memref<64xi32, #tpu.memory_space<vmem>>, vector<16xi32>,
          %and3A_265 = arith.constant 4095 : i32
          %and3A_266 = vector.broadcast %and3A_265 : i32 to vector<16xi32>
          %and3A_267 = arith.andi %get3A_237, %and3A_266 : vector<16xi32>
          %add3A_268 = vector.broadcast %add3A_48 : i32 to vector<16xi32>
          %add3A_269 = arith.addi %add3A_268, %and3A_267 : vector<16xi32>
          %jit3A_270 = arith.constant 0 : i32
          %broadcast_in_dim3A_271 = vector.broadcast %jit3A_270 : i32 to vector<16xi32>
          %select_n3A_272 = arith.select %lt3A_233, %add3A_269, %broadcast_in_dim3A_271 : vector<16xi1>, vector<16xi32>
          %swap3A_273 = arith.constant 16 : index
          %swap3A_274 = tpu.vector_load %arg8[%swap3A_273] {strides = array<i32>} : memref<64xi32, #tpu.memory_space<vmem>>, vector<16xi32>,
          tpu.vector_store %arg8[%swap3A_273], %select_n3A_272 {strides = array<i32>} : memref<64xi32, #tpu.memory_space<vmem>>, vector<16xi32>,
          %jit3A_275 = arith.constant 0.000000e+00 : f32
          %broadcast_in_dim3A_276 = vector.broadcast %jit3A_275 : f32 to vector<16xf32>
          %select_n3A_277 = arith.select %lt3A_233, %div3A_257, %broadcast_in_dim3A_276 : vector<16xi1>, vector<16xf32>
          %swap3A_278 = arith.constant 16 : index
          %swap3A_279 = tpu.vector_load %arg9[%swap3A_278] {strides = array<i32>} : memref<64xf32, #tpu.memory_space<vmem>>, vector<16xf32>,
          tpu.vector_store %arg9[%swap3A_278], %select_n3A_277 {strides = array<i32>} : memref<64xf32, #tpu.memory_space<vmem>>, vector<16xf32>,
          %add3A_280 = arith.constant 32 : i32
          %add3A_281 = arith.addi %mul3A_180, %add3A_280 : i32
          %add3A_282 = vector.broadcast %add3A_281 : i32 to vector<16xi32>
          %add3A_283 = arith.addi %add3A_282, %iota3A : vector<16xi32>
          %lt3A_284 = vector.broadcast %scan3A_129 : i32 to vector<16xi32>
          %lt3A_285 = arith.cmpi slt, %add3A_283, %lt3A_284 : vector<16xi32>
          %add3A_286 = arith.constant 32 : i32
          %add3A_287 = arith.addi %mul3A_180, %add3A_286 : i32
          %get3A_288 = arith.index_cast %add3A_287 : i32 to index
          %get3A_289 = tpu.vector_load %arg6[%get3A_288] {strides = array<i32>} : memref<4736xi32, #tpu.memory_space<vmem>>, vector<16xi32>,
          %shift_right_arithmetic3A_290 = arith.constant 12 : i32
          %shift_right_arithmetic3A_291 = vector.broadcast %shift_right_arithmetic3A_290 : i32 to vector<16xi32>
          %shift_right_arithmetic3A_292 = arith.shrsi %get3A_289, %shift_right_arithmetic3A_291 : vector<16xi32>
          %and3A_293 = arith.constant 4095 : i32
          %and3A_294 = vector.broadcast %and3A_293 : i32 to vector<16xi32>
          %and3A_295 = arith.andi %get3A_289, %and3A_294 : vector<16xi32>
          %gather3A_296 = tpu.vector_load_idx %arg5[%shift_right_arithmetic3A_292, %and3A_295] masked %lt3A_285 : memref<9x4096xi32, #tpu.memory_space<vmem>>[vector<16xi32>, vector<16xi32>], vector<16xi32>, vector<16xi1>
          %and3A_297 = arith.constant 524287 : i32
          %and3A_298 = vector.broadcast %and3A_297 : i32 to vector<16xi32>
          %and3A_299 = arith.andi %gather3A_296, %and3A_298 : vector<16xi32>
          %shift_right_arithmetic3A_300 = arith.constant 19 : i32
          %shift_right_arithmetic3A_301 = vector.broadcast %shift_right_arithmetic3A_300 : i32 to vector<16xi32>
          %shift_right_arithmetic3A_302 = arith.shrsi %gather3A_296, %shift_right_arithmetic3A_301 : vector<16xi32>
          %and3A_303 = arith.constant 8191 : i32
          %and3A_304 = vector.broadcast %and3A_303 : i32 to vector<16xi32>
          %and3A_305 = arith.andi %shift_right_arithmetic3A_302, %and3A_304 : vector<16xi32>
          %convert_element_type3A_306 = arith.sitofp %and3A_305 : vector<16xi32> to vector<16xf32>
          %div3A_307 = arith.constant 8.192000e+03 : f32
          %div3A_308 = vector.broadcast %div3A_307 : f32 to vector<16xf32>
          %div3A_309 = arith.divf %convert_element_type3A_306, %div3A_308 : vector<16xf32>
          %sub3A_310 = vector.broadcast %mul3A_43 : i32 to vector<16xi32>
          %sub3A_311 = arith.subi %and3A_299, %sub3A_310 : vector<16xi32>
          %jit3A_312 = arith.constant 19456 : i32
          %broadcast_in_dim3A_313 = vector.broadcast %jit3A_312 : i32 to vector<16xi32>
          %select_n3A_314 = arith.select %lt3A_285, %sub3A_311, %broadcast_in_dim3A_313 : vector<16xi1>, vector<16xi32>
          %swap3A_315 = arith.constant 32 : index
          %swap3A_316 = tpu.vector_load %arg7[%swap3A_315] {strides = array<i32>} : memref<64xi32, #tpu.memory_space<vmem>>, vector<16xi32>,
          tpu.vector_store %arg7[%swap3A_315], %select_n3A_314 {strides = array<i32>} : memref<64xi32, #tpu.memory_space<vmem>>, vector<16xi32>,
          %and3A_317 = arith.constant 4095 : i32
          %and3A_318 = vector.broadcast %and3A_317 : i32 to vector<16xi32>
          %and3A_319 = arith.andi %get3A_289, %and3A_318 : vector<16xi32>
          %add3A_320 = vector.broadcast %add3A_48 : i32 to vector<16xi32>
          %add3A_321 = arith.addi %add3A_320, %and3A_319 : vector<16xi32>
          %jit3A_322 = arith.constant 0 : i32
          %broadcast_in_dim3A_323 = vector.broadcast %jit3A_322 : i32 to vector<16xi32>
          %select_n3A_324 = arith.select %lt3A_285, %add3A_321, %broadcast_in_dim3A_323 : vector<16xi1>, vector<16xi32>
          %swap3A_325 = arith.constant 32 : index
          %swap3A_326 = tpu.vector_load %arg8[%swap3A_325] {strides = array<i32>} : memref<64xi32, #tpu.memory_space<vmem>>, vector<16xi32>,
          tpu.vector_store %arg8[%swap3A_325], %select_n3A_324 {strides = array<i32>} : memref<64xi32, #tpu.memory_space<vmem>>, vector<16xi32>,
          %jit3A_327 = arith.constant 0.000000e+00 : f32
          %broadcast_in_dim3A_328 = vector.broadcast %jit3A_327 : f32 to vector<16xf32>
          %select_n3A_329 = arith.select %lt3A_285, %div3A_309, %broadcast_in_dim3A_328 : vector<16xi1>, vector<16xf32>
          %swap3A_330 = arith.constant 32 : index
          %swap3A_331 = tpu.vector_load %arg9[%swap3A_330] {strides = array<i32>} : memref<64xf32, #tpu.memory_space<vmem>>, vector<16xf32>,
          tpu.vector_store %arg9[%swap3A_330], %select_n3A_329 {strides = array<i32>} : memref<64xf32, #tpu.memory_space<vmem>>, vector<16xf32>,
          %add3A_332 = arith.constant 48 : i32
          %add3A_333 = arith.addi %mul3A_180, %add3A_332 : i32
          %add3A_334 = vector.broadcast %add3A_333 : i32 to vector<16xi32>
          %add3A_335 = arith.addi %add3A_334, %iota3A : vector<16xi32>
          %lt3A_336 = vector.broadcast %scan3A_129 : i32 to vector<16xi32>
          %lt3A_337 = arith.cmpi slt, %add3A_335, %lt3A_336 : vector<16xi32>
          %add3A_338 = arith.constant 48 : i32
          %add3A_339 = arith.addi %mul3A_180, %add3A_338 : i32
          %get3A_340 = arith.index_cast %add3A_339 : i32 to index
          %get3A_341 = tpu.vector_load %arg6[%get3A_340] {strides = array<i32>} : memref<4736xi32, #tpu.memory_space<vmem>>, vector<16xi32>,
          %shift_right_arithmetic3A_342 = arith.constant 12 : i32
          %shift_right_arithmetic3A_343 = vector.broadcast %shift_right_arithmetic3A_342 : i32 to vector<16xi32>
          %shift_right_arithmetic3A_344 = arith.shrsi %get3A_341, %shift_right_arithmetic3A_343 : vector<16xi32>
          %and3A_345 = arith.constant 4095 : i32
          %and3A_346 = vector.broadcast %and3A_345 : i32 to vector<16xi32>
          %and3A_347 = arith.andi %get3A_341, %and3A_346 : vector<16xi32>
          %gather3A_348 = tpu.vector_load_idx %arg5[%shift_right_arithmetic3A_344, %and3A_347] masked %lt3A_337 : memref<9x4096xi32, #tpu.memory_space<vmem>>[vector<16xi32>, vector<16xi32>], vector<16xi32>, vector<16xi1>
          %and3A_349 = arith.constant 524287 : i32
          %and3A_350 = vector.broadcast %and3A_349 : i32 to vector<16xi32>
          %and3A_351 = arith.andi %gather3A_348, %and3A_350 : vector<16xi32>
          %shift_right_arithmetic3A_352 = arith.constant 19 : i32
          %shift_right_arithmetic3A_353 = vector.broadcast %shift_right_arithmetic3A_352 : i32 to vector<16xi32>
          %shift_right_arithmetic3A_354 = arith.shrsi %gather3A_348, %shift_right_arithmetic3A_353 : vector<16xi32>
          %and3A_355 = arith.constant 8191 : i32
          %and3A_356 = vector.broadcast %and3A_355 : i32 to vector<16xi32>
          %and3A_357 = arith.andi %shift_right_arithmetic3A_354, %and3A_356 : vector<16xi32>
          %convert_element_type3A_358 = arith.sitofp %and3A_357 : vector<16xi32> to vector<16xf32>
          %div3A_359 = arith.constant 8.192000e+03 : f32
          %div3A_360 = vector.broadcast %div3A_359 : f32 to vector<16xf32>
          %div3A_361 = arith.divf %convert_element_type3A_358, %div3A_360 : vector<16xf32>
          %sub3A_362 = vector.broadcast %mul3A_43 : i32 to vector<16xi32>
          %sub3A_363 = arith.subi %and3A_351, %sub3A_362 : vector<16xi32>
          %jit3A_364 = arith.constant 19456 : i32
          %broadcast_in_dim3A_365 = vector.broadcast %jit3A_364 : i32 to vector<16xi32>
          %select_n3A_366 = arith.select %lt3A_337, %sub3A_363, %broadcast_in_dim3A_365 : vector<16xi1>, vector<16xi32>
          %swap3A_367 = arith.constant 48 : index
          %swap3A_368 = tpu.vector_load %arg7[%swap3A_367] {strides = array<i32>} : memref<64xi32, #tpu.memory_space<vmem>>, vector<16xi32>,
          tpu.vector_store %arg7[%swap3A_367], %select_n3A_366 {strides = array<i32>} : memref<64xi32, #tpu.memory_space<vmem>>, vector<16xi32>,
          %and3A_369 = arith.constant 4095 : i32
          %and3A_370 = vector.broadcast %and3A_369 : i32 to vector<16xi32>
          %and3A_371 = arith.andi %get3A_341, %and3A_370 : vector<16xi32>
          %add3A_372 = vector.broadcast %add3A_48 : i32 to vector<16xi32>
          %add3A_373 = arith.addi %add3A_372, %and3A_371 : vector<16xi32>
          %jit3A_374 = arith.constant 0 : i32
          %broadcast_in_dim3A_375 = vector.broadcast %jit3A_374 : i32 to vector<16xi32>
          %select_n3A_376 = arith.select %lt3A_337, %add3A_373, %broadcast_in_dim3A_375 : vector<16xi1>, vector<16xi32>
          %swap3A_377 = arith.constant 48 : index
          %swap3A_378 = tpu.vector_load %arg8[%swap3A_377] {strides = array<i32>} : memref<64xi32, #tpu.memory_space<vmem>>, vector<16xi32>,
          tpu.vector_store %arg8[%swap3A_377], %select_n3A_376 {strides = array<i32>} : memref<64xi32, #tpu.memory_space<vmem>>, vector<16xi32>,
          %jit3A_379 = arith.constant 0.000000e+00 : f32
          %broadcast_in_dim3A_380 = vector.broadcast %jit3A_379 : f32 to vector<16xf32>
          %select_n3A_381 = arith.select %lt3A_337, %div3A_361, %broadcast_in_dim3A_380 : vector<16xi1>, vector<16xf32>
          %swap3A_382 = arith.constant 48 : index
          %swap3A_383 = tpu.vector_load %arg9[%swap3A_382] {strides = array<i32>} : memref<64xf32, #tpu.memory_space<vmem>>, vector<16xf32>,
          tpu.vector_store %arg9[%swap3A_382], %select_n3A_381 {strides = array<i32>} : memref<64xf32, #tpu.memory_space<vmem>>, vector<16xf32>,
          %dma_start3A = arith.constant 0 : i32
          %dma_start3A_384 = arith.constant 0 : i32
          %dma_start3A_385 = tpu.memref_slice %arg3[%dma_start3A, %dma_start3A_384] : memref<131072x64xf32, #tpu.memory_space<hbm>> -> memref<131072x64xf32, #tpu.memory_space<hbm>>
          tpu.enqueue_indirect_dma source(%dma_start3A_385 : memref<131072x64xf32, #tpu.memory_space<hbm>>) target(%arg10 : memref<64x64xf32, #tpu.memory_space<vmem>>) offsets(%arg8 : memref<64xi32, #tpu.memory_space<vmem>>) semaphore(%arg12 : memref<!tpu.dma_semaphore, #tpu.memory_space<semaphore_mem>>)
          %dma_wait3A = arith.constant 0 : i32
          %dma_wait3A_386 = arith.constant 0 : i32
          %dma_wait3A_387 = tpu.memref_slice %arg3[%dma_wait3A, %dma_wait3A_386] : memref<131072x64xf32, #tpu.memory_space<hbm>> -> memref<131072x64xf32, #tpu.memory_space<hbm>>
          tpu.wait_indirect_dma semaphore(%arg12 : memref<!tpu.dma_semaphore, #tpu.memory_space<semaphore_mem>>) src(%dma_wait3A_387 : memref<131072x64xf32, #tpu.memory_space<hbm>>) dst(%arg10 : memref<64x64xf32, #tpu.memory_space<vmem>>)
          %scan3A_388 = arith.constant 0 : i32
          %scan3A_389 = arith.constant 0 : i32
          %scan3A_390 = arith.constant 4 : i32
          %scan3A_391 = arith.addi %scan3A_389, %scan3A_390 : i32
          %scan3A_392 = arith.constant 1 : i32
          %scan3A_393 = scf.for %scan3A_396 = %scan3A_389 to %scan3A_391 step %scan3A_392 iter_args(%scan3A_397 = %scan3A_388) -> (i32)  : i32 {
            %mul3A_398 = arith.constant 16 : i32
            %mul3A_399 = arith.muli %scan3A_396, %mul3A_398 : i32
            %get3A_400 = arith.index_cast %mul3A_399 : i32 to index
            %get3A_401 = tpu.vector_load %arg9[%get3A_400] {strides = array<i32>} : memref<64xf32, #tpu.memory_space<vmem>>, vector<16xf32>,
            %broadcast_in_dim3A_402 = arith.constant 0 : i32
            %broadcast_in_dim3A_403 = vector.broadcast %broadcast_in_dim3A_402 : i32 to vector<16x1xi32>
            %gather3A_404 = vector.shape_cast %broadcast_in_dim3A_403 : vector<16x1xi32> to vector<16xi32>
            %gather3A_405 = tpu.dynamic_gather %get3A_401[%gather3A_404] in [0] : vector<16xf32>, vector<16xi32> -> vector<16xf32>
            %mul3A_406 = arith.constant 16 : i32
            %mul3A_407 = arith.muli %scan3A_396, %mul3A_406 : i32
            %add3A_408 = arith.constant 0 : i32
            %add3A_409 = arith.addi %mul3A_407, %add3A_408 : i32
            %get3A_410 = arith.index_cast %add3A_409 : i32 to index
            %get3A_411 = arith.constant 0 : index
            %get3A_412 = tpu.vector_load %arg10[%get3A_410, %get3A_411] {strides = array<i32>} : memref<64x64xf32, #tpu.memory_space<vmem>>, vector<16xf32>,
            %mul3A_413 = arith.mulf %get3A_412, %gather3A_405 : vector<16xf32>
            %swap3A_414 = arith.index_cast %add3A_409 : i32 to index
            %swap3A_415 = arith.constant 0 : index
            %swap3A_416 = tpu.vector_load %arg10[%swap3A_414, %swap3A_415] {strides = array<i32>} : memref<64x64xf32, #tpu.memory_space<vmem>>, vector<16xf32>,
            tpu.vector_store %arg10[%swap3A_414, %swap3A_415], %mul3A_413 {strides = array<i32>} : memref<64x64xf32, #tpu.memory_space<vmem>>, vector<16xf32>,
            %get3A_417 = arith.index_cast %add3A_409 : i32 to index
            %get3A_418 = arith.constant 16 : index
            %get3A_419 = tpu.vector_load %arg10[%get3A_417, %get3A_418] {strides = array<i32>} : memref<64x64xf32, #tpu.memory_space<vmem>>, vector<16xf32>,
            %mul3A_420 = arith.mulf %get3A_419, %gather3A_405 : vector<16xf32>
            %swap3A_421 = arith.index_cast %add3A_409 : i32 to index
            %swap3A_422 = arith.constant 16 : index
            %swap3A_423 = tpu.vector_load %arg10[%swap3A_421, %swap3A_422] {strides = array<i32>} : memref<64x64xf32, #tpu.memory_space<vmem>>, vector<16xf32>,
            tpu.vector_store %arg10[%swap3A_421, %swap3A_422], %mul3A_420 {strides = array<i32>} : memref<64x64xf32, #tpu.memory_space<vmem>>, vector<16xf32>,
            %get3A_424 = arith.index_cast %add3A_409 : i32 to index
            %get3A_425 = arith.constant 32 : index
            %get3A_426 = tpu.vector_load %arg10[%get3A_424, %get3A_425] {strides = array<i32>} : memref<64x64xf32, #tpu.memory_space<vmem>>, vector<16xf32>,
            %mul3A_427 = arith.mulf %get3A_426, %gather3A_405 : vector<16xf32>
            %swap3A_428 = arith.index_cast %add3A_409 : i32 to index
            %swap3A_429 = arith.constant 32 : index
            %swap3A_430 = tpu.vector_load %arg10[%swap3A_428, %swap3A_429] {strides = array<i32>} : memref<64x64xf32, #tpu.memory_space<vmem>>, vector<16xf32>,
            tpu.vector_store %arg10[%swap3A_428, %swap3A_429], %mul3A_427 {strides = array<i32>} : memref<64x64xf32, #tpu.memory_space<vmem>>, vector<16xf32>,
            %get3A_431 = arith.index_cast %add3A_409 : i32 to index
            %get3A_432 = arith.constant 48 : index
            %get3A_433 = tpu.vector_load %arg10[%get3A_431, %get3A_432] {strides = array<i32>} : memref<64x64xf32, #tpu.memory_space<vmem>>, vector<16xf32>,
            %mul3A_434 = arith.mulf %get3A_433, %gather3A_405 : vector<16xf32>
            %swap3A_435 = arith.index_cast %add3A_409 : i32 to index
            %swap3A_436 = arith.constant 48 : index
            %swap3A_437 = tpu.vector_load %arg10[%swap3A_435, %swap3A_436] {strides = array<i32>} : memref<64x64xf32, #tpu.memory_space<vmem>>, vector<16xf32>,
            tpu.vector_store %arg10[%swap3A_435, %swap3A_436], %mul3A_434 {strides = array<i32>} : memref<64x64xf32, #tpu.memory_space<vmem>>, vector<16xf32>,
            %broadcast_in_dim3A_438 = arith.constant 1 : i32
            %broadcast_in_dim3A_439 = vector.broadcast %broadcast_in_dim3A_438 : i32 to vector<16x1xi32>
            %gather3A_440 = vector.shape_cast %broadcast_in_dim3A_439 : vector<16x1xi32> to vector<16xi32>
            %gather3A_441 = tpu.dynamic_gather %get3A_401[%gather3A_440] in [0] : vector<16xf32>, vector<16xi32> -> vector<16xf32>
            %mul3A_442 = arith.constant 16 : i32
            %mul3A_443 = arith.muli %scan3A_396, %mul3A_442 : i32
            %add3A_444 = arith.constant 1 : i32
            %add3A_445 = arith.addi %mul3A_443, %add3A_444 : i32
            %get3A_446 = arith.index_cast %add3A_445 : i32 to index
            %get3A_447 = arith.constant 0 : index
            %get3A_448 = tpu.vector_load %arg10[%get3A_446, %get3A_447] {strides = array<i32>} : memref<64x64xf32, #tpu.memory_space<vmem>>, vector<16xf32>,
            %mul3A_449 = arith.mulf %get3A_448, %gather3A_441 : vector<16xf32>
            %swap3A_450 = arith.index_cast %add3A_445 : i32 to index
            %swap3A_451 = arith.constant 0 : index
            %swap3A_452 = tpu.vector_load %arg10[%swap3A_450, %swap3A_451] {strides = array<i32>} : memref<64x64xf32, #tpu.memory_space<vmem>>, vector<16xf32>,
            tpu.vector_store %arg10[%swap3A_450, %swap3A_451], %mul3A_449 {strides = array<i32>} : memref<64x64xf32, #tpu.memory_space<vmem>>, vector<16xf32>,
            %get3A_453 = arith.index_cast %add3A_445 : i32 to index
            %get3A_454 = arith.constant 16 : index
            %get3A_455 = tpu.vector_load %arg10[%get3A_453, %get3A_454] {strides = array<i32>} : memref<64x64xf32, #tpu.memory_space<vmem>>, vector<16xf32>,
            %mul3A_456 = arith.mulf %get3A_455, %gather3A_441 : vector<16xf32>
            %swap3A_457 = arith.index_cast %add3A_445 : i32 to index
            %swap3A_458 = arith.constant 16 : index
            %swap3A_459 = tpu.vector_load %arg10[%swap3A_457, %swap3A_458] {strides = array<i32>} : memref<64x64xf32, #tpu.memory_space<vmem>>, vector<16xf32>,
            tpu.vector_store %arg10[%swap3A_457, %swap3A_458], %mul3A_456 {strides = array<i32>} : memref<64x64xf32, #tpu.memory_space<vmem>>, vector<16xf32>,
            %get3A_460 = arith.index_cast %add3A_445 : i32 to index
            %get3A_461 = arith.constant 32 : index
            %get3A_462 = tpu.vector_load %arg10[%get3A_460, %get3A_461] {strides = array<i32>} : memref<64x64xf32, #tpu.memory_space<vmem>>, vector<16xf32>,
            %mul3A_463 = arith.mulf %get3A_462, %gather3A_441 : vector<16xf32>
            %swap3A_464 = arith.index_cast %add3A_445 : i32 to index
            %swap3A_465 = arith.constant 32 : index
            %swap3A_466 = tpu.vector_load %arg10[%swap3A_464, %swap3A_465] {strides = array<i32>} : memref<64x64xf32, #tpu.memory_space<vmem>>, vector<16xf32>,
            tpu.vector_store %arg10[%swap3A_464, %swap3A_465], %mul3A_463 {strides = array<i32>} : memref<64x64xf32, #tpu.memory_space<vmem>>, vector<16xf32>,
            %get3A_467 = arith.index_cast %add3A_445 : i32 to index
            %get3A_468 = arith.constant 48 : index
            %get3A_469 = tpu.vector_load %arg10[%get3A_467, %get3A_468] {strides = array<i32>} : memref<64x64xf32, #tpu.memory_space<vmem>>, vector<16xf32>,
            %mul3A_470 = arith.mulf %get3A_469, %gather3A_441 : vector<16xf32>
            %swap3A_471 = arith.index_cast %add3A_445 : i32 to index
            %swap3A_472 = arith.constant 48 : index
            %swap3A_473 = tpu.vector_load %arg10[%swap3A_471, %swap3A_472] {strides = array<i32>} : memref<64x64xf32, #tpu.memory_space<vmem>>, vector<16xf32>,
            tpu.vector_store %arg10[%swap3A_471, %swap3A_472], %mul3A_470 {strides = array<i32>} : memref<64x64xf32, #tpu.memory_space<vmem>>, vector<16xf32>,
            %broadcast_in_dim3A_474 = arith.constant 2 : i32
            %broadcast_in_dim3A_475 = vector.broadcast %broadcast_in_dim3A_474 : i32 to vector<16x1xi32>
            %gather3A_476 = vector.shape_cast %broadcast_in_dim3A_475 : vector<16x1xi32> to vector<16xi32>
            %gather3A_477 = tpu.dynamic_gather %get3A_401[%gather3A_476] in [0] : vector<16xf32>, vector<16xi32> -> vector<16xf32>
            %mul3A_478 = arith.constant 16 : i32
            %mul3A_479 = arith.muli %scan3A_396, %mul3A_478 : i32
            %add3A_480 = arith.constant 2 : i32
            %add3A_481 = arith.addi %mul3A_479, %add3A_480 : i32
            %get3A_482 = arith.index_cast %add3A_481 : i32 to index
            %get3A_483 = arith.constant 0 : index
            %get3A_484 = tpu.vector_load %arg10[%get3A_482, %get3A_483] {strides = array<i32>} : memref<64x64xf32, #tpu.memory_space<vmem>>, vector<16xf32>,
            %mul3A_485 = arith.mulf %get3A_484, %gather3A_477 : vector<16xf32>
            %swap3A_486 = arith.index_cast %add3A_481 : i32 to index
            %swap3A_487 = arith.constant 0 : index
            %swap3A_488 = tpu.vector_load %arg10[%swap3A_486, %swap3A_487] {strides = array<i32>} : memref<64x64xf32, #tpu.memory_space<vmem>>, vector<16xf32>,
            tpu.vector_store %arg10[%swap3A_486, %swap3A_487], %mul3A_485 {strides = array<i32>} : memref<64x64xf32, #tpu.memory_space<vmem>>, vector<16xf32>,
            %get3A_489 = arith.index_cast %add3A_481 : i32 to index
            %get3A_490 = arith.constant 16 : index
            %get3A_491 = tpu.vector_load %arg10[%get3A_489, %get3A_490] {strides = array<i32>} : memref<64x64xf32, #tpu.memory_space<vmem>>, vector<16xf32>,
            %mul3A_492 = arith.mulf %get3A_491, %gather3A_477 : vector<16xf32>
            %swap3A_493 = arith.index_cast %add3A_481 : i32 to index
            %swap3A_494 = arith.constant 16 : index
            %swap3A_495 = tpu.vector_load %arg10[%swap3A_493, %swap3A_494] {strides = array<i32>} : memref<64x64xf32, #tpu.memory_space<vmem>>, vector<16xf32>,
            tpu.vector_store %arg10[%swap3A_493, %swap3A_494], %mul3A_492 {strides = array<i32>} : memref<64x64xf32, #tpu.memory_space<vmem>>, vector<16xf32>,
            %get3A_496 = arith.index_cast %add3A_481 : i32 to index
            %get3A_497 = arith.constant 32 : index
            %get3A_498 = tpu.vector_load %arg10[%get3A_496, %get3A_497] {strides = array<i32>} : memref<64x64xf32, #tpu.memory_space<vmem>>, vector<16xf32>,
            %mul3A_499 = arith.mulf %get3A_498, %gather3A_477 : vector<16xf32>
            %swap3A_500 = arith.index_cast %add3A_481 : i32 to index
            %swap3A_501 = arith.constant 32 : index
            %swap3A_502 = tpu.vector_load %arg10[%swap3A_500, %swap3A_501] {strides = array<i32>} : memref<64x64xf32, #tpu.memory_space<vmem>>, vector<16xf32>,
            tpu.vector_store %arg10[%swap3A_500, %swap3A_501], %mul3A_499 {strides = array<i32>} : memref<64x64xf32, #tpu.memory_space<vmem>>, vector<16xf32>,
            %get3A_503 = arith.index_cast %add3A_481 : i32 to index
            %get3A_504 = arith.constant 48 : index
            %get3A_505 = tpu.vector_load %arg10[%get3A_503, %get3A_504] {strides = array<i32>} : memref<64x64xf32, #tpu.memory_space<vmem>>, vector<16xf32>,
            %mul3A_506 = arith.mulf %get3A_505, %gather3A_477 : vector<16xf32>
            %swap3A_507 = arith.index_cast %add3A_481 : i32 to index
            %swap3A_508 = arith.constant 48 : index
            %swap3A_509 = tpu.vector_load %arg10[%swap3A_507, %swap3A_508] {strides = array<i32>} : memref<64x64xf32, #tpu.memory_space<vmem>>, vector<16xf32>,
            tpu.vector_store %arg10[%swap3A_507, %swap3A_508], %mul3A_506 {strides = array<i32>} : memref<64x64xf32, #tpu.memory_space<vmem>>, vector<16xf32>,
            %broadcast_in_dim3A_510 = arith.constant 3 : i32
            %broadcast_in_dim3A_511 = vector.broadcast %broadcast_in_dim3A_510 : i32 to vector<16x1xi32>
            %gather3A_512 = vector.shape_cast %broadcast_in_dim3A_511 : vector<16x1xi32> to vector<16xi32>
            %gather3A_513 = tpu.dynamic_gather %get3A_401[%gather3A_512] in [0] : vector<16xf32>, vector<16xi32> -> vector<16xf32>
            %mul3A_514 = arith.constant 16 : i32
            %mul3A_515 = arith.muli %scan3A_396, %mul3A_514 : i32
            %add3A_516 = arith.constant 3 : i32
            %add3A_517 = arith.addi %mul3A_515, %add3A_516 : i32
            %get3A_518 = arith.index_cast %add3A_517 : i32 to index
            %get3A_519 = arith.constant 0 : index
            %get3A_520 = tpu.vector_load %arg10[%get3A_518, %get3A_519] {strides = array<i32>} : memref<64x64xf32, #tpu.memory_space<vmem>>, vector<16xf32>,
            %mul3A_521 = arith.mulf %get3A_520, %gather3A_513 : vector<16xf32>
            %swap3A_522 = arith.index_cast %add3A_517 : i32 to index
            %swap3A_523 = arith.constant 0 : index
            %swap3A_524 = tpu.vector_load %arg10[%swap3A_522, %swap3A_523] {strides = array<i32>} : memref<64x64xf32, #tpu.memory_space<vmem>>, vector<16xf32>,
            tpu.vector_store %arg10[%swap3A_522, %swap3A_523], %mul3A_521 {strides = array<i32>} : memref<64x64xf32, #tpu.memory_space<vmem>>, vector<16xf32>,
            %get3A_525 = arith.index_cast %add3A_517 : i32 to index
            %get3A_526 = arith.constant 16 : index
            %get3A_527 = tpu.vector_load %arg10[%get3A_525, %get3A_526] {strides = array<i32>} : memref<64x64xf32, #tpu.memory_space<vmem>>, vector<16xf32>,
            %mul3A_528 = arith.mulf %get3A_527, %gather3A_513 : vector<16xf32>
            %swap3A_529 = arith.index_cast %add3A_517 : i32 to index
            %swap3A_530 = arith.constant 16 : index
            %swap3A_531 = tpu.vector_load %arg10[%swap3A_529, %swap3A_530] {strides = array<i32>} : memref<64x64xf32, #tpu.memory_space<vmem>>, vector<16xf32>,
            tpu.vector_store %arg10[%swap3A_529, %swap3A_530], %mul3A_528 {strides = array<i32>} : memref<64x64xf32, #tpu.memory_space<vmem>>, vector<16xf32>,
            %get3A_532 = arith.index_cast %add3A_517 : i32 to index
            %get3A_533 = arith.constant 32 : index
            %get3A_534 = tpu.vector_load %arg10[%get3A_532, %get3A_533] {strides = array<i32>} : memref<64x64xf32, #tpu.memory_space<vmem>>, vector<16xf32>,
            %mul3A_535 = arith.mulf %get3A_534, %gather3A_513 : vector<16xf32>
            %swap3A_536 = arith.index_cast %add3A_517 : i32 to index
            %swap3A_537 = arith.constant 32 : index
            %swap3A_538 = tpu.vector_load %arg10[%swap3A_536, %swap3A_537] {strides = array<i32>} : memref<64x64xf32, #tpu.memory_space<vmem>>, vector<16xf32>,
            tpu.vector_store %arg10[%swap3A_536, %swap3A_537], %mul3A_535 {strides = array<i32>} : memref<64x64xf32, #tpu.memory_space<vmem>>, vector<16xf32>,
            %get3A_539 = arith.index_cast %add3A_517 : i32 to index
            %get3A_540 = arith.constant 48 : index
            %get3A_541 = tpu.vector_load %arg10[%get3A_539, %get3A_540] {strides = array<i32>} : memref<64x64xf32, #tpu.memory_space<vmem>>, vector<16xf32>,
            %mul3A_542 = arith.mulf %get3A_541, %gather3A_513 : vector<16xf32>
            %swap3A_543 = arith.index_cast %add3A_517 : i32 to index
            %swap3A_544 = arith.constant 48 : index
            %swap3A_545 = tpu.vector_load %arg10[%swap3A_543, %swap3A_544] {strides = array<i32>} : memref<64x64xf32, #tpu.memory_space<vmem>>, vector<16xf32>,
            tpu.vector_store %arg10[%swap3A_543, %swap3A_544], %mul3A_542 {strides = array<i32>} : memref<64x64xf32, #tpu.memory_space<vmem>>, vector<16xf32>,
            %broadcast_in_dim3A_546 = arith.constant 4 : i32
            %broadcast_in_dim3A_547 = vector.broadcast %broadcast_in_dim3A_546 : i32 to vector<16x1xi32>
            %gather3A_548 = vector.shape_cast %broadcast_in_dim3A_547 : vector<16x1xi32> to vector<16xi32>
            %gather3A_549 = tpu.dynamic_gather %get3A_401[%gather3A_548] in [0] : vector<16xf32>, vector<16xi32> -> vector<16xf32>
            %mul3A_550 = arith.constant 16 : i32
            %mul3A_551 = arith.muli %scan3A_396, %mul3A_550 : i32
            %add3A_552 = arith.constant 4 : i32
            %add3A_553 = arith.addi %mul3A_551, %add3A_552 : i32
            %get3A_554 = arith.index_cast %add3A_553 : i32 to index
            %get3A_555 = arith.constant 0 : index
            %get3A_556 = tpu.vector_load %arg10[%get3A_554, %get3A_555] {strides = array<i32>} : memref<64x64xf32, #tpu.memory_space<vmem>>, vector<16xf32>,
            %mul3A_557 = arith.mulf %get3A_556, %gather3A_549 : vector<16xf32>
            %swap3A_558 = arith.index_cast %add3A_553 : i32 to index
            %swap3A_559 = arith.constant 0 : index
            %swap3A_560 = tpu.vector_load %arg10[%swap3A_558, %swap3A_559] {strides = array<i32>} : memref<64x64xf32, #tpu.memory_space<vmem>>, vector<16xf32>,
            tpu.vector_store %arg10[%swap3A_558, %swap3A_559], %mul3A_557 {strides = array<i32>} : memref<64x64xf32, #tpu.memory_space<vmem>>, vector<16xf32>,
            %get3A_561 = arith.index_cast %add3A_553 : i32 to index
            %get3A_562 = arith.constant 16 : index
            %get3A_563 = tpu.vector_load %arg10[%get3A_561, %get3A_562] {strides = array<i32>} : memref<64x64xf32, #tpu.memory_space<vmem>>, vector<16xf32>,
            %mul3A_564 = arith.mulf %get3A_563, %gather3A_549 : vector<16xf32>
            %swap3A_565 = arith.index_cast %add3A_553 : i32 to index
            %swap3A_566 = arith.constant 16 : index
            %swap3A_567 = tpu.vector_load %arg10[%swap3A_565, %swap3A_566] {strides = array<i32>} : memref<64x64xf32, #tpu.memory_space<vmem>>, vector<16xf32>,
            tpu.vector_store %arg10[%swap3A_565, %swap3A_566], %mul3A_564 {strides = array<i32>} : memref<64x64xf32, #tpu.memory_space<vmem>>, vector<16xf32>,
            %get3A_568 = arith.index_cast %add3A_553 : i32 to index
            %get3A_569 = arith.constant 32 : index
            %get3A_570 = tpu.vector_load %arg10[%get3A_568, %get3A_569] {strides = array<i32>} : memref<64x64xf32, #tpu.memory_space<vmem>>, vector<16xf32>,
            %mul3A_571 = arith.mulf %get3A_570, %gather3A_549 : vector<16xf32>
            %swap3A_572 = arith.index_cast %add3A_553 : i32 to index
            %swap3A_573 = arith.constant 32 : index
            %swap3A_574 = tpu.vector_load %arg10[%swap3A_572, %swap3A_573] {strides = array<i32>} : memref<64x64xf32, #tpu.memory_space<vmem>>, vector<16xf32>,
            tpu.vector_store %arg10[%swap3A_572, %swap3A_573], %mul3A_571 {strides = array<i32>} : memref<64x64xf32, #tpu.memory_space<vmem>>, vector<16xf32>,
            %get3A_575 = arith.index_cast %add3A_553 : i32 to index
            %get3A_576 = arith.constant 48 : index
            %get3A_577 = tpu.vector_load %arg10[%get3A_575, %get3A_576] {strides = array<i32>} : memref<64x64xf32, #tpu.memory_space<vmem>>, vector<16xf32>,
            %mul3A_578 = arith.mulf %get3A_577, %gather3A_549 : vector<16xf32>
            %swap3A_579 = arith.index_cast %add3A_553 : i32 to index
            %swap3A_580 = arith.constant 48 : index
            %swap3A_581 = tpu.vector_load %arg10[%swap3A_579, %swap3A_580] {strides = array<i32>} : memref<64x64xf32, #tpu.memory_space<vmem>>, vector<16xf32>,
            tpu.vector_store %arg10[%swap3A_579, %swap3A_580], %mul3A_578 {strides = array<i32>} : memref<64x64xf32, #tpu.memory_space<vmem>>, vector<16xf32>,
            %broadcast_in_dim3A_582 = arith.constant 5 : i32
            %broadcast_in_dim3A_583 = vector.broadcast %broadcast_in_dim3A_582 : i32 to vector<16x1xi32>
            %gather3A_584 = vector.shape_cast %broadcast_in_dim3A_583 : vector<16x1xi32> to vector<16xi32>
            %gather3A_585 = tpu.dynamic_gather %get3A_401[%gather3A_584] in [0] : vector<16xf32>, vector<16xi32> -> vector<16xf32>
            %mul3A_586 = arith.constant 16 : i32
            %mul3A_587 = arith.muli %scan3A_396, %mul3A_586 : i32
            %add3A_588 = arith.constant 5 : i32
            %add3A_589 = arith.addi %mul3A_587, %add3A_588 : i32
            %get3A_590 = arith.index_cast %add3A_589 : i32 to index
            %get3A_591 = arith.constant 0 : index
            %get3A_592 = tpu.vector_load %arg10[%get3A_590, %get3A_591] {strides = array<i32>} : memref<64x64xf32, #tpu.memory_space<vmem>>, vector<16xf32>,
            %mul3A_593 = arith.mulf %get3A_592, %gather3A_585 : vector<16xf32>
            %swap3A_594 = arith.index_cast %add3A_589 : i32 to index
            %swap3A_595 = arith.constant 0 : index
            %swap3A_596 = tpu.vector_load %arg10[%swap3A_594, %swap3A_595] {strides = array<i32>} : memref<64x64xf32, #tpu.memory_space<vmem>>, vector<16xf32>,
            tpu.vector_store %arg10[%swap3A_594, %swap3A_595], %mul3A_593 {strides = array<i32>} : memref<64x64xf32, #tpu.memory_space<vmem>>, vector<16xf32>,
            %get3A_597 = arith.index_cast %add3A_589 : i32 to index
            %get3A_598 = arith.constant 16 : index
            %get3A_599 = tpu.vector_load %arg10[%get3A_597, %get3A_598] {strides = array<i32>} : memref<64x64xf32, #tpu.memory_space<vmem>>, vector<16xf32>,
            %mul3A_600 = arith.mulf %get3A_599, %gather3A_585 : vector<16xf32>
            %swap3A_601 = arith.index_cast %add3A_589 : i32 to index
            %swap3A_602 = arith.constant 16 : index
            %swap3A_603 = tpu.vector_load %arg10[%swap3A_601, %swap3A_602] {strides = array<i32>} : memref<64x64xf32, #tpu.memory_space<vmem>>, vector<16xf32>,
            tpu.vector_store %arg10[%swap3A_601, %swap3A_602], %mul3A_600 {strides = array<i32>} : memref<64x64xf32, #tpu.memory_space<vmem>>, vector<16xf32>,
            %get3A_604 = arith.index_cast %add3A_589 : i32 to index
            %get3A_605 = arith.constant 32 : index
            %get3A_606 = tpu.vector_load %arg10[%get3A_604, %get3A_605] {strides = array<i32>} : memref<64x64xf32, #tpu.memory_space<vmem>>, vector<16xf32>,
            %mul3A_607 = arith.mulf %get3A_606, %gather3A_585 : vector<16xf32>
            %swap3A_608 = arith.index_cast %add3A_589 : i32 to index
            %swap3A_609 = arith.constant 32 : index
            %swap3A_610 = tpu.vector_load %arg10[%swap3A_608, %swap3A_609] {strides = array<i32>} : memref<64x64xf32, #tpu.memory_space<vmem>>, vector<16xf32>,
            tpu.vector_store %arg10[%swap3A_608, %swap3A_609], %mul3A_607 {strides = array<i32>} : memref<64x64xf32, #tpu.memory_space<vmem>>, vector<16xf32>,
            %get3A_611 = arith.index_cast %add3A_589 : i32 to index
            %get3A_612 = arith.constant 48 : index
            %get3A_613 = tpu.vector_load %arg10[%get3A_611, %get3A_612] {strides = array<i32>} : memref<64x64xf32, #tpu.memory_space<vmem>>, vector<16xf32>,
            %mul3A_614 = arith.mulf %get3A_613, %gather3A_585 : vector<16xf32>
            %swap3A_615 = arith.index_cast %add3A_589 : i32 to index
            %swap3A_616 = arith.constant 48 : index
            %swap3A_617 = tpu.vector_load %arg10[%swap3A_615, %swap3A_616] {strides = array<i32>} : memref<64x64xf32, #tpu.memory_space<vmem>>, vector<16xf32>,
            tpu.vector_store %arg10[%swap3A_615, %swap3A_616], %mul3A_614 {strides = array<i32>} : memref<64x64xf32, #tpu.memory_space<vmem>>, vector<16xf32>,
            %broadcast_in_dim3A_618 = arith.constant 6 : i32
            %broadcast_in_dim3A_619 = vector.broadcast %broadcast_in_dim3A_618 : i32 to vector<16x1xi32>
            %gather3A_620 = vector.shape_cast %broadcast_in_dim3A_619 : vector<16x1xi32> to vector<16xi32>
            %gather3A_621 = tpu.dynamic_gather %get3A_401[%gather3A_620] in [0] : vector<16xf32>, vector<16xi32> -> vector<16xf32>
            %mul3A_622 = arith.constant 16 : i32
            %mul3A_623 = arith.muli %scan3A_396, %mul3A_622 : i32
            %add3A_624 = arith.constant 6 : i32
            %add3A_625 = arith.addi %mul3A_623, %add3A_624 : i32
            %get3A_626 = arith.index_cast %add3A_625 : i32 to index
            %get3A_627 = arith.constant 0 : index
            %get3A_628 = tpu.vector_load %arg10[%get3A_626, %get3A_627] {strides = array<i32>} : memref<64x64xf32, #tpu.memory_space<vmem>>, vector<16xf32>,
            %mul3A_629 = arith.mulf %get3A_628, %gather3A_621 : vector<16xf32>
            %swap3A_630 = arith.index_cast %add3A_625 : i32 to index
            %swap3A_631 = arith.constant 0 : index
            %swap3A_632 = tpu.vector_load %arg10[%swap3A_630, %swap3A_631] {strides = array<i32>} : memref<64x64xf32, #tpu.memory_space<vmem>>, vector<16xf32>,
            tpu.vector_store %arg10[%swap3A_630, %swap3A_631], %mul3A_629 {strides = array<i32>} : memref<64x64xf32, #tpu.memory_space<vmem>>, vector<16xf32>,
            %get3A_633 = arith.index_cast %add3A_625 : i32 to index
            %get3A_634 = arith.constant 16 : index
            %get3A_635 = tpu.vector_load %arg10[%get3A_633, %get3A_634] {strides = array<i32>} : memref<64x64xf32, #tpu.memory_space<vmem>>, vector<16xf32>,
            %mul3A_636 = arith.mulf %get3A_635, %gather3A_621 : vector<16xf32>
            %swap3A_637 = arith.index_cast %add3A_625 : i32 to index
            %swap3A_638 = arith.constant 16 : index
            %swap3A_639 = tpu.vector_load %arg10[%swap3A_637, %swap3A_638] {strides = array<i32>} : memref<64x64xf32, #tpu.memory_space<vmem>>, vector<16xf32>,
            tpu.vector_store %arg10[%swap3A_637, %swap3A_638], %mul3A_636 {strides = array<i32>} : memref<64x64xf32, #tpu.memory_space<vmem>>, vector<16xf32>,
            %get3A_640 = arith.index_cast %add3A_625 : i32 to index
            %get3A_641 = arith.constant 32 : index
            %get3A_642 = tpu.vector_load %arg10[%get3A_640, %get3A_641] {strides = array<i32>} : memref<64x64xf32, #tpu.memory_space<vmem>>, vector<16xf32>,
            %mul3A_643 = arith.mulf %get3A_642, %gather3A_621 : vector<16xf32>
            %swap3A_644 = arith.index_cast %add3A_625 : i32 to index
            %swap3A_645 = arith.constant 32 : index
            %swap3A_646 = tpu.vector_load %arg10[%swap3A_644, %swap3A_645] {strides = array<i32>} : memref<64x64xf32, #tpu.memory_space<vmem>>, vector<16xf32>,
            tpu.vector_store %arg10[%swap3A_644, %swap3A_645], %mul3A_643 {strides = array<i32>} : memref<64x64xf32, #tpu.memory_space<vmem>>, vector<16xf32>,
            %get3A_647 = arith.index_cast %add3A_625 : i32 to index
            %get3A_648 = arith.constant 48 : index
            %get3A_649 = tpu.vector_load %arg10[%get3A_647, %get3A_648] {strides = array<i32>} : memref<64x64xf32, #tpu.memory_space<vmem>>, vector<16xf32>,
            %mul3A_650 = arith.mulf %get3A_649, %gather3A_621 : vector<16xf32>
            %swap3A_651 = arith.index_cast %add3A_625 : i32 to index
            %swap3A_652 = arith.constant 48 : index
            %swap3A_653 = tpu.vector_load %arg10[%swap3A_651, %swap3A_652] {strides = array<i32>} : memref<64x64xf32, #tpu.memory_space<vmem>>, vector<16xf32>,
            tpu.vector_store %arg10[%swap3A_651, %swap3A_652], %mul3A_650 {strides = array<i32>} : memref<64x64xf32, #tpu.memory_space<vmem>>, vector<16xf32>,
            %broadcast_in_dim3A_654 = arith.constant 7 : i32
            %broadcast_in_dim3A_655 = vector.broadcast %broadcast_in_dim3A_654 : i32 to vector<16x1xi32>
            %gather3A_656 = vector.shape_cast %broadcast_in_dim3A_655 : vector<16x1xi32> to vector<16xi32>
            %gather3A_657 = tpu.dynamic_gather %get3A_401[%gather3A_656] in [0] : vector<16xf32>, vector<16xi32> -> vector<16xf32>
            %mul3A_658 = arith.constant 16 : i32
            %mul3A_659 = arith.muli %scan3A_396, %mul3A_658 : i32
            %add3A_660 = arith.constant 7 : i32
            %add3A_661 = arith.addi %mul3A_659, %add3A_660 : i32
            %get3A_662 = arith.index_cast %add3A_661 : i32 to index
            %get3A_663 = arith.constant 0 : index
            %get3A_664 = tpu.vector_load %arg10[%get3A_662, %get3A_663] {strides = array<i32>} : memref<64x64xf32, #tpu.memory_space<vmem>>, vector<16xf32>,
            %mul3A_665 = arith.mulf %get3A_664, %gather3A_657 : vector<16xf32>
            %swap3A_666 = arith.index_cast %add3A_661 : i32 to index
            %swap3A_667 = arith.constant 0 : index
            %swap3A_668 = tpu.vector_load %arg10[%swap3A_666, %swap3A_667] {strides = array<i32>} : memref<64x64xf32, #tpu.memory_space<vmem>>, vector<16xf32>,
            tpu.vector_store %arg10[%swap3A_666, %swap3A_667], %mul3A_665 {strides = array<i32>} : memref<64x64xf32, #tpu.memory_space<vmem>>, vector<16xf32>,
            %get3A_669 = arith.index_cast %add3A_661 : i32 to index
            %get3A_670 = arith.constant 16 : index
            %get3A_671 = tpu.vector_load %arg10[%get3A_669, %get3A_670] {strides = array<i32>} : memref<64x64xf32, #tpu.memory_space<vmem>>, vector<16xf32>,
            %mul3A_672 = arith.mulf %get3A_671, %gather3A_657 : vector<16xf32>
            %swap3A_673 = arith.index_cast %add3A_661 : i32 to index
            %swap3A_674 = arith.constant 16 : index
            %swap3A_675 = tpu.vector_load %arg10[%swap3A_673, %swap3A_674] {strides = array<i32>} : memref<64x64xf32, #tpu.memory_space<vmem>>, vector<16xf32>,
            tpu.vector_store %arg10[%swap3A_673, %swap3A_674], %mul3A_672 {strides = array<i32>} : memref<64x64xf32, #tpu.memory_space<vmem>>, vector<16xf32>,
            %get3A_676 = arith.index_cast %add3A_661 : i32 to index
            %get3A_677 = arith.constant 32 : index
            %get3A_678 = tpu.vector_load %arg10[%get3A_676, %get3A_677] {strides = array<i32>} : memref<64x64xf32, #tpu.memory_space<vmem>>, vector<16xf32>,
            %mul3A_679 = arith.mulf %get3A_678, %gather3A_657 : vector<16xf32>
            %swap3A_680 = arith.index_cast %add3A_661 : i32 to index
            %swap3A_681 = arith.constant 32 : index
            %swap3A_682 = tpu.vector_load %arg10[%swap3A_680, %swap3A_681] {strides = array<i32>} : memref<64x64xf32, #tpu.memory_space<vmem>>, vector<16xf32>,
            tpu.vector_store %arg10[%swap3A_680, %swap3A_681], %mul3A_679 {strides = array<i32>} : memref<64x64xf32, #tpu.memory_space<vmem>>, vector<16xf32>,
            %get3A_683 = arith.index_cast %add3A_661 : i32 to index
            %get3A_684 = arith.constant 48 : index
            %get3A_685 = tpu.vector_load %arg10[%get3A_683, %get3A_684] {strides = array<i32>} : memref<64x64xf32, #tpu.memory_space<vmem>>, vector<16xf32>,
            %mul3A_686 = arith.mulf %get3A_685, %gather3A_657 : vector<16xf32>
            %swap3A_687 = arith.index_cast %add3A_661 : i32 to index
            %swap3A_688 = arith.constant 48 : index
            %swap3A_689 = tpu.vector_load %arg10[%swap3A_687, %swap3A_688] {strides = array<i32>} : memref<64x64xf32, #tpu.memory_space<vmem>>, vector<16xf32>,
            tpu.vector_store %arg10[%swap3A_687, %swap3A_688], %mul3A_686 {strides = array<i32>} : memref<64x64xf32, #tpu.memory_space<vmem>>, vector<16xf32>,
            %broadcast_in_dim3A_690 = arith.constant 8 : i32
            %broadcast_in_dim3A_691 = vector.broadcast %broadcast_in_dim3A_690 : i32 to vector<16x1xi32>
            %gather3A_692 = vector.shape_cast %broadcast_in_dim3A_691 : vector<16x1xi32> to vector<16xi32>
            %gather3A_693 = tpu.dynamic_gather %get3A_401[%gather3A_692] in [0] : vector<16xf32>, vector<16xi32> -> vector<16xf32>
            %mul3A_694 = arith.constant 16 : i32
            %mul3A_695 = arith.muli %scan3A_396, %mul3A_694 : i32
            %add3A_696 = arith.constant 8 : i32
            %add3A_697 = arith.addi %mul3A_695, %add3A_696 : i32
            %get3A_698 = arith.index_cast %add3A_697 : i32 to index
            %get3A_699 = arith.constant 0 : index
            %get3A_700 = tpu.vector_load %arg10[%get3A_698, %get3A_699] {strides = array<i32>} : memref<64x64xf32, #tpu.memory_space<vmem>>, vector<16xf32>,
            %mul3A_701 = arith.mulf %get3A_700, %gather3A_693 : vector<16xf32>
            %swap3A_702 = arith.index_cast %add3A_697 : i32 to index
            %swap3A_703 = arith.constant 0 : index
            %swap3A_704 = tpu.vector_load %arg10[%swap3A_702, %swap3A_703] {strides = array<i32>} : memref<64x64xf32, #tpu.memory_space<vmem>>, vector<16xf32>,
            tpu.vector_store %arg10[%swap3A_702, %swap3A_703], %mul3A_701 {strides = array<i32>} : memref<64x64xf32, #tpu.memory_space<vmem>>, vector<16xf32>,
            %get3A_705 = arith.index_cast %add3A_697 : i32 to index
            %get3A_706 = arith.constant 16 : index
            %get3A_707 = tpu.vector_load %arg10[%get3A_705, %get3A_706] {strides = array<i32>} : memref<64x64xf32, #tpu.memory_space<vmem>>, vector<16xf32>,
            %mul3A_708 = arith.mulf %get3A_707, %gather3A_693 : vector<16xf32>
            %swap3A_709 = arith.index_cast %add3A_697 : i32 to index
            %swap3A_710 = arith.constant 16 : index
            %swap3A_711 = tpu.vector_load %arg10[%swap3A_709, %swap3A_710] {strides = array<i32>} : memref<64x64xf32, #tpu.memory_space<vmem>>, vector<16xf32>,
            tpu.vector_store %arg10[%swap3A_709, %swap3A_710], %mul3A_708 {strides = array<i32>} : memref<64x64xf32, #tpu.memory_space<vmem>>, vector<16xf32>,
            %get3A_712 = arith.index_cast %add3A_697 : i32 to index
            %get3A_713 = arith.constant 32 : index
            %get3A_714 = tpu.vector_load %arg10[%get3A_712, %get3A_713] {strides = array<i32>} : memref<64x64xf32, #tpu.memory_space<vmem>>, vector<16xf32>,
            %mul3A_715 = arith.mulf %get3A_714, %gather3A_693 : vector<16xf32>
            %swap3A_716 = arith.index_cast %add3A_697 : i32 to index
            %swap3A_717 = arith.constant 32 : index
            %swap3A_718 = tpu.vector_load %arg10[%swap3A_716, %swap3A_717] {strides = array<i32>} : memref<64x64xf32, #tpu.memory_space<vmem>>, vector<16xf32>,
            tpu.vector_store %arg10[%swap3A_716, %swap3A_717], %mul3A_715 {strides = array<i32>} : memref<64x64xf32, #tpu.memory_space<vmem>>, vector<16xf32>,
            %get3A_719 = arith.index_cast %add3A_697 : i32 to index
            %get3A_720 = arith.constant 48 : index
            %get3A_721 = tpu.vector_load %arg10[%get3A_719, %get3A_720] {strides = array<i32>} : memref<64x64xf32, #tpu.memory_space<vmem>>, vector<16xf32>,
            %mul3A_722 = arith.mulf %get3A_721, %gather3A_693 : vector<16xf32>
            %swap3A_723 = arith.index_cast %add3A_697 : i32 to index
            %swap3A_724 = arith.constant 48 : index
            %swap3A_725 = tpu.vector_load %arg10[%swap3A_723, %swap3A_724] {strides = array<i32>} : memref<64x64xf32, #tpu.memory_space<vmem>>, vector<16xf32>,
            tpu.vector_store %arg10[%swap3A_723, %swap3A_724], %mul3A_722 {strides = array<i32>} : memref<64x64xf32, #tpu.memory_space<vmem>>, vector<16xf32>,
            %broadcast_in_dim3A_726 = arith.constant 9 : i32
            %broadcast_in_dim3A_727 = vector.broadcast %broadcast_in_dim3A_726 : i32 to vector<16x1xi32>
            %gather3A_728 = vector.shape_cast %broadcast_in_dim3A_727 : vector<16x1xi32> to vector<16xi32>
            %gather3A_729 = tpu.dynamic_gather %get3A_401[%gather3A_728] in [0] : vector<16xf32>, vector<16xi32> -> vector<16xf32>
            %mul3A_730 = arith.constant 16 : i32
            %mul3A_731 = arith.muli %scan3A_396, %mul3A_730 : i32
            %add3A_732 = arith.constant 9 : i32
            %add3A_733 = arith.addi %mul3A_731, %add3A_732 : i32
            %get3A_734 = arith.index_cast %add3A_733 : i32 to index
            %get3A_735 = arith.constant 0 : index
            %get3A_736 = tpu.vector_load %arg10[%get3A_734, %get3A_735] {strides = array<i32>} : memref<64x64xf32, #tpu.memory_space<vmem>>, vector<16xf32>,
            %mul3A_737 = arith.mulf %get3A_736, %gather3A_729 : vector<16xf32>
            %swap3A_738 = arith.index_cast %add3A_733 : i32 to index
            %swap3A_739 = arith.constant 0 : index
            %swap3A_740 = tpu.vector_load %arg10[%swap3A_738, %swap3A_739] {strides = array<i32>} : memref<64x64xf32, #tpu.memory_space<vmem>>, vector<16xf32>,
            tpu.vector_store %arg10[%swap3A_738, %swap3A_739], %mul3A_737 {strides = array<i32>} : memref<64x64xf32, #tpu.memory_space<vmem>>, vector<16xf32>,
            %get3A_741 = arith.index_cast %add3A_733 : i32 to index
            %get3A_742 = arith.constant 16 : index
            %get3A_743 = tpu.vector_load %arg10[%get3A_741, %get3A_742] {strides = array<i32>} : memref<64x64xf32, #tpu.memory_space<vmem>>, vector<16xf32>,
            %mul3A_744 = arith.mulf %get3A_743, %gather3A_729 : vector<16xf32>
            %swap3A_745 = arith.index_cast %add3A_733 : i32 to index
            %swap3A_746 = arith.constant 16 : index
            %swap3A_747 = tpu.vector_load %arg10[%swap3A_745, %swap3A_746] {strides = array<i32>} : memref<64x64xf32, #tpu.memory_space<vmem>>, vector<16xf32>,
            tpu.vector_store %arg10[%swap3A_745, %swap3A_746], %mul3A_744 {strides = array<i32>} : memref<64x64xf32, #tpu.memory_space<vmem>>, vector<16xf32>,
            %get3A_748 = arith.index_cast %add3A_733 : i32 to index
            %get3A_749 = arith.constant 32 : index
            %get3A_750 = tpu.vector_load %arg10[%get3A_748, %get3A_749] {strides = array<i32>} : memref<64x64xf32, #tpu.memory_space<vmem>>, vector<16xf32>,
            %mul3A_751 = arith.mulf %get3A_750, %gather3A_729 : vector<16xf32>
            %swap3A_752 = arith.index_cast %add3A_733 : i32 to index
            %swap3A_753 = arith.constant 32 : index
            %swap3A_754 = tpu.vector_load %arg10[%swap3A_752, %swap3A_753] {strides = array<i32>} : memref<64x64xf32, #tpu.memory_space<vmem>>, vector<16xf32>,
            tpu.vector_store %arg10[%swap3A_752, %swap3A_753], %mul3A_751 {strides = array<i32>} : memref<64x64xf32, #tpu.memory_space<vmem>>, vector<16xf32>,
            %get3A_755 = arith.index_cast %add3A_733 : i32 to index
            %get3A_756 = arith.constant 48 : index
            %get3A_757 = tpu.vector_load %arg10[%get3A_755, %get3A_756] {strides = array<i32>} : memref<64x64xf32, #tpu.memory_space<vmem>>, vector<16xf32>,
            %mul3A_758 = arith.mulf %get3A_757, %gather3A_729 : vector<16xf32>
            %swap3A_759 = arith.index_cast %add3A_733 : i32 to index
            %swap3A_760 = arith.constant 48 : index
            %swap3A_761 = tpu.vector_load %arg10[%swap3A_759, %swap3A_760] {strides = array<i32>} : memref<64x64xf32, #tpu.memory_space<vmem>>, vector<16xf32>,
            tpu.vector_store %arg10[%swap3A_759, %swap3A_760], %mul3A_758 {strides = array<i32>} : memref<64x64xf32, #tpu.memory_space<vmem>>, vector<16xf32>,
            %broadcast_in_dim3A_762 = arith.constant 10 : i32
            %broadcast_in_dim3A_763 = vector.broadcast %broadcast_in_dim3A_762 : i32 to vector<16x1xi32>
            %gather3A_764 = vector.shape_cast %broadcast_in_dim3A_763 : vector<16x1xi32> to vector<16xi32>
            %gather3A_765 = tpu.dynamic_gather %get3A_401[%gather3A_764] in [0] : vector<16xf32>, vector<16xi32> -> vector<16xf32>
            %mul3A_766 = arith.constant 16 : i32
            %mul3A_767 = arith.muli %scan3A_396, %mul3A_766 : i32
            %add3A_768 = arith.constant 10 : i32
            %add3A_769 = arith.addi %mul3A_767, %add3A_768 : i32
            %get3A_770 = arith.index_cast %add3A_769 : i32 to index
            %get3A_771 = arith.constant 0 : index
            %get3A_772 = tpu.vector_load %arg10[%get3A_770, %get3A_771] {strides = array<i32>} : memref<64x64xf32, #tpu.memory_space<vmem>>, vector<16xf32>,
            %mul3A_773 = arith.mulf %get3A_772, %gather3A_765 : vector<16xf32>
            %swap3A_774 = arith.index_cast %add3A_769 : i32 to index
            %swap3A_775 = arith.constant 0 : index
            %swap3A_776 = tpu.vector_load %arg10[%swap3A_774, %swap3A_775] {strides = array<i32>} : memref<64x64xf32, #tpu.memory_space<vmem>>, vector<16xf32>,
            tpu.vector_store %arg10[%swap3A_774, %swap3A_775], %mul3A_773 {strides = array<i32>} : memref<64x64xf32, #tpu.memory_space<vmem>>, vector<16xf32>,
            %get3A_777 = arith.index_cast %add3A_769 : i32 to index
            %get3A_778 = arith.constant 16 : index
            %get3A_779 = tpu.vector_load %arg10[%get3A_777, %get3A_778] {strides = array<i32>} : memref<64x64xf32, #tpu.memory_space<vmem>>, vector<16xf32>,
            %mul3A_780 = arith.mulf %get3A_779, %gather3A_765 : vector<16xf32>
            %swap3A_781 = arith.index_cast %add3A_769 : i32 to index
            %swap3A_782 = arith.constant 16 : index
            %swap3A_783 = tpu.vector_load %arg10[%swap3A_781, %swap3A_782] {strides = array<i32>} : memref<64x64xf32, #tpu.memory_space<vmem>>, vector<16xf32>,
            tpu.vector_store %arg10[%swap3A_781, %swap3A_782], %mul3A_780 {strides = array<i32>} : memref<64x64xf32, #tpu.memory_space<vmem>>, vector<16xf32>,
            %get3A_784 = arith.index_cast %add3A_769 : i32 to index
            %get3A_785 = arith.constant 32 : index
            %get3A_786 = tpu.vector_load %arg10[%get3A_784, %get3A_785] {strides = array<i32>} : memref<64x64xf32, #tpu.memory_space<vmem>>, vector<16xf32>,
            %mul3A_787 = arith.mulf %get3A_786, %gather3A_765 : vector<16xf32>
            %swap3A_788 = arith.index_cast %add3A_769 : i32 to index
            %swap3A_789 = arith.constant 32 : index
            %swap3A_790 = tpu.vector_load %arg10[%swap3A_788, %swap3A_789] {strides = array<i32>} : memref<64x64xf32, #tpu.memory_space<vmem>>, vector<16xf32>,
            tpu.vector_store %arg10[%swap3A_788, %swap3A_789], %mul3A_787 {strides = array<i32>} : memref<64x64xf32, #tpu.memory_space<vmem>>, vector<16xf32>,
            %get3A_791 = arith.index_cast %add3A_769 : i32 to index
            %get3A_792 = arith.constant 48 : index
            %get3A_793 = tpu.vector_load %arg10[%get3A_791, %get3A_792] {strides = array<i32>} : memref<64x64xf32, #tpu.memory_space<vmem>>, vector<16xf32>,
            %mul3A_794 = arith.mulf %get3A_793, %gather3A_765 : vector<16xf32>
            %swap3A_795 = arith.index_cast %add3A_769 : i32 to index
            %swap3A_796 = arith.constant 48 : index
            %swap3A_797 = tpu.vector_load %arg10[%swap3A_795, %swap3A_796] {strides = array<i32>} : memref<64x64xf32, #tpu.memory_space<vmem>>, vector<16xf32>,
            tpu.vector_store %arg10[%swap3A_795, %swap3A_796], %mul3A_794 {strides = array<i32>} : memref<64x64xf32, #tpu.memory_space<vmem>>, vector<16xf32>,
            %broadcast_in_dim3A_798 = arith.constant 11 : i32
            %broadcast_in_dim3A_799 = vector.broadcast %broadcast_in_dim3A_798 : i32 to vector<16x1xi32>
            %gather3A_800 = vector.shape_cast %broadcast_in_dim3A_799 : vector<16x1xi32> to vector<16xi32>
            %gather3A_801 = tpu.dynamic_gather %get3A_401[%gather3A_800] in [0] : vector<16xf32>, vector<16xi32> -> vector<16xf32>
            %mul3A_802 = arith.constant 16 : i32
            %mul3A_803 = arith.muli %scan3A_396, %mul3A_802 : i32
            %add3A_804 = arith.constant 11 : i32
            %add3A_805 = arith.addi %mul3A_803, %add3A_804 : i32
            %get3A_806 = arith.index_cast %add3A_805 : i32 to index
            %get3A_807 = arith.constant 0 : index
            %get3A_808 = tpu.vector_load %arg10[%get3A_806, %get3A_807] {strides = array<i32>} : memref<64x64xf32, #tpu.memory_space<vmem>>, vector<16xf32>,
            %mul3A_809 = arith.mulf %get3A_808, %gather3A_801 : vector<16xf32>
            %swap3A_810 = arith.index_cast %add3A_805 : i32 to index
            %swap3A_811 = arith.constant 0 : index
            %swap3A_812 = tpu.vector_load %arg10[%swap3A_810, %swap3A_811] {strides = array<i32>} : memref<64x64xf32, #tpu.memory_space<vmem>>, vector<16xf32>,
            tpu.vector_store %arg10[%swap3A_810, %swap3A_811], %mul3A_809 {strides = array<i32>} : memref<64x64xf32, #tpu.memory_space<vmem>>, vector<16xf32>,
            %get3A_813 = arith.index_cast %add3A_805 : i32 to index
            %get3A_814 = arith.constant 16 : index
            %get3A_815 = tpu.vector_load %arg10[%get3A_813, %get3A_814] {strides = array<i32>} : memref<64x64xf32, #tpu.memory_space<vmem>>, vector<16xf32>,
            %mul3A_816 = arith.mulf %get3A_815, %gather3A_801 : vector<16xf32>
            %swap3A_817 = arith.index_cast %add3A_805 : i32 to index
            %swap3A_818 = arith.constant 16 : index
            %swap3A_819 = tpu.vector_load %arg10[%swap3A_817, %swap3A_818] {strides = array<i32>} : memref<64x64xf32, #tpu.memory_space<vmem>>, vector<16xf32>,
            tpu.vector_store %arg10[%swap3A_817, %swap3A_818], %mul3A_816 {strides = array<i32>} : memref<64x64xf32, #tpu.memory_space<vmem>>, vector<16xf32>,
            %get3A_820 = arith.index_cast %add3A_805 : i32 to index
            %get3A_821 = arith.constant 32 : index
            %get3A_822 = tpu.vector_load %arg10[%get3A_820, %get3A_821] {strides = array<i32>} : memref<64x64xf32, #tpu.memory_space<vmem>>, vector<16xf32>,
            %mul3A_823 = arith.mulf %get3A_822, %gather3A_801 : vector<16xf32>
            %swap3A_824 = arith.index_cast %add3A_805 : i32 to index
            %swap3A_825 = arith.constant 32 : index
            %swap3A_826 = tpu.vector_load %arg10[%swap3A_824, %swap3A_825] {strides = array<i32>} : memref<64x64xf32, #tpu.memory_space<vmem>>, vector<16xf32>,
            tpu.vector_store %arg10[%swap3A_824, %swap3A_825], %mul3A_823 {strides = array<i32>} : memref<64x64xf32, #tpu.memory_space<vmem>>, vector<16xf32>,
            %get3A_827 = arith.index_cast %add3A_805 : i32 to index
            %get3A_828 = arith.constant 48 : index
            %get3A_829 = tpu.vector_load %arg10[%get3A_827, %get3A_828] {strides = array<i32>} : memref<64x64xf32, #tpu.memory_space<vmem>>, vector<16xf32>,
            %mul3A_830 = arith.mulf %get3A_829, %gather3A_801 : vector<16xf32>
            %swap3A_831 = arith.index_cast %add3A_805 : i32 to index
            %swap3A_832 = arith.constant 48 : index
            %swap3A_833 = tpu.vector_load %arg10[%swap3A_831, %swap3A_832] {strides = array<i32>} : memref<64x64xf32, #tpu.memory_space<vmem>>, vector<16xf32>,
            tpu.vector_store %arg10[%swap3A_831, %swap3A_832], %mul3A_830 {strides = array<i32>} : memref<64x64xf32, #tpu.memory_space<vmem>>, vector<16xf32>,
            %broadcast_in_dim3A_834 = arith.constant 12 : i32
            %broadcast_in_dim3A_835 = vector.broadcast %broadcast_in_dim3A_834 : i32 to vector<16x1xi32>
            %gather3A_836 = vector.shape_cast %broadcast_in_dim3A_835 : vector<16x1xi32> to vector<16xi32>
            %gather3A_837 = tpu.dynamic_gather %get3A_401[%gather3A_836] in [0] : vector<16xf32>, vector<16xi32> -> vector<16xf32>
            %mul3A_838 = arith.constant 16 : i32
            %mul3A_839 = arith.muli %scan3A_396, %mul3A_838 : i32
            %add3A_840 = arith.constant 12 : i32
            %add3A_841 = arith.addi %mul3A_839, %add3A_840 : i32
            %get3A_842 = arith.index_cast %add3A_841 : i32 to index
            %get3A_843 = arith.constant 0 : index
            %get3A_844 = tpu.vector_load %arg10[%get3A_842, %get3A_843] {strides = array<i32>} : memref<64x64xf32, #tpu.memory_space<vmem>>, vector<16xf32>,
            %mul3A_845 = arith.mulf %get3A_844, %gather3A_837 : vector<16xf32>
            %swap3A_846 = arith.index_cast %add3A_841 : i32 to index
            %swap3A_847 = arith.constant 0 : index
            %swap3A_848 = tpu.vector_load %arg10[%swap3A_846, %swap3A_847] {strides = array<i32>} : memref<64x64xf32, #tpu.memory_space<vmem>>, vector<16xf32>,
            tpu.vector_store %arg10[%swap3A_846, %swap3A_847], %mul3A_845 {strides = array<i32>} : memref<64x64xf32, #tpu.memory_space<vmem>>, vector<16xf32>,
            %get3A_849 = arith.index_cast %add3A_841 : i32 to index
            %get3A_850 = arith.constant 16 : index
            %get3A_851 = tpu.vector_load %arg10[%get3A_849, %get3A_850] {strides = array<i32>} : memref<64x64xf32, #tpu.memory_space<vmem>>, vector<16xf32>,
            %mul3A_852 = arith.mulf %get3A_851, %gather3A_837 : vector<16xf32>
            %swap3A_853 = arith.index_cast %add3A_841 : i32 to index
            %swap3A_854 = arith.constant 16 : index
            %swap3A_855 = tpu.vector_load %arg10[%swap3A_853, %swap3A_854] {strides = array<i32>} : memref<64x64xf32, #tpu.memory_space<vmem>>, vector<16xf32>,
            tpu.vector_store %arg10[%swap3A_853, %swap3A_854], %mul3A_852 {strides = array<i32>} : memref<64x64xf32, #tpu.memory_space<vmem>>, vector<16xf32>,
            %get3A_856 = arith.index_cast %add3A_841 : i32 to index
            %get3A_857 = arith.constant 32 : index
            %get3A_858 = tpu.vector_load %arg10[%get3A_856, %get3A_857] {strides = array<i32>} : memref<64x64xf32, #tpu.memory_space<vmem>>, vector<16xf32>,
            %mul3A_859 = arith.mulf %get3A_858, %gather3A_837 : vector<16xf32>
            %swap3A_860 = arith.index_cast %add3A_841 : i32 to index
            %swap3A_861 = arith.constant 32 : index
            %swap3A_862 = tpu.vector_load %arg10[%swap3A_860, %swap3A_861] {strides = array<i32>} : memref<64x64xf32, #tpu.memory_space<vmem>>, vector<16xf32>,
            tpu.vector_store %arg10[%swap3A_860, %swap3A_861], %mul3A_859 {strides = array<i32>} : memref<64x64xf32, #tpu.memory_space<vmem>>, vector<16xf32>,
            %get3A_863 = arith.index_cast %add3A_841 : i32 to index
            %get3A_864 = arith.constant 48 : index
            %get3A_865 = tpu.vector_load %arg10[%get3A_863, %get3A_864] {strides = array<i32>} : memref<64x64xf32, #tpu.memory_space<vmem>>, vector<16xf32>,
            %mul3A_866 = arith.mulf %get3A_865, %gather3A_837 : vector<16xf32>
            %swap3A_867 = arith.index_cast %add3A_841 : i32 to index
            %swap3A_868 = arith.constant 48 : index
            %swap3A_869 = tpu.vector_load %arg10[%swap3A_867, %swap3A_868] {strides = array<i32>} : memref<64x64xf32, #tpu.memory_space<vmem>>, vector<16xf32>,
            tpu.vector_store %arg10[%swap3A_867, %swap3A_868], %mul3A_866 {strides = array<i32>} : memref<64x64xf32, #tpu.memory_space<vmem>>, vector<16xf32>,
            %broadcast_in_dim3A_870 = arith.constant 13 : i32
            %broadcast_in_dim3A_871 = vector.broadcast %broadcast_in_dim3A_870 : i32 to vector<16x1xi32>
            %gather3A_872 = vector.shape_cast %broadcast_in_dim3A_871 : vector<16x1xi32> to vector<16xi32>
            %gather3A_873 = tpu.dynamic_gather %get3A_401[%gather3A_872] in [0] : vector<16xf32>, vector<16xi32> -> vector<16xf32>
            %mul3A_874 = arith.constant 16 : i32
            %mul3A_875 = arith.muli %scan3A_396, %mul3A_874 : i32
            %add3A_876 = arith.constant 13 : i32
            %add3A_877 = arith.addi %mul3A_875, %add3A_876 : i32
            %get3A_878 = arith.index_cast %add3A_877 : i32 to index
            %get3A_879 = arith.constant 0 : index
            %get3A_880 = tpu.vector_load %arg10[%get3A_878, %get3A_879] {strides = array<i32>} : memref<64x64xf32, #tpu.memory_space<vmem>>, vector<16xf32>,
            %mul3A_881 = arith.mulf %get3A_880, %gather3A_873 : vector<16xf32>
            %swap3A_882 = arith.index_cast %add3A_877 : i32 to index
            %swap3A_883 = arith.constant 0 : index
            %swap3A_884 = tpu.vector_load %arg10[%swap3A_882, %swap3A_883] {strides = array<i32>} : memref<64x64xf32, #tpu.memory_space<vmem>>, vector<16xf32>,
            tpu.vector_store %arg10[%swap3A_882, %swap3A_883], %mul3A_881 {strides = array<i32>} : memref<64x64xf32, #tpu.memory_space<vmem>>, vector<16xf32>,
            %get3A_885 = arith.index_cast %add3A_877 : i32 to index
            %get3A_886 = arith.constant 16 : index
            %get3A_887 = tpu.vector_load %arg10[%get3A_885, %get3A_886] {strides = array<i32>} : memref<64x64xf32, #tpu.memory_space<vmem>>, vector<16xf32>,
            %mul3A_888 = arith.mulf %get3A_887, %gather3A_873 : vector<16xf32>
            %swap3A_889 = arith.index_cast %add3A_877 : i32 to index
            %swap3A_890 = arith.constant 16 : index
            %swap3A_891 = tpu.vector_load %arg10[%swap3A_889, %swap3A_890] {strides = array<i32>} : memref<64x64xf32, #tpu.memory_space<vmem>>, vector<16xf32>,
            tpu.vector_store %arg10[%swap3A_889, %swap3A_890], %mul3A_888 {strides = array<i32>} : memref<64x64xf32, #tpu.memory_space<vmem>>, vector<16xf32>,
            %get3A_892 = arith.index_cast %add3A_877 : i32 to index
            %get3A_893 = arith.constant 32 : index
            %get3A_894 = tpu.vector_load %arg10[%get3A_892, %get3A_893] {strides = array<i32>} : memref<64x64xf32, #tpu.memory_space<vmem>>, vector<16xf32>,
            %mul3A_895 = arith.mulf %get3A_894, %gather3A_873 : vector<16xf32>
            %swap3A_896 = arith.index_cast %add3A_877 : i32 to index
            %swap3A_897 = arith.constant 32 : index
            %swap3A_898 = tpu.vector_load %arg10[%swap3A_896, %swap3A_897] {strides = array<i32>} : memref<64x64xf32, #tpu.memory_space<vmem>>, vector<16xf32>,
            tpu.vector_store %arg10[%swap3A_896, %swap3A_897], %mul3A_895 {strides = array<i32>} : memref<64x64xf32, #tpu.memory_space<vmem>>, vector<16xf32>,
            %get3A_899 = arith.index_cast %add3A_877 : i32 to index
            %get3A_900 = arith.constant 48 : index
            %get3A_901 = tpu.vector_load %arg10[%get3A_899, %get3A_900] {strides = array<i32>} : memref<64x64xf32, #tpu.memory_space<vmem>>, vector<16xf32>,
            %mul3A_902 = arith.mulf %get3A_901, %gather3A_873 : vector<16xf32>
            %swap3A_903 = arith.index_cast %add3A_877 : i32 to index
            %swap3A_904 = arith.constant 48 : index
            %swap3A_905 = tpu.vector_load %arg10[%swap3A_903, %swap3A_904] {strides = array<i32>} : memref<64x64xf32, #tpu.memory_space<vmem>>, vector<16xf32>,
            tpu.vector_store %arg10[%swap3A_903, %swap3A_904], %mul3A_902 {strides = array<i32>} : memref<64x64xf32, #tpu.memory_space<vmem>>, vector<16xf32>,
            %broadcast_in_dim3A_906 = arith.constant 14 : i32
            %broadcast_in_dim3A_907 = vector.broadcast %broadcast_in_dim3A_906 : i32 to vector<16x1xi32>
            %gather3A_908 = vector.shape_cast %broadcast_in_dim3A_907 : vector<16x1xi32> to vector<16xi32>
            %gather3A_909 = tpu.dynamic_gather %get3A_401[%gather3A_908] in [0] : vector<16xf32>, vector<16xi32> -> vector<16xf32>
            %mul3A_910 = arith.constant 16 : i32
            %mul3A_911 = arith.muli %scan3A_396, %mul3A_910 : i32
            %add3A_912 = arith.constant 14 : i32
            %add3A_913 = arith.addi %mul3A_911, %add3A_912 : i32
            %get3A_914 = arith.index_cast %add3A_913 : i32 to index
            %get3A_915 = arith.constant 0 : index
            %get3A_916 = tpu.vector_load %arg10[%get3A_914, %get3A_915] {strides = array<i32>} : memref<64x64xf32, #tpu.memory_space<vmem>>, vector<16xf32>,
            %mul3A_917 = arith.mulf %get3A_916, %gather3A_909 : vector<16xf32>
            %swap3A_918 = arith.index_cast %add3A_913 : i32 to index
            %swap3A_919 = arith.constant 0 : index
            %swap3A_920 = tpu.vector_load %arg10[%swap3A_918, %swap3A_919] {strides = array<i32>} : memref<64x64xf32, #tpu.memory_space<vmem>>, vector<16xf32>,
            tpu.vector_store %arg10[%swap3A_918, %swap3A_919], %mul3A_917 {strides = array<i32>} : memref<64x64xf32, #tpu.memory_space<vmem>>, vector<16xf32>,
            %get3A_921 = arith.index_cast %add3A_913 : i32 to index
            %get3A_922 = arith.constant 16 : index
            %get3A_923 = tpu.vector_load %arg10[%get3A_921, %get3A_922] {strides = array<i32>} : memref<64x64xf32, #tpu.memory_space<vmem>>, vector<16xf32>,
            %mul3A_924 = arith.mulf %get3A_923, %gather3A_909 : vector<16xf32>
            %swap3A_925 = arith.index_cast %add3A_913 : i32 to index
            %swap3A_926 = arith.constant 16 : index
            %swap3A_927 = tpu.vector_load %arg10[%swap3A_925, %swap3A_926] {strides = array<i32>} : memref<64x64xf32, #tpu.memory_space<vmem>>, vector<16xf32>,
            tpu.vector_store %arg10[%swap3A_925, %swap3A_926], %mul3A_924 {strides = array<i32>} : memref<64x64xf32, #tpu.memory_space<vmem>>, vector<16xf32>,
            %get3A_928 = arith.index_cast %add3A_913 : i32 to index
            %get3A_929 = arith.constant 32 : index
            %get3A_930 = tpu.vector_load %arg10[%get3A_928, %get3A_929] {strides = array<i32>} : memref<64x64xf32, #tpu.memory_space<vmem>>, vector<16xf32>,
            %mul3A_931 = arith.mulf %get3A_930, %gather3A_909 : vector<16xf32>
            %swap3A_932 = arith.index_cast %add3A_913 : i32 to index
            %swap3A_933 = arith.constant 32 : index
            %swap3A_934 = tpu.vector_load %arg10[%swap3A_932, %swap3A_933] {strides = array<i32>} : memref<64x64xf32, #tpu.memory_space<vmem>>, vector<16xf32>,
            tpu.vector_store %arg10[%swap3A_932, %swap3A_933], %mul3A_931 {strides = array<i32>} : memref<64x64xf32, #tpu.memory_space<vmem>>, vector<16xf32>,
            %get3A_935 = arith.index_cast %add3A_913 : i32 to index
            %get3A_936 = arith.constant 48 : index
            %get3A_937 = tpu.vector_load %arg10[%get3A_935, %get3A_936] {strides = array<i32>} : memref<64x64xf32, #tpu.memory_space<vmem>>, vector<16xf32>,
            %mul3A_938 = arith.mulf %get3A_937, %gather3A_909 : vector<16xf32>
            %swap3A_939 = arith.index_cast %add3A_913 : i32 to index
            %swap3A_940 = arith.constant 48 : index
            %swap3A_941 = tpu.vector_load %arg10[%swap3A_939, %swap3A_940] {strides = array<i32>} : memref<64x64xf32, #tpu.memory_space<vmem>>, vector<16xf32>,
            tpu.vector_store %arg10[%swap3A_939, %swap3A_940], %mul3A_938 {strides = array<i32>} : memref<64x64xf32, #tpu.memory_space<vmem>>, vector<16xf32>,
            %broadcast_in_dim3A_942 = arith.constant 15 : i32
            %broadcast_in_dim3A_943 = vector.broadcast %broadcast_in_dim3A_942 : i32 to vector<16x1xi32>
            %gather3A_944 = vector.shape_cast %broadcast_in_dim3A_943 : vector<16x1xi32> to vector<16xi32>
            %gather3A_945 = tpu.dynamic_gather %get3A_401[%gather3A_944] in [0] : vector<16xf32>, vector<16xi32> -> vector<16xf32>
            %mul3A_946 = arith.constant 16 : i32
            %mul3A_947 = arith.muli %scan3A_396, %mul3A_946 : i32
            %add3A_948 = arith.constant 15 : i32
            %add3A_949 = arith.addi %mul3A_947, %add3A_948 : i32
            %get3A_950 = arith.index_cast %add3A_949 : i32 to index
            %get3A_951 = arith.constant 0 : index
            %get3A_952 = tpu.vector_load %arg10[%get3A_950, %get3A_951] {strides = array<i32>} : memref<64x64xf32, #tpu.memory_space<vmem>>, vector<16xf32>,
            %mul3A_953 = arith.mulf %get3A_952, %gather3A_945 : vector<16xf32>
            %swap3A_954 = arith.index_cast %add3A_949 : i32 to index
            %swap3A_955 = arith.constant 0 : index
            %swap3A_956 = tpu.vector_load %arg10[%swap3A_954, %swap3A_955] {strides = array<i32>} : memref<64x64xf32, #tpu.memory_space<vmem>>, vector<16xf32>,
            tpu.vector_store %arg10[%swap3A_954, %swap3A_955], %mul3A_953 {strides = array<i32>} : memref<64x64xf32, #tpu.memory_space<vmem>>, vector<16xf32>,
            %get3A_957 = arith.index_cast %add3A_949 : i32 to index
            %get3A_958 = arith.constant 16 : index
            %get3A_959 = tpu.vector_load %arg10[%get3A_957, %get3A_958] {strides = array<i32>} : memref<64x64xf32, #tpu.memory_space<vmem>>, vector<16xf32>,
            %mul3A_960 = arith.mulf %get3A_959, %gather3A_945 : vector<16xf32>
            %swap3A_961 = arith.index_cast %add3A_949 : i32 to index
            %swap3A_962 = arith.constant 16 : index
            %swap3A_963 = tpu.vector_load %arg10[%swap3A_961, %swap3A_962] {strides = array<i32>} : memref<64x64xf32, #tpu.memory_space<vmem>>, vector<16xf32>,
            tpu.vector_store %arg10[%swap3A_961, %swap3A_962], %mul3A_960 {strides = array<i32>} : memref<64x64xf32, #tpu.memory_space<vmem>>, vector<16xf32>,
            %get3A_964 = arith.index_cast %add3A_949 : i32 to index
            %get3A_965 = arith.constant 32 : index
            %get3A_966 = tpu.vector_load %arg10[%get3A_964, %get3A_965] {strides = array<i32>} : memref<64x64xf32, #tpu.memory_space<vmem>>, vector<16xf32>,
            %mul3A_967 = arith.mulf %get3A_966, %gather3A_945 : vector<16xf32>
            %swap3A_968 = arith.index_cast %add3A_949 : i32 to index
            %swap3A_969 = arith.constant 32 : index
            %swap3A_970 = tpu.vector_load %arg10[%swap3A_968, %swap3A_969] {strides = array<i32>} : memref<64x64xf32, #tpu.memory_space<vmem>>, vector<16xf32>,
            tpu.vector_store %arg10[%swap3A_968, %swap3A_969], %mul3A_967 {strides = array<i32>} : memref<64x64xf32, #tpu.memory_space<vmem>>, vector<16xf32>,
            %get3A_971 = arith.index_cast %add3A_949 : i32 to index
            %get3A_972 = arith.constant 48 : index
            %get3A_973 = tpu.vector_load %arg10[%get3A_971, %get3A_972] {strides = array<i32>} : memref<64x64xf32, #tpu.memory_space<vmem>>, vector<16xf32>,
            %mul3A_974 = arith.mulf %get3A_973, %gather3A_945 : vector<16xf32>
            %swap3A_975 = arith.index_cast %add3A_949 : i32 to index
            %swap3A_976 = arith.constant 48 : index
            %swap3A_977 = tpu.vector_load %arg10[%swap3A_975, %swap3A_976] {strides = array<i32>} : memref<64x64xf32, #tpu.memory_space<vmem>>, vector<16xf32>,
            tpu.vector_store %arg10[%swap3A_975, %swap3A_976], %mul3A_974 {strides = array<i32>} : memref<64x64xf32, #tpu.memory_space<vmem>>, vector<16xf32>,
            %scan3A_978 = arith.constant 0 : i32
            scf.yield %scan3A_978 : i32
          }
          %scan3A_394 = arith.constant 4 : i32
          "tpu.region"() ({
            %run_scoped3A = tpu.sem_alloc : memref<!tpu.dma_semaphore, #tpu.memory_space<semaphore_mem>>
            %dma_start3A_396 = arith.constant 0 : i32
            %dma_start3A_397 = arith.constant 0 : i32
            %dma_start3A_398 = tpu.memref_slice %arg11[%dma_start3A_396, %dma_start3A_397] : memref<19464x64xf32, #tpu.memory_space<vmem_shared>> -> memref<19464x64xf32, #tpu.memory_space<vmem_shared>>
            tpu.enqueue_indirect_dma source(%arg10 : memref<64x64xf32, #tpu.memory_space<vmem>>) target(%dma_start3A_398 : memref<19464x64xf32, #tpu.memory_space<vmem_shared>>) offsets(%arg7 : memref<64xi32, #tpu.memory_space<vmem>>) semaphore(%run_scoped3A : memref<!tpu.dma_semaphore, #tpu.memory_space<semaphore_mem>>) {add = true}
            %dma_wait3A_399 = arith.constant 0 : i32
            %dma_wait3A_400 = arith.constant 0 : i32
            %dma_wait3A_401 = tpu.memref_slice %arg11[%dma_wait3A_399, %dma_wait3A_400] : memref<19464x64xf32, #tpu.memory_space<vmem_shared>> -> memref<19464x64xf32, #tpu.memory_space<vmem_shared>>
            tpu.wait_indirect_dma semaphore(%run_scoped3A : memref<!tpu.dma_semaphore, #tpu.memory_space<semaphore_mem>>) src(%arg10 : memref<64x64xf32, #tpu.memory_space<vmem>>) dst(%dma_wait3A_401 : memref<19464x64xf32, #tpu.memory_space<vmem_shared>>)
            tpu.yield
          }) : () -> ()
          %while3A_395 = arith.constant 0 : i32
          scf.yield %while3A_395 : i32
        }
        %gt3A_173 = arith.constant 0 : i32
        %gt3A_174 = arith.cmpi sgt, %select_n3A_160, %gt3A_173 : i32
        %jit3A_175 = arith.constant 0 : i32
        %select_n3A_176 = arith.select %gt3A_174, %jit3A_175, %scan3A_129 : i32
        scf.yield %select_n3A_176 : i32
      }
      %scan3A_69 = arith.constant 9 : i32
      %ge3A = arith.constant 1 : i32
      %ge3A_70 = arith.cmpi sge, %scan3A_68, %ge3A : i32
      %add3A_71 = arith.constant 63 : i32
      %add3A_72 = arith.addi %scan3A_68, %add3A_71 : i32
      %jit3A_73 = arith.constant 64 : i32
      %div3A_74 = arith.divsi %add3A_72, %jit3A_73 : i32
      %sign3A_75 = arith.constant 0 : i32
      %sign3A_76 = arith.cmpi sgt, %add3A_72, %sign3A_75 : i32
      %sign3A_77 = arith.extui %sign3A_76 : i1 to i32
      %sign3A_78 = arith.constant 0 : i32
      %sign3A_79 = arith.cmpi slt, %add3A_72, %sign3A_78 : i32
      %sign3A_80 = arith.extui %sign3A_79 : i1 to i32
      %sign3A_81 = arith.subi %sign3A_77, %sign3A_80 : i32
      %sign3A_82 = arith.constant 0 : i32
      %sign3A_83 = arith.cmpi sgt, %jit3A_73, %sign3A_82 : i32
      %sign3A_84 = arith.extui %sign3A_83 : i1 to i32
      %sign3A_85 = arith.constant 0 : i32
      %sign3A_86 = arith.cmpi slt, %jit3A_73, %sign3A_85 : i32
      %sign3A_87 = arith.extui %sign3A_86 : i1 to i32
      %sign3A_88 = arith.subi %sign3A_84, %sign3A_87 : i32
      %ne3A_89 = arith.cmpi ne, %sign3A_81, %sign3A_88 : i32
      %rem3A_90 = arith.remsi %add3A_72, %jit3A_73 : i32
      %ne3A_91 = arith.constant 0 : i32
      %ne3A_92 = arith.cmpi ne, %rem3A_90, %ne3A_91 : i32
      %and3A_93 = arith.andi %ne3A_89, %ne3A_92 : i1
      %sub3A_94 = arith.constant 1 : i32
      %sub3A_95 = arith.subi %div3A_74, %sub3A_94 : i32
      %select_n3A_96 = arith.select %and3A_93, %sub3A_95, %div3A_74 : i32
      %jit3A_97 = arith.constant 0 : i32
      %select_n3A_98 = arith.select %ge3A_70, %select_n3A_96, %jit3A_97 : i32
      %while3A = arith.constant 0 : i32
      %while3A_99 = arith.constant 0 : i32
      %while3A_100 = arith.subi %select_n3A_98, %while3A : i32
      %while3A_101 = arith.addi %while3A, %while3A_100 : i32
      %while3A_102 = arith.constant 1 : i32
      %while3A_103 = arith.divsi %while3A_100, %while3A_102 : i32
      %while3A_104 = arith.muli %while3A_103, %while3A_102 : i32
      %while3A_105 = arith.addi %while3A, %while3A_104 : i32
      %while3A_106 = arith.constant 1 : i32
      %while3A_107 = scf.for %while3A_123 = %while3A to %while3A_105 step %while3A_106 iter_args(%while3A_124 = %while3A_99) -> (i32)  : i32 {
        %mul3A_125 = arith.constant 64 : i32
        %mul3A_126 = arith.muli %while3A_123, %mul3A_125 : i32
        %add3A_127 = arith.constant 0 : i32
        %add3A_128 = arith.addi %mul3A_126, %add3A_127 : i32
        %add3A_129 = vector.broadcast %add3A_128 : i32 to vector<16xi32>
        %add3A_130 = arith.addi %add3A_129, %iota3A : vector<16xi32>
        %lt3A_131 = vector.broadcast %scan3A_68 : i32 to vector<16xi32>
        %lt3A_132 = arith.cmpi slt, %add3A_130, %lt3A_131 : vector<16xi32>
        %add3A_133 = arith.constant 0 : i32
        %add3A_134 = arith.addi %mul3A_126, %add3A_133 : i32
        %get3A = arith.index_cast %add3A_134 : i32 to index
        %get3A_135 = tpu.vector_load %arg6[%get3A] {strides = array<i32>} : memref<4736xi32, #tpu.memory_space<vmem>>, vector<16xi32>,
        %shift_right_arithmetic3A = arith.constant 12 : i32
        %shift_right_arithmetic3A_136 = vector.broadcast %shift_right_arithmetic3A : i32 to vector<16xi32>
        %shift_right_arithmetic3A_137 = arith.shrsi %get3A_135, %shift_right_arithmetic3A_136 : vector<16xi32>
        %and3A_138 = arith.constant 4095 : i32
        %and3A_139 = vector.broadcast %and3A_138 : i32 to vector<16xi32>
        %and3A_140 = arith.andi %get3A_135, %and3A_139 : vector<16xi32>
        %gather3A = tpu.vector_load_idx %arg5[%shift_right_arithmetic3A_137, %and3A_140] masked %lt3A_132 : memref<9x4096xi32, #tpu.memory_space<vmem>>[vector<16xi32>, vector<16xi32>], vector<16xi32>, vector<16xi1>
        %and3A_141 = arith.constant 524287 : i32
        %and3A_142 = vector.broadcast %and3A_141 : i32 to vector<16xi32>
        %and3A_143 = arith.andi %gather3A, %and3A_142 : vector<16xi32>
        %shift_right_arithmetic3A_144 = arith.constant 19 : i32
        %shift_right_arithmetic3A_145 = vector.broadcast %shift_right_arithmetic3A_144 : i32 to vector<16xi32>
        %shift_right_arithmetic3A_146 = arith.shrsi %gather3A, %shift_right_arithmetic3A_145 : vector<16xi32>
        %and3A_147 = arith.constant 8191 : i32
        %and3A_148 = vector.broadcast %and3A_147 : i32 to vector<16xi32>
        %and3A_149 = arith.andi %shift_right_arithmetic3A_146, %and3A_148 : vector<16xi32>
        %convert_element_type3A = arith.sitofp %and3A_149 : vector<16xi32> to vector<16xf32>
        %div3A_150 = arith.constant 8.192000e+03 : f32
        %div3A_151 = vector.broadcast %div3A_150 : f32 to vector<16xf32>
        %div3A_152 = arith.divf %convert_element_type3A, %div3A_151 : vector<16xf32>
        %sub3A_153 = vector.broadcast %mul3A_43 : i32 to vector<16xi32>
        %sub3A_154 = arith.subi %and3A_143, %sub3A_153 : vector<16xi32>
        %jit3A_155 = arith.constant 19456 : i32
        %broadcast_in_dim3A_156 = vector.broadcast %jit3A_155 : i32 to vector<16xi32>
        %select_n3A_157 = arith.select %lt3A_132, %sub3A_154, %broadcast_in_dim3A_156 : vector<16xi1>, vector<16xi32>
        %swap3A = arith.constant 0 : index
        %swap3A_158 = tpu.vector_load %arg7[%swap3A] {strides = array<i32>} : memref<64xi32, #tpu.memory_space<vmem>>, vector<16xi32>,
        tpu.vector_store %arg7[%swap3A], %select_n3A_157 {strides = array<i32>} : memref<64xi32, #tpu.memory_space<vmem>>, vector<16xi32>,
        %and3A_159 = arith.constant 4095 : i32
        %and3A_160 = vector.broadcast %and3A_159 : i32 to vector<16xi32>
        %and3A_161 = arith.andi %get3A_135, %and3A_160 : vector<16xi32>
        %add3A_162 = vector.broadcast %add3A_48 : i32 to vector<16xi32>
        %add3A_163 = arith.addi %add3A_162, %and3A_161 : vector<16xi32>
        %jit3A_164 = arith.constant 0 : i32
        %broadcast_in_dim3A_165 = vector.broadcast %jit3A_164 : i32 to vector<16xi32>
        %select_n3A_166 = arith.select %lt3A_132, %add3A_163, %broadcast_in_dim3A_165 : vector<16xi1>, vector<16xi32>
        %swap3A_167 = arith.constant 0 : index
        %swap3A_168 = tpu.vector_load %arg8[%swap3A_167] {strides = array<i32>} : memref<64xi32, #tpu.memory_space<vmem>>, vector<16xi32>,
        tpu.vector_store %arg8[%swap3A_167], %select_n3A_166 {strides = array<i32>} : memref<64xi32, #tpu.memory_space<vmem>>, vector<16xi32>,
        %jit3A_169 = arith.constant 0.000000e+00 : f32
        %broadcast_in_dim3A_170 = vector.broadcast %jit3A_169 : f32 to vector<16xf32>
        %select_n3A_171 = arith.select %lt3A_132, %div3A_152, %broadcast_in_dim3A_170 : vector<16xi1>, vector<16xf32>
        %swap3A_172 = arith.constant 0 : index
        %swap3A_173 = tpu.vector_load %arg9[%swap3A_172] {strides = array<i32>} : memref<64xf32, #tpu.memory_space<vmem>>, vector<16xf32>,
        tpu.vector_store %arg9[%swap3A_172], %select_n3A_171 {strides = array<i32>} : memref<64xf32, #tpu.memory_space<vmem>>, vector<16xf32>,
        %add3A_174 = arith.constant 16 : i32
        %add3A_175 = arith.addi %mul3A_126, %add3A_174 : i32
        %add3A_176 = vector.broadcast %add3A_175 : i32 to vector<16xi32>
        %add3A_177 = arith.addi %add3A_176, %iota3A : vector<16xi32>
        %lt3A_178 = vector.broadcast %scan3A_68 : i32 to vector<16xi32>
        %lt3A_179 = arith.cmpi slt, %add3A_177, %lt3A_178 : vector<16xi32>
        %add3A_180 = arith.constant 16 : i32
        %add3A_181 = arith.addi %mul3A_126, %add3A_180 : i32
        %get3A_182 = arith.index_cast %add3A_181 : i32 to index
        %get3A_183 = tpu.vector_load %arg6[%get3A_182] {strides = array<i32>} : memref<4736xi32, #tpu.memory_space<vmem>>, vector<16xi32>,
        %shift_right_arithmetic3A_184 = arith.constant 12 : i32
        %shift_right_arithmetic3A_185 = vector.broadcast %shift_right_arithmetic3A_184 : i32 to vector<16xi32>
        %shift_right_arithmetic3A_186 = arith.shrsi %get3A_183, %shift_right_arithmetic3A_185 : vector<16xi32>
        %and3A_187 = arith.constant 4095 : i32
        %and3A_188 = vector.broadcast %and3A_187 : i32 to vector<16xi32>
        %and3A_189 = arith.andi %get3A_183, %and3A_188 : vector<16xi32>
        %gather3A_190 = tpu.vector_load_idx %arg5[%shift_right_arithmetic3A_186, %and3A_189] masked %lt3A_179 : memref<9x4096xi32, #tpu.memory_space<vmem>>[vector<16xi32>, vector<16xi32>], vector<16xi32>, vector<16xi1>
        %and3A_191 = arith.constant 524287 : i32
        %and3A_192 = vector.broadcast %and3A_191 : i32 to vector<16xi32>
        %and3A_193 = arith.andi %gather3A_190, %and3A_192 : vector<16xi32>
        %shift_right_arithmetic3A_194 = arith.constant 19 : i32
        %shift_right_arithmetic3A_195 = vector.broadcast %shift_right_arithmetic3A_194 : i32 to vector<16xi32>
        %shift_right_arithmetic3A_196 = arith.shrsi %gather3A_190, %shift_right_arithmetic3A_195 : vector<16xi32>
        %and3A_197 = arith.constant 8191 : i32
        %and3A_198 = vector.broadcast %and3A_197 : i32 to vector<16xi32>
        %and3A_199 = arith.andi %shift_right_arithmetic3A_196, %and3A_198 : vector<16xi32>
        %convert_element_type3A_200 = arith.sitofp %and3A_199 : vector<16xi32> to vector<16xf32>
        %div3A_201 = arith.constant 8.192000e+03 : f32
        %div3A_202 = vector.broadcast %div3A_201 : f32 to vector<16xf32>
        %div3A_203 = arith.divf %convert_element_type3A_200, %div3A_202 : vector<16xf32>
        %sub3A_204 = vector.broadcast %mul3A_43 : i32 to vector<16xi32>
        %sub3A_205 = arith.subi %and3A_193, %sub3A_204 : vector<16xi32>
        %jit3A_206 = arith.constant 19456 : i32
        %broadcast_in_dim3A_207 = vector.broadcast %jit3A_206 : i32 to vector<16xi32>
        %select_n3A_208 = arith.select %lt3A_179, %sub3A_205, %broadcast_in_dim3A_207 : vector<16xi1>, vector<16xi32>
        %swap3A_209 = arith.constant 16 : index
        %swap3A_210 = tpu.vector_load %arg7[%swap3A_209] {strides = array<i32>} : memref<64xi32, #tpu.memory_space<vmem>>, vector<16xi32>,
        tpu.vector_store %arg7[%swap3A_209], %select_n3A_208 {strides = array<i32>} : memref<64xi32, #tpu.memory_space<vmem>>, vector<16xi32>,
        %and3A_211 = arith.constant 4095 : i32
        %and3A_212 = vector.broadcast %and3A_211 : i32 to vector<16xi32>
        %and3A_213 = arith.andi %get3A_183, %and3A_212 : vector<16xi32>
        %add3A_214 = vector.broadcast %add3A_48 : i32 to vector<16xi32>
        %add3A_215 = arith.addi %add3A_214, %and3A_213 : vector<16xi32>
        %jit3A_216 = arith.constant 0 : i32
        %broadcast_in_dim3A_217 = vector.broadcast %jit3A_216 : i32 to vector<16xi32>
        %select_n3A_218 = arith.select %lt3A_179, %add3A_215, %broadcast_in_dim3A_217 : vector<16xi1>, vector<16xi32>
        %swap3A_219 = arith.constant 16 : index
        %swap3A_220 = tpu.vector_load %arg8[%swap3A_219] {strides = array<i32>} : memref<64xi32, #tpu.memory_space<vmem>>, vector<16xi32>,
        tpu.vector_store %arg8[%swap3A_219], %select_n3A_218 {strides = array<i32>} : memref<64xi32, #tpu.memory_space<vmem>>, vector<16xi32>,
        %jit3A_221 = arith.constant 0.000000e+00 : f32
        %broadcast_in_dim3A_222 = vector.broadcast %jit3A_221 : f32 to vector<16xf32>
        %select_n3A_223 = arith.select %lt3A_179, %div3A_203, %broadcast_in_dim3A_222 : vector<16xi1>, vector<16xf32>
        %swap3A_224 = arith.constant 16 : index
        %swap3A_225 = tpu.vector_load %arg9[%swap3A_224] {strides = array<i32>} : memref<64xf32, #tpu.memory_space<vmem>>, vector<16xf32>,
        tpu.vector_store %arg9[%swap3A_224], %select_n3A_223 {strides = array<i32>} : memref<64xf32, #tpu.memory_space<vmem>>, vector<16xf32>,
        %add3A_226 = arith.constant 32 : i32
        %add3A_227 = arith.addi %mul3A_126, %add3A_226 : i32
        %add3A_228 = vector.broadcast %add3A_227 : i32 to vector<16xi32>
        %add3A_229 = arith.addi %add3A_228, %iota3A : vector<16xi32>
        %lt3A_230 = vector.broadcast %scan3A_68 : i32 to vector<16xi32>
        %lt3A_231 = arith.cmpi slt, %add3A_229, %lt3A_230 : vector<16xi32>
        %add3A_232 = arith.constant 32 : i32
        %add3A_233 = arith.addi %mul3A_126, %add3A_232 : i32
        %get3A_234 = arith.index_cast %add3A_233 : i32 to index
        %get3A_235 = tpu.vector_load %arg6[%get3A_234] {strides = array<i32>} : memref<4736xi32, #tpu.memory_space<vmem>>, vector<16xi32>,
        %shift_right_arithmetic3A_236 = arith.constant 12 : i32
        %shift_right_arithmetic3A_237 = vector.broadcast %shift_right_arithmetic3A_236 : i32 to vector<16xi32>
        %shift_right_arithmetic3A_238 = arith.shrsi %get3A_235, %shift_right_arithmetic3A_237 : vector<16xi32>
        %and3A_239 = arith.constant 4095 : i32
        %and3A_240 = vector.broadcast %and3A_239 : i32 to vector<16xi32>
        %and3A_241 = arith.andi %get3A_235, %and3A_240 : vector<16xi32>
        %gather3A_242 = tpu.vector_load_idx %arg5[%shift_right_arithmetic3A_238, %and3A_241] masked %lt3A_231 : memref<9x4096xi32, #tpu.memory_space<vmem>>[vector<16xi32>, vector<16xi32>], vector<16xi32>, vector<16xi1>
        %and3A_243 = arith.constant 524287 : i32
        %and3A_244 = vector.broadcast %and3A_243 : i32 to vector<16xi32>
        %and3A_245 = arith.andi %gather3A_242, %and3A_244 : vector<16xi32>
        %shift_right_arithmetic3A_246 = arith.constant 19 : i32
        %shift_right_arithmetic3A_247 = vector.broadcast %shift_right_arithmetic3A_246 : i32 to vector<16xi32>
        %shift_right_arithmetic3A_248 = arith.shrsi %gather3A_242, %shift_right_arithmetic3A_247 : vector<16xi32>
        %and3A_249 = arith.constant 8191 : i32
        %and3A_250 = vector.broadcast %and3A_249 : i32 to vector<16xi32>
        %and3A_251 = arith.andi %shift_right_arithmetic3A_248, %and3A_250 : vector<16xi32>
        %convert_element_type3A_252 = arith.sitofp %and3A_251 : vector<16xi32> to vector<16xf32>
        %div3A_253 = arith.constant 8.192000e+03 : f32
        %div3A_254 = vector.broadcast %div3A_253 : f32 to vector<16xf32>
        %div3A_255 = arith.divf %convert_element_type3A_252, %div3A_254 : vector<16xf32>
        %sub3A_256 = vector.broadcast %mul3A_43 : i32 to vector<16xi32>
        %sub3A_257 = arith.subi %and3A_245, %sub3A_256 : vector<16xi32>
        %jit3A_258 = arith.constant 19456 : i32
        %broadcast_in_dim3A_259 = vector.broadcast %jit3A_258 : i32 to vector<16xi32>
        %select_n3A_260 = arith.select %lt3A_231, %sub3A_257, %broadcast_in_dim3A_259 : vector<16xi1>, vector<16xi32>
        %swap3A_261 = arith.constant 32 : index
        %swap3A_262 = tpu.vector_load %arg7[%swap3A_261] {strides = array<i32>} : memref<64xi32, #tpu.memory_space<vmem>>, vector<16xi32>,
        tpu.vector_store %arg7[%swap3A_261], %select_n3A_260 {strides = array<i32>} : memref<64xi32, #tpu.memory_space<vmem>>, vector<16xi32>,
        %and3A_263 = arith.constant 4095 : i32
        %and3A_264 = vector.broadcast %and3A_263 : i32 to vector<16xi32>
        %and3A_265 = arith.andi %get3A_235, %and3A_264 : vector<16xi32>
        %add3A_266 = vector.broadcast %add3A_48 : i32 to vector<16xi32>
        %add3A_267 = arith.addi %add3A_266, %and3A_265 : vector<16xi32>
        %jit3A_268 = arith.constant 0 : i32
        %broadcast_in_dim3A_269 = vector.broadcast %jit3A_268 : i32 to vector<16xi32>
        %select_n3A_270 = arith.select %lt3A_231, %add3A_267, %broadcast_in_dim3A_269 : vector<16xi1>, vector<16xi32>
        %swap3A_271 = arith.constant 32 : index
        %swap3A_272 = tpu.vector_load %arg8[%swap3A_271] {strides = array<i32>} : memref<64xi32, #tpu.memory_space<vmem>>, vector<16xi32>,
        tpu.vector_store %arg8[%swap3A_271], %select_n3A_270 {strides = array<i32>} : memref<64xi32, #tpu.memory_space<vmem>>, vector<16xi32>,
        %jit3A_273 = arith.constant 0.000000e+00 : f32
        %broadcast_in_dim3A_274 = vector.broadcast %jit3A_273 : f32 to vector<16xf32>
        %select_n3A_275 = arith.select %lt3A_231, %div3A_255, %broadcast_in_dim3A_274 : vector<16xi1>, vector<16xf32>
        %swap3A_276 = arith.constant 32 : index
        %swap3A_277 = tpu.vector_load %arg9[%swap3A_276] {strides = array<i32>} : memref<64xf32, #tpu.memory_space<vmem>>, vector<16xf32>,
        tpu.vector_store %arg9[%swap3A_276], %select_n3A_275 {strides = array<i32>} : memref<64xf32, #tpu.memory_space<vmem>>, vector<16xf32>,
        %add3A_278 = arith.constant 48 : i32
        %add3A_279 = arith.addi %mul3A_126, %add3A_278 : i32
        %add3A_280 = vector.broadcast %add3A_279 : i32 to vector<16xi32>
        %add3A_281 = arith.addi %add3A_280, %iota3A : vector<16xi32>
        %lt3A_282 = vector.broadcast %scan3A_68 : i32 to vector<16xi32>
        %lt3A_283 = arith.cmpi slt, %add3A_281, %lt3A_282 : vector<16xi32>
        %add3A_284 = arith.constant 48 : i32
        %add3A_285 = arith.addi %mul3A_126, %add3A_284 : i32
        %get3A_286 = arith.index_cast %add3A_285 : i32 to index
        %get3A_287 = tpu.vector_load %arg6[%get3A_286] {strides = array<i32>} : memref<4736xi32, #tpu.memory_space<vmem>>, vector<16xi32>,
        %shift_right_arithmetic3A_288 = arith.constant 12 : i32
        %shift_right_arithmetic3A_289 = vector.broadcast %shift_right_arithmetic3A_288 : i32 to vector<16xi32>
        %shift_right_arithmetic3A_290 = arith.shrsi %get3A_287, %shift_right_arithmetic3A_289 : vector<16xi32>
        %and3A_291 = arith.constant 4095 : i32
        %and3A_292 = vector.broadcast %and3A_291 : i32 to vector<16xi32>
        %and3A_293 = arith.andi %get3A_287, %and3A_292 : vector<16xi32>
        %gather3A_294 = tpu.vector_load_idx %arg5[%shift_right_arithmetic3A_290, %and3A_293] masked %lt3A_283 : memref<9x4096xi32, #tpu.memory_space<vmem>>[vector<16xi32>, vector<16xi32>], vector<16xi32>, vector<16xi1>
        %and3A_295 = arith.constant 524287 : i32
        %and3A_296 = vector.broadcast %and3A_295 : i32 to vector<16xi32>
        %and3A_297 = arith.andi %gather3A_294, %and3A_296 : vector<16xi32>
        %shift_right_arithmetic3A_298 = arith.constant 19 : i32
        %shift_right_arithmetic3A_299 = vector.broadcast %shift_right_arithmetic3A_298 : i32 to vector<16xi32>
        %shift_right_arithmetic3A_300 = arith.shrsi %gather3A_294, %shift_right_arithmetic3A_299 : vector<16xi32>
        %and3A_301 = arith.constant 8191 : i32
        %and3A_302 = vector.broadcast %and3A_301 : i32 to vector<16xi32>
        %and3A_303 = arith.andi %shift_right_arithmetic3A_300, %and3A_302 : vector<16xi32>
        %convert_element_type3A_304 = arith.sitofp %and3A_303 : vector<16xi32> to vector<16xf32>
        %div3A_305 = arith.constant 8.192000e+03 : f32
        %div3A_306 = vector.broadcast %div3A_305 : f32 to vector<16xf32>
        %div3A_307 = arith.divf %convert_element_type3A_304, %div3A_306 : vector<16xf32>
        %sub3A_308 = vector.broadcast %mul3A_43 : i32 to vector<16xi32>
        %sub3A_309 = arith.subi %and3A_297, %sub3A_308 : vector<16xi32>
        %jit3A_310 = arith.constant 19456 : i32
        %broadcast_in_dim3A_311 = vector.broadcast %jit3A_310 : i32 to vector<16xi32>
        %select_n3A_312 = arith.select %lt3A_283, %sub3A_309, %broadcast_in_dim3A_311 : vector<16xi1>, vector<16xi32>
        %swap3A_313 = arith.constant 48 : index
        %swap3A_314 = tpu.vector_load %arg7[%swap3A_313] {strides = array<i32>} : memref<64xi32, #tpu.memory_space<vmem>>, vector<16xi32>,
        tpu.vector_store %arg7[%swap3A_313], %select_n3A_312 {strides = array<i32>} : memref<64xi32, #tpu.memory_space<vmem>>, vector<16xi32>,
        %and3A_315 = arith.constant 4095 : i32
        %and3A_316 = vector.broadcast %and3A_315 : i32 to vector<16xi32>
        %and3A_317 = arith.andi %get3A_287, %and3A_316 : vector<16xi32>
        %add3A_318 = vector.broadcast %add3A_48 : i32 to vector<16xi32>
        %add3A_319 = arith.addi %add3A_318, %and3A_317 : vector<16xi32>
        %jit3A_320 = arith.constant 0 : i32
        %broadcast_in_dim3A_321 = vector.broadcast %jit3A_320 : i32 to vector<16xi32>
        %select_n3A_322 = arith.select %lt3A_283, %add3A_319, %broadcast_in_dim3A_321 : vector<16xi1>, vector<16xi32>
        %swap3A_323 = arith.constant 48 : index
        %swap3A_324 = tpu.vector_load %arg8[%swap3A_323] {strides = array<i32>} : memref<64xi32, #tpu.memory_space<vmem>>, vector<16xi32>,
        tpu.vector_store %arg8[%swap3A_323], %select_n3A_322 {strides = array<i32>} : memref<64xi32, #tpu.memory_space<vmem>>, vector<16xi32>,
        %jit3A_325 = arith.constant 0.000000e+00 : f32
        %broadcast_in_dim3A_326 = vector.broadcast %jit3A_325 : f32 to vector<16xf32>
        %select_n3A_327 = arith.select %lt3A_283, %div3A_307, %broadcast_in_dim3A_326 : vector<16xi1>, vector<16xf32>
        %swap3A_328 = arith.constant 48 : index
        %swap3A_329 = tpu.vector_load %arg9[%swap3A_328] {strides = array<i32>} : memref<64xf32, #tpu.memory_space<vmem>>, vector<16xf32>,
        tpu.vector_store %arg9[%swap3A_328], %select_n3A_327 {strides = array<i32>} : memref<64xf32, #tpu.memory_space<vmem>>, vector<16xf32>,
        %dma_start3A = arith.constant 0 : i32
        %dma_start3A_330 = arith.constant 0 : i32
        %dma_start3A_331 = tpu.memref_slice %arg3[%dma_start3A, %dma_start3A_330] : memref<131072x64xf32, #tpu.memory_space<hbm>> -> memref<131072x64xf32, #tpu.memory_space<hbm>>
        tpu.enqueue_indirect_dma source(%dma_start3A_331 : memref<131072x64xf32, #tpu.memory_space<hbm>>) target(%arg10 : memref<64x64xf32, #tpu.memory_space<vmem>>) offsets(%arg8 : memref<64xi32, #tpu.memory_space<vmem>>) semaphore(%arg12 : memref<!tpu.dma_semaphore, #tpu.memory_space<semaphore_mem>>)
        %dma_wait3A = arith.constant 0 : i32
        %dma_wait3A_332 = arith.constant 0 : i32
        %dma_wait3A_333 = tpu.memref_slice %arg3[%dma_wait3A, %dma_wait3A_332] : memref<131072x64xf32, #tpu.memory_space<hbm>> -> memref<131072x64xf32, #tpu.memory_space<hbm>>
        tpu.wait_indirect_dma semaphore(%arg12 : memref<!tpu.dma_semaphore, #tpu.memory_space<semaphore_mem>>) src(%dma_wait3A_333 : memref<131072x64xf32, #tpu.memory_space<hbm>>) dst(%arg10 : memref<64x64xf32, #tpu.memory_space<vmem>>)
        %scan3A_334 = arith.constant 0 : i32
        %scan3A_335 = arith.constant 0 : i32
        %scan3A_336 = arith.constant 4 : i32
        %scan3A_337 = arith.addi %scan3A_335, %scan3A_336 : i32
        %scan3A_338 = arith.constant 1 : i32
        %scan3A_339 = scf.for %scan3A_342 = %scan3A_335 to %scan3A_337 step %scan3A_338 iter_args(%scan3A_343 = %scan3A_334) -> (i32)  : i32 {
          %mul3A_344 = arith.constant 16 : i32
          %mul3A_345 = arith.muli %scan3A_342, %mul3A_344 : i32
          %get3A_346 = arith.index_cast %mul3A_345 : i32 to index
          %get3A_347 = tpu.vector_load %arg9[%get3A_346] {strides = array<i32>} : memref<64xf32, #tpu.memory_space<vmem>>, vector<16xf32>,
          %broadcast_in_dim3A_348 = arith.constant 0 : i32
          %broadcast_in_dim3A_349 = vector.broadcast %broadcast_in_dim3A_348 : i32 to vector<16x1xi32>
          %gather3A_350 = vector.shape_cast %broadcast_in_dim3A_349 : vector<16x1xi32> to vector<16xi32>
          %gather3A_351 = tpu.dynamic_gather %get3A_347[%gather3A_350] in [0] : vector<16xf32>, vector<16xi32> -> vector<16xf32>
          %mul3A_352 = arith.constant 16 : i32
          %mul3A_353 = arith.muli %scan3A_342, %mul3A_352 : i32
          %add3A_354 = arith.constant 0 : i32
          %add3A_355 = arith.addi %mul3A_353, %add3A_354 : i32
          %get3A_356 = arith.index_cast %add3A_355 : i32 to index
          %get3A_357 = arith.constant 0 : index
          %get3A_358 = tpu.vector_load %arg10[%get3A_356, %get3A_357] {strides = array<i32>} : memref<64x64xf32, #tpu.memory_space<vmem>>, vector<16xf32>,
          %mul3A_359 = arith.mulf %get3A_358, %gather3A_351 : vector<16xf32>
          %swap3A_360 = arith.index_cast %add3A_355 : i32 to index
          %swap3A_361 = arith.constant 0 : index
          %swap3A_362 = tpu.vector_load %arg10[%swap3A_360, %swap3A_361] {strides = array<i32>} : memref<64x64xf32, #tpu.memory_space<vmem>>, vector<16xf32>,
          tpu.vector_store %arg10[%swap3A_360, %swap3A_361], %mul3A_359 {strides = array<i32>} : memref<64x64xf32, #tpu.memory_space<vmem>>, vector<16xf32>,
          %get3A_363 = arith.index_cast %add3A_355 : i32 to index
          %get3A_364 = arith.constant 16 : index
          %get3A_365 = tpu.vector_load %arg10[%get3A_363, %get3A_364] {strides = array<i32>} : memref<64x64xf32, #tpu.memory_space<vmem>>, vector<16xf32>,
          %mul3A_366 = arith.mulf %get3A_365, %gather3A_351 : vector<16xf32>
          %swap3A_367 = arith.index_cast %add3A_355 : i32 to index
          %swap3A_368 = arith.constant 16 : index
          %swap3A_369 = tpu.vector_load %arg10[%swap3A_367, %swap3A_368] {strides = array<i32>} : memref<64x64xf32, #tpu.memory_space<vmem>>, vector<16xf32>,
          tpu.vector_store %arg10[%swap3A_367, %swap3A_368], %mul3A_366 {strides = array<i32>} : memref<64x64xf32, #tpu.memory_space<vmem>>, vector<16xf32>,
          %get3A_370 = arith.index_cast %add3A_355 : i32 to index
          %get3A_371 = arith.constant 32 : index
          %get3A_372 = tpu.vector_load %arg10[%get3A_370, %get3A_371] {strides = array<i32>} : memref<64x64xf32, #tpu.memory_space<vmem>>, vector<16xf32>,
          %mul3A_373 = arith.mulf %get3A_372, %gather3A_351 : vector<16xf32>
          %swap3A_374 = arith.index_cast %add3A_355 : i32 to index
          %swap3A_375 = arith.constant 32 : index
          %swap3A_376 = tpu.vector_load %arg10[%swap3A_374, %swap3A_375] {strides = array<i32>} : memref<64x64xf32, #tpu.memory_space<vmem>>, vector<16xf32>,
          tpu.vector_store %arg10[%swap3A_374, %swap3A_375], %mul3A_373 {strides = array<i32>} : memref<64x64xf32, #tpu.memory_space<vmem>>, vector<16xf32>,
          %get3A_377 = arith.index_cast %add3A_355 : i32 to index
          %get3A_378 = arith.constant 48 : index
          %get3A_379 = tpu.vector_load %arg10[%get3A_377, %get3A_378] {strides = array<i32>} : memref<64x64xf32, #tpu.memory_space<vmem>>, vector<16xf32>,
          %mul3A_380 = arith.mulf %get3A_379, %gather3A_351 : vector<16xf32>
          %swap3A_381 = arith.index_cast %add3A_355 : i32 to index
          %swap3A_382 = arith.constant 48 : index
          %swap3A_383 = tpu.vector_load %arg10[%swap3A_381, %swap3A_382] {strides = array<i32>} : memref<64x64xf32, #tpu.memory_space<vmem>>, vector<16xf32>,
          tpu.vector_store %arg10[%swap3A_381, %swap3A_382], %mul3A_380 {strides = array<i32>} : memref<64x64xf32, #tpu.memory_space<vmem>>, vector<16xf32>,
          %broadcast_in_dim3A_384 = arith.constant 1 : i32
          %broadcast_in_dim3A_385 = vector.broadcast %broadcast_in_dim3A_384 : i32 to vector<16x1xi32>
          %gather3A_386 = vector.shape_cast %broadcast_in_dim3A_385 : vector<16x1xi32> to vector<16xi32>
          %gather3A_387 = tpu.dynamic_gather %get3A_347[%gather3A_386] in [0] : vector<16xf32>, vector<16xi32> -> vector<16xf32>
          %mul3A_388 = arith.constant 16 : i32
          %mul3A_389 = arith.muli %scan3A_342, %mul3A_388 : i32
          %add3A_390 = arith.constant 1 : i32
          %add3A_391 = arith.addi %mul3A_389, %add3A_390 : i32
          %get3A_392 = arith.index_cast %add3A_391 : i32 to index
          %get3A_393 = arith.constant 0 : index
          %get3A_394 = tpu.vector_load %arg10[%get3A_392, %get3A_393] {strides = array<i32>} : memref<64x64xf32, #tpu.memory_space<vmem>>, vector<16xf32>,
          %mul3A_395 = arith.mulf %get3A_394, %gather3A_387 : vector<16xf32>
          %swap3A_396 = arith.index_cast %add3A_391 : i32 to index
          %swap3A_397 = arith.constant 0 : index
          %swap3A_398 = tpu.vector_load %arg10[%swap3A_396, %swap3A_397] {strides = array<i32>} : memref<64x64xf32, #tpu.memory_space<vmem>>, vector<16xf32>,
          tpu.vector_store %arg10[%swap3A_396, %swap3A_397], %mul3A_395 {strides = array<i32>} : memref<64x64xf32, #tpu.memory_space<vmem>>, vector<16xf32>,
          %get3A_399 = arith.index_cast %add3A_391 : i32 to index
          %get3A_400 = arith.constant 16 : index
          %get3A_401 = tpu.vector_load %arg10[%get3A_399, %get3A_400] {strides = array<i32>} : memref<64x64xf32, #tpu.memory_space<vmem>>, vector<16xf32>,
          %mul3A_402 = arith.mulf %get3A_401, %gather3A_387 : vector<16xf32>
          %swap3A_403 = arith.index_cast %add3A_391 : i32 to index
          %swap3A_404 = arith.constant 16 : index
          %swap3A_405 = tpu.vector_load %arg10[%swap3A_403, %swap3A_404] {strides = array<i32>} : memref<64x64xf32, #tpu.memory_space<vmem>>, vector<16xf32>,
          tpu.vector_store %arg10[%swap3A_403, %swap3A_404], %mul3A_402 {strides = array<i32>} : memref<64x64xf32, #tpu.memory_space<vmem>>, vector<16xf32>,
          %get3A_406 = arith.index_cast %add3A_391 : i32 to index
          %get3A_407 = arith.constant 32 : index
          %get3A_408 = tpu.vector_load %arg10[%get3A_406, %get3A_407] {strides = array<i32>} : memref<64x64xf32, #tpu.memory_space<vmem>>, vector<16xf32>,
          %mul3A_409 = arith.mulf %get3A_408, %gather3A_387 : vector<16xf32>
          %swap3A_410 = arith.index_cast %add3A_391 : i32 to index
          %swap3A_411 = arith.constant 32 : index
          %swap3A_412 = tpu.vector_load %arg10[%swap3A_410, %swap3A_411] {strides = array<i32>} : memref<64x64xf32, #tpu.memory_space<vmem>>, vector<16xf32>,
          tpu.vector_store %arg10[%swap3A_410, %swap3A_411], %mul3A_409 {strides = array<i32>} : memref<64x64xf32, #tpu.memory_space<vmem>>, vector<16xf32>,
          %get3A_413 = arith.index_cast %add3A_391 : i32 to index
          %get3A_414 = arith.constant 48 : index
          %get3A_415 = tpu.vector_load %arg10[%get3A_413, %get3A_414] {strides = array<i32>} : memref<64x64xf32, #tpu.memory_space<vmem>>, vector<16xf32>,
          %mul3A_416 = arith.mulf %get3A_415, %gather3A_387 : vector<16xf32>
          %swap3A_417 = arith.index_cast %add3A_391 : i32 to index
          %swap3A_418 = arith.constant 48 : index
          %swap3A_419 = tpu.vector_load %arg10[%swap3A_417, %swap3A_418] {strides = array<i32>} : memref<64x64xf32, #tpu.memory_space<vmem>>, vector<16xf32>,
          tpu.vector_store %arg10[%swap3A_417, %swap3A_418], %mul3A_416 {strides = array<i32>} : memref<64x64xf32, #tpu.memory_space<vmem>>, vector<16xf32>,
          %broadcast_in_dim3A_420 = arith.constant 2 : i32
          %broadcast_in_dim3A_421 = vector.broadcast %broadcast_in_dim3A_420 : i32 to vector<16x1xi32>
          %gather3A_422 = vector.shape_cast %broadcast_in_dim3A_421 : vector<16x1xi32> to vector<16xi32>
          %gather3A_423 = tpu.dynamic_gather %get3A_347[%gather3A_422] in [0] : vector<16xf32>, vector<16xi32> -> vector<16xf32>
          %mul3A_424 = arith.constant 16 : i32
          %mul3A_425 = arith.muli %scan3A_342, %mul3A_424 : i32
          %add3A_426 = arith.constant 2 : i32
          %add3A_427 = arith.addi %mul3A_425, %add3A_426 : i32
          %get3A_428 = arith.index_cast %add3A_427 : i32 to index
          %get3A_429 = arith.constant 0 : index
          %get3A_430 = tpu.vector_load %arg10[%get3A_428, %get3A_429] {strides = array<i32>} : memref<64x64xf32, #tpu.memory_space<vmem>>, vector<16xf32>,
          %mul3A_431 = arith.mulf %get3A_430, %gather3A_423 : vector<16xf32>
          %swap3A_432 = arith.index_cast %add3A_427 : i32 to index
          %swap3A_433 = arith.constant 0 : index
          %swap3A_434 = tpu.vector_load %arg10[%swap3A_432, %swap3A_433] {strides = array<i32>} : memref<64x64xf32, #tpu.memory_space<vmem>>, vector<16xf32>,
          tpu.vector_store %arg10[%swap3A_432, %swap3A_433], %mul3A_431 {strides = array<i32>} : memref<64x64xf32, #tpu.memory_space<vmem>>, vector<16xf32>,
          %get3A_435 = arith.index_cast %add3A_427 : i32 to index
          %get3A_436 = arith.constant 16 : index
          %get3A_437 = tpu.vector_load %arg10[%get3A_435, %get3A_436] {strides = array<i32>} : memref<64x64xf32, #tpu.memory_space<vmem>>, vector<16xf32>,
          %mul3A_438 = arith.mulf %get3A_437, %gather3A_423 : vector<16xf32>
          %swap3A_439 = arith.index_cast %add3A_427 : i32 to index
          %swap3A_440 = arith.constant 16 : index
          %swap3A_441 = tpu.vector_load %arg10[%swap3A_439, %swap3A_440] {strides = array<i32>} : memref<64x64xf32, #tpu.memory_space<vmem>>, vector<16xf32>,
          tpu.vector_store %arg10[%swap3A_439, %swap3A_440], %mul3A_438 {strides = array<i32>} : memref<64x64xf32, #tpu.memory_space<vmem>>, vector<16xf32>,
          %get3A_442 = arith.index_cast %add3A_427 : i32 to index
          %get3A_443 = arith.constant 32 : index
          %get3A_444 = tpu.vector_load %arg10[%get3A_442, %get3A_443] {strides = array<i32>} : memref<64x64xf32, #tpu.memory_space<vmem>>, vector<16xf32>,
          %mul3A_445 = arith.mulf %get3A_444, %gather3A_423 : vector<16xf32>
          %swap3A_446 = arith.index_cast %add3A_427 : i32 to index
          %swap3A_447 = arith.constant 32 : index
          %swap3A_448 = tpu.vector_load %arg10[%swap3A_446, %swap3A_447] {strides = array<i32>} : memref<64x64xf32, #tpu.memory_space<vmem>>, vector<16xf32>,
          tpu.vector_store %arg10[%swap3A_446, %swap3A_447], %mul3A_445 {strides = array<i32>} : memref<64x64xf32, #tpu.memory_space<vmem>>, vector<16xf32>,
          %get3A_449 = arith.index_cast %add3A_427 : i32 to index
          %get3A_450 = arith.constant 48 : index
          %get3A_451 = tpu.vector_load %arg10[%get3A_449, %get3A_450] {strides = array<i32>} : memref<64x64xf32, #tpu.memory_space<vmem>>, vector<16xf32>,
          %mul3A_452 = arith.mulf %get3A_451, %gather3A_423 : vector<16xf32>
          %swap3A_453 = arith.index_cast %add3A_427 : i32 to index
          %swap3A_454 = arith.constant 48 : index
          %swap3A_455 = tpu.vector_load %arg10[%swap3A_453, %swap3A_454] {strides = array<i32>} : memref<64x64xf32, #tpu.memory_space<vmem>>, vector<16xf32>,
          tpu.vector_store %arg10[%swap3A_453, %swap3A_454], %mul3A_452 {strides = array<i32>} : memref<64x64xf32, #tpu.memory_space<vmem>>, vector<16xf32>,
          %broadcast_in_dim3A_456 = arith.constant 3 : i32
          %broadcast_in_dim3A_457 = vector.broadcast %broadcast_in_dim3A_456 : i32 to vector<16x1xi32>
          %gather3A_458 = vector.shape_cast %broadcast_in_dim3A_457 : vector<16x1xi32> to vector<16xi32>
          %gather3A_459 = tpu.dynamic_gather %get3A_347[%gather3A_458] in [0] : vector<16xf32>, vector<16xi32> -> vector<16xf32>
          %mul3A_460 = arith.constant 16 : i32
          %mul3A_461 = arith.muli %scan3A_342, %mul3A_460 : i32
          %add3A_462 = arith.constant 3 : i32
          %add3A_463 = arith.addi %mul3A_461, %add3A_462 : i32
          %get3A_464 = arith.index_cast %add3A_463 : i32 to index
          %get3A_465 = arith.constant 0 : index
          %get3A_466 = tpu.vector_load %arg10[%get3A_464, %get3A_465] {strides = array<i32>} : memref<64x64xf32, #tpu.memory_space<vmem>>, vector<16xf32>,
          %mul3A_467 = arith.mulf %get3A_466, %gather3A_459 : vector<16xf32>
          %swap3A_468 = arith.index_cast %add3A_463 : i32 to index
          %swap3A_469 = arith.constant 0 : index
          %swap3A_470 = tpu.vector_load %arg10[%swap3A_468, %swap3A_469] {strides = array<i32>} : memref<64x64xf32, #tpu.memory_space<vmem>>, vector<16xf32>,
          tpu.vector_store %arg10[%swap3A_468, %swap3A_469], %mul3A_467 {strides = array<i32>} : memref<64x64xf32, #tpu.memory_space<vmem>>, vector<16xf32>,
          %get3A_471 = arith.index_cast %add3A_463 : i32 to index
          %get3A_472 = arith.constant 16 : index
          %get3A_473 = tpu.vector_load %arg10[%get3A_471, %get3A_472] {strides = array<i32>} : memref<64x64xf32, #tpu.memory_space<vmem>>, vector<16xf32>,
          %mul3A_474 = arith.mulf %get3A_473, %gather3A_459 : vector<16xf32>
          %swap3A_475 = arith.index_cast %add3A_463 : i32 to index
          %swap3A_476 = arith.constant 16 : index
          %swap3A_477 = tpu.vector_load %arg10[%swap3A_475, %swap3A_476] {strides = array<i32>} : memref<64x64xf32, #tpu.memory_space<vmem>>, vector<16xf32>,
          tpu.vector_store %arg10[%swap3A_475, %swap3A_476], %mul3A_474 {strides = array<i32>} : memref<64x64xf32, #tpu.memory_space<vmem>>, vector<16xf32>,
          %get3A_478 = arith.index_cast %add3A_463 : i32 to index
          %get3A_479 = arith.constant 32 : index
          %get3A_480 = tpu.vector_load %arg10[%get3A_478, %get3A_479] {strides = array<i32>} : memref<64x64xf32, #tpu.memory_space<vmem>>, vector<16xf32>,
          %mul3A_481 = arith.mulf %get3A_480, %gather3A_459 : vector<16xf32>
          %swap3A_482 = arith.index_cast %add3A_463 : i32 to index
          %swap3A_483 = arith.constant 32 : index
          %swap3A_484 = tpu.vector_load %arg10[%swap3A_482, %swap3A_483] {strides = array<i32>} : memref<64x64xf32, #tpu.memory_space<vmem>>, vector<16xf32>,
          tpu.vector_store %arg10[%swap3A_482, %swap3A_483], %mul3A_481 {strides = array<i32>} : memref<64x64xf32, #tpu.memory_space<vmem>>, vector<16xf32>,
          %get3A_485 = arith.index_cast %add3A_463 : i32 to index
          %get3A_486 = arith.constant 48 : index
          %get3A_487 = tpu.vector_load %arg10[%get3A_485, %get3A_486] {strides = array<i32>} : memref<64x64xf32, #tpu.memory_space<vmem>>, vector<16xf32>,
          %mul3A_488 = arith.mulf %get3A_487, %gather3A_459 : vector<16xf32>
          %swap3A_489 = arith.index_cast %add3A_463 : i32 to index
          %swap3A_490 = arith.constant 48 : index
          %swap3A_491 = tpu.vector_load %arg10[%swap3A_489, %swap3A_490] {strides = array<i32>} : memref<64x64xf32, #tpu.memory_space<vmem>>, vector<16xf32>,
          tpu.vector_store %arg10[%swap3A_489, %swap3A_490], %mul3A_488 {strides = array<i32>} : memref<64x64xf32, #tpu.memory_space<vmem>>, vector<16xf32>,
          %broadcast_in_dim3A_492 = arith.constant 4 : i32
          %broadcast_in_dim3A_493 = vector.broadcast %broadcast_in_dim3A_492 : i32 to vector<16x1xi32>
          %gather3A_494 = vector.shape_cast %broadcast_in_dim3A_493 : vector<16x1xi32> to vector<16xi32>
          %gather3A_495 = tpu.dynamic_gather %get3A_347[%gather3A_494] in [0] : vector<16xf32>, vector<16xi32> -> vector<16xf32>
          %mul3A_496 = arith.constant 16 : i32
          %mul3A_497 = arith.muli %scan3A_342, %mul3A_496 : i32
          %add3A_498 = arith.constant 4 : i32
          %add3A_499 = arith.addi %mul3A_497, %add3A_498 : i32
          %get3A_500 = arith.index_cast %add3A_499 : i32 to index
          %get3A_501 = arith.constant 0 : index
          %get3A_502 = tpu.vector_load %arg10[%get3A_500, %get3A_501] {strides = array<i32>} : memref<64x64xf32, #tpu.memory_space<vmem>>, vector<16xf32>,
          %mul3A_503 = arith.mulf %get3A_502, %gather3A_495 : vector<16xf32>
          %swap3A_504 = arith.index_cast %add3A_499 : i32 to index
          %swap3A_505 = arith.constant 0 : index
          %swap3A_506 = tpu.vector_load %arg10[%swap3A_504, %swap3A_505] {strides = array<i32>} : memref<64x64xf32, #tpu.memory_space<vmem>>, vector<16xf32>,
          tpu.vector_store %arg10[%swap3A_504, %swap3A_505], %mul3A_503 {strides = array<i32>} : memref<64x64xf32, #tpu.memory_space<vmem>>, vector<16xf32>,
          %get3A_507 = arith.index_cast %add3A_499 : i32 to index
          %get3A_508 = arith.constant 16 : index
          %get3A_509 = tpu.vector_load %arg10[%get3A_507, %get3A_508] {strides = array<i32>} : memref<64x64xf32, #tpu.memory_space<vmem>>, vector<16xf32>,
          %mul3A_510 = arith.mulf %get3A_509, %gather3A_495 : vector<16xf32>
          %swap3A_511 = arith.index_cast %add3A_499 : i32 to index
          %swap3A_512 = arith.constant 16 : index
          %swap3A_513 = tpu.vector_load %arg10[%swap3A_511, %swap3A_512] {strides = array<i32>} : memref<64x64xf32, #tpu.memory_space<vmem>>, vector<16xf32>,
          tpu.vector_store %arg10[%swap3A_511, %swap3A_512], %mul3A_510 {strides = array<i32>} : memref<64x64xf32, #tpu.memory_space<vmem>>, vector<16xf32>,
          %get3A_514 = arith.index_cast %add3A_499 : i32 to index
          %get3A_515 = arith.constant 32 : index
          %get3A_516 = tpu.vector_load %arg10[%get3A_514, %get3A_515] {strides = array<i32>} : memref<64x64xf32, #tpu.memory_space<vmem>>, vector<16xf32>,
          %mul3A_517 = arith.mulf %get3A_516, %gather3A_495 : vector<16xf32>
          %swap3A_518 = arith.index_cast %add3A_499 : i32 to index
          %swap3A_519 = arith.constant 32 : index
          %swap3A_520 = tpu.vector_load %arg10[%swap3A_518, %swap3A_519] {strides = array<i32>} : memref<64x64xf32, #tpu.memory_space<vmem>>, vector<16xf32>,
          tpu.vector_store %arg10[%swap3A_518, %swap3A_519], %mul3A_517 {strides = array<i32>} : memref<64x64xf32, #tpu.memory_space<vmem>>, vector<16xf32>,
          %get3A_521 = arith.index_cast %add3A_499 : i32 to index
          %get3A_522 = arith.constant 48 : index
          %get3A_523 = tpu.vector_load %arg10[%get3A_521, %get3A_522] {strides = array<i32>} : memref<64x64xf32, #tpu.memory_space<vmem>>, vector<16xf32>,
          %mul3A_524 = arith.mulf %get3A_523, %gather3A_495 : vector<16xf32>
          %swap3A_525 = arith.index_cast %add3A_499 : i32 to index
          %swap3A_526 = arith.constant 48 : index
          %swap3A_527 = tpu.vector_load %arg10[%swap3A_525, %swap3A_526] {strides = array<i32>} : memref<64x64xf32, #tpu.memory_space<vmem>>, vector<16xf32>,
          tpu.vector_store %arg10[%swap3A_525, %swap3A_526], %mul3A_524 {strides = array<i32>} : memref<64x64xf32, #tpu.memory_space<vmem>>, vector<16xf32>,
          %broadcast_in_dim3A_528 = arith.constant 5 : i32
          %broadcast_in_dim3A_529 = vector.broadcast %broadcast_in_dim3A_528 : i32 to vector<16x1xi32>
          %gather3A_530 = vector.shape_cast %broadcast_in_dim3A_529 : vector<16x1xi32> to vector<16xi32>
          %gather3A_531 = tpu.dynamic_gather %get3A_347[%gather3A_530] in [0] : vector<16xf32>, vector<16xi32> -> vector<16xf32>
          %mul3A_532 = arith.constant 16 : i32
          %mul3A_533 = arith.muli %scan3A_342, %mul3A_532 : i32
          %add3A_534 = arith.constant 5 : i32
          %add3A_535 = arith.addi %mul3A_533, %add3A_534 : i32
          %get3A_536 = arith.index_cast %add3A_535 : i32 to index
          %get3A_537 = arith.constant 0 : index
          %get3A_538 = tpu.vector_load %arg10[%get3A_536, %get3A_537] {strides = array<i32>} : memref<64x64xf32, #tpu.memory_space<vmem>>, vector<16xf32>,
          %mul3A_539 = arith.mulf %get3A_538, %gather3A_531 : vector<16xf32>
          %swap3A_540 = arith.index_cast %add3A_535 : i32 to index
          %swap3A_541 = arith.constant 0 : index
          %swap3A_542 = tpu.vector_load %arg10[%swap3A_540, %swap3A_541] {strides = array<i32>} : memref<64x64xf32, #tpu.memory_space<vmem>>, vector<16xf32>,
          tpu.vector_store %arg10[%swap3A_540, %swap3A_541], %mul3A_539 {strides = array<i32>} : memref<64x64xf32, #tpu.memory_space<vmem>>, vector<16xf32>,
          %get3A_543 = arith.index_cast %add3A_535 : i32 to index
          %get3A_544 = arith.constant 16 : index
          %get3A_545 = tpu.vector_load %arg10[%get3A_543, %get3A_544] {strides = array<i32>} : memref<64x64xf32, #tpu.memory_space<vmem>>, vector<16xf32>,
          %mul3A_546 = arith.mulf %get3A_545, %gather3A_531 : vector<16xf32>
          %swap3A_547 = arith.index_cast %add3A_535 : i32 to index
          %swap3A_548 = arith.constant 16 : index
          %swap3A_549 = tpu.vector_load %arg10[%swap3A_547, %swap3A_548] {strides = array<i32>} : memref<64x64xf32, #tpu.memory_space<vmem>>, vector<16xf32>,
          tpu.vector_store %arg10[%swap3A_547, %swap3A_548], %mul3A_546 {strides = array<i32>} : memref<64x64xf32, #tpu.memory_space<vmem>>, vector<16xf32>,
          %get3A_550 = arith.index_cast %add3A_535 : i32 to index
          %get3A_551 = arith.constant 32 : index
          %get3A_552 = tpu.vector_load %arg10[%get3A_550, %get3A_551] {strides = array<i32>} : memref<64x64xf32, #tpu.memory_space<vmem>>, vector<16xf32>,
          %mul3A_553 = arith.mulf %get3A_552, %gather3A_531 : vector<16xf32>
          %swap3A_554 = arith.index_cast %add3A_535 : i32 to index
          %swap3A_555 = arith.constant 32 : index
          %swap3A_556 = tpu.vector_load %arg10[%swap3A_554, %swap3A_555] {strides = array<i32>} : memref<64x64xf32, #tpu.memory_space<vmem>>, vector<16xf32>,
          tpu.vector_store %arg10[%swap3A_554, %swap3A_555], %mul3A_553 {strides = array<i32>} : memref<64x64xf32, #tpu.memory_space<vmem>>, vector<16xf32>,
          %get3A_557 = arith.index_cast %add3A_535 : i32 to index
          %get3A_558 = arith.constant 48 : index
          %get3A_559 = tpu.vector_load %arg10[%get3A_557, %get3A_558] {strides = array<i32>} : memref<64x64xf32, #tpu.memory_space<vmem>>, vector<16xf32>,
          %mul3A_560 = arith.mulf %get3A_559, %gather3A_531 : vector<16xf32>
          %swap3A_561 = arith.index_cast %add3A_535 : i32 to index
          %swap3A_562 = arith.constant 48 : index
          %swap3A_563 = tpu.vector_load %arg10[%swap3A_561, %swap3A_562] {strides = array<i32>} : memref<64x64xf32, #tpu.memory_space<vmem>>, vector<16xf32>,
          tpu.vector_store %arg10[%swap3A_561, %swap3A_562], %mul3A_560 {strides = array<i32>} : memref<64x64xf32, #tpu.memory_space<vmem>>, vector<16xf32>,
          %broadcast_in_dim3A_564 = arith.constant 6 : i32
          %broadcast_in_dim3A_565 = vector.broadcast %broadcast_in_dim3A_564 : i32 to vector<16x1xi32>
          %gather3A_566 = vector.shape_cast %broadcast_in_dim3A_565 : vector<16x1xi32> to vector<16xi32>
          %gather3A_567 = tpu.dynamic_gather %get3A_347[%gather3A_566] in [0] : vector<16xf32>, vector<16xi32> -> vector<16xf32>
          %mul3A_568 = arith.constant 16 : i32
          %mul3A_569 = arith.muli %scan3A_342, %mul3A_568 : i32
          %add3A_570 = arith.constant 6 : i32
          %add3A_571 = arith.addi %mul3A_569, %add3A_570 : i32
          %get3A_572 = arith.index_cast %add3A_571 : i32 to index
          %get3A_573 = arith.constant 0 : index
          %get3A_574 = tpu.vector_load %arg10[%get3A_572, %get3A_573] {strides = array<i32>} : memref<64x64xf32, #tpu.memory_space<vmem>>, vector<16xf32>,
          %mul3A_575 = arith.mulf %get3A_574, %gather3A_567 : vector<16xf32>
          %swap3A_576 = arith.index_cast %add3A_571 : i32 to index
          %swap3A_577 = arith.constant 0 : index
          %swap3A_578 = tpu.vector_load %arg10[%swap3A_576, %swap3A_577] {strides = array<i32>} : memref<64x64xf32, #tpu.memory_space<vmem>>, vector<16xf32>,
          tpu.vector_store %arg10[%swap3A_576, %swap3A_577], %mul3A_575 {strides = array<i32>} : memref<64x64xf32, #tpu.memory_space<vmem>>, vector<16xf32>,
          %get3A_579 = arith.index_cast %add3A_571 : i32 to index
          %get3A_580 = arith.constant 16 : index
          %get3A_581 = tpu.vector_load %arg10[%get3A_579, %get3A_580] {strides = array<i32>} : memref<64x64xf32, #tpu.memory_space<vmem>>, vector<16xf32>,
          %mul3A_582 = arith.mulf %get3A_581, %gather3A_567 : vector<16xf32>
          %swap3A_583 = arith.index_cast %add3A_571 : i32 to index
          %swap3A_584 = arith.constant 16 : index
          %swap3A_585 = tpu.vector_load %arg10[%swap3A_583, %swap3A_584] {strides = array<i32>} : memref<64x64xf32, #tpu.memory_space<vmem>>, vector<16xf32>,
          tpu.vector_store %arg10[%swap3A_583, %swap3A_584], %mul3A_582 {strides = array<i32>} : memref<64x64xf32, #tpu.memory_space<vmem>>, vector<16xf32>,
          %get3A_586 = arith.index_cast %add3A_571 : i32 to index
          %get3A_587 = arith.constant 32 : index
          %get3A_588 = tpu.vector_load %arg10[%get3A_586, %get3A_587] {strides = array<i32>} : memref<64x64xf32, #tpu.memory_space<vmem>>, vector<16xf32>,
          %mul3A_589 = arith.mulf %get3A_588, %gather3A_567 : vector<16xf32>
          %swap3A_590 = arith.index_cast %add3A_571 : i32 to index
          %swap3A_591 = arith.constant 32 : index
          %swap3A_592 = tpu.vector_load %arg10[%swap3A_590, %swap3A_591] {strides = array<i32>} : memref<64x64xf32, #tpu.memory_space<vmem>>, vector<16xf32>,
          tpu.vector_store %arg10[%swap3A_590, %swap3A_591], %mul3A_589 {strides = array<i32>} : memref<64x64xf32, #tpu.memory_space<vmem>>, vector<16xf32>,
          %get3A_593 = arith.index_cast %add3A_571 : i32 to index
          %get3A_594 = arith.constant 48 : index
          %get3A_595 = tpu.vector_load %arg10[%get3A_593, %get3A_594] {strides = array<i32>} : memref<64x64xf32, #tpu.memory_space<vmem>>, vector<16xf32>,
          %mul3A_596 = arith.mulf %get3A_595, %gather3A_567 : vector<16xf32>
          %swap3A_597 = arith.index_cast %add3A_571 : i32 to index
          %swap3A_598 = arith.constant 48 : index
          %swap3A_599 = tpu.vector_load %arg10[%swap3A_597, %swap3A_598] {strides = array<i32>} : memref<64x64xf32, #tpu.memory_space<vmem>>, vector<16xf32>,
          tpu.vector_store %arg10[%swap3A_597, %swap3A_598], %mul3A_596 {strides = array<i32>} : memref<64x64xf32, #tpu.memory_space<vmem>>, vector<16xf32>,
          %broadcast_in_dim3A_600 = arith.constant 7 : i32
          %broadcast_in_dim3A_601 = vector.broadcast %broadcast_in_dim3A_600 : i32 to vector<16x1xi32>
          %gather3A_602 = vector.shape_cast %broadcast_in_dim3A_601 : vector<16x1xi32> to vector<16xi32>
          %gather3A_603 = tpu.dynamic_gather %get3A_347[%gather3A_602] in [0] : vector<16xf32>, vector<16xi32> -> vector<16xf32>
          %mul3A_604 = arith.constant 16 : i32
          %mul3A_605 = arith.muli %scan3A_342, %mul3A_604 : i32
          %add3A_606 = arith.constant 7 : i32
          %add3A_607 = arith.addi %mul3A_605, %add3A_606 : i32
          %get3A_608 = arith.index_cast %add3A_607 : i32 to index
          %get3A_609 = arith.constant 0 : index
          %get3A_610 = tpu.vector_load %arg10[%get3A_608, %get3A_609] {strides = array<i32>} : memref<64x64xf32, #tpu.memory_space<vmem>>, vector<16xf32>,
          %mul3A_611 = arith.mulf %get3A_610, %gather3A_603 : vector<16xf32>
          %swap3A_612 = arith.index_cast %add3A_607 : i32 to index
          %swap3A_613 = arith.constant 0 : index
          %swap3A_614 = tpu.vector_load %arg10[%swap3A_612, %swap3A_613] {strides = array<i32>} : memref<64x64xf32, #tpu.memory_space<vmem>>, vector<16xf32>,
          tpu.vector_store %arg10[%swap3A_612, %swap3A_613], %mul3A_611 {strides = array<i32>} : memref<64x64xf32, #tpu.memory_space<vmem>>, vector<16xf32>,
          %get3A_615 = arith.index_cast %add3A_607 : i32 to index
          %get3A_616 = arith.constant 16 : index
          %get3A_617 = tpu.vector_load %arg10[%get3A_615, %get3A_616] {strides = array<i32>} : memref<64x64xf32, #tpu.memory_space<vmem>>, vector<16xf32>,
          %mul3A_618 = arith.mulf %get3A_617, %gather3A_603 : vector<16xf32>
          %swap3A_619 = arith.index_cast %add3A_607 : i32 to index
          %swap3A_620 = arith.constant 16 : index
          %swap3A_621 = tpu.vector_load %arg10[%swap3A_619, %swap3A_620] {strides = array<i32>} : memref<64x64xf32, #tpu.memory_space<vmem>>, vector<16xf32>,
          tpu.vector_store %arg10[%swap3A_619, %swap3A_620], %mul3A_618 {strides = array<i32>} : memref<64x64xf32, #tpu.memory_space<vmem>>, vector<16xf32>,
          %get3A_622 = arith.index_cast %add3A_607 : i32 to index
          %get3A_623 = arith.constant 32 : index
          %get3A_624 = tpu.vector_load %arg10[%get3A_622, %get3A_623] {strides = array<i32>} : memref<64x64xf32, #tpu.memory_space<vmem>>, vector<16xf32>,
          %mul3A_625 = arith.mulf %get3A_624, %gather3A_603 : vector<16xf32>
          %swap3A_626 = arith.index_cast %add3A_607 : i32 to index
          %swap3A_627 = arith.constant 32 : index
          %swap3A_628 = tpu.vector_load %arg10[%swap3A_626, %swap3A_627] {strides = array<i32>} : memref<64x64xf32, #tpu.memory_space<vmem>>, vector<16xf32>,
          tpu.vector_store %arg10[%swap3A_626, %swap3A_627], %mul3A_625 {strides = array<i32>} : memref<64x64xf32, #tpu.memory_space<vmem>>, vector<16xf32>,
          %get3A_629 = arith.index_cast %add3A_607 : i32 to index
          %get3A_630 = arith.constant 48 : index
          %get3A_631 = tpu.vector_load %arg10[%get3A_629, %get3A_630] {strides = array<i32>} : memref<64x64xf32, #tpu.memory_space<vmem>>, vector<16xf32>,
          %mul3A_632 = arith.mulf %get3A_631, %gather3A_603 : vector<16xf32>
          %swap3A_633 = arith.index_cast %add3A_607 : i32 to index
          %swap3A_634 = arith.constant 48 : index
          %swap3A_635 = tpu.vector_load %arg10[%swap3A_633, %swap3A_634] {strides = array<i32>} : memref<64x64xf32, #tpu.memory_space<vmem>>, vector<16xf32>,
          tpu.vector_store %arg10[%swap3A_633, %swap3A_634], %mul3A_632 {strides = array<i32>} : memref<64x64xf32, #tpu.memory_space<vmem>>, vector<16xf32>,
          %broadcast_in_dim3A_636 = arith.constant 8 : i32
          %broadcast_in_dim3A_637 = vector.broadcast %broadcast_in_dim3A_636 : i32 to vector<16x1xi32>
          %gather3A_638 = vector.shape_cast %broadcast_in_dim3A_637 : vector<16x1xi32> to vector<16xi32>
          %gather3A_639 = tpu.dynamic_gather %get3A_347[%gather3A_638] in [0] : vector<16xf32>, vector<16xi32> -> vector<16xf32>
          %mul3A_640 = arith.constant 16 : i32
          %mul3A_641 = arith.muli %scan3A_342, %mul3A_640 : i32
          %add3A_642 = arith.constant 8 : i32
          %add3A_643 = arith.addi %mul3A_641, %add3A_642 : i32
          %get3A_644 = arith.index_cast %add3A_643 : i32 to index
          %get3A_645 = arith.constant 0 : index
          %get3A_646 = tpu.vector_load %arg10[%get3A_644, %get3A_645] {strides = array<i32>} : memref<64x64xf32, #tpu.memory_space<vmem>>, vector<16xf32>,
          %mul3A_647 = arith.mulf %get3A_646, %gather3A_639 : vector<16xf32>
          %swap3A_648 = arith.index_cast %add3A_643 : i32 to index
          %swap3A_649 = arith.constant 0 : index
          %swap3A_650 = tpu.vector_load %arg10[%swap3A_648, %swap3A_649] {strides = array<i32>} : memref<64x64xf32, #tpu.memory_space<vmem>>, vector<16xf32>,
          tpu.vector_store %arg10[%swap3A_648, %swap3A_649], %mul3A_647 {strides = array<i32>} : memref<64x64xf32, #tpu.memory_space<vmem>>, vector<16xf32>,
          %get3A_651 = arith.index_cast %add3A_643 : i32 to index
          %get3A_652 = arith.constant 16 : index
          %get3A_653 = tpu.vector_load %arg10[%get3A_651, %get3A_652] {strides = array<i32>} : memref<64x64xf32, #tpu.memory_space<vmem>>, vector<16xf32>,
          %mul3A_654 = arith.mulf %get3A_653, %gather3A_639 : vector<16xf32>
          %swap3A_655 = arith.index_cast %add3A_643 : i32 to index
          %swap3A_656 = arith.constant 16 : index
          %swap3A_657 = tpu.vector_load %arg10[%swap3A_655, %swap3A_656] {strides = array<i32>} : memref<64x64xf32, #tpu.memory_space<vmem>>, vector<16xf32>,
          tpu.vector_store %arg10[%swap3A_655, %swap3A_656], %mul3A_654 {strides = array<i32>} : memref<64x64xf32, #tpu.memory_space<vmem>>, vector<16xf32>,
          %get3A_658 = arith.index_cast %add3A_643 : i32 to index
          %get3A_659 = arith.constant 32 : index
          %get3A_660 = tpu.vector_load %arg10[%get3A_658, %get3A_659] {strides = array<i32>} : memref<64x64xf32, #tpu.memory_space<vmem>>, vector<16xf32>,
          %mul3A_661 = arith.mulf %get3A_660, %gather3A_639 : vector<16xf32>
          %swap3A_662 = arith.index_cast %add3A_643 : i32 to index
          %swap3A_663 = arith.constant 32 : index
          %swap3A_664 = tpu.vector_load %arg10[%swap3A_662, %swap3A_663] {strides = array<i32>} : memref<64x64xf32, #tpu.memory_space<vmem>>, vector<16xf32>,
          tpu.vector_store %arg10[%swap3A_662, %swap3A_663], %mul3A_661 {strides = array<i32>} : memref<64x64xf32, #tpu.memory_space<vmem>>, vector<16xf32>,
          %get3A_665 = arith.index_cast %add3A_643 : i32 to index
          %get3A_666 = arith.constant 48 : index
          %get3A_667 = tpu.vector_load %arg10[%get3A_665, %get3A_666] {strides = array<i32>} : memref<64x64xf32, #tpu.memory_space<vmem>>, vector<16xf32>,
          %mul3A_668 = arith.mulf %get3A_667, %gather3A_639 : vector<16xf32>
          %swap3A_669 = arith.index_cast %add3A_643 : i32 to index
          %swap3A_670 = arith.constant 48 : index
          %swap3A_671 = tpu.vector_load %arg10[%swap3A_669, %swap3A_670] {strides = array<i32>} : memref<64x64xf32, #tpu.memory_space<vmem>>, vector<16xf32>,
          tpu.vector_store %arg10[%swap3A_669, %swap3A_670], %mul3A_668 {strides = array<i32>} : memref<64x64xf32, #tpu.memory_space<vmem>>, vector<16xf32>,
          %broadcast_in_dim3A_672 = arith.constant 9 : i32
          %broadcast_in_dim3A_673 = vector.broadcast %broadcast_in_dim3A_672 : i32 to vector<16x1xi32>
          %gather3A_674 = vector.shape_cast %broadcast_in_dim3A_673 : vector<16x1xi32> to vector<16xi32>
          %gather3A_675 = tpu.dynamic_gather %get3A_347[%gather3A_674] in [0] : vector<16xf32>, vector<16xi32> -> vector<16xf32>
          %mul3A_676 = arith.constant 16 : i32
          %mul3A_677 = arith.muli %scan3A_342, %mul3A_676 : i32
          %add3A_678 = arith.constant 9 : i32
          %add3A_679 = arith.addi %mul3A_677, %add3A_678 : i32
          %get3A_680 = arith.index_cast %add3A_679 : i32 to index
          %get3A_681 = arith.constant 0 : index
          %get3A_682 = tpu.vector_load %arg10[%get3A_680, %get3A_681] {strides = array<i32>} : memref<64x64xf32, #tpu.memory_space<vmem>>, vector<16xf32>,
          %mul3A_683 = arith.mulf %get3A_682, %gather3A_675 : vector<16xf32>
          %swap3A_684 = arith.index_cast %add3A_679 : i32 to index
          %swap3A_685 = arith.constant 0 : index
          %swap3A_686 = tpu.vector_load %arg10[%swap3A_684, %swap3A_685] {strides = array<i32>} : memref<64x64xf32, #tpu.memory_space<vmem>>, vector<16xf32>,
          tpu.vector_store %arg10[%swap3A_684, %swap3A_685], %mul3A_683 {strides = array<i32>} : memref<64x64xf32, #tpu.memory_space<vmem>>, vector<16xf32>,
          %get3A_687 = arith.index_cast %add3A_679 : i32 to index
          %get3A_688 = arith.constant 16 : index
          %get3A_689 = tpu.vector_load %arg10[%get3A_687, %get3A_688] {strides = array<i32>} : memref<64x64xf32, #tpu.memory_space<vmem>>, vector<16xf32>,
          %mul3A_690 = arith.mulf %get3A_689, %gather3A_675 : vector<16xf32>
          %swap3A_691 = arith.index_cast %add3A_679 : i32 to index
          %swap3A_692 = arith.constant 16 : index
          %swap3A_693 = tpu.vector_load %arg10[%swap3A_691, %swap3A_692] {strides = array<i32>} : memref<64x64xf32, #tpu.memory_space<vmem>>, vector<16xf32>,
          tpu.vector_store %arg10[%swap3A_691, %swap3A_692], %mul3A_690 {strides = array<i32>} : memref<64x64xf32, #tpu.memory_space<vmem>>, vector<16xf32>,
          %get3A_694 = arith.index_cast %add3A_679 : i32 to index
          %get3A_695 = arith.constant 32 : index
          %get3A_696 = tpu.vector_load %arg10[%get3A_694, %get3A_695] {strides = array<i32>} : memref<64x64xf32, #tpu.memory_space<vmem>>, vector<16xf32>,
          %mul3A_697 = arith.mulf %get3A_696, %gather3A_675 : vector<16xf32>
          %swap3A_698 = arith.index_cast %add3A_679 : i32 to index
          %swap3A_699 = arith.constant 32 : index
          %swap3A_700 = tpu.vector_load %arg10[%swap3A_698, %swap3A_699] {strides = array<i32>} : memref<64x64xf32, #tpu.memory_space<vmem>>, vector<16xf32>,
          tpu.vector_store %arg10[%swap3A_698, %swap3A_699], %mul3A_697 {strides = array<i32>} : memref<64x64xf32, #tpu.memory_space<vmem>>, vector<16xf32>,
          %get3A_701 = arith.index_cast %add3A_679 : i32 to index
          %get3A_702 = arith.constant 48 : index
          %get3A_703 = tpu.vector_load %arg10[%get3A_701, %get3A_702] {strides = array<i32>} : memref<64x64xf32, #tpu.memory_space<vmem>>, vector<16xf32>,
          %mul3A_704 = arith.mulf %get3A_703, %gather3A_675 : vector<16xf32>
          %swap3A_705 = arith.index_cast %add3A_679 : i32 to index
          %swap3A_706 = arith.constant 48 : index
          %swap3A_707 = tpu.vector_load %arg10[%swap3A_705, %swap3A_706] {strides = array<i32>} : memref<64x64xf32, #tpu.memory_space<vmem>>, vector<16xf32>,
          tpu.vector_store %arg10[%swap3A_705, %swap3A_706], %mul3A_704 {strides = array<i32>} : memref<64x64xf32, #tpu.memory_space<vmem>>, vector<16xf32>,
          %broadcast_in_dim3A_708 = arith.constant 10 : i32
          %broadcast_in_dim3A_709 = vector.broadcast %broadcast_in_dim3A_708 : i32 to vector<16x1xi32>
          %gather3A_710 = vector.shape_cast %broadcast_in_dim3A_709 : vector<16x1xi32> to vector<16xi32>
          %gather3A_711 = tpu.dynamic_gather %get3A_347[%gather3A_710] in [0] : vector<16xf32>, vector<16xi32> -> vector<16xf32>
          %mul3A_712 = arith.constant 16 : i32
          %mul3A_713 = arith.muli %scan3A_342, %mul3A_712 : i32
          %add3A_714 = arith.constant 10 : i32
          %add3A_715 = arith.addi %mul3A_713, %add3A_714 : i32
          %get3A_716 = arith.index_cast %add3A_715 : i32 to index
          %get3A_717 = arith.constant 0 : index
          %get3A_718 = tpu.vector_load %arg10[%get3A_716, %get3A_717] {strides = array<i32>} : memref<64x64xf32, #tpu.memory_space<vmem>>, vector<16xf32>,
          %mul3A_719 = arith.mulf %get3A_718, %gather3A_711 : vector<16xf32>
          %swap3A_720 = arith.index_cast %add3A_715 : i32 to index
          %swap3A_721 = arith.constant 0 : index
          %swap3A_722 = tpu.vector_load %arg10[%swap3A_720, %swap3A_721] {strides = array<i32>} : memref<64x64xf32, #tpu.memory_space<vmem>>, vector<16xf32>,
          tpu.vector_store %arg10[%swap3A_720, %swap3A_721], %mul3A_719 {strides = array<i32>} : memref<64x64xf32, #tpu.memory_space<vmem>>, vector<16xf32>,
          %get3A_723 = arith.index_cast %add3A_715 : i32 to index
          %get3A_724 = arith.constant 16 : index
          %get3A_725 = tpu.vector_load %arg10[%get3A_723, %get3A_724] {strides = array<i32>} : memref<64x64xf32, #tpu.memory_space<vmem>>, vector<16xf32>,
          %mul3A_726 = arith.mulf %get3A_725, %gather3A_711 : vector<16xf32>
          %swap3A_727 = arith.index_cast %add3A_715 : i32 to index
          %swap3A_728 = arith.constant 16 : index
          %swap3A_729 = tpu.vector_load %arg10[%swap3A_727, %swap3A_728] {strides = array<i32>} : memref<64x64xf32, #tpu.memory_space<vmem>>, vector<16xf32>,
          tpu.vector_store %arg10[%swap3A_727, %swap3A_728], %mul3A_726 {strides = array<i32>} : memref<64x64xf32, #tpu.memory_space<vmem>>, vector<16xf32>,
          %get3A_730 = arith.index_cast %add3A_715 : i32 to index
          %get3A_731 = arith.constant 32 : index
          %get3A_732 = tpu.vector_load %arg10[%get3A_730, %get3A_731] {strides = array<i32>} : memref<64x64xf32, #tpu.memory_space<vmem>>, vector<16xf32>,
          %mul3A_733 = arith.mulf %get3A_732, %gather3A_711 : vector<16xf32>
          %swap3A_734 = arith.index_cast %add3A_715 : i32 to index
          %swap3A_735 = arith.constant 32 : index
          %swap3A_736 = tpu.vector_load %arg10[%swap3A_734, %swap3A_735] {strides = array<i32>} : memref<64x64xf32, #tpu.memory_space<vmem>>, vector<16xf32>,
          tpu.vector_store %arg10[%swap3A_734, %swap3A_735], %mul3A_733 {strides = array<i32>} : memref<64x64xf32, #tpu.memory_space<vmem>>, vector<16xf32>,
          %get3A_737 = arith.index_cast %add3A_715 : i32 to index
          %get3A_738 = arith.constant 48 : index
          %get3A_739 = tpu.vector_load %arg10[%get3A_737, %get3A_738] {strides = array<i32>} : memref<64x64xf32, #tpu.memory_space<vmem>>, vector<16xf32>,
          %mul3A_740 = arith.mulf %get3A_739, %gather3A_711 : vector<16xf32>
          %swap3A_741 = arith.index_cast %add3A_715 : i32 to index
          %swap3A_742 = arith.constant 48 : index
          %swap3A_743 = tpu.vector_load %arg10[%swap3A_741, %swap3A_742] {strides = array<i32>} : memref<64x64xf32, #tpu.memory_space<vmem>>, vector<16xf32>,
          tpu.vector_store %arg10[%swap3A_741, %swap3A_742], %mul3A_740 {strides = array<i32>} : memref<64x64xf32, #tpu.memory_space<vmem>>, vector<16xf32>,
          %broadcast_in_dim3A_744 = arith.constant 11 : i32
          %broadcast_in_dim3A_745 = vector.broadcast %broadcast_in_dim3A_744 : i32 to vector<16x1xi32>
          %gather3A_746 = vector.shape_cast %broadcast_in_dim3A_745 : vector<16x1xi32> to vector<16xi32>
          %gather3A_747 = tpu.dynamic_gather %get3A_347[%gather3A_746] in [0] : vector<16xf32>, vector<16xi32> -> vector<16xf32>
          %mul3A_748 = arith.constant 16 : i32
          %mul3A_749 = arith.muli %scan3A_342, %mul3A_748 : i32
          %add3A_750 = arith.constant 11 : i32
          %add3A_751 = arith.addi %mul3A_749, %add3A_750 : i32
          %get3A_752 = arith.index_cast %add3A_751 : i32 to index
          %get3A_753 = arith.constant 0 : index
          %get3A_754 = tpu.vector_load %arg10[%get3A_752, %get3A_753] {strides = array<i32>} : memref<64x64xf32, #tpu.memory_space<vmem>>, vector<16xf32>,
          %mul3A_755 = arith.mulf %get3A_754, %gather3A_747 : vector<16xf32>
          %swap3A_756 = arith.index_cast %add3A_751 : i32 to index
          %swap3A_757 = arith.constant 0 : index
          %swap3A_758 = tpu.vector_load %arg10[%swap3A_756, %swap3A_757] {strides = array<i32>} : memref<64x64xf32, #tpu.memory_space<vmem>>, vector<16xf32>,
          tpu.vector_store %arg10[%swap3A_756, %swap3A_757], %mul3A_755 {strides = array<i32>} : memref<64x64xf32, #tpu.memory_space<vmem>>, vector<16xf32>,
          %get3A_759 = arith.index_cast %add3A_751 : i32 to index
          %get3A_760 = arith.constant 16 : index
          %get3A_761 = tpu.vector_load %arg10[%get3A_759, %get3A_760] {strides = array<i32>} : memref<64x64xf32, #tpu.memory_space<vmem>>, vector<16xf32>,
          %mul3A_762 = arith.mulf %get3A_761, %gather3A_747 : vector<16xf32>
          %swap3A_763 = arith.index_cast %add3A_751 : i32 to index
          %swap3A_764 = arith.constant 16 : index
          %swap3A_765 = tpu.vector_load %arg10[%swap3A_763, %swap3A_764] {strides = array<i32>} : memref<64x64xf32, #tpu.memory_space<vmem>>, vector<16xf32>,
          tpu.vector_store %arg10[%swap3A_763, %swap3A_764], %mul3A_762 {strides = array<i32>} : memref<64x64xf32, #tpu.memory_space<vmem>>, vector<16xf32>,
          %get3A_766 = arith.index_cast %add3A_751 : i32 to index
          %get3A_767 = arith.constant 32 : index
          %get3A_768 = tpu.vector_load %arg10[%get3A_766, %get3A_767] {strides = array<i32>} : memref<64x64xf32, #tpu.memory_space<vmem>>, vector<16xf32>,
          %mul3A_769 = arith.mulf %get3A_768, %gather3A_747 : vector<16xf32>
          %swap3A_770 = arith.index_cast %add3A_751 : i32 to index
          %swap3A_771 = arith.constant 32 : index
          %swap3A_772 = tpu.vector_load %arg10[%swap3A_770, %swap3A_771] {strides = array<i32>} : memref<64x64xf32, #tpu.memory_space<vmem>>, vector<16xf32>,
          tpu.vector_store %arg10[%swap3A_770, %swap3A_771], %mul3A_769 {strides = array<i32>} : memref<64x64xf32, #tpu.memory_space<vmem>>, vector<16xf32>,
          %get3A_773 = arith.index_cast %add3A_751 : i32 to index
          %get3A_774 = arith.constant 48 : index
          %get3A_775 = tpu.vector_load %arg10[%get3A_773, %get3A_774] {strides = array<i32>} : memref<64x64xf32, #tpu.memory_space<vmem>>, vector<16xf32>,
          %mul3A_776 = arith.mulf %get3A_775, %gather3A_747 : vector<16xf32>
          %swap3A_777 = arith.index_cast %add3A_751 : i32 to index
          %swap3A_778 = arith.constant 48 : index
          %swap3A_779 = tpu.vector_load %arg10[%swap3A_777, %swap3A_778] {strides = array<i32>} : memref<64x64xf32, #tpu.memory_space<vmem>>, vector<16xf32>,
          tpu.vector_store %arg10[%swap3A_777, %swap3A_778], %mul3A_776 {strides = array<i32>} : memref<64x64xf32, #tpu.memory_space<vmem>>, vector<16xf32>,
          %broadcast_in_dim3A_780 = arith.constant 12 : i32
          %broadcast_in_dim3A_781 = vector.broadcast %broadcast_in_dim3A_780 : i32 to vector<16x1xi32>
          %gather3A_782 = vector.shape_cast %broadcast_in_dim3A_781 : vector<16x1xi32> to vector<16xi32>
          %gather3A_783 = tpu.dynamic_gather %get3A_347[%gather3A_782] in [0] : vector<16xf32>, vector<16xi32> -> vector<16xf32>
          %mul3A_784 = arith.constant 16 : i32
          %mul3A_785 = arith.muli %scan3A_342, %mul3A_784 : i32
          %add3A_786 = arith.constant 12 : i32
          %add3A_787 = arith.addi %mul3A_785, %add3A_786 : i32
          %get3A_788 = arith.index_cast %add3A_787 : i32 to index
          %get3A_789 = arith.constant 0 : index
          %get3A_790 = tpu.vector_load %arg10[%get3A_788, %get3A_789] {strides = array<i32>} : memref<64x64xf32, #tpu.memory_space<vmem>>, vector<16xf32>,
          %mul3A_791 = arith.mulf %get3A_790, %gather3A_783 : vector<16xf32>
          %swap3A_792 = arith.index_cast %add3A_787 : i32 to index
          %swap3A_793 = arith.constant 0 : index
          %swap3A_794 = tpu.vector_load %arg10[%swap3A_792, %swap3A_793] {strides = array<i32>} : memref<64x64xf32, #tpu.memory_space<vmem>>, vector<16xf32>,
          tpu.vector_store %arg10[%swap3A_792, %swap3A_793], %mul3A_791 {strides = array<i32>} : memref<64x64xf32, #tpu.memory_space<vmem>>, vector<16xf32>,
          %get3A_795 = arith.index_cast %add3A_787 : i32 to index
          %get3A_796 = arith.constant 16 : index
          %get3A_797 = tpu.vector_load %arg10[%get3A_795, %get3A_796] {strides = array<i32>} : memref<64x64xf32, #tpu.memory_space<vmem>>, vector<16xf32>,
          %mul3A_798 = arith.mulf %get3A_797, %gather3A_783 : vector<16xf32>
          %swap3A_799 = arith.index_cast %add3A_787 : i32 to index
          %swap3A_800 = arith.constant 16 : index
          %swap3A_801 = tpu.vector_load %arg10[%swap3A_799, %swap3A_800] {strides = array<i32>} : memref<64x64xf32, #tpu.memory_space<vmem>>, vector<16xf32>,
          tpu.vector_store %arg10[%swap3A_799, %swap3A_800], %mul3A_798 {strides = array<i32>} : memref<64x64xf32, #tpu.memory_space<vmem>>, vector<16xf32>,
          %get3A_802 = arith.index_cast %add3A_787 : i32 to index
          %get3A_803 = arith.constant 32 : index
          %get3A_804 = tpu.vector_load %arg10[%get3A_802, %get3A_803] {strides = array<i32>} : memref<64x64xf32, #tpu.memory_space<vmem>>, vector<16xf32>,
          %mul3A_805 = arith.mulf %get3A_804, %gather3A_783 : vector<16xf32>
          %swap3A_806 = arith.index_cast %add3A_787 : i32 to index
          %swap3A_807 = arith.constant 32 : index
          %swap3A_808 = tpu.vector_load %arg10[%swap3A_806, %swap3A_807] {strides = array<i32>} : memref<64x64xf32, #tpu.memory_space<vmem>>, vector<16xf32>,
          tpu.vector_store %arg10[%swap3A_806, %swap3A_807], %mul3A_805 {strides = array<i32>} : memref<64x64xf32, #tpu.memory_space<vmem>>, vector<16xf32>,
          %get3A_809 = arith.index_cast %add3A_787 : i32 to index
          %get3A_810 = arith.constant 48 : index
          %get3A_811 = tpu.vector_load %arg10[%get3A_809, %get3A_810] {strides = array<i32>} : memref<64x64xf32, #tpu.memory_space<vmem>>, vector<16xf32>,
          %mul3A_812 = arith.mulf %get3A_811, %gather3A_783 : vector<16xf32>
          %swap3A_813 = arith.index_cast %add3A_787 : i32 to index
          %swap3A_814 = arith.constant 48 : index
          %swap3A_815 = tpu.vector_load %arg10[%swap3A_813, %swap3A_814] {strides = array<i32>} : memref<64x64xf32, #tpu.memory_space<vmem>>, vector<16xf32>,
          tpu.vector_store %arg10[%swap3A_813, %swap3A_814], %mul3A_812 {strides = array<i32>} : memref<64x64xf32, #tpu.memory_space<vmem>>, vector<16xf32>,
          %broadcast_in_dim3A_816 = arith.constant 13 : i32
          %broadcast_in_dim3A_817 = vector.broadcast %broadcast_in_dim3A_816 : i32 to vector<16x1xi32>
          %gather3A_818 = vector.shape_cast %broadcast_in_dim3A_817 : vector<16x1xi32> to vector<16xi32>
          %gather3A_819 = tpu.dynamic_gather %get3A_347[%gather3A_818] in [0] : vector<16xf32>, vector<16xi32> -> vector<16xf32>
          %mul3A_820 = arith.constant 16 : i32
          %mul3A_821 = arith.muli %scan3A_342, %mul3A_820 : i32
          %add3A_822 = arith.constant 13 : i32
          %add3A_823 = arith.addi %mul3A_821, %add3A_822 : i32
          %get3A_824 = arith.index_cast %add3A_823 : i32 to index
          %get3A_825 = arith.constant 0 : index
          %get3A_826 = tpu.vector_load %arg10[%get3A_824, %get3A_825] {strides = array<i32>} : memref<64x64xf32, #tpu.memory_space<vmem>>, vector<16xf32>,
          %mul3A_827 = arith.mulf %get3A_826, %gather3A_819 : vector<16xf32>
          %swap3A_828 = arith.index_cast %add3A_823 : i32 to index
          %swap3A_829 = arith.constant 0 : index
          %swap3A_830 = tpu.vector_load %arg10[%swap3A_828, %swap3A_829] {strides = array<i32>} : memref<64x64xf32, #tpu.memory_space<vmem>>, vector<16xf32>,
          tpu.vector_store %arg10[%swap3A_828, %swap3A_829], %mul3A_827 {strides = array<i32>} : memref<64x64xf32, #tpu.memory_space<vmem>>, vector<16xf32>,
          %get3A_831 = arith.index_cast %add3A_823 : i32 to index
          %get3A_832 = arith.constant 16 : index
          %get3A_833 = tpu.vector_load %arg10[%get3A_831, %get3A_832] {strides = array<i32>} : memref<64x64xf32, #tpu.memory_space<vmem>>, vector<16xf32>,
          %mul3A_834 = arith.mulf %get3A_833, %gather3A_819 : vector<16xf32>
          %swap3A_835 = arith.index_cast %add3A_823 : i32 to index
          %swap3A_836 = arith.constant 16 : index
          %swap3A_837 = tpu.vector_load %arg10[%swap3A_835, %swap3A_836] {strides = array<i32>} : memref<64x64xf32, #tpu.memory_space<vmem>>, vector<16xf32>,
          tpu.vector_store %arg10[%swap3A_835, %swap3A_836], %mul3A_834 {strides = array<i32>} : memref<64x64xf32, #tpu.memory_space<vmem>>, vector<16xf32>,
          %get3A_838 = arith.index_cast %add3A_823 : i32 to index
          %get3A_839 = arith.constant 32 : index
          %get3A_840 = tpu.vector_load %arg10[%get3A_838, %get3A_839] {strides = array<i32>} : memref<64x64xf32, #tpu.memory_space<vmem>>, vector<16xf32>,
          %mul3A_841 = arith.mulf %get3A_840, %gather3A_819 : vector<16xf32>
          %swap3A_842 = arith.index_cast %add3A_823 : i32 to index
          %swap3A_843 = arith.constant 32 : index
          %swap3A_844 = tpu.vector_load %arg10[%swap3A_842, %swap3A_843] {strides = array<i32>} : memref<64x64xf32, #tpu.memory_space<vmem>>, vector<16xf32>,
          tpu.vector_store %arg10[%swap3A_842, %swap3A_843], %mul3A_841 {strides = array<i32>} : memref<64x64xf32, #tpu.memory_space<vmem>>, vector<16xf32>,
          %get3A_845 = arith.index_cast %add3A_823 : i32 to index
          %get3A_846 = arith.constant 48 : index
          %get3A_847 = tpu.vector_load %arg10[%get3A_845, %get3A_846] {strides = array<i32>} : memref<64x64xf32, #tpu.memory_space<vmem>>, vector<16xf32>,
          %mul3A_848 = arith.mulf %get3A_847, %gather3A_819 : vector<16xf32>
          %swap3A_849 = arith.index_cast %add3A_823 : i32 to index
          %swap3A_850 = arith.constant 48 : index
          %swap3A_851 = tpu.vector_load %arg10[%swap3A_849, %swap3A_850] {strides = array<i32>} : memref<64x64xf32, #tpu.memory_space<vmem>>, vector<16xf32>,
          tpu.vector_store %arg10[%swap3A_849, %swap3A_850], %mul3A_848 {strides = array<i32>} : memref<64x64xf32, #tpu.memory_space<vmem>>, vector<16xf32>,
          %broadcast_in_dim3A_852 = arith.constant 14 : i32
          %broadcast_in_dim3A_853 = vector.broadcast %broadcast_in_dim3A_852 : i32 to vector<16x1xi32>
          %gather3A_854 = vector.shape_cast %broadcast_in_dim3A_853 : vector<16x1xi32> to vector<16xi32>
          %gather3A_855 = tpu.dynamic_gather %get3A_347[%gather3A_854] in [0] : vector<16xf32>, vector<16xi32> -> vector<16xf32>
          %mul3A_856 = arith.constant 16 : i32
          %mul3A_857 = arith.muli %scan3A_342, %mul3A_856 : i32
          %add3A_858 = arith.constant 14 : i32
          %add3A_859 = arith.addi %mul3A_857, %add3A_858 : i32
          %get3A_860 = arith.index_cast %add3A_859 : i32 to index
          %get3A_861 = arith.constant 0 : index
          %get3A_862 = tpu.vector_load %arg10[%get3A_860, %get3A_861] {strides = array<i32>} : memref<64x64xf32, #tpu.memory_space<vmem>>, vector<16xf32>,
          %mul3A_863 = arith.mulf %get3A_862, %gather3A_855 : vector<16xf32>
          %swap3A_864 = arith.index_cast %add3A_859 : i32 to index
          %swap3A_865 = arith.constant 0 : index
          %swap3A_866 = tpu.vector_load %arg10[%swap3A_864, %swap3A_865] {strides = array<i32>} : memref<64x64xf32, #tpu.memory_space<vmem>>, vector<16xf32>,
          tpu.vector_store %arg10[%swap3A_864, %swap3A_865], %mul3A_863 {strides = array<i32>} : memref<64x64xf32, #tpu.memory_space<vmem>>, vector<16xf32>,
          %get3A_867 = arith.index_cast %add3A_859 : i32 to index
          %get3A_868 = arith.constant 16 : index
          %get3A_869 = tpu.vector_load %arg10[%get3A_867, %get3A_868] {strides = array<i32>} : memref<64x64xf32, #tpu.memory_space<vmem>>, vector<16xf32>,
          %mul3A_870 = arith.mulf %get3A_869, %gather3A_855 : vector<16xf32>
          %swap3A_871 = arith.index_cast %add3A_859 : i32 to index
          %swap3A_872 = arith.constant 16 : index
          %swap3A_873 = tpu.vector_load %arg10[%swap3A_871, %swap3A_872] {strides = array<i32>} : memref<64x64xf32, #tpu.memory_space<vmem>>, vector<16xf32>,
          tpu.vector_store %arg10[%swap3A_871, %swap3A_872], %mul3A_870 {strides = array<i32>} : memref<64x64xf32, #tpu.memory_space<vmem>>, vector<16xf32>,
          %get3A_874 = arith.index_cast %add3A_859 : i32 to index
          %get3A_875 = arith.constant 32 : index
          %get3A_876 = tpu.vector_load %arg10[%get3A_874, %get3A_875] {strides = array<i32>} : memref<64x64xf32, #tpu.memory_space<vmem>>, vector<16xf32>,
          %mul3A_877 = arith.mulf %get3A_876, %gather3A_855 : vector<16xf32>
          %swap3A_878 = arith.index_cast %add3A_859 : i32 to index
          %swap3A_879 = arith.constant 32 : index
          %swap3A_880 = tpu.vector_load %arg10[%swap3A_878, %swap3A_879] {strides = array<i32>} : memref<64x64xf32, #tpu.memory_space<vmem>>, vector<16xf32>,
          tpu.vector_store %arg10[%swap3A_878, %swap3A_879], %mul3A_877 {strides = array<i32>} : memref<64x64xf32, #tpu.memory_space<vmem>>, vector<16xf32>,
          %get3A_881 = arith.index_cast %add3A_859 : i32 to index
          %get3A_882 = arith.constant 48 : index
          %get3A_883 = tpu.vector_load %arg10[%get3A_881, %get3A_882] {strides = array<i32>} : memref<64x64xf32, #tpu.memory_space<vmem>>, vector<16xf32>,
          %mul3A_884 = arith.mulf %get3A_883, %gather3A_855 : vector<16xf32>
          %swap3A_885 = arith.index_cast %add3A_859 : i32 to index
          %swap3A_886 = arith.constant 48 : index
          %swap3A_887 = tpu.vector_load %arg10[%swap3A_885, %swap3A_886] {strides = array<i32>} : memref<64x64xf32, #tpu.memory_space<vmem>>, vector<16xf32>,
          tpu.vector_store %arg10[%swap3A_885, %swap3A_886], %mul3A_884 {strides = array<i32>} : memref<64x64xf32, #tpu.memory_space<vmem>>, vector<16xf32>,
          %broadcast_in_dim3A_888 = arith.constant 15 : i32
          %broadcast_in_dim3A_889 = vector.broadcast %broadcast_in_dim3A_888 : i32 to vector<16x1xi32>
          %gather3A_890 = vector.shape_cast %broadcast_in_dim3A_889 : vector<16x1xi32> to vector<16xi32>
          %gather3A_891 = tpu.dynamic_gather %get3A_347[%gather3A_890] in [0] : vector<16xf32>, vector<16xi32> -> vector<16xf32>
          %mul3A_892 = arith.constant 16 : i32
          %mul3A_893 = arith.muli %scan3A_342, %mul3A_892 : i32
          %add3A_894 = arith.constant 15 : i32
          %add3A_895 = arith.addi %mul3A_893, %add3A_894 : i32
          %get3A_896 = arith.index_cast %add3A_895 : i32 to index
          %get3A_897 = arith.constant 0 : index
          %get3A_898 = tpu.vector_load %arg10[%get3A_896, %get3A_897] {strides = array<i32>} : memref<64x64xf32, #tpu.memory_space<vmem>>, vector<16xf32>,
          %mul3A_899 = arith.mulf %get3A_898, %gather3A_891 : vector<16xf32>
          %swap3A_900 = arith.index_cast %add3A_895 : i32 to index
          %swap3A_901 = arith.constant 0 : index
          %swap3A_902 = tpu.vector_load %arg10[%swap3A_900, %swap3A_901] {strides = array<i32>} : memref<64x64xf32, #tpu.memory_space<vmem>>, vector<16xf32>,
          tpu.vector_store %arg10[%swap3A_900, %swap3A_901], %mul3A_899 {strides = array<i32>} : memref<64x64xf32, #tpu.memory_space<vmem>>, vector<16xf32>,
          %get3A_903 = arith.index_cast %add3A_895 : i32 to index
          %get3A_904 = arith.constant 16 : index
          %get3A_905 = tpu.vector_load %arg10[%get3A_903, %get3A_904] {strides = array<i32>} : memref<64x64xf32, #tpu.memory_space<vmem>>, vector<16xf32>,
          %mul3A_906 = arith.mulf %get3A_905, %gather3A_891 : vector<16xf32>
          %swap3A_907 = arith.index_cast %add3A_895 : i32 to index
          %swap3A_908 = arith.constant 16 : index
          %swap3A_909 = tpu.vector_load %arg10[%swap3A_907, %swap3A_908] {strides = array<i32>} : memref<64x64xf32, #tpu.memory_space<vmem>>, vector<16xf32>,
          tpu.vector_store %arg10[%swap3A_907, %swap3A_908], %mul3A_906 {strides = array<i32>} : memref<64x64xf32, #tpu.memory_space<vmem>>, vector<16xf32>,
          %get3A_910 = arith.index_cast %add3A_895 : i32 to index
          %get3A_911 = arith.constant 32 : index
          %get3A_912 = tpu.vector_load %arg10[%get3A_910, %get3A_911] {strides = array<i32>} : memref<64x64xf32, #tpu.memory_space<vmem>>, vector<16xf32>,
          %mul3A_913 = arith.mulf %get3A_912, %gather3A_891 : vector<16xf32>
          %swap3A_914 = arith.index_cast %add3A_895 : i32 to index
          %swap3A_915 = arith.constant 32 : index
          %swap3A_916 = tpu.vector_load %arg10[%swap3A_914, %swap3A_915] {strides = array<i32>} : memref<64x64xf32, #tpu.memory_space<vmem>>, vector<16xf32>,
          tpu.vector_store %arg10[%swap3A_914, %swap3A_915], %mul3A_913 {strides = array<i32>} : memref<64x64xf32, #tpu.memory_space<vmem>>, vector<16xf32>,
          %get3A_917 = arith.index_cast %add3A_895 : i32 to index
          %get3A_918 = arith.constant 48 : index
          %get3A_919 = tpu.vector_load %arg10[%get3A_917, %get3A_918] {strides = array<i32>} : memref<64x64xf32, #tpu.memory_space<vmem>>, vector<16xf32>,
          %mul3A_920 = arith.mulf %get3A_919, %gather3A_891 : vector<16xf32>
          %swap3A_921 = arith.index_cast %add3A_895 : i32 to index
          %swap3A_922 = arith.constant 48 : index
          %swap3A_923 = tpu.vector_load %arg10[%swap3A_921, %swap3A_922] {strides = array<i32>} : memref<64x64xf32, #tpu.memory_space<vmem>>, vector<16xf32>,
          tpu.vector_store %arg10[%swap3A_921, %swap3A_922], %mul3A_920 {strides = array<i32>} : memref<64x64xf32, #tpu.memory_space<vmem>>, vector<16xf32>,
          %scan3A_924 = arith.constant 0 : i32
          scf.yield %scan3A_924 : i32
        }
        %scan3A_340 = arith.constant 4 : i32
        "tpu.region"() ({
          %run_scoped3A = tpu.sem_alloc : memref<!tpu.dma_semaphore, #tpu.memory_space<semaphore_mem>>
          %dma_start3A_342 = arith.constant 0 : i32
          %dma_start3A_343 = arith.constant 0 : i32
          %dma_start3A_344 = tpu.memref_slice %arg11[%dma_start3A_342, %dma_start3A_343] : memref<19464x64xf32, #tpu.memory_space<vmem_shared>> -> memref<19464x64xf32, #tpu.memory_space<vmem_shared>>
          tpu.enqueue_indirect_dma source(%arg10 : memref<64x64xf32, #tpu.memory_space<vmem>>) target(%dma_start3A_344 : memref<19464x64xf32, #tpu.memory_space<vmem_shared>>) offsets(%arg7 : memref<64xi32, #tpu.memory_space<vmem>>) semaphore(%run_scoped3A : memref<!tpu.dma_semaphore, #tpu.memory_space<semaphore_mem>>) {add = true}
          %dma_wait3A_345 = arith.constant 0 : i32
          %dma_wait3A_346 = arith.constant 0 : i32
          %dma_wait3A_347 = tpu.memref_slice %arg11[%dma_wait3A_345, %dma_wait3A_346] : memref<19464x64xf32, #tpu.memory_space<vmem_shared>> -> memref<19464x64xf32, #tpu.memory_space<vmem_shared>>
          tpu.wait_indirect_dma semaphore(%run_scoped3A : memref<!tpu.dma_semaphore, #tpu.memory_space<semaphore_mem>>) src(%arg10 : memref<64x64xf32, #tpu.memory_space<vmem>>) dst(%dma_wait3A_347 : memref<19464x64xf32, #tpu.memory_space<vmem_shared>>)
          tpu.yield
        }) : () -> ()
        %while3A_341 = arith.constant 0 : i32
        scf.yield %while3A_341 : i32
      }
      %while3A_108 = arith.constant 1 : i32
      %while3A_109 = scf.for %while3A_123 = %while3A_105 to %while3A_101 step %while3A_108 iter_args(%while3A_124 = %while3A_107) -> (i32)  : i32 {
        %mul3A_125 = arith.constant 64 : i32
        %mul3A_126 = arith.muli %while3A_123, %mul3A_125 : i32
        %add3A_127 = arith.constant 0 : i32
        %add3A_128 = arith.addi %mul3A_126, %add3A_127 : i32
        %add3A_129 = vector.broadcast %add3A_128 : i32 to vector<16xi32>
        %add3A_130 = arith.addi %add3A_129, %iota3A : vector<16xi32>
        %lt3A_131 = vector.broadcast %scan3A_68 : i32 to vector<16xi32>
        %lt3A_132 = arith.cmpi slt, %add3A_130, %lt3A_131 : vector<16xi32>
        %add3A_133 = arith.constant 0 : i32
        %add3A_134 = arith.addi %mul3A_126, %add3A_133 : i32
        %get3A = arith.index_cast %add3A_134 : i32 to index
        %get3A_135 = tpu.vector_load %arg6[%get3A] {strides = array<i32>} : memref<4736xi32, #tpu.memory_space<vmem>>, vector<16xi32>,
        %shift_right_arithmetic3A = arith.constant 12 : i32
        %shift_right_arithmetic3A_136 = vector.broadcast %shift_right_arithmetic3A : i32 to vector<16xi32>
        %shift_right_arithmetic3A_137 = arith.shrsi %get3A_135, %shift_right_arithmetic3A_136 : vector<16xi32>
        %and3A_138 = arith.constant 4095 : i32
        %and3A_139 = vector.broadcast %and3A_138 : i32 to vector<16xi32>
        %and3A_140 = arith.andi %get3A_135, %and3A_139 : vector<16xi32>
        %gather3A = tpu.vector_load_idx %arg5[%shift_right_arithmetic3A_137, %and3A_140] masked %lt3A_132 : memref<9x4096xi32, #tpu.memory_space<vmem>>[vector<16xi32>, vector<16xi32>], vector<16xi32>, vector<16xi1>
        %and3A_141 = arith.constant 524287 : i32
        %and3A_142 = vector.broadcast %and3A_141 : i32 to vector<16xi32>
        %and3A_143 = arith.andi %gather3A, %and3A_142 : vector<16xi32>
        %shift_right_arithmetic3A_144 = arith.constant 19 : i32
        %shift_right_arithmetic3A_145 = vector.broadcast %shift_right_arithmetic3A_144 : i32 to vector<16xi32>
        %shift_right_arithmetic3A_146 = arith.shrsi %gather3A, %shift_right_arithmetic3A_145 : vector<16xi32>
        %and3A_147 = arith.constant 8191 : i32
        %and3A_148 = vector.broadcast %and3A_147 : i32 to vector<16xi32>
        %and3A_149 = arith.andi %shift_right_arithmetic3A_146, %and3A_148 : vector<16xi32>
        %convert_element_type3A = arith.sitofp %and3A_149 : vector<16xi32> to vector<16xf32>
        %div3A_150 = arith.constant 8.192000e+03 : f32
        %div3A_151 = vector.broadcast %div3A_150 : f32 to vector<16xf32>
        %div3A_152 = arith.divf %convert_element_type3A, %div3A_151 : vector<16xf32>
        %sub3A_153 = vector.broadcast %mul3A_43 : i32 to vector<16xi32>
        %sub3A_154 = arith.subi %and3A_143, %sub3A_153 : vector<16xi32>
        %jit3A_155 = arith.constant 19456 : i32
        %broadcast_in_dim3A_156 = vector.broadcast %jit3A_155 : i32 to vector<16xi32>
        %select_n3A_157 = arith.select %lt3A_132, %sub3A_154, %broadcast_in_dim3A_156 : vector<16xi1>, vector<16xi32>
        %swap3A = arith.constant 0 : index
        %swap3A_158 = tpu.vector_load %arg7[%swap3A] {strides = array<i32>} : memref<64xi32, #tpu.memory_space<vmem>>, vector<16xi32>,
        tpu.vector_store %arg7[%swap3A], %select_n3A_157 {strides = array<i32>} : memref<64xi32, #tpu.memory_space<vmem>>, vector<16xi32>,
        %and3A_159 = arith.constant 4095 : i32
        %and3A_160 = vector.broadcast %and3A_159 : i32 to vector<16xi32>
        %and3A_161 = arith.andi %get3A_135, %and3A_160 : vector<16xi32>
        %add3A_162 = vector.broadcast %add3A_48 : i32 to vector<16xi32>
        %add3A_163 = arith.addi %add3A_162, %and3A_161 : vector<16xi32>
        %jit3A_164 = arith.constant 0 : i32
        %broadcast_in_dim3A_165 = vector.broadcast %jit3A_164 : i32 to vector<16xi32>
        %select_n3A_166 = arith.select %lt3A_132, %add3A_163, %broadcast_in_dim3A_165 : vector<16xi1>, vector<16xi32>
        %swap3A_167 = arith.constant 0 : index
        %swap3A_168 = tpu.vector_load %arg8[%swap3A_167] {strides = array<i32>} : memref<64xi32, #tpu.memory_space<vmem>>, vector<16xi32>,
        tpu.vector_store %arg8[%swap3A_167], %select_n3A_166 {strides = array<i32>} : memref<64xi32, #tpu.memory_space<vmem>>, vector<16xi32>,
        %jit3A_169 = arith.constant 0.000000e+00 : f32
        %broadcast_in_dim3A_170 = vector.broadcast %jit3A_169 : f32 to vector<16xf32>
        %select_n3A_171 = arith.select %lt3A_132, %div3A_152, %broadcast_in_dim3A_170 : vector<16xi1>, vector<16xf32>
        %swap3A_172 = arith.constant 0 : index
        %swap3A_173 = tpu.vector_load %arg9[%swap3A_172] {strides = array<i32>} : memref<64xf32, #tpu.memory_space<vmem>>, vector<16xf32>,
        tpu.vector_store %arg9[%swap3A_172], %select_n3A_171 {strides = array<i32>} : memref<64xf32, #tpu.memory_space<vmem>>, vector<16xf32>,
        %add3A_174 = arith.constant 16 : i32
        %add3A_175 = arith.addi %mul3A_126, %add3A_174 : i32
        %add3A_176 = vector.broadcast %add3A_175 : i32 to vector<16xi32>
        %add3A_177 = arith.addi %add3A_176, %iota3A : vector<16xi32>
        %lt3A_178 = vector.broadcast %scan3A_68 : i32 to vector<16xi32>
        %lt3A_179 = arith.cmpi slt, %add3A_177, %lt3A_178 : vector<16xi32>
        %add3A_180 = arith.constant 16 : i32
        %add3A_181 = arith.addi %mul3A_126, %add3A_180 : i32
        %get3A_182 = arith.index_cast %add3A_181 : i32 to index
        %get3A_183 = tpu.vector_load %arg6[%get3A_182] {strides = array<i32>} : memref<4736xi32, #tpu.memory_space<vmem>>, vector<16xi32>,
        %shift_right_arithmetic3A_184 = arith.constant 12 : i32
        %shift_right_arithmetic3A_185 = vector.broadcast %shift_right_arithmetic3A_184 : i32 to vector<16xi32>
        %shift_right_arithmetic3A_186 = arith.shrsi %get3A_183, %shift_right_arithmetic3A_185 : vector<16xi32>
        %and3A_187 = arith.constant 4095 : i32
        %and3A_188 = vector.broadcast %and3A_187 : i32 to vector<16xi32>
        %and3A_189 = arith.andi %get3A_183, %and3A_188 : vector<16xi32>
        %gather3A_190 = tpu.vector_load_idx %arg5[%shift_right_arithmetic3A_186, %and3A_189] masked %lt3A_179 : memref<9x4096xi32, #tpu.memory_space<vmem>>[vector<16xi32>, vector<16xi32>], vector<16xi32>, vector<16xi1>
        %and3A_191 = arith.constant 524287 : i32
        %and3A_192 = vector.broadcast %and3A_191 : i32 to vector<16xi32>
        %and3A_193 = arith.andi %gather3A_190, %and3A_192 : vector<16xi32>
        %shift_right_arithmetic3A_194 = arith.constant 19 : i32
        %shift_right_arithmetic3A_195 = vector.broadcast %shift_right_arithmetic3A_194 : i32 to vector<16xi32>
        %shift_right_arithmetic3A_196 = arith.shrsi %gather3A_190, %shift_right_arithmetic3A_195 : vector<16xi32>
        %and3A_197 = arith.constant 8191 : i32
        %and3A_198 = vector.broadcast %and3A_197 : i32 to vector<16xi32>
        %and3A_199 = arith.andi %shift_right_arithmetic3A_196, %and3A_198 : vector<16xi32>
        %convert_element_type3A_200 = arith.sitofp %and3A_199 : vector<16xi32> to vector<16xf32>
        %div3A_201 = arith.constant 8.192000e+03 : f32
        %div3A_202 = vector.broadcast %div3A_201 : f32 to vector<16xf32>
        %div3A_203 = arith.divf %convert_element_type3A_200, %div3A_202 : vector<16xf32>
        %sub3A_204 = vector.broadcast %mul3A_43 : i32 to vector<16xi32>
        %sub3A_205 = arith.subi %and3A_193, %sub3A_204 : vector<16xi32>
        %jit3A_206 = arith.constant 19456 : i32
        %broadcast_in_dim3A_207 = vector.broadcast %jit3A_206 : i32 to vector<16xi32>
        %select_n3A_208 = arith.select %lt3A_179, %sub3A_205, %broadcast_in_dim3A_207 : vector<16xi1>, vector<16xi32>
        %swap3A_209 = arith.constant 16 : index
        %swap3A_210 = tpu.vector_load %arg7[%swap3A_209] {strides = array<i32>} : memref<64xi32, #tpu.memory_space<vmem>>, vector<16xi32>,
        tpu.vector_store %arg7[%swap3A_209], %select_n3A_208 {strides = array<i32>} : memref<64xi32, #tpu.memory_space<vmem>>, vector<16xi32>,
        %and3A_211 = arith.constant 4095 : i32
        %and3A_212 = vector.broadcast %and3A_211 : i32 to vector<16xi32>
        %and3A_213 = arith.andi %get3A_183, %and3A_212 : vector<16xi32>
        %add3A_214 = vector.broadcast %add3A_48 : i32 to vector<16xi32>
        %add3A_215 = arith.addi %add3A_214, %and3A_213 : vector<16xi32>
        %jit3A_216 = arith.constant 0 : i32
        %broadcast_in_dim3A_217 = vector.broadcast %jit3A_216 : i32 to vector<16xi32>
        %select_n3A_218 = arith.select %lt3A_179, %add3A_215, %broadcast_in_dim3A_217 : vector<16xi1>, vector<16xi32>
        %swap3A_219 = arith.constant 16 : index
        %swap3A_220 = tpu.vector_load %arg8[%swap3A_219] {strides = array<i32>} : memref<64xi32, #tpu.memory_space<vmem>>, vector<16xi32>,
        tpu.vector_store %arg8[%swap3A_219], %select_n3A_218 {strides = array<i32>} : memref<64xi32, #tpu.memory_space<vmem>>, vector<16xi32>,
        %jit3A_221 = arith.constant 0.000000e+00 : f32
        %broadcast_in_dim3A_222 = vector.broadcast %jit3A_221 : f32 to vector<16xf32>
        %select_n3A_223 = arith.select %lt3A_179, %div3A_203, %broadcast_in_dim3A_222 : vector<16xi1>, vector<16xf32>
        %swap3A_224 = arith.constant 16 : index
        %swap3A_225 = tpu.vector_load %arg9[%swap3A_224] {strides = array<i32>} : memref<64xf32, #tpu.memory_space<vmem>>, vector<16xf32>,
        tpu.vector_store %arg9[%swap3A_224], %select_n3A_223 {strides = array<i32>} : memref<64xf32, #tpu.memory_space<vmem>>, vector<16xf32>,
        %add3A_226 = arith.constant 32 : i32
        %add3A_227 = arith.addi %mul3A_126, %add3A_226 : i32
        %add3A_228 = vector.broadcast %add3A_227 : i32 to vector<16xi32>
        %add3A_229 = arith.addi %add3A_228, %iota3A : vector<16xi32>
        %lt3A_230 = vector.broadcast %scan3A_68 : i32 to vector<16xi32>
        %lt3A_231 = arith.cmpi slt, %add3A_229, %lt3A_230 : vector<16xi32>
        %add3A_232 = arith.constant 32 : i32
        %add3A_233 = arith.addi %mul3A_126, %add3A_232 : i32
        %get3A_234 = arith.index_cast %add3A_233 : i32 to index
        %get3A_235 = tpu.vector_load %arg6[%get3A_234] {strides = array<i32>} : memref<4736xi32, #tpu.memory_space<vmem>>, vector<16xi32>,
        %shift_right_arithmetic3A_236 = arith.constant 12 : i32
        %shift_right_arithmetic3A_237 = vector.broadcast %shift_right_arithmetic3A_236 : i32 to vector<16xi32>
        %shift_right_arithmetic3A_238 = arith.shrsi %get3A_235, %shift_right_arithmetic3A_237 : vector<16xi32>
        %and3A_239 = arith.constant 4095 : i32
        %and3A_240 = vector.broadcast %and3A_239 : i32 to vector<16xi32>
        %and3A_241 = arith.andi %get3A_235, %and3A_240 : vector<16xi32>
        %gather3A_242 = tpu.vector_load_idx %arg5[%shift_right_arithmetic3A_238, %and3A_241] masked %lt3A_231 : memref<9x4096xi32, #tpu.memory_space<vmem>>[vector<16xi32>, vector<16xi32>], vector<16xi32>, vector<16xi1>
        %and3A_243 = arith.constant 524287 : i32
        %and3A_244 = vector.broadcast %and3A_243 : i32 to vector<16xi32>
        %and3A_245 = arith.andi %gather3A_242, %and3A_244 : vector<16xi32>
        %shift_right_arithmetic3A_246 = arith.constant 19 : i32
        %shift_right_arithmetic3A_247 = vector.broadcast %shift_right_arithmetic3A_246 : i32 to vector<16xi32>
        %shift_right_arithmetic3A_248 = arith.shrsi %gather3A_242, %shift_right_arithmetic3A_247 : vector<16xi32>
        %and3A_249 = arith.constant 8191 : i32
        %and3A_250 = vector.broadcast %and3A_249 : i32 to vector<16xi32>
        %and3A_251 = arith.andi %shift_right_arithmetic3A_248, %and3A_250 : vector<16xi32>
        %convert_element_type3A_252 = arith.sitofp %and3A_251 : vector<16xi32> to vector<16xf32>
        %div3A_253 = arith.constant 8.192000e+03 : f32
        %div3A_254 = vector.broadcast %div3A_253 : f32 to vector<16xf32>
        %div3A_255 = arith.divf %convert_element_type3A_252, %div3A_254 : vector<16xf32>
        %sub3A_256 = vector.broadcast %mul3A_43 : i32 to vector<16xi32>
        %sub3A_257 = arith.subi %and3A_245, %sub3A_256 : vector<16xi32>
        %jit3A_258 = arith.constant 19456 : i32
        %broadcast_in_dim3A_259 = vector.broadcast %jit3A_258 : i32 to vector<16xi32>
        %select_n3A_260 = arith.select %lt3A_231, %sub3A_257, %broadcast_in_dim3A_259 : vector<16xi1>, vector<16xi32>
        %swap3A_261 = arith.constant 32 : index
        %swap3A_262 = tpu.vector_load %arg7[%swap3A_261] {strides = array<i32>} : memref<64xi32, #tpu.memory_space<vmem>>, vector<16xi32>,
        tpu.vector_store %arg7[%swap3A_261], %select_n3A_260 {strides = array<i32>} : memref<64xi32, #tpu.memory_space<vmem>>, vector<16xi32>,
        %and3A_263 = arith.constant 4095 : i32
        %and3A_264 = vector.broadcast %and3A_263 : i32 to vector<16xi32>
        %and3A_265 = arith.andi %get3A_235, %and3A_264 : vector<16xi32>
        %add3A_266 = vector.broadcast %add3A_48 : i32 to vector<16xi32>
        %add3A_267 = arith.addi %add3A_266, %and3A_265 : vector<16xi32>
        %jit3A_268 = arith.constant 0 : i32
        %broadcast_in_dim3A_269 = vector.broadcast %jit3A_268 : i32 to vector<16xi32>
        %select_n3A_270 = arith.select %lt3A_231, %add3A_267, %broadcast_in_dim3A_269 : vector<16xi1>, vector<16xi32>
        %swap3A_271 = arith.constant 32 : index
        %swap3A_272 = tpu.vector_load %arg8[%swap3A_271] {strides = array<i32>} : memref<64xi32, #tpu.memory_space<vmem>>, vector<16xi32>,
        tpu.vector_store %arg8[%swap3A_271], %select_n3A_270 {strides = array<i32>} : memref<64xi32, #tpu.memory_space<vmem>>, vector<16xi32>,
        %jit3A_273 = arith.constant 0.000000e+00 : f32
        %broadcast_in_dim3A_274 = vector.broadcast %jit3A_273 : f32 to vector<16xf32>
        %select_n3A_275 = arith.select %lt3A_231, %div3A_255, %broadcast_in_dim3A_274 : vector<16xi1>, vector<16xf32>
        %swap3A_276 = arith.constant 32 : index
        %swap3A_277 = tpu.vector_load %arg9[%swap3A_276] {strides = array<i32>} : memref<64xf32, #tpu.memory_space<vmem>>, vector<16xf32>,
        tpu.vector_store %arg9[%swap3A_276], %select_n3A_275 {strides = array<i32>} : memref<64xf32, #tpu.memory_space<vmem>>, vector<16xf32>,
        %add3A_278 = arith.constant 48 : i32
        %add3A_279 = arith.addi %mul3A_126, %add3A_278 : i32
        %add3A_280 = vector.broadcast %add3A_279 : i32 to vector<16xi32>
        %add3A_281 = arith.addi %add3A_280, %iota3A : vector<16xi32>
        %lt3A_282 = vector.broadcast %scan3A_68 : i32 to vector<16xi32>
        %lt3A_283 = arith.cmpi slt, %add3A_281, %lt3A_282 : vector<16xi32>
        %add3A_284 = arith.constant 48 : i32
        %add3A_285 = arith.addi %mul3A_126, %add3A_284 : i32
        %get3A_286 = arith.index_cast %add3A_285 : i32 to index
        %get3A_287 = tpu.vector_load %arg6[%get3A_286] {strides = array<i32>} : memref<4736xi32, #tpu.memory_space<vmem>>, vector<16xi32>,
        %shift_right_arithmetic3A_288 = arith.constant 12 : i32
        %shift_right_arithmetic3A_289 = vector.broadcast %shift_right_arithmetic3A_288 : i32 to vector<16xi32>
        %shift_right_arithmetic3A_290 = arith.shrsi %get3A_287, %shift_right_arithmetic3A_289 : vector<16xi32>
        %and3A_291 = arith.constant 4095 : i32
        %and3A_292 = vector.broadcast %and3A_291 : i32 to vector<16xi32>
        %and3A_293 = arith.andi %get3A_287, %and3A_292 : vector<16xi32>
        %gather3A_294 = tpu.vector_load_idx %arg5[%shift_right_arithmetic3A_290, %and3A_293] masked %lt3A_283 : memref<9x4096xi32, #tpu.memory_space<vmem>>[vector<16xi32>, vector<16xi32>], vector<16xi32>, vector<16xi1>
        %and3A_295 = arith.constant 524287 : i32
        %and3A_296 = vector.broadcast %and3A_295 : i32 to vector<16xi32>
        %and3A_297 = arith.andi %gather3A_294, %and3A_296 : vector<16xi32>
        %shift_right_arithmetic3A_298 = arith.constant 19 : i32
        %shift_right_arithmetic3A_299 = vector.broadcast %shift_right_arithmetic3A_298 : i32 to vector<16xi32>
        %shift_right_arithmetic3A_300 = arith.shrsi %gather3A_294, %shift_right_arithmetic3A_299 : vector<16xi32>
        %and3A_301 = arith.constant 8191 : i32
        %and3A_302 = vector.broadcast %and3A_301 : i32 to vector<16xi32>
        %and3A_303 = arith.andi %shift_right_arithmetic3A_300, %and3A_302 : vector<16xi32>
        %convert_element_type3A_304 = arith.sitofp %and3A_303 : vector<16xi32> to vector<16xf32>
        %div3A_305 = arith.constant 8.192000e+03 : f32
        %div3A_306 = vector.broadcast %div3A_305 : f32 to vector<16xf32>
        %div3A_307 = arith.divf %convert_element_type3A_304, %div3A_306 : vector<16xf32>
        %sub3A_308 = vector.broadcast %mul3A_43 : i32 to vector<16xi32>
        %sub3A_309 = arith.subi %and3A_297, %sub3A_308 : vector<16xi32>
        %jit3A_310 = arith.constant 19456 : i32
        %broadcast_in_dim3A_311 = vector.broadcast %jit3A_310 : i32 to vector<16xi32>
        %select_n3A_312 = arith.select %lt3A_283, %sub3A_309, %broadcast_in_dim3A_311 : vector<16xi1>, vector<16xi32>
        %swap3A_313 = arith.constant 48 : index
        %swap3A_314 = tpu.vector_load %arg7[%swap3A_313] {strides = array<i32>} : memref<64xi32, #tpu.memory_space<vmem>>, vector<16xi32>,
        tpu.vector_store %arg7[%swap3A_313], %select_n3A_312 {strides = array<i32>} : memref<64xi32, #tpu.memory_space<vmem>>, vector<16xi32>,
        %and3A_315 = arith.constant 4095 : i32
        %and3A_316 = vector.broadcast %and3A_315 : i32 to vector<16xi32>
        %and3A_317 = arith.andi %get3A_287, %and3A_316 : vector<16xi32>
        %add3A_318 = vector.broadcast %add3A_48 : i32 to vector<16xi32>
        %add3A_319 = arith.addi %add3A_318, %and3A_317 : vector<16xi32>
        %jit3A_320 = arith.constant 0 : i32
        %broadcast_in_dim3A_321 = vector.broadcast %jit3A_320 : i32 to vector<16xi32>
        %select_n3A_322 = arith.select %lt3A_283, %add3A_319, %broadcast_in_dim3A_321 : vector<16xi1>, vector<16xi32>
        %swap3A_323 = arith.constant 48 : index
        %swap3A_324 = tpu.vector_load %arg8[%swap3A_323] {strides = array<i32>} : memref<64xi32, #tpu.memory_space<vmem>>, vector<16xi32>,
        tpu.vector_store %arg8[%swap3A_323], %select_n3A_322 {strides = array<i32>} : memref<64xi32, #tpu.memory_space<vmem>>, vector<16xi32>,
        %jit3A_325 = arith.constant 0.000000e+00 : f32
        %broadcast_in_dim3A_326 = vector.broadcast %jit3A_325 : f32 to vector<16xf32>
        %select_n3A_327 = arith.select %lt3A_283, %div3A_307, %broadcast_in_dim3A_326 : vector<16xi1>, vector<16xf32>
        %swap3A_328 = arith.constant 48 : index
        %swap3A_329 = tpu.vector_load %arg9[%swap3A_328] {strides = array<i32>} : memref<64xf32, #tpu.memory_space<vmem>>, vector<16xf32>,
        tpu.vector_store %arg9[%swap3A_328], %select_n3A_327 {strides = array<i32>} : memref<64xf32, #tpu.memory_space<vmem>>, vector<16xf32>,
        %dma_start3A = arith.constant 0 : i32
        %dma_start3A_330 = arith.constant 0 : i32
        %dma_start3A_331 = tpu.memref_slice %arg3[%dma_start3A, %dma_start3A_330] : memref<131072x64xf32, #tpu.memory_space<hbm>> -> memref<131072x64xf32, #tpu.memory_space<hbm>>
        tpu.enqueue_indirect_dma source(%dma_start3A_331 : memref<131072x64xf32, #tpu.memory_space<hbm>>) target(%arg10 : memref<64x64xf32, #tpu.memory_space<vmem>>) offsets(%arg8 : memref<64xi32, #tpu.memory_space<vmem>>) semaphore(%arg12 : memref<!tpu.dma_semaphore, #tpu.memory_space<semaphore_mem>>)
        %dma_wait3A = arith.constant 0 : i32
        %dma_wait3A_332 = arith.constant 0 : i32
        %dma_wait3A_333 = tpu.memref_slice %arg3[%dma_wait3A, %dma_wait3A_332] : memref<131072x64xf32, #tpu.memory_space<hbm>> -> memref<131072x64xf32, #tpu.memory_space<hbm>>
        tpu.wait_indirect_dma semaphore(%arg12 : memref<!tpu.dma_semaphore, #tpu.memory_space<semaphore_mem>>) src(%dma_wait3A_333 : memref<131072x64xf32, #tpu.memory_space<hbm>>) dst(%arg10 : memref<64x64xf32, #tpu.memory_space<vmem>>)
        %scan3A_334 = arith.constant 0 : i32
        %scan3A_335 = arith.constant 0 : i32
        %scan3A_336 = arith.constant 4 : i32
        %scan3A_337 = arith.addi %scan3A_335, %scan3A_336 : i32
        %scan3A_338 = arith.constant 1 : i32
        %scan3A_339 = scf.for %scan3A_342 = %scan3A_335 to %scan3A_337 step %scan3A_338 iter_args(%scan3A_343 = %scan3A_334) -> (i32)  : i32 {
          %mul3A_344 = arith.constant 16 : i32
          %mul3A_345 = arith.muli %scan3A_342, %mul3A_344 : i32
          %get3A_346 = arith.index_cast %mul3A_345 : i32 to index
          %get3A_347 = tpu.vector_load %arg9[%get3A_346] {strides = array<i32>} : memref<64xf32, #tpu.memory_space<vmem>>, vector<16xf32>,
          %broadcast_in_dim3A_348 = arith.constant 0 : i32
          %broadcast_in_dim3A_349 = vector.broadcast %broadcast_in_dim3A_348 : i32 to vector<16x1xi32>
          %gather3A_350 = vector.shape_cast %broadcast_in_dim3A_349 : vector<16x1xi32> to vector<16xi32>
          %gather3A_351 = tpu.dynamic_gather %get3A_347[%gather3A_350] in [0] : vector<16xf32>, vector<16xi32> -> vector<16xf32>
          %mul3A_352 = arith.constant 16 : i32
          %mul3A_353 = arith.muli %scan3A_342, %mul3A_352 : i32
          %add3A_354 = arith.constant 0 : i32
          %add3A_355 = arith.addi %mul3A_353, %add3A_354 : i32
          %get3A_356 = arith.index_cast %add3A_355 : i32 to index
          %get3A_357 = arith.constant 0 : index
          %get3A_358 = tpu.vector_load %arg10[%get3A_356, %get3A_357] {strides = array<i32>} : memref<64x64xf32, #tpu.memory_space<vmem>>, vector<16xf32>,
          %mul3A_359 = arith.mulf %get3A_358, %gather3A_351 : vector<16xf32>
          %swap3A_360 = arith.index_cast %add3A_355 : i32 to index
          %swap3A_361 = arith.constant 0 : index
          %swap3A_362 = tpu.vector_load %arg10[%swap3A_360, %swap3A_361] {strides = array<i32>} : memref<64x64xf32, #tpu.memory_space<vmem>>, vector<16xf32>,
          tpu.vector_store %arg10[%swap3A_360, %swap3A_361], %mul3A_359 {strides = array<i32>} : memref<64x64xf32, #tpu.memory_space<vmem>>, vector<16xf32>,
          %get3A_363 = arith.index_cast %add3A_355 : i32 to index
          %get3A_364 = arith.constant 16 : index
          %get3A_365 = tpu.vector_load %arg10[%get3A_363, %get3A_364] {strides = array<i32>} : memref<64x64xf32, #tpu.memory_space<vmem>>, vector<16xf32>,
          %mul3A_366 = arith.mulf %get3A_365, %gather3A_351 : vector<16xf32>
          %swap3A_367 = arith.index_cast %add3A_355 : i32 to index
          %swap3A_368 = arith.constant 16 : index
          %swap3A_369 = tpu.vector_load %arg10[%swap3A_367, %swap3A_368] {strides = array<i32>} : memref<64x64xf32, #tpu.memory_space<vmem>>, vector<16xf32>,
          tpu.vector_store %arg10[%swap3A_367, %swap3A_368], %mul3A_366 {strides = array<i32>} : memref<64x64xf32, #tpu.memory_space<vmem>>, vector<16xf32>,
          %get3A_370 = arith.index_cast %add3A_355 : i32 to index
          %get3A_371 = arith.constant 32 : index
          %get3A_372 = tpu.vector_load %arg10[%get3A_370, %get3A_371] {strides = array<i32>} : memref<64x64xf32, #tpu.memory_space<vmem>>, vector<16xf32>,
          %mul3A_373 = arith.mulf %get3A_372, %gather3A_351 : vector<16xf32>
          %swap3A_374 = arith.index_cast %add3A_355 : i32 to index
          %swap3A_375 = arith.constant 32 : index
          %swap3A_376 = tpu.vector_load %arg10[%swap3A_374, %swap3A_375] {strides = array<i32>} : memref<64x64xf32, #tpu.memory_space<vmem>>, vector<16xf32>,
          tpu.vector_store %arg10[%swap3A_374, %swap3A_375], %mul3A_373 {strides = array<i32>} : memref<64x64xf32, #tpu.memory_space<vmem>>, vector<16xf32>,
          %get3A_377 = arith.index_cast %add3A_355 : i32 to index
          %get3A_378 = arith.constant 48 : index
          %get3A_379 = tpu.vector_load %arg10[%get3A_377, %get3A_378] {strides = array<i32>} : memref<64x64xf32, #tpu.memory_space<vmem>>, vector<16xf32>,
          %mul3A_380 = arith.mulf %get3A_379, %gather3A_351 : vector<16xf32>
          %swap3A_381 = arith.index_cast %add3A_355 : i32 to index
          %swap3A_382 = arith.constant 48 : index
          %swap3A_383 = tpu.vector_load %arg10[%swap3A_381, %swap3A_382] {strides = array<i32>} : memref<64x64xf32, #tpu.memory_space<vmem>>, vector<16xf32>,
          tpu.vector_store %arg10[%swap3A_381, %swap3A_382], %mul3A_380 {strides = array<i32>} : memref<64x64xf32, #tpu.memory_space<vmem>>, vector<16xf32>,
          %broadcast_in_dim3A_384 = arith.constant 1 : i32
          %broadcast_in_dim3A_385 = vector.broadcast %broadcast_in_dim3A_384 : i32 to vector<16x1xi32>
          %gather3A_386 = vector.shape_cast %broadcast_in_dim3A_385 : vector<16x1xi32> to vector<16xi32>
          %gather3A_387 = tpu.dynamic_gather %get3A_347[%gather3A_386] in [0] : vector<16xf32>, vector<16xi32> -> vector<16xf32>
          %mul3A_388 = arith.constant 16 : i32
          %mul3A_389 = arith.muli %scan3A_342, %mul3A_388 : i32
          %add3A_390 = arith.constant 1 : i32
          %add3A_391 = arith.addi %mul3A_389, %add3A_390 : i32
          %get3A_392 = arith.index_cast %add3A_391 : i32 to index
          %get3A_393 = arith.constant 0 : index
          %get3A_394 = tpu.vector_load %arg10[%get3A_392, %get3A_393] {strides = array<i32>} : memref<64x64xf32, #tpu.memory_space<vmem>>, vector<16xf32>,
          %mul3A_395 = arith.mulf %get3A_394, %gather3A_387 : vector<16xf32>
          %swap3A_396 = arith.index_cast %add3A_391 : i32 to index
          %swap3A_397 = arith.constant 0 : index
          %swap3A_398 = tpu.vector_load %arg10[%swap3A_396, %swap3A_397] {strides = array<i32>} : memref<64x64xf32, #tpu.memory_space<vmem>>, vector<16xf32>,
          tpu.vector_store %arg10[%swap3A_396, %swap3A_397], %mul3A_395 {strides = array<i32>} : memref<64x64xf32, #tpu.memory_space<vmem>>, vector<16xf32>,
          %get3A_399 = arith.index_cast %add3A_391 : i32 to index
          %get3A_400 = arith.constant 16 : index
          %get3A_401 = tpu.vector_load %arg10[%get3A_399, %get3A_400] {strides = array<i32>} : memref<64x64xf32, #tpu.memory_space<vmem>>, vector<16xf32>,
          %mul3A_402 = arith.mulf %get3A_401, %gather3A_387 : vector<16xf32>
          %swap3A_403 = arith.index_cast %add3A_391 : i32 to index
          %swap3A_404 = arith.constant 16 : index
          %swap3A_405 = tpu.vector_load %arg10[%swap3A_403, %swap3A_404] {strides = array<i32>} : memref<64x64xf32, #tpu.memory_space<vmem>>, vector<16xf32>,
          tpu.vector_store %arg10[%swap3A_403, %swap3A_404], %mul3A_402 {strides = array<i32>} : memref<64x64xf32, #tpu.memory_space<vmem>>, vector<16xf32>,
          %get3A_406 = arith.index_cast %add3A_391 : i32 to index
          %get3A_407 = arith.constant 32 : index
          %get3A_408 = tpu.vector_load %arg10[%get3A_406, %get3A_407] {strides = array<i32>} : memref<64x64xf32, #tpu.memory_space<vmem>>, vector<16xf32>,
          %mul3A_409 = arith.mulf %get3A_408, %gather3A_387 : vector<16xf32>
          %swap3A_410 = arith.index_cast %add3A_391 : i32 to index
          %swap3A_411 = arith.constant 32 : index
          %swap3A_412 = tpu.vector_load %arg10[%swap3A_410, %swap3A_411] {strides = array<i32>} : memref<64x64xf32, #tpu.memory_space<vmem>>, vector<16xf32>,
          tpu.vector_store %arg10[%swap3A_410, %swap3A_411], %mul3A_409 {strides = array<i32>} : memref<64x64xf32, #tpu.memory_space<vmem>>, vector<16xf32>,
          %get3A_413 = arith.index_cast %add3A_391 : i32 to index
          %get3A_414 = arith.constant 48 : index
          %get3A_415 = tpu.vector_load %arg10[%get3A_413, %get3A_414] {strides = array<i32>} : memref<64x64xf32, #tpu.memory_space<vmem>>, vector<16xf32>,
          %mul3A_416 = arith.mulf %get3A_415, %gather3A_387 : vector<16xf32>
          %swap3A_417 = arith.index_cast %add3A_391 : i32 to index
          %swap3A_418 = arith.constant 48 : index
          %swap3A_419 = tpu.vector_load %arg10[%swap3A_417, %swap3A_418] {strides = array<i32>} : memref<64x64xf32, #tpu.memory_space<vmem>>, vector<16xf32>,
          tpu.vector_store %arg10[%swap3A_417, %swap3A_418], %mul3A_416 {strides = array<i32>} : memref<64x64xf32, #tpu.memory_space<vmem>>, vector<16xf32>,
          %broadcast_in_dim3A_420 = arith.constant 2 : i32
          %broadcast_in_dim3A_421 = vector.broadcast %broadcast_in_dim3A_420 : i32 to vector<16x1xi32>
          %gather3A_422 = vector.shape_cast %broadcast_in_dim3A_421 : vector<16x1xi32> to vector<16xi32>
          %gather3A_423 = tpu.dynamic_gather %get3A_347[%gather3A_422] in [0] : vector<16xf32>, vector<16xi32> -> vector<16xf32>
          %mul3A_424 = arith.constant 16 : i32
          %mul3A_425 = arith.muli %scan3A_342, %mul3A_424 : i32
          %add3A_426 = arith.constant 2 : i32
          %add3A_427 = arith.addi %mul3A_425, %add3A_426 : i32
          %get3A_428 = arith.index_cast %add3A_427 : i32 to index
          %get3A_429 = arith.constant 0 : index
          %get3A_430 = tpu.vector_load %arg10[%get3A_428, %get3A_429] {strides = array<i32>} : memref<64x64xf32, #tpu.memory_space<vmem>>, vector<16xf32>,
          %mul3A_431 = arith.mulf %get3A_430, %gather3A_423 : vector<16xf32>
          %swap3A_432 = arith.index_cast %add3A_427 : i32 to index
          %swap3A_433 = arith.constant 0 : index
          %swap3A_434 = tpu.vector_load %arg10[%swap3A_432, %swap3A_433] {strides = array<i32>} : memref<64x64xf32, #tpu.memory_space<vmem>>, vector<16xf32>,
          tpu.vector_store %arg10[%swap3A_432, %swap3A_433], %mul3A_431 {strides = array<i32>} : memref<64x64xf32, #tpu.memory_space<vmem>>, vector<16xf32>,
          %get3A_435 = arith.index_cast %add3A_427 : i32 to index
          %get3A_436 = arith.constant 16 : index
          %get3A_437 = tpu.vector_load %arg10[%get3A_435, %get3A_436] {strides = array<i32>} : memref<64x64xf32, #tpu.memory_space<vmem>>, vector<16xf32>,
          %mul3A_438 = arith.mulf %get3A_437, %gather3A_423 : vector<16xf32>
          %swap3A_439 = arith.index_cast %add3A_427 : i32 to index
          %swap3A_440 = arith.constant 16 : index
          %swap3A_441 = tpu.vector_load %arg10[%swap3A_439, %swap3A_440] {strides = array<i32>} : memref<64x64xf32, #tpu.memory_space<vmem>>, vector<16xf32>,
          tpu.vector_store %arg10[%swap3A_439, %swap3A_440], %mul3A_438 {strides = array<i32>} : memref<64x64xf32, #tpu.memory_space<vmem>>, vector<16xf32>,
          %get3A_442 = arith.index_cast %add3A_427 : i32 to index
          %get3A_443 = arith.constant 32 : index
          %get3A_444 = tpu.vector_load %arg10[%get3A_442, %get3A_443] {strides = array<i32>} : memref<64x64xf32, #tpu.memory_space<vmem>>, vector<16xf32>,
          %mul3A_445 = arith.mulf %get3A_444, %gather3A_423 : vector<16xf32>
          %swap3A_446 = arith.index_cast %add3A_427 : i32 to index
          %swap3A_447 = arith.constant 32 : index
          %swap3A_448 = tpu.vector_load %arg10[%swap3A_446, %swap3A_447] {strides = array<i32>} : memref<64x64xf32, #tpu.memory_space<vmem>>, vector<16xf32>,
          tpu.vector_store %arg10[%swap3A_446, %swap3A_447], %mul3A_445 {strides = array<i32>} : memref<64x64xf32, #tpu.memory_space<vmem>>, vector<16xf32>,
          %get3A_449 = arith.index_cast %add3A_427 : i32 to index
          %get3A_450 = arith.constant 48 : index
          %get3A_451 = tpu.vector_load %arg10[%get3A_449, %get3A_450] {strides = array<i32>} : memref<64x64xf32, #tpu.memory_space<vmem>>, vector<16xf32>,
          %mul3A_452 = arith.mulf %get3A_451, %gather3A_423 : vector<16xf32>
          %swap3A_453 = arith.index_cast %add3A_427 : i32 to index
          %swap3A_454 = arith.constant 48 : index
          %swap3A_455 = tpu.vector_load %arg10[%swap3A_453, %swap3A_454] {strides = array<i32>} : memref<64x64xf32, #tpu.memory_space<vmem>>, vector<16xf32>,
          tpu.vector_store %arg10[%swap3A_453, %swap3A_454], %mul3A_452 {strides = array<i32>} : memref<64x64xf32, #tpu.memory_space<vmem>>, vector<16xf32>,
          %broadcast_in_dim3A_456 = arith.constant 3 : i32
          %broadcast_in_dim3A_457 = vector.broadcast %broadcast_in_dim3A_456 : i32 to vector<16x1xi32>
          %gather3A_458 = vector.shape_cast %broadcast_in_dim3A_457 : vector<16x1xi32> to vector<16xi32>
          %gather3A_459 = tpu.dynamic_gather %get3A_347[%gather3A_458] in [0] : vector<16xf32>, vector<16xi32> -> vector<16xf32>
          %mul3A_460 = arith.constant 16 : i32
          %mul3A_461 = arith.muli %scan3A_342, %mul3A_460 : i32
          %add3A_462 = arith.constant 3 : i32
          %add3A_463 = arith.addi %mul3A_461, %add3A_462 : i32
          %get3A_464 = arith.index_cast %add3A_463 : i32 to index
          %get3A_465 = arith.constant 0 : index
          %get3A_466 = tpu.vector_load %arg10[%get3A_464, %get3A_465] {strides = array<i32>} : memref<64x64xf32, #tpu.memory_space<vmem>>, vector<16xf32>,
          %mul3A_467 = arith.mulf %get3A_466, %gather3A_459 : vector<16xf32>
          %swap3A_468 = arith.index_cast %add3A_463 : i32 to index
          %swap3A_469 = arith.constant 0 : index
          %swap3A_470 = tpu.vector_load %arg10[%swap3A_468, %swap3A_469] {strides = array<i32>} : memref<64x64xf32, #tpu.memory_space<vmem>>, vector<16xf32>,
          tpu.vector_store %arg10[%swap3A_468, %swap3A_469], %mul3A_467 {strides = array<i32>} : memref<64x64xf32, #tpu.memory_space<vmem>>, vector<16xf32>,
          %get3A_471 = arith.index_cast %add3A_463 : i32 to index
          %get3A_472 = arith.constant 16 : index
          %get3A_473 = tpu.vector_load %arg10[%get3A_471, %get3A_472] {strides = array<i32>} : memref<64x64xf32, #tpu.memory_space<vmem>>, vector<16xf32>,
          %mul3A_474 = arith.mulf %get3A_473, %gather3A_459 : vector<16xf32>
          %swap3A_475 = arith.index_cast %add3A_463 : i32 to index
          %swap3A_476 = arith.constant 16 : index
          %swap3A_477 = tpu.vector_load %arg10[%swap3A_475, %swap3A_476] {strides = array<i32>} : memref<64x64xf32, #tpu.memory_space<vmem>>, vector<16xf32>,
          tpu.vector_store %arg10[%swap3A_475, %swap3A_476], %mul3A_474 {strides = array<i32>} : memref<64x64xf32, #tpu.memory_space<vmem>>, vector<16xf32>,
          %get3A_478 = arith.index_cast %add3A_463 : i32 to index
          %get3A_479 = arith.constant 32 : index
          %get3A_480 = tpu.vector_load %arg10[%get3A_478, %get3A_479] {strides = array<i32>} : memref<64x64xf32, #tpu.memory_space<vmem>>, vector<16xf32>,
          %mul3A_481 = arith.mulf %get3A_480, %gather3A_459 : vector<16xf32>
          %swap3A_482 = arith.index_cast %add3A_463 : i32 to index
          %swap3A_483 = arith.constant 32 : index
          %swap3A_484 = tpu.vector_load %arg10[%swap3A_482, %swap3A_483] {strides = array<i32>} : memref<64x64xf32, #tpu.memory_space<vmem>>, vector<16xf32>,
          tpu.vector_store %arg10[%swap3A_482, %swap3A_483], %mul3A_481 {strides = array<i32>} : memref<64x64xf32, #tpu.memory_space<vmem>>, vector<16xf32>,
          %get3A_485 = arith.index_cast %add3A_463 : i32 to index
          %get3A_486 = arith.constant 48 : index
          %get3A_487 = tpu.vector_load %arg10[%get3A_485, %get3A_486] {strides = array<i32>} : memref<64x64xf32, #tpu.memory_space<vmem>>, vector<16xf32>,
          %mul3A_488 = arith.mulf %get3A_487, %gather3A_459 : vector<16xf32>
          %swap3A_489 = arith.index_cast %add3A_463 : i32 to index
          %swap3A_490 = arith.constant 48 : index
          %swap3A_491 = tpu.vector_load %arg10[%swap3A_489, %swap3A_490] {strides = array<i32>} : memref<64x64xf32, #tpu.memory_space<vmem>>, vector<16xf32>,
          tpu.vector_store %arg10[%swap3A_489, %swap3A_490], %mul3A_488 {strides = array<i32>} : memref<64x64xf32, #tpu.memory_space<vmem>>, vector<16xf32>,
          %broadcast_in_dim3A_492 = arith.constant 4 : i32
          %broadcast_in_dim3A_493 = vector.broadcast %broadcast_in_dim3A_492 : i32 to vector<16x1xi32>
          %gather3A_494 = vector.shape_cast %broadcast_in_dim3A_493 : vector<16x1xi32> to vector<16xi32>
          %gather3A_495 = tpu.dynamic_gather %get3A_347[%gather3A_494] in [0] : vector<16xf32>, vector<16xi32> -> vector<16xf32>
          %mul3A_496 = arith.constant 16 : i32
          %mul3A_497 = arith.muli %scan3A_342, %mul3A_496 : i32
          %add3A_498 = arith.constant 4 : i32
          %add3A_499 = arith.addi %mul3A_497, %add3A_498 : i32
          %get3A_500 = arith.index_cast %add3A_499 : i32 to index
          %get3A_501 = arith.constant 0 : index
          %get3A_502 = tpu.vector_load %arg10[%get3A_500, %get3A_501] {strides = array<i32>} : memref<64x64xf32, #tpu.memory_space<vmem>>, vector<16xf32>,
          %mul3A_503 = arith.mulf %get3A_502, %gather3A_495 : vector<16xf32>
          %swap3A_504 = arith.index_cast %add3A_499 : i32 to index
          %swap3A_505 = arith.constant 0 : index
          %swap3A_506 = tpu.vector_load %arg10[%swap3A_504, %swap3A_505] {strides = array<i32>} : memref<64x64xf32, #tpu.memory_space<vmem>>, vector<16xf32>,
          tpu.vector_store %arg10[%swap3A_504, %swap3A_505], %mul3A_503 {strides = array<i32>} : memref<64x64xf32, #tpu.memory_space<vmem>>, vector<16xf32>,
          %get3A_507 = arith.index_cast %add3A_499 : i32 to index
          %get3A_508 = arith.constant 16 : index
          %get3A_509 = tpu.vector_load %arg10[%get3A_507, %get3A_508] {strides = array<i32>} : memref<64x64xf32, #tpu.memory_space<vmem>>, vector<16xf32>,
          %mul3A_510 = arith.mulf %get3A_509, %gather3A_495 : vector<16xf32>
          %swap3A_511 = arith.index_cast %add3A_499 : i32 to index
          %swap3A_512 = arith.constant 16 : index
          %swap3A_513 = tpu.vector_load %arg10[%swap3A_511, %swap3A_512] {strides = array<i32>} : memref<64x64xf32, #tpu.memory_space<vmem>>, vector<16xf32>,
          tpu.vector_store %arg10[%swap3A_511, %swap3A_512], %mul3A_510 {strides = array<i32>} : memref<64x64xf32, #tpu.memory_space<vmem>>, vector<16xf32>,
          %get3A_514 = arith.index_cast %add3A_499 : i32 to index
          %get3A_515 = arith.constant 32 : index
          %get3A_516 = tpu.vector_load %arg10[%get3A_514, %get3A_515] {strides = array<i32>} : memref<64x64xf32, #tpu.memory_space<vmem>>, vector<16xf32>,
          %mul3A_517 = arith.mulf %get3A_516, %gather3A_495 : vector<16xf32>
          %swap3A_518 = arith.index_cast %add3A_499 : i32 to index
          %swap3A_519 = arith.constant 32 : index
          %swap3A_520 = tpu.vector_load %arg10[%swap3A_518, %swap3A_519] {strides = array<i32>} : memref<64x64xf32, #tpu.memory_space<vmem>>, vector<16xf32>,
          tpu.vector_store %arg10[%swap3A_518, %swap3A_519], %mul3A_517 {strides = array<i32>} : memref<64x64xf32, #tpu.memory_space<vmem>>, vector<16xf32>,
          %get3A_521 = arith.index_cast %add3A_499 : i32 to index
          %get3A_522 = arith.constant 48 : index
          %get3A_523 = tpu.vector_load %arg10[%get3A_521, %get3A_522] {strides = array<i32>} : memref<64x64xf32, #tpu.memory_space<vmem>>, vector<16xf32>,
          %mul3A_524 = arith.mulf %get3A_523, %gather3A_495 : vector<16xf32>
          %swap3A_525 = arith.index_cast %add3A_499 : i32 to index
          %swap3A_526 = arith.constant 48 : index
          %swap3A_527 = tpu.vector_load %arg10[%swap3A_525, %swap3A_526] {strides = array<i32>} : memref<64x64xf32, #tpu.memory_space<vmem>>, vector<16xf32>,
          tpu.vector_store %arg10[%swap3A_525, %swap3A_526], %mul3A_524 {strides = array<i32>} : memref<64x64xf32, #tpu.memory_space<vmem>>, vector<16xf32>,
          %broadcast_in_dim3A_528 = arith.constant 5 : i32
          %broadcast_in_dim3A_529 = vector.broadcast %broadcast_in_dim3A_528 : i32 to vector<16x1xi32>
          %gather3A_530 = vector.shape_cast %broadcast_in_dim3A_529 : vector<16x1xi32> to vector<16xi32>
          %gather3A_531 = tpu.dynamic_gather %get3A_347[%gather3A_530] in [0] : vector<16xf32>, vector<16xi32> -> vector<16xf32>
          %mul3A_532 = arith.constant 16 : i32
          %mul3A_533 = arith.muli %scan3A_342, %mul3A_532 : i32
          %add3A_534 = arith.constant 5 : i32
          %add3A_535 = arith.addi %mul3A_533, %add3A_534 : i32
          %get3A_536 = arith.index_cast %add3A_535 : i32 to index
          %get3A_537 = arith.constant 0 : index
          %get3A_538 = tpu.vector_load %arg10[%get3A_536, %get3A_537] {strides = array<i32>} : memref<64x64xf32, #tpu.memory_space<vmem>>, vector<16xf32>,
          %mul3A_539 = arith.mulf %get3A_538, %gather3A_531 : vector<16xf32>
          %swap3A_540 = arith.index_cast %add3A_535 : i32 to index
          %swap3A_541 = arith.constant 0 : index
          %swap3A_542 = tpu.vector_load %arg10[%swap3A_540, %swap3A_541] {strides = array<i32>} : memref<64x64xf32, #tpu.memory_space<vmem>>, vector<16xf32>,
          tpu.vector_store %arg10[%swap3A_540, %swap3A_541], %mul3A_539 {strides = array<i32>} : memref<64x64xf32, #tpu.memory_space<vmem>>, vector<16xf32>,
          %get3A_543 = arith.index_cast %add3A_535 : i32 to index
          %get3A_544 = arith.constant 16 : index
          %get3A_545 = tpu.vector_load %arg10[%get3A_543, %get3A_544] {strides = array<i32>} : memref<64x64xf32, #tpu.memory_space<vmem>>, vector<16xf32>,
          %mul3A_546 = arith.mulf %get3A_545, %gather3A_531 : vector<16xf32>
          %swap3A_547 = arith.index_cast %add3A_535 : i32 to index
          %swap3A_548 = arith.constant 16 : index
          %swap3A_549 = tpu.vector_load %arg10[%swap3A_547, %swap3A_548] {strides = array<i32>} : memref<64x64xf32, #tpu.memory_space<vmem>>, vector<16xf32>,
          tpu.vector_store %arg10[%swap3A_547, %swap3A_548], %mul3A_546 {strides = array<i32>} : memref<64x64xf32, #tpu.memory_space<vmem>>, vector<16xf32>,
          %get3A_550 = arith.index_cast %add3A_535 : i32 to index
          %get3A_551 = arith.constant 32 : index
          %get3A_552 = tpu.vector_load %arg10[%get3A_550, %get3A_551] {strides = array<i32>} : memref<64x64xf32, #tpu.memory_space<vmem>>, vector<16xf32>,
          %mul3A_553 = arith.mulf %get3A_552, %gather3A_531 : vector<16xf32>
          %swap3A_554 = arith.index_cast %add3A_535 : i32 to index
          %swap3A_555 = arith.constant 32 : index
          %swap3A_556 = tpu.vector_load %arg10[%swap3A_554, %swap3A_555] {strides = array<i32>} : memref<64x64xf32, #tpu.memory_space<vmem>>, vector<16xf32>,
          tpu.vector_store %arg10[%swap3A_554, %swap3A_555], %mul3A_553 {strides = array<i32>} : memref<64x64xf32, #tpu.memory_space<vmem>>, vector<16xf32>,
          %get3A_557 = arith.index_cast %add3A_535 : i32 to index
          %get3A_558 = arith.constant 48 : index
          %get3A_559 = tpu.vector_load %arg10[%get3A_557, %get3A_558] {strides = array<i32>} : memref<64x64xf32, #tpu.memory_space<vmem>>, vector<16xf32>,
          %mul3A_560 = arith.mulf %get3A_559, %gather3A_531 : vector<16xf32>
          %swap3A_561 = arith.index_cast %add3A_535 : i32 to index
          %swap3A_562 = arith.constant 48 : index
          %swap3A_563 = tpu.vector_load %arg10[%swap3A_561, %swap3A_562] {strides = array<i32>} : memref<64x64xf32, #tpu.memory_space<vmem>>, vector<16xf32>,
          tpu.vector_store %arg10[%swap3A_561, %swap3A_562], %mul3A_560 {strides = array<i32>} : memref<64x64xf32, #tpu.memory_space<vmem>>, vector<16xf32>,
          %broadcast_in_dim3A_564 = arith.constant 6 : i32
          %broadcast_in_dim3A_565 = vector.broadcast %broadcast_in_dim3A_564 : i32 to vector<16x1xi32>
          %gather3A_566 = vector.shape_cast %broadcast_in_dim3A_565 : vector<16x1xi32> to vector<16xi32>
          %gather3A_567 = tpu.dynamic_gather %get3A_347[%gather3A_566] in [0] : vector<16xf32>, vector<16xi32> -> vector<16xf32>
          %mul3A_568 = arith.constant 16 : i32
          %mul3A_569 = arith.muli %scan3A_342, %mul3A_568 : i32
          %add3A_570 = arith.constant 6 : i32
          %add3A_571 = arith.addi %mul3A_569, %add3A_570 : i32
          %get3A_572 = arith.index_cast %add3A_571 : i32 to index
          %get3A_573 = arith.constant 0 : index
          %get3A_574 = tpu.vector_load %arg10[%get3A_572, %get3A_573] {strides = array<i32>} : memref<64x64xf32, #tpu.memory_space<vmem>>, vector<16xf32>,
          %mul3A_575 = arith.mulf %get3A_574, %gather3A_567 : vector<16xf32>
          %swap3A_576 = arith.index_cast %add3A_571 : i32 to index
          %swap3A_577 = arith.constant 0 : index
          %swap3A_578 = tpu.vector_load %arg10[%swap3A_576, %swap3A_577] {strides = array<i32>} : memref<64x64xf32, #tpu.memory_space<vmem>>, vector<16xf32>,
          tpu.vector_store %arg10[%swap3A_576, %swap3A_577], %mul3A_575 {strides = array<i32>} : memref<64x64xf32, #tpu.memory_space<vmem>>, vector<16xf32>,
          %get3A_579 = arith.index_cast %add3A_571 : i32 to index
          %get3A_580 = arith.constant 16 : index
          %get3A_581 = tpu.vector_load %arg10[%get3A_579, %get3A_580] {strides = array<i32>} : memref<64x64xf32, #tpu.memory_space<vmem>>, vector<16xf32>,
          %mul3A_582 = arith.mulf %get3A_581, %gather3A_567 : vector<16xf32>
          %swap3A_583 = arith.index_cast %add3A_571 : i32 to index
          %swap3A_584 = arith.constant 16 : index
          %swap3A_585 = tpu.vector_load %arg10[%swap3A_583, %swap3A_584] {strides = array<i32>} : memref<64x64xf32, #tpu.memory_space<vmem>>, vector<16xf32>,
          tpu.vector_store %arg10[%swap3A_583, %swap3A_584], %mul3A_582 {strides = array<i32>} : memref<64x64xf32, #tpu.memory_space<vmem>>, vector<16xf32>,
          %get3A_586 = arith.index_cast %add3A_571 : i32 to index
          %get3A_587 = arith.constant 32 : index
          %get3A_588 = tpu.vector_load %arg10[%get3A_586, %get3A_587] {strides = array<i32>} : memref<64x64xf32, #tpu.memory_space<vmem>>, vector<16xf32>,
          %mul3A_589 = arith.mulf %get3A_588, %gather3A_567 : vector<16xf32>
          %swap3A_590 = arith.index_cast %add3A_571 : i32 to index
          %swap3A_591 = arith.constant 32 : index
          %swap3A_592 = tpu.vector_load %arg10[%swap3A_590, %swap3A_591] {strides = array<i32>} : memref<64x64xf32, #tpu.memory_space<vmem>>, vector<16xf32>,
          tpu.vector_store %arg10[%swap3A_590, %swap3A_591], %mul3A_589 {strides = array<i32>} : memref<64x64xf32, #tpu.memory_space<vmem>>, vector<16xf32>,
          %get3A_593 = arith.index_cast %add3A_571 : i32 to index
          %get3A_594 = arith.constant 48 : index
          %get3A_595 = tpu.vector_load %arg10[%get3A_593, %get3A_594] {strides = array<i32>} : memref<64x64xf32, #tpu.memory_space<vmem>>, vector<16xf32>,
          %mul3A_596 = arith.mulf %get3A_595, %gather3A_567 : vector<16xf32>
          %swap3A_597 = arith.index_cast %add3A_571 : i32 to index
          %swap3A_598 = arith.constant 48 : index
          %swap3A_599 = tpu.vector_load %arg10[%swap3A_597, %swap3A_598] {strides = array<i32>} : memref<64x64xf32, #tpu.memory_space<vmem>>, vector<16xf32>,
          tpu.vector_store %arg10[%swap3A_597, %swap3A_598], %mul3A_596 {strides = array<i32>} : memref<64x64xf32, #tpu.memory_space<vmem>>, vector<16xf32>,
          %broadcast_in_dim3A_600 = arith.constant 7 : i32
          %broadcast_in_dim3A_601 = vector.broadcast %broadcast_in_dim3A_600 : i32 to vector<16x1xi32>
          %gather3A_602 = vector.shape_cast %broadcast_in_dim3A_601 : vector<16x1xi32> to vector<16xi32>
          %gather3A_603 = tpu.dynamic_gather %get3A_347[%gather3A_602] in [0] : vector<16xf32>, vector<16xi32> -> vector<16xf32>
          %mul3A_604 = arith.constant 16 : i32
          %mul3A_605 = arith.muli %scan3A_342, %mul3A_604 : i32
          %add3A_606 = arith.constant 7 : i32
          %add3A_607 = arith.addi %mul3A_605, %add3A_606 : i32
          %get3A_608 = arith.index_cast %add3A_607 : i32 to index
          %get3A_609 = arith.constant 0 : index
          %get3A_610 = tpu.vector_load %arg10[%get3A_608, %get3A_609] {strides = array<i32>} : memref<64x64xf32, #tpu.memory_space<vmem>>, vector<16xf32>,
          %mul3A_611 = arith.mulf %get3A_610, %gather3A_603 : vector<16xf32>
          %swap3A_612 = arith.index_cast %add3A_607 : i32 to index
          %swap3A_613 = arith.constant 0 : index
          %swap3A_614 = tpu.vector_load %arg10[%swap3A_612, %swap3A_613] {strides = array<i32>} : memref<64x64xf32, #tpu.memory_space<vmem>>, vector<16xf32>,
          tpu.vector_store %arg10[%swap3A_612, %swap3A_613], %mul3A_611 {strides = array<i32>} : memref<64x64xf32, #tpu.memory_space<vmem>>, vector<16xf32>,
          %get3A_615 = arith.index_cast %add3A_607 : i32 to index
          %get3A_616 = arith.constant 16 : index
          %get3A_617 = tpu.vector_load %arg10[%get3A_615, %get3A_616] {strides = array<i32>} : memref<64x64xf32, #tpu.memory_space<vmem>>, vector<16xf32>,
          %mul3A_618 = arith.mulf %get3A_617, %gather3A_603 : vector<16xf32>
          %swap3A_619 = arith.index_cast %add3A_607 : i32 to index
          %swap3A_620 = arith.constant 16 : index
          %swap3A_621 = tpu.vector_load %arg10[%swap3A_619, %swap3A_620] {strides = array<i32>} : memref<64x64xf32, #tpu.memory_space<vmem>>, vector<16xf32>,
          tpu.vector_store %arg10[%swap3A_619, %swap3A_620], %mul3A_618 {strides = array<i32>} : memref<64x64xf32, #tpu.memory_space<vmem>>, vector<16xf32>,
          %get3A_622 = arith.index_cast %add3A_607 : i32 to index
          %get3A_623 = arith.constant 32 : index
          %get3A_624 = tpu.vector_load %arg10[%get3A_622, %get3A_623] {strides = array<i32>} : memref<64x64xf32, #tpu.memory_space<vmem>>, vector<16xf32>,
          %mul3A_625 = arith.mulf %get3A_624, %gather3A_603 : vector<16xf32>
          %swap3A_626 = arith.index_cast %add3A_607 : i32 to index
          %swap3A_627 = arith.constant 32 : index
          %swap3A_628 = tpu.vector_load %arg10[%swap3A_626, %swap3A_627] {strides = array<i32>} : memref<64x64xf32, #tpu.memory_space<vmem>>, vector<16xf32>,
          tpu.vector_store %arg10[%swap3A_626, %swap3A_627], %mul3A_625 {strides = array<i32>} : memref<64x64xf32, #tpu.memory_space<vmem>>, vector<16xf32>,
          %get3A_629 = arith.index_cast %add3A_607 : i32 to index
          %get3A_630 = arith.constant 48 : index
          %get3A_631 = tpu.vector_load %arg10[%get3A_629, %get3A_630] {strides = array<i32>} : memref<64x64xf32, #tpu.memory_space<vmem>>, vector<16xf32>,
          %mul3A_632 = arith.mulf %get3A_631, %gather3A_603 : vector<16xf32>
          %swap3A_633 = arith.index_cast %add3A_607 : i32 to index
          %swap3A_634 = arith.constant 48 : index
          %swap3A_635 = tpu.vector_load %arg10[%swap3A_633, %swap3A_634] {strides = array<i32>} : memref<64x64xf32, #tpu.memory_space<vmem>>, vector<16xf32>,
          tpu.vector_store %arg10[%swap3A_633, %swap3A_634], %mul3A_632 {strides = array<i32>} : memref<64x64xf32, #tpu.memory_space<vmem>>, vector<16xf32>,
          %broadcast_in_dim3A_636 = arith.constant 8 : i32
          %broadcast_in_dim3A_637 = vector.broadcast %broadcast_in_dim3A_636 : i32 to vector<16x1xi32>
          %gather3A_638 = vector.shape_cast %broadcast_in_dim3A_637 : vector<16x1xi32> to vector<16xi32>
          %gather3A_639 = tpu.dynamic_gather %get3A_347[%gather3A_638] in [0] : vector<16xf32>, vector<16xi32> -> vector<16xf32>
          %mul3A_640 = arith.constant 16 : i32
          %mul3A_641 = arith.muli %scan3A_342, %mul3A_640 : i32
          %add3A_642 = arith.constant 8 : i32
          %add3A_643 = arith.addi %mul3A_641, %add3A_642 : i32
          %get3A_644 = arith.index_cast %add3A_643 : i32 to index
          %get3A_645 = arith.constant 0 : index
          %get3A_646 = tpu.vector_load %arg10[%get3A_644, %get3A_645] {strides = array<i32>} : memref<64x64xf32, #tpu.memory_space<vmem>>, vector<16xf32>,
          %mul3A_647 = arith.mulf %get3A_646, %gather3A_639 : vector<16xf32>
          %swap3A_648 = arith.index_cast %add3A_643 : i32 to index
          %swap3A_649 = arith.constant 0 : index
          %swap3A_650 = tpu.vector_load %arg10[%swap3A_648, %swap3A_649] {strides = array<i32>} : memref<64x64xf32, #tpu.memory_space<vmem>>, vector<16xf32>,
          tpu.vector_store %arg10[%swap3A_648, %swap3A_649], %mul3A_647 {strides = array<i32>} : memref<64x64xf32, #tpu.memory_space<vmem>>, vector<16xf32>,
          %get3A_651 = arith.index_cast %add3A_643 : i32 to index
          %get3A_652 = arith.constant 16 : index
          %get3A_653 = tpu.vector_load %arg10[%get3A_651, %get3A_652] {strides = array<i32>} : memref<64x64xf32, #tpu.memory_space<vmem>>, vector<16xf32>,
          %mul3A_654 = arith.mulf %get3A_653, %gather3A_639 : vector<16xf32>
          %swap3A_655 = arith.index_cast %add3A_643 : i32 to index
          %swap3A_656 = arith.constant 16 : index
          %swap3A_657 = tpu.vector_load %arg10[%swap3A_655, %swap3A_656] {strides = array<i32>} : memref<64x64xf32, #tpu.memory_space<vmem>>, vector<16xf32>,
          tpu.vector_store %arg10[%swap3A_655, %swap3A_656], %mul3A_654 {strides = array<i32>} : memref<64x64xf32, #tpu.memory_space<vmem>>, vector<16xf32>,
          %get3A_658 = arith.index_cast %add3A_643 : i32 to index
          %get3A_659 = arith.constant 32 : index
          %get3A_660 = tpu.vector_load %arg10[%get3A_658, %get3A_659] {strides = array<i32>} : memref<64x64xf32, #tpu.memory_space<vmem>>, vector<16xf32>,
          %mul3A_661 = arith.mulf %get3A_660, %gather3A_639 : vector<16xf32>
          %swap3A_662 = arith.index_cast %add3A_643 : i32 to index
          %swap3A_663 = arith.constant 32 : index
          %swap3A_664 = tpu.vector_load %arg10[%swap3A_662, %swap3A_663] {strides = array<i32>} : memref<64x64xf32, #tpu.memory_space<vmem>>, vector<16xf32>,
          tpu.vector_store %arg10[%swap3A_662, %swap3A_663], %mul3A_661 {strides = array<i32>} : memref<64x64xf32, #tpu.memory_space<vmem>>, vector<16xf32>,
          %get3A_665 = arith.index_cast %add3A_643 : i32 to index
          %get3A_666 = arith.constant 48 : index
          %get3A_667 = tpu.vector_load %arg10[%get3A_665, %get3A_666] {strides = array<i32>} : memref<64x64xf32, #tpu.memory_space<vmem>>, vector<16xf32>,
          %mul3A_668 = arith.mulf %get3A_667, %gather3A_639 : vector<16xf32>
          %swap3A_669 = arith.index_cast %add3A_643 : i32 to index
          %swap3A_670 = arith.constant 48 : index
          %swap3A_671 = tpu.vector_load %arg10[%swap3A_669, %swap3A_670] {strides = array<i32>} : memref<64x64xf32, #tpu.memory_space<vmem>>, vector<16xf32>,
          tpu.vector_store %arg10[%swap3A_669, %swap3A_670], %mul3A_668 {strides = array<i32>} : memref<64x64xf32, #tpu.memory_space<vmem>>, vector<16xf32>,
          %broadcast_in_dim3A_672 = arith.constant 9 : i32
          %broadcast_in_dim3A_673 = vector.broadcast %broadcast_in_dim3A_672 : i32 to vector<16x1xi32>
          %gather3A_674 = vector.shape_cast %broadcast_in_dim3A_673 : vector<16x1xi32> to vector<16xi32>
          %gather3A_675 = tpu.dynamic_gather %get3A_347[%gather3A_674] in [0] : vector<16xf32>, vector<16xi32> -> vector<16xf32>
          %mul3A_676 = arith.constant 16 : i32
          %mul3A_677 = arith.muli %scan3A_342, %mul3A_676 : i32
          %add3A_678 = arith.constant 9 : i32
          %add3A_679 = arith.addi %mul3A_677, %add3A_678 : i32
          %get3A_680 = arith.index_cast %add3A_679 : i32 to index
          %get3A_681 = arith.constant 0 : index
          %get3A_682 = tpu.vector_load %arg10[%get3A_680, %get3A_681] {strides = array<i32>} : memref<64x64xf32, #tpu.memory_space<vmem>>, vector<16xf32>,
          %mul3A_683 = arith.mulf %get3A_682, %gather3A_675 : vector<16xf32>
          %swap3A_684 = arith.index_cast %add3A_679 : i32 to index
          %swap3A_685 = arith.constant 0 : index
          %swap3A_686 = tpu.vector_load %arg10[%swap3A_684, %swap3A_685] {strides = array<i32>} : memref<64x64xf32, #tpu.memory_space<vmem>>, vector<16xf32>,
          tpu.vector_store %arg10[%swap3A_684, %swap3A_685], %mul3A_683 {strides = array<i32>} : memref<64x64xf32, #tpu.memory_space<vmem>>, vector<16xf32>,
          %get3A_687 = arith.index_cast %add3A_679 : i32 to index
          %get3A_688 = arith.constant 16 : index
          %get3A_689 = tpu.vector_load %arg10[%get3A_687, %get3A_688] {strides = array<i32>} : memref<64x64xf32, #tpu.memory_space<vmem>>, vector<16xf32>,
          %mul3A_690 = arith.mulf %get3A_689, %gather3A_675 : vector<16xf32>
          %swap3A_691 = arith.index_cast %add3A_679 : i32 to index
          %swap3A_692 = arith.constant 16 : index
          %swap3A_693 = tpu.vector_load %arg10[%swap3A_691, %swap3A_692] {strides = array<i32>} : memref<64x64xf32, #tpu.memory_space<vmem>>, vector<16xf32>,
          tpu.vector_store %arg10[%swap3A_691, %swap3A_692], %mul3A_690 {strides = array<i32>} : memref<64x64xf32, #tpu.memory_space<vmem>>, vector<16xf32>,
          %get3A_694 = arith.index_cast %add3A_679 : i32 to index
          %get3A_695 = arith.constant 32 : index
          %get3A_696 = tpu.vector_load %arg10[%get3A_694, %get3A_695] {strides = array<i32>} : memref<64x64xf32, #tpu.memory_space<vmem>>, vector<16xf32>,
          %mul3A_697 = arith.mulf %get3A_696, %gather3A_675 : vector<16xf32>
          %swap3A_698 = arith.index_cast %add3A_679 : i32 to index
          %swap3A_699 = arith.constant 32 : index
          %swap3A_700 = tpu.vector_load %arg10[%swap3A_698, %swap3A_699] {strides = array<i32>} : memref<64x64xf32, #tpu.memory_space<vmem>>, vector<16xf32>,
          tpu.vector_store %arg10[%swap3A_698, %swap3A_699], %mul3A_697 {strides = array<i32>} : memref<64x64xf32, #tpu.memory_space<vmem>>, vector<16xf32>,
          %get3A_701 = arith.index_cast %add3A_679 : i32 to index
          %get3A_702 = arith.constant 48 : index
          %get3A_703 = tpu.vector_load %arg10[%get3A_701, %get3A_702] {strides = array<i32>} : memref<64x64xf32, #tpu.memory_space<vmem>>, vector<16xf32>,
          %mul3A_704 = arith.mulf %get3A_703, %gather3A_675 : vector<16xf32>
          %swap3A_705 = arith.index_cast %add3A_679 : i32 to index
          %swap3A_706 = arith.constant 48 : index
          %swap3A_707 = tpu.vector_load %arg10[%swap3A_705, %swap3A_706] {strides = array<i32>} : memref<64x64xf32, #tpu.memory_space<vmem>>, vector<16xf32>,
          tpu.vector_store %arg10[%swap3A_705, %swap3A_706], %mul3A_704 {strides = array<i32>} : memref<64x64xf32, #tpu.memory_space<vmem>>, vector<16xf32>,
          %broadcast_in_dim3A_708 = arith.constant 10 : i32
          %broadcast_in_dim3A_709 = vector.broadcast %broadcast_in_dim3A_708 : i32 to vector<16x1xi32>
          %gather3A_710 = vector.shape_cast %broadcast_in_dim3A_709 : vector<16x1xi32> to vector<16xi32>
          %gather3A_711 = tpu.dynamic_gather %get3A_347[%gather3A_710] in [0] : vector<16xf32>, vector<16xi32> -> vector<16xf32>
          %mul3A_712 = arith.constant 16 : i32
          %mul3A_713 = arith.muli %scan3A_342, %mul3A_712 : i32
          %add3A_714 = arith.constant 10 : i32
          %add3A_715 = arith.addi %mul3A_713, %add3A_714 : i32
          %get3A_716 = arith.index_cast %add3A_715 : i32 to index
          %get3A_717 = arith.constant 0 : index
          %get3A_718 = tpu.vector_load %arg10[%get3A_716, %get3A_717] {strides = array<i32>} : memref<64x64xf32, #tpu.memory_space<vmem>>, vector<16xf32>,
          %mul3A_719 = arith.mulf %get3A_718, %gather3A_711 : vector<16xf32>
          %swap3A_720 = arith.index_cast %add3A_715 : i32 to index
          %swap3A_721 = arith.constant 0 : index
          %swap3A_722 = tpu.vector_load %arg10[%swap3A_720, %swap3A_721] {strides = array<i32>} : memref<64x64xf32, #tpu.memory_space<vmem>>, vector<16xf32>,
          tpu.vector_store %arg10[%swap3A_720, %swap3A_721], %mul3A_719 {strides = array<i32>} : memref<64x64xf32, #tpu.memory_space<vmem>>, vector<16xf32>,
          %get3A_723 = arith.index_cast %add3A_715 : i32 to index
          %get3A_724 = arith.constant 16 : index
          %get3A_725 = tpu.vector_load %arg10[%get3A_723, %get3A_724] {strides = array<i32>} : memref<64x64xf32, #tpu.memory_space<vmem>>, vector<16xf32>,
          %mul3A_726 = arith.mulf %get3A_725, %gather3A_711 : vector<16xf32>
          %swap3A_727 = arith.index_cast %add3A_715 : i32 to index
          %swap3A_728 = arith.constant 16 : index
          %swap3A_729 = tpu.vector_load %arg10[%swap3A_727, %swap3A_728] {strides = array<i32>} : memref<64x64xf32, #tpu.memory_space<vmem>>, vector<16xf32>,
          tpu.vector_store %arg10[%swap3A_727, %swap3A_728], %mul3A_726 {strides = array<i32>} : memref<64x64xf32, #tpu.memory_space<vmem>>, vector<16xf32>,
          %get3A_730 = arith.index_cast %add3A_715 : i32 to index
          %get3A_731 = arith.constant 32 : index
          %get3A_732 = tpu.vector_load %arg10[%get3A_730, %get3A_731] {strides = array<i32>} : memref<64x64xf32, #tpu.memory_space<vmem>>, vector<16xf32>,
          %mul3A_733 = arith.mulf %get3A_732, %gather3A_711 : vector<16xf32>
          %swap3A_734 = arith.index_cast %add3A_715 : i32 to index
          %swap3A_735 = arith.constant 32 : index
          %swap3A_736 = tpu.vector_load %arg10[%swap3A_734, %swap3A_735] {strides = array<i32>} : memref<64x64xf32, #tpu.memory_space<vmem>>, vector<16xf32>,
          tpu.vector_store %arg10[%swap3A_734, %swap3A_735], %mul3A_733 {strides = array<i32>} : memref<64x64xf32, #tpu.memory_space<vmem>>, vector<16xf32>,
          %get3A_737 = arith.index_cast %add3A_715 : i32 to index
          %get3A_738 = arith.constant 48 : index
          %get3A_739 = tpu.vector_load %arg10[%get3A_737, %get3A_738] {strides = array<i32>} : memref<64x64xf32, #tpu.memory_space<vmem>>, vector<16xf32>,
          %mul3A_740 = arith.mulf %get3A_739, %gather3A_711 : vector<16xf32>
          %swap3A_741 = arith.index_cast %add3A_715 : i32 to index
          %swap3A_742 = arith.constant 48 : index
          %swap3A_743 = tpu.vector_load %arg10[%swap3A_741, %swap3A_742] {strides = array<i32>} : memref<64x64xf32, #tpu.memory_space<vmem>>, vector<16xf32>,
          tpu.vector_store %arg10[%swap3A_741, %swap3A_742], %mul3A_740 {strides = array<i32>} : memref<64x64xf32, #tpu.memory_space<vmem>>, vector<16xf32>,
          %broadcast_in_dim3A_744 = arith.constant 11 : i32
          %broadcast_in_dim3A_745 = vector.broadcast %broadcast_in_dim3A_744 : i32 to vector<16x1xi32>
          %gather3A_746 = vector.shape_cast %broadcast_in_dim3A_745 : vector<16x1xi32> to vector<16xi32>
          %gather3A_747 = tpu.dynamic_gather %get3A_347[%gather3A_746] in [0] : vector<16xf32>, vector<16xi32> -> vector<16xf32>
          %mul3A_748 = arith.constant 16 : i32
          %mul3A_749 = arith.muli %scan3A_342, %mul3A_748 : i32
          %add3A_750 = arith.constant 11 : i32
          %add3A_751 = arith.addi %mul3A_749, %add3A_750 : i32
          %get3A_752 = arith.index_cast %add3A_751 : i32 to index
          %get3A_753 = arith.constant 0 : index
          %get3A_754 = tpu.vector_load %arg10[%get3A_752, %get3A_753] {strides = array<i32>} : memref<64x64xf32, #tpu.memory_space<vmem>>, vector<16xf32>,
          %mul3A_755 = arith.mulf %get3A_754, %gather3A_747 : vector<16xf32>
          %swap3A_756 = arith.index_cast %add3A_751 : i32 to index
          %swap3A_757 = arith.constant 0 : index
          %swap3A_758 = tpu.vector_load %arg10[%swap3A_756, %swap3A_757] {strides = array<i32>} : memref<64x64xf32, #tpu.memory_space<vmem>>, vector<16xf32>,
          tpu.vector_store %arg10[%swap3A_756, %swap3A_757], %mul3A_755 {strides = array<i32>} : memref<64x64xf32, #tpu.memory_space<vmem>>, vector<16xf32>,
          %get3A_759 = arith.index_cast %add3A_751 : i32 to index
          %get3A_760 = arith.constant 16 : index
          %get3A_761 = tpu.vector_load %arg10[%get3A_759, %get3A_760] {strides = array<i32>} : memref<64x64xf32, #tpu.memory_space<vmem>>, vector<16xf32>,
          %mul3A_762 = arith.mulf %get3A_761, %gather3A_747 : vector<16xf32>
          %swap3A_763 = arith.index_cast %add3A_751 : i32 to index
          %swap3A_764 = arith.constant 16 : index
          %swap3A_765 = tpu.vector_load %arg10[%swap3A_763, %swap3A_764] {strides = array<i32>} : memref<64x64xf32, #tpu.memory_space<vmem>>, vector<16xf32>,
          tpu.vector_store %arg10[%swap3A_763, %swap3A_764], %mul3A_762 {strides = array<i32>} : memref<64x64xf32, #tpu.memory_space<vmem>>, vector<16xf32>,
          %get3A_766 = arith.index_cast %add3A_751 : i32 to index
          %get3A_767 = arith.constant 32 : index
          %get3A_768 = tpu.vector_load %arg10[%get3A_766, %get3A_767] {strides = array<i32>} : memref<64x64xf32, #tpu.memory_space<vmem>>, vector<16xf32>,
          %mul3A_769 = arith.mulf %get3A_768, %gather3A_747 : vector<16xf32>
          %swap3A_770 = arith.index_cast %add3A_751 : i32 to index
          %swap3A_771 = arith.constant 32 : index
          %swap3A_772 = tpu.vector_load %arg10[%swap3A_770, %swap3A_771] {strides = array<i32>} : memref<64x64xf32, #tpu.memory_space<vmem>>, vector<16xf32>,
          tpu.vector_store %arg10[%swap3A_770, %swap3A_771], %mul3A_769 {strides = array<i32>} : memref<64x64xf32, #tpu.memory_space<vmem>>, vector<16xf32>,
          %get3A_773 = arith.index_cast %add3A_751 : i32 to index
          %get3A_774 = arith.constant 48 : index
          %get3A_775 = tpu.vector_load %arg10[%get3A_773, %get3A_774] {strides = array<i32>} : memref<64x64xf32, #tpu.memory_space<vmem>>, vector<16xf32>,
          %mul3A_776 = arith.mulf %get3A_775, %gather3A_747 : vector<16xf32>
          %swap3A_777 = arith.index_cast %add3A_751 : i32 to index
          %swap3A_778 = arith.constant 48 : index
          %swap3A_779 = tpu.vector_load %arg10[%swap3A_777, %swap3A_778] {strides = array<i32>} : memref<64x64xf32, #tpu.memory_space<vmem>>, vector<16xf32>,
          tpu.vector_store %arg10[%swap3A_777, %swap3A_778], %mul3A_776 {strides = array<i32>} : memref<64x64xf32, #tpu.memory_space<vmem>>, vector<16xf32>,
          %broadcast_in_dim3A_780 = arith.constant 12 : i32
          %broadcast_in_dim3A_781 = vector.broadcast %broadcast_in_dim3A_780 : i32 to vector<16x1xi32>
          %gather3A_782 = vector.shape_cast %broadcast_in_dim3A_781 : vector<16x1xi32> to vector<16xi32>
          %gather3A_783 = tpu.dynamic_gather %get3A_347[%gather3A_782] in [0] : vector<16xf32>, vector<16xi32> -> vector<16xf32>
          %mul3A_784 = arith.constant 16 : i32
          %mul3A_785 = arith.muli %scan3A_342, %mul3A_784 : i32
          %add3A_786 = arith.constant 12 : i32
          %add3A_787 = arith.addi %mul3A_785, %add3A_786 : i32
          %get3A_788 = arith.index_cast %add3A_787 : i32 to index
          %get3A_789 = arith.constant 0 : index
          %get3A_790 = tpu.vector_load %arg10[%get3A_788, %get3A_789] {strides = array<i32>} : memref<64x64xf32, #tpu.memory_space<vmem>>, vector<16xf32>,
          %mul3A_791 = arith.mulf %get3A_790, %gather3A_783 : vector<16xf32>
          %swap3A_792 = arith.index_cast %add3A_787 : i32 to index
          %swap3A_793 = arith.constant 0 : index
          %swap3A_794 = tpu.vector_load %arg10[%swap3A_792, %swap3A_793] {strides = array<i32>} : memref<64x64xf32, #tpu.memory_space<vmem>>, vector<16xf32>,
          tpu.vector_store %arg10[%swap3A_792, %swap3A_793], %mul3A_791 {strides = array<i32>} : memref<64x64xf32, #tpu.memory_space<vmem>>, vector<16xf32>,
          %get3A_795 = arith.index_cast %add3A_787 : i32 to index
          %get3A_796 = arith.constant 16 : index
          %get3A_797 = tpu.vector_load %arg10[%get3A_795, %get3A_796] {strides = array<i32>} : memref<64x64xf32, #tpu.memory_space<vmem>>, vector<16xf32>,
          %mul3A_798 = arith.mulf %get3A_797, %gather3A_783 : vector<16xf32>
          %swap3A_799 = arith.index_cast %add3A_787 : i32 to index
          %swap3A_800 = arith.constant 16 : index
          %swap3A_801 = tpu.vector_load %arg10[%swap3A_799, %swap3A_800] {strides = array<i32>} : memref<64x64xf32, #tpu.memory_space<vmem>>, vector<16xf32>,
          tpu.vector_store %arg10[%swap3A_799, %swap3A_800], %mul3A_798 {strides = array<i32>} : memref<64x64xf32, #tpu.memory_space<vmem>>, vector<16xf32>,
          %get3A_802 = arith.index_cast %add3A_787 : i32 to index
          %get3A_803 = arith.constant 32 : index
          %get3A_804 = tpu.vector_load %arg10[%get3A_802, %get3A_803] {strides = array<i32>} : memref<64x64xf32, #tpu.memory_space<vmem>>, vector<16xf32>,
          %mul3A_805 = arith.mulf %get3A_804, %gather3A_783 : vector<16xf32>
          %swap3A_806 = arith.index_cast %add3A_787 : i32 to index
          %swap3A_807 = arith.constant 32 : index
          %swap3A_808 = tpu.vector_load %arg10[%swap3A_806, %swap3A_807] {strides = array<i32>} : memref<64x64xf32, #tpu.memory_space<vmem>>, vector<16xf32>,
          tpu.vector_store %arg10[%swap3A_806, %swap3A_807], %mul3A_805 {strides = array<i32>} : memref<64x64xf32, #tpu.memory_space<vmem>>, vector<16xf32>,
          %get3A_809 = arith.index_cast %add3A_787 : i32 to index
          %get3A_810 = arith.constant 48 : index
          %get3A_811 = tpu.vector_load %arg10[%get3A_809, %get3A_810] {strides = array<i32>} : memref<64x64xf32, #tpu.memory_space<vmem>>, vector<16xf32>,
          %mul3A_812 = arith.mulf %get3A_811, %gather3A_783 : vector<16xf32>
          %swap3A_813 = arith.index_cast %add3A_787 : i32 to index
          %swap3A_814 = arith.constant 48 : index
          %swap3A_815 = tpu.vector_load %arg10[%swap3A_813, %swap3A_814] {strides = array<i32>} : memref<64x64xf32, #tpu.memory_space<vmem>>, vector<16xf32>,
          tpu.vector_store %arg10[%swap3A_813, %swap3A_814], %mul3A_812 {strides = array<i32>} : memref<64x64xf32, #tpu.memory_space<vmem>>, vector<16xf32>,
          %broadcast_in_dim3A_816 = arith.constant 13 : i32
          %broadcast_in_dim3A_817 = vector.broadcast %broadcast_in_dim3A_816 : i32 to vector<16x1xi32>
          %gather3A_818 = vector.shape_cast %broadcast_in_dim3A_817 : vector<16x1xi32> to vector<16xi32>
          %gather3A_819 = tpu.dynamic_gather %get3A_347[%gather3A_818] in [0] : vector<16xf32>, vector<16xi32> -> vector<16xf32>
          %mul3A_820 = arith.constant 16 : i32
          %mul3A_821 = arith.muli %scan3A_342, %mul3A_820 : i32
          %add3A_822 = arith.constant 13 : i32
          %add3A_823 = arith.addi %mul3A_821, %add3A_822 : i32
          %get3A_824 = arith.index_cast %add3A_823 : i32 to index
          %get3A_825 = arith.constant 0 : index
          %get3A_826 = tpu.vector_load %arg10[%get3A_824, %get3A_825] {strides = array<i32>} : memref<64x64xf32, #tpu.memory_space<vmem>>, vector<16xf32>,
          %mul3A_827 = arith.mulf %get3A_826, %gather3A_819 : vector<16xf32>
          %swap3A_828 = arith.index_cast %add3A_823 : i32 to index
          %swap3A_829 = arith.constant 0 : index
          %swap3A_830 = tpu.vector_load %arg10[%swap3A_828, %swap3A_829] {strides = array<i32>} : memref<64x64xf32, #tpu.memory_space<vmem>>, vector<16xf32>,
          tpu.vector_store %arg10[%swap3A_828, %swap3A_829], %mul3A_827 {strides = array<i32>} : memref<64x64xf32, #tpu.memory_space<vmem>>, vector<16xf32>,
          %get3A_831 = arith.index_cast %add3A_823 : i32 to index
          %get3A_832 = arith.constant 16 : index
          %get3A_833 = tpu.vector_load %arg10[%get3A_831, %get3A_832] {strides = array<i32>} : memref<64x64xf32, #tpu.memory_space<vmem>>, vector<16xf32>,
          %mul3A_834 = arith.mulf %get3A_833, %gather3A_819 : vector<16xf32>
          %swap3A_835 = arith.index_cast %add3A_823 : i32 to index
          %swap3A_836 = arith.constant 16 : index
          %swap3A_837 = tpu.vector_load %arg10[%swap3A_835, %swap3A_836] {strides = array<i32>} : memref<64x64xf32, #tpu.memory_space<vmem>>, vector<16xf32>,
          tpu.vector_store %arg10[%swap3A_835, %swap3A_836], %mul3A_834 {strides = array<i32>} : memref<64x64xf32, #tpu.memory_space<vmem>>, vector<16xf32>,
          %get3A_838 = arith.index_cast %add3A_823 : i32 to index
          %get3A_839 = arith.constant 32 : index
          %get3A_840 = tpu.vector_load %arg10[%get3A_838, %get3A_839] {strides = array<i32>} : memref<64x64xf32, #tpu.memory_space<vmem>>, vector<16xf32>,
          %mul3A_841 = arith.mulf %get3A_840, %gather3A_819 : vector<16xf32>
          %swap3A_842 = arith.index_cast %add3A_823 : i32 to index
          %swap3A_843 = arith.constant 32 : index
          %swap3A_844 = tpu.vector_load %arg10[%swap3A_842, %swap3A_843] {strides = array<i32>} : memref<64x64xf32, #tpu.memory_space<vmem>>, vector<16xf32>,
          tpu.vector_store %arg10[%swap3A_842, %swap3A_843], %mul3A_841 {strides = array<i32>} : memref<64x64xf32, #tpu.memory_space<vmem>>, vector<16xf32>,
          %get3A_845 = arith.index_cast %add3A_823 : i32 to index
          %get3A_846 = arith.constant 48 : index
          %get3A_847 = tpu.vector_load %arg10[%get3A_845, %get3A_846] {strides = array<i32>} : memref<64x64xf32, #tpu.memory_space<vmem>>, vector<16xf32>,
          %mul3A_848 = arith.mulf %get3A_847, %gather3A_819 : vector<16xf32>
          %swap3A_849 = arith.index_cast %add3A_823 : i32 to index
          %swap3A_850 = arith.constant 48 : index
          %swap3A_851 = tpu.vector_load %arg10[%swap3A_849, %swap3A_850] {strides = array<i32>} : memref<64x64xf32, #tpu.memory_space<vmem>>, vector<16xf32>,
          tpu.vector_store %arg10[%swap3A_849, %swap3A_850], %mul3A_848 {strides = array<i32>} : memref<64x64xf32, #tpu.memory_space<vmem>>, vector<16xf32>,
          %broadcast_in_dim3A_852 = arith.constant 14 : i32
          %broadcast_in_dim3A_853 = vector.broadcast %broadcast_in_dim3A_852 : i32 to vector<16x1xi32>
          %gather3A_854 = vector.shape_cast %broadcast_in_dim3A_853 : vector<16x1xi32> to vector<16xi32>
          %gather3A_855 = tpu.dynamic_gather %get3A_347[%gather3A_854] in [0] : vector<16xf32>, vector<16xi32> -> vector<16xf32>
          %mul3A_856 = arith.constant 16 : i32
          %mul3A_857 = arith.muli %scan3A_342, %mul3A_856 : i32
          %add3A_858 = arith.constant 14 : i32
          %add3A_859 = arith.addi %mul3A_857, %add3A_858 : i32
          %get3A_860 = arith.index_cast %add3A_859 : i32 to index
          %get3A_861 = arith.constant 0 : index
          %get3A_862 = tpu.vector_load %arg10[%get3A_860, %get3A_861] {strides = array<i32>} : memref<64x64xf32, #tpu.memory_space<vmem>>, vector<16xf32>,
          %mul3A_863 = arith.mulf %get3A_862, %gather3A_855 : vector<16xf32>
          %swap3A_864 = arith.index_cast %add3A_859 : i32 to index
          %swap3A_865 = arith.constant 0 : index
          %swap3A_866 = tpu.vector_load %arg10[%swap3A_864, %swap3A_865] {strides = array<i32>} : memref<64x64xf32, #tpu.memory_space<vmem>>, vector<16xf32>,
          tpu.vector_store %arg10[%swap3A_864, %swap3A_865], %mul3A_863 {strides = array<i32>} : memref<64x64xf32, #tpu.memory_space<vmem>>, vector<16xf32>,
          %get3A_867 = arith.index_cast %add3A_859 : i32 to index
          %get3A_868 = arith.constant 16 : index
          %get3A_869 = tpu.vector_load %arg10[%get3A_867, %get3A_868] {strides = array<i32>} : memref<64x64xf32, #tpu.memory_space<vmem>>, vector<16xf32>,
          %mul3A_870 = arith.mulf %get3A_869, %gather3A_855 : vector<16xf32>
          %swap3A_871 = arith.index_cast %add3A_859 : i32 to index
          %swap3A_872 = arith.constant 16 : index
          %swap3A_873 = tpu.vector_load %arg10[%swap3A_871, %swap3A_872] {strides = array<i32>} : memref<64x64xf32, #tpu.memory_space<vmem>>, vector<16xf32>,
          tpu.vector_store %arg10[%swap3A_871, %swap3A_872], %mul3A_870 {strides = array<i32>} : memref<64x64xf32, #tpu.memory_space<vmem>>, vector<16xf32>,
          %get3A_874 = arith.index_cast %add3A_859 : i32 to index
          %get3A_875 = arith.constant 32 : index
          %get3A_876 = tpu.vector_load %arg10[%get3A_874, %get3A_875] {strides = array<i32>} : memref<64x64xf32, #tpu.memory_space<vmem>>, vector<16xf32>,
          %mul3A_877 = arith.mulf %get3A_876, %gather3A_855 : vector<16xf32>
          %swap3A_878 = arith.index_cast %add3A_859 : i32 to index
          %swap3A_879 = arith.constant 32 : index
          %swap3A_880 = tpu.vector_load %arg10[%swap3A_878, %swap3A_879] {strides = array<i32>} : memref<64x64xf32, #tpu.memory_space<vmem>>, vector<16xf32>,
          tpu.vector_store %arg10[%swap3A_878, %swap3A_879], %mul3A_877 {strides = array<i32>} : memref<64x64xf32, #tpu.memory_space<vmem>>, vector<16xf32>,
          %get3A_881 = arith.index_cast %add3A_859 : i32 to index
          %get3A_882 = arith.constant 48 : index
          %get3A_883 = tpu.vector_load %arg10[%get3A_881, %get3A_882] {strides = array<i32>} : memref<64x64xf32, #tpu.memory_space<vmem>>, vector<16xf32>,
          %mul3A_884 = arith.mulf %get3A_883, %gather3A_855 : vector<16xf32>
          %swap3A_885 = arith.index_cast %add3A_859 : i32 to index
          %swap3A_886 = arith.constant 48 : index
          %swap3A_887 = tpu.vector_load %arg10[%swap3A_885, %swap3A_886] {strides = array<i32>} : memref<64x64xf32, #tpu.memory_space<vmem>>, vector<16xf32>,
          tpu.vector_store %arg10[%swap3A_885, %swap3A_886], %mul3A_884 {strides = array<i32>} : memref<64x64xf32, #tpu.memory_space<vmem>>, vector<16xf32>,
          %broadcast_in_dim3A_888 = arith.constant 15 : i32
          %broadcast_in_dim3A_889 = vector.broadcast %broadcast_in_dim3A_888 : i32 to vector<16x1xi32>
          %gather3A_890 = vector.shape_cast %broadcast_in_dim3A_889 : vector<16x1xi32> to vector<16xi32>
          %gather3A_891 = tpu.dynamic_gather %get3A_347[%gather3A_890] in [0] : vector<16xf32>, vector<16xi32> -> vector<16xf32>
          %mul3A_892 = arith.constant 16 : i32
          %mul3A_893 = arith.muli %scan3A_342, %mul3A_892 : i32
          %add3A_894 = arith.constant 15 : i32
          %add3A_895 = arith.addi %mul3A_893, %add3A_894 : i32
          %get3A_896 = arith.index_cast %add3A_895 : i32 to index
          %get3A_897 = arith.constant 0 : index
          %get3A_898 = tpu.vector_load %arg10[%get3A_896, %get3A_897] {strides = array<i32>} : memref<64x64xf32, #tpu.memory_space<vmem>>, vector<16xf32>,
          %mul3A_899 = arith.mulf %get3A_898, %gather3A_891 : vector<16xf32>
          %swap3A_900 = arith.index_cast %add3A_895 : i32 to index
          %swap3A_901 = arith.constant 0 : index
          %swap3A_902 = tpu.vector_load %arg10[%swap3A_900, %swap3A_901] {strides = array<i32>} : memref<64x64xf32, #tpu.memory_space<vmem>>, vector<16xf32>,
          tpu.vector_store %arg10[%swap3A_900, %swap3A_901], %mul3A_899 {strides = array<i32>} : memref<64x64xf32, #tpu.memory_space<vmem>>, vector<16xf32>,
          %get3A_903 = arith.index_cast %add3A_895 : i32 to index
          %get3A_904 = arith.constant 16 : index
          %get3A_905 = tpu.vector_load %arg10[%get3A_903, %get3A_904] {strides = array<i32>} : memref<64x64xf32, #tpu.memory_space<vmem>>, vector<16xf32>,
          %mul3A_906 = arith.mulf %get3A_905, %gather3A_891 : vector<16xf32>
          %swap3A_907 = arith.index_cast %add3A_895 : i32 to index
          %swap3A_908 = arith.constant 16 : index
          %swap3A_909 = tpu.vector_load %arg10[%swap3A_907, %swap3A_908] {strides = array<i32>} : memref<64x64xf32, #tpu.memory_space<vmem>>, vector<16xf32>,
          tpu.vector_store %arg10[%swap3A_907, %swap3A_908], %mul3A_906 {strides = array<i32>} : memref<64x64xf32, #tpu.memory_space<vmem>>, vector<16xf32>,
          %get3A_910 = arith.index_cast %add3A_895 : i32 to index
          %get3A_911 = arith.constant 32 : index
          %get3A_912 = tpu.vector_load %arg10[%get3A_910, %get3A_911] {strides = array<i32>} : memref<64x64xf32, #tpu.memory_space<vmem>>, vector<16xf32>,
          %mul3A_913 = arith.mulf %get3A_912, %gather3A_891 : vector<16xf32>
          %swap3A_914 = arith.index_cast %add3A_895 : i32 to index
          %swap3A_915 = arith.constant 32 : index
          %swap3A_916 = tpu.vector_load %arg10[%swap3A_914, %swap3A_915] {strides = array<i32>} : memref<64x64xf32, #tpu.memory_space<vmem>>, vector<16xf32>,
          tpu.vector_store %arg10[%swap3A_914, %swap3A_915], %mul3A_913 {strides = array<i32>} : memref<64x64xf32, #tpu.memory_space<vmem>>, vector<16xf32>,
          %get3A_917 = arith.index_cast %add3A_895 : i32 to index
          %get3A_918 = arith.constant 48 : index
          %get3A_919 = tpu.vector_load %arg10[%get3A_917, %get3A_918] {strides = array<i32>} : memref<64x64xf32, #tpu.memory_space<vmem>>, vector<16xf32>,
          %mul3A_920 = arith.mulf %get3A_919, %gather3A_891 : vector<16xf32>
          %swap3A_921 = arith.index_cast %add3A_895 : i32 to index
          %swap3A_922 = arith.constant 48 : index
          %swap3A_923 = tpu.vector_load %arg10[%swap3A_921, %swap3A_922] {strides = array<i32>} : memref<64x64xf32, #tpu.memory_space<vmem>>, vector<16xf32>,
          tpu.vector_store %arg10[%swap3A_921, %swap3A_922], %mul3A_920 {strides = array<i32>} : memref<64x64xf32, #tpu.memory_space<vmem>>, vector<16xf32>,
          %scan3A_924 = arith.constant 0 : i32
          scf.yield %scan3A_924 : i32
        }
        %scan3A_340 = arith.constant 4 : i32
        "tpu.region"() ({
          %run_scoped3A = tpu.sem_alloc : memref<!tpu.dma_semaphore, #tpu.memory_space<semaphore_mem>>
          %dma_start3A_342 = arith.constant 0 : i32
          %dma_start3A_343 = arith.constant 0 : i32
          %dma_start3A_344 = tpu.memref_slice %arg11[%dma_start3A_342, %dma_start3A_343] : memref<19464x64xf32, #tpu.memory_space<vmem_shared>> -> memref<19464x64xf32, #tpu.memory_space<vmem_shared>>
          tpu.enqueue_indirect_dma source(%arg10 : memref<64x64xf32, #tpu.memory_space<vmem>>) target(%dma_start3A_344 : memref<19464x64xf32, #tpu.memory_space<vmem_shared>>) offsets(%arg7 : memref<64xi32, #tpu.memory_space<vmem>>) semaphore(%run_scoped3A : memref<!tpu.dma_semaphore, #tpu.memory_space<semaphore_mem>>) {add = true}
          %dma_wait3A_345 = arith.constant 0 : i32
          %dma_wait3A_346 = arith.constant 0 : i32
          %dma_wait3A_347 = tpu.memref_slice %arg11[%dma_wait3A_345, %dma_wait3A_346] : memref<19464x64xf32, #tpu.memory_space<vmem_shared>> -> memref<19464x64xf32, #tpu.memory_space<vmem_shared>>
          tpu.wait_indirect_dma semaphore(%run_scoped3A : memref<!tpu.dma_semaphore, #tpu.memory_space<semaphore_mem>>) src(%arg10 : memref<64x64xf32, #tpu.memory_space<vmem>>) dst(%dma_wait3A_347 : memref<19464x64xf32, #tpu.memory_space<vmem_shared>>)
          tpu.yield
        }) : () -> ()
        %while3A_341 = arith.constant 0 : i32
        scf.yield %while3A_341 : i32
      }
      %gt3A = arith.constant 0 : i32
      %gt3A_110 = arith.cmpi sgt, %select_n3A_98, %gt3A : i32
      %jit3A_111 = arith.constant 0 : i32
      %select_n3A_112 = arith.select %gt3A_110, %jit3A_111, %scan3A_68 : i32
      %barrier3A_113 = arith.constant 0 : index
      tpu.barrier barrier_id(%barrier3A_113)
      %scan3A_114 = arith.constant 0 : i32
      %scan3A_115 = arith.constant 0 : i32
      %scan3A_116 = arith.constant 19 : i32
      %scan3A_117 = arith.addi %scan3A_115, %scan3A_116 : i32
      %scan3A_118 = arith.constant 1 : i32
      %scan3A_119 = scf.for %scan3A_123 = %scan3A_115 to %scan3A_117 step %scan3A_118 iter_args(%scan3A_124 = %scan3A_114) -> (i32)  : i32 {
        %mul3A_125 = arith.constant 1216 : i32
        %mul3A_126 = arith.muli %arg1, %mul3A_125 : i32
        %mul3A_127 = arith.constant 64 : i32
        %mul3A_128 = arith.muli %scan3A_123, %mul3A_127 : i32
        %add3A_129 = arith.addi %mul3A_126, %mul3A_128 : i32
        %mul3A_130 = arith.constant 428032 : i32
        %mul3A_131 = arith.muli %select_n3A, %mul3A_130 : i32
        %add3A_132 = arith.addi %mul3A_131, %mul3A_43 : i32
        %add3A_133 = arith.addi %add3A_132, %add3A_129 : i32
        "tpu.region"() ({
          %run_scoped3A = tpu.sem_alloc : memref<!tpu.dma_semaphore, #tpu.memory_space<semaphore_mem>>
          %dma_start3A = arith.constant 0 : i32
          %dma_start3A_135 = tpu.memref_slice %arg4[%add3A_133, %dma_start3A] : memref<856064x64xf32, #tpu.memory_space<hbm>> -> memref<64x64xf32, #tpu.memory_space<hbm>>
          %dma_start3A_136 = arith.constant 0 : i32
          %dma_start3A_137 = tpu.memref_slice %arg11[%add3A_129, %dma_start3A_136] : memref<19464x64xf32, #tpu.memory_space<vmem_shared>> -> memref<64x64xf32, #tpu.memory_space<vmem_shared>>
          tpu.enqueue_dma source(%dma_start3A_137 : memref<64x64xf32, #tpu.memory_space<vmem_shared>>) target(%dma_start3A_135 : memref<64x64xf32, #tpu.memory_space<hbm>>) target_semaphore(%run_scoped3A : memref<!tpu.dma_semaphore, #tpu.memory_space<semaphore_mem>>)
          %dma_wait3A = arith.constant 0 : i32
          %dma_wait3A_138 = tpu.memref_slice %arg4[%add3A_133, %dma_wait3A] : memref<856064x64xf32, #tpu.memory_space<hbm>> -> memref<64x64xf32, #tpu.memory_space<hbm>>
          %dma_wait3A_139 = arith.constant 0 : i32
          %dma_wait3A_140 = tpu.memref_slice %arg11[%add3A_129, %dma_wait3A_139] : memref<19464x64xf32, #tpu.memory_space<vmem_shared>> -> memref<64x64xf32, #tpu.memory_space<vmem_shared>>
          tpu.wait_dma2 semaphore(%run_scoped3A : memref<!tpu.dma_semaphore, #tpu.memory_space<semaphore_mem>>) src(%dma_wait3A_140 : memref<64x64xf32, #tpu.memory_space<vmem_shared>>) dst(%dma_wait3A_138 : memref<64x64xf32, #tpu.memory_space<hbm>>)
          tpu.yield
        }) : () -> ()
        %scan3A_134 = arith.constant 0 : i32
        scf.yield %scan3A_134 : i32
      }
      %scan3A_120 = arith.constant 19 : i32
      %barrier3A_121 = arith.constant 0 : index
      tpu.barrier barrier_id(%barrier3A_121)
      %scan3A_122 = arith.constant 0 : i32
      scf.yield %scan3A_122 : i32
    }
    %scan3A_7 = arith.constant 22 : i32
    return
  }
}

module attributes {stable_mosaic.version = 14 : i64} {
  func.func @_phase_a_body(%arg0: i32, %arg1: i32, %arg2: memref<1x1x4096xf32, #tpu.memory_space<vmem>>, %arg3: memref<1x1x4096xf32, #tpu.memory_space<vmem>>, %arg4: memref<1x1x4096xf32, #tpu.memory_space<vmem>>, %arg5: memref<1x1x4096xi32, #tpu.memory_space<vmem>>, %arg6: memref<1x1x4096xi32, #tpu.memory_space<vmem>>, %arg7: memref<1x1x9x4096xi32, #tpu.memory_space<vmem>>) attributes {dimension_semantics = [#tpu.dimension_semantics<arbitrary>, #tpu.dimension_semantics<arbitrary>], iteration_bounds = array<i64: 2, 16>, scalar_prefetch = 0 : i64, scratch_operands = 0 : i64, tpu.core_type = #tpu.core_type<tc>, window_params = [{transform_indices = @transform_0, window_bounds = array<i64: 1, 1, 4096>}, {transform_indices = @transform_1, window_bounds = array<i64: 1, 1, 4096>}, {transform_indices = @transform_2, window_bounds = array<i64: 1, 1, 4096>}, {transform_indices = @transform_3, window_bounds = array<i64: 1, 1, 4096>}, {transform_indices = @transform_4, window_bounds = array<i64: 1, 1, 4096>}, {transform_indices = @transform_5, window_bounds = array<i64: 1, 1, 9, 4096>}]} {
    %get3A = arith.constant 0 : index
    %get3A_0 = arith.constant 0 : index
    %get3A_1 = arith.constant 0 : index
    %get3A_2 = vector.load %arg2[%get3A, %get3A_0, %get3A_1] : memref<1x1x4096xf32, #tpu.memory_space<vmem>>, vector<1x1x4096xf32>
    %get3A_3 = vector.shape_cast %get3A_2 : vector<1x1x4096xf32> to vector<4096xf32>
    %get3A_4 = arith.constant 0 : index
    %get3A_5 = arith.constant 0 : index
    %get3A_6 = arith.constant 0 : index
    %get3A_7 = vector.load %arg3[%get3A_4, %get3A_5, %get3A_6] : memref<1x1x4096xf32, #tpu.memory_space<vmem>>, vector<1x1x4096xf32>
    %get3A_8 = vector.shape_cast %get3A_7 : vector<1x1x4096xf32> to vector<4096xf32>
    %get3A_9 = arith.constant 0 : index
    %get3A_10 = arith.constant 0 : index
    %get3A_11 = arith.constant 0 : index
    %get3A_12 = vector.load %arg4[%get3A_9, %get3A_10, %get3A_11] : memref<1x1x4096xf32, #tpu.memory_space<vmem>>, vector<1x1x4096xf32>
    %get3A_13 = vector.shape_cast %get3A_12 : vector<1x1x4096xf32> to vector<4096xf32>
    %get3A_14 = arith.constant 0 : index
    %get3A_15 = arith.constant 0 : index
    %get3A_16 = arith.constant 0 : index
    %get3A_17 = vector.load %arg5[%get3A_14, %get3A_15, %get3A_16] : memref<1x1x4096xi32, #tpu.memory_space<vmem>>, vector<1x1x4096xi32>
    %get3A_18 = vector.shape_cast %get3A_17 : vector<1x1x4096xi32> to vector<4096xi32>
    %get3A_19 = arith.constant 0 : index
    %get3A_20 = arith.constant 0 : index
    %get3A_21 = arith.constant 0 : index
    %get3A_22 = vector.load %arg6[%get3A_19, %get3A_20, %get3A_21] : memref<1x1x4096xi32, #tpu.memory_space<vmem>>, vector<1x1x4096xi32>
    %get3A_23 = vector.shape_cast %get3A_22 : vector<1x1x4096xi32> to vector<4096xi32>
    %add3A = arith.constant -1 : i32
    %add3A_24 = vector.broadcast %add3A : i32 to vector<4096xi32>
    %add3A_25 = arith.addi %get3A_18, %add3A_24 : vector<4096xi32>
    %add3A_26 = arith.constant -1 : i32
    %add3A_27 = vector.broadcast %add3A_26 : i32 to vector<4096xi32>
    %add3A_28 = arith.addi %get3A_23, %add3A_27 : vector<4096xi32>
    %convert_element_type3A = arith.sitofp %add3A_28 : vector<4096xi32> to vector<4096xf32>
    %mul3A = arith.constant 2.000000e+00 : f32
    %mul3A_29 = vector.broadcast %mul3A : f32 to vector<4096xf32>
    %mul3A_30 = arith.mulf %mul3A_29, %convert_element_type3A : vector<4096xf32>
    %sub3A = arith.constant 1.215000e+03 : f32
    %sub3A_31 = vector.broadcast %sub3A : f32 to vector<4096xf32>
    %sub3A_32 = arith.subf %sub3A_31, %mul3A_30 : vector<4096xf32>
    %div3A = arith.constant 3.520000e+02 : f32
    %div3A_33 = vector.broadcast %div3A : f32 to vector<4096xf32>
    %div3A_34 = arith.divf %sub3A_32, %div3A_33 : vector<4096xf32>
    %convert_element_type3A_35 = arith.sitofp %add3A_25 : vector<4096xi32> to vector<4096xf32>
    %mul3A_36 = arith.constant 2.000000e+00 : f32
    %mul3A_37 = vector.broadcast %mul3A_36 : f32 to vector<4096xf32>
    %mul3A_38 = arith.mulf %mul3A_37, %convert_element_type3A_35 : vector<4096xf32>
    %sub3A_39 = arith.constant 3.510000e+02 : f32
    %sub3A_40 = vector.broadcast %sub3A_39 : f32 to vector<4096xf32>
    %sub3A_41 = arith.subf %sub3A_40, %mul3A_38 : vector<4096xf32>
    %div3A_42 = arith.constant 3.520000e+02 : f32
    %div3A_43 = vector.broadcast %div3A_42 : f32 to vector<4096xf32>
    %div3A_44 = arith.divf %sub3A_41, %div3A_43 : vector<4096xf32>
    %sub3A_45 = arith.subf %get3A_3, %div3A_34 : vector<4096xf32>
    %integer_pow3A = arith.mulf %sub3A_45, %sub3A_45 : vector<4096xf32>
    %sub3A_46 = arith.subf %get3A_8, %div3A_44 : vector<4096xf32>
    %integer_pow3A_47 = arith.mulf %sub3A_46, %sub3A_46 : vector<4096xf32>
    %add3A_48 = arith.addf %integer_pow3A, %integer_pow3A_47 : vector<4096xf32>
    %lt3A = arith.constant 4.32825473E-5 : f32
    %lt3A_49 = vector.broadcast %lt3A : f32 to vector<4096xf32>
    %lt3A_50 = arith.cmpf olt, %add3A_48, %lt3A_49 : vector<4096xf32>
    %ge3A = arith.constant 0 : i32
    %ge3A_51 = vector.broadcast %ge3A : i32 to vector<4096xi32>
    %ge3A_52 = arith.cmpi sge, %add3A_25, %ge3A_51 : vector<4096xi32>
    %and3A = arith.andi %lt3A_50, %ge3A_52 : vector<4096xi1>
    %lt3A_53 = arith.constant 352 : i32
    %lt3A_54 = vector.broadcast %lt3A_53 : i32 to vector<4096xi32>
    %lt3A_55 = arith.cmpi slt, %add3A_25, %lt3A_54 : vector<4096xi32>
    %and3A_56 = arith.andi %and3A, %lt3A_55 : vector<4096xi1>
    %ge3A_57 = arith.constant 0 : i32
    %ge3A_58 = vector.broadcast %ge3A_57 : i32 to vector<4096xi32>
    %ge3A_59 = arith.cmpi sge, %add3A_28, %ge3A_58 : vector<4096xi32>
    %and3A_60 = arith.andi %and3A_56, %ge3A_59 : vector<4096xi1>
    %lt3A_61 = arith.constant 1216 : i32
    %lt3A_62 = vector.broadcast %lt3A_61 : i32 to vector<4096xi32>
    %lt3A_63 = arith.cmpi slt, %add3A_28, %lt3A_62 : vector<4096xi32>
    %and3A_64 = arith.andi %and3A_60, %lt3A_63 : vector<4096xi1>
    %gt3A = arith.constant 0.000000e+00 : f32
    %gt3A_65 = vector.broadcast %gt3A : f32 to vector<4096xf32>
    %gt3A_66 = arith.cmpf ogt, %get3A_13, %gt3A_65 : vector<4096xf32>
    %and3A_67 = arith.andi %and3A_64, %gt3A_66 : vector<4096xi1>
    %div3A_68 = arith.constant 4.32825473E-5 : f32
    %div3A_69 = vector.broadcast %div3A_68 : f32 to vector<4096xf32>
    %div3A_70 = arith.divf %add3A_48, %div3A_69 : vector<4096xf32>
    %jit3A = arith.constant 1.000000e-03 : f32
    %jit3A_71 = arith.constant 1.000000e+00 : f32
    %max3A = vector.broadcast %jit3A : f32 to vector<4096xf32>
    %max3A_72 = arith.maximumf %max3A, %div3A_70 : vector<4096xf32>
    %min3A = vector.broadcast %jit3A_71 : f32 to vector<4096xf32>
    %min3A_73 = arith.minimumf %min3A, %max3A_72 : vector<4096xf32>
    %sqrt3A = math.sqrt %min3A_73 : vector<4096xf32>
    %sub3A_74 = arith.constant 1.000000e+00 : f32
    %sub3A_75 = vector.broadcast %sub3A_74 : f32 to vector<4096xf32>
    %sub3A_76 = arith.subf %sub3A_75, %sqrt3A : vector<4096xf32>
    %mul3A_77 = arith.constant 8.192000e+03 : f32
    %mul3A_78 = vector.broadcast %mul3A_77 : f32 to vector<4096xf32>
    %mul3A_79 = arith.mulf %sub3A_76, %mul3A_78 : vector<4096xf32>
    %round3A = math.roundeven %mul3A_79 : vector<4096xf32>
    %convert_element_type3A_80 = arith.fptosi %round3A : vector<4096xf32> to vector<4096xi32>
    %jit3A_81 = arith.constant 0 : i32
    %jit3A_82 = arith.constant 351 : i32
    %max3A_83 = vector.broadcast %jit3A_81 : i32 to vector<4096xi32>
    %max3A_84 = arith.maxsi %max3A_83, %add3A_25 : vector<4096xi32>
    %min3A_85 = vector.broadcast %jit3A_82 : i32 to vector<4096xi32>
    %min3A_86 = arith.minsi %min3A_85, %max3A_84 : vector<4096xi32>
    %mul3A_87 = arith.constant 1216 : i32
    %mul3A_88 = vector.broadcast %mul3A_87 : i32 to vector<4096xi32>
    %mul3A_89 = arith.muli %min3A_86, %mul3A_88 : vector<4096xi32>
    %jit3A_90 = arith.constant 0 : i32
    %jit3A_91 = arith.constant 1215 : i32
    %max3A_92 = vector.broadcast %jit3A_90 : i32 to vector<4096xi32>
    %max3A_93 = arith.maxsi %max3A_92, %add3A_28 : vector<4096xi32>
    %min3A_94 = vector.broadcast %jit3A_91 : i32 to vector<4096xi32>
    %min3A_95 = arith.minsi %min3A_94, %max3A_93 : vector<4096xi32>
    %add3A_96 = arith.addi %mul3A_89, %min3A_95 : vector<4096xi32>
    %shift_left3A = arith.constant 19 : i32
    %shift_left3A_97 = vector.broadcast %shift_left3A : i32 to vector<4096xi32>
    %shift_left3A_98 = arith.shli %convert_element_type3A_80, %shift_left3A_97 : vector<4096xi32>
    %or3A = arith.ori %add3A_96, %shift_left3A_98 : vector<4096xi32>
    %jit3A_99 = arith.constant 428032 : i32
    %broadcast_in_dim3A = vector.broadcast %jit3A_99 : i32 to vector<4096xi32>
    %select_n3A = arith.select %and3A_67, %or3A, %broadcast_in_dim3A : vector<4096xi1>, vector<4096xi32>
    %add3A_100 = arith.constant -1 : i32
    %add3A_101 = vector.broadcast %add3A_100 : i32 to vector<4096xi32>
    %add3A_102 = arith.addi %get3A_18, %add3A_101 : vector<4096xi32>
    %add3A_103 = arith.constant 0 : i32
    %add3A_104 = vector.broadcast %add3A_103 : i32 to vector<4096xi32>
    %add3A_105 = arith.addi %get3A_23, %add3A_104 : vector<4096xi32>
    %convert_element_type3A_106 = arith.sitofp %add3A_105 : vector<4096xi32> to vector<4096xf32>
    %mul3A_107 = arith.constant 2.000000e+00 : f32
    %mul3A_108 = vector.broadcast %mul3A_107 : f32 to vector<4096xf32>
    %mul3A_109 = arith.mulf %mul3A_108, %convert_element_type3A_106 : vector<4096xf32>
    %sub3A_110 = arith.constant 1.215000e+03 : f32
    %sub3A_111 = vector.broadcast %sub3A_110 : f32 to vector<4096xf32>
    %sub3A_112 = arith.subf %sub3A_111, %mul3A_109 : vector<4096xf32>
    %div3A_113 = arith.constant 3.520000e+02 : f32
    %div3A_114 = vector.broadcast %div3A_113 : f32 to vector<4096xf32>
    %div3A_115 = arith.divf %sub3A_112, %div3A_114 : vector<4096xf32>
    %convert_element_type3A_116 = arith.sitofp %add3A_102 : vector<4096xi32> to vector<4096xf32>
    %mul3A_117 = arith.constant 2.000000e+00 : f32
    %mul3A_118 = vector.broadcast %mul3A_117 : f32 to vector<4096xf32>
    %mul3A_119 = arith.mulf %mul3A_118, %convert_element_type3A_116 : vector<4096xf32>
    %sub3A_120 = arith.constant 3.510000e+02 : f32
    %sub3A_121 = vector.broadcast %sub3A_120 : f32 to vector<4096xf32>
    %sub3A_122 = arith.subf %sub3A_121, %mul3A_119 : vector<4096xf32>
    %div3A_123 = arith.constant 3.520000e+02 : f32
    %div3A_124 = vector.broadcast %div3A_123 : f32 to vector<4096xf32>
    %div3A_125 = arith.divf %sub3A_122, %div3A_124 : vector<4096xf32>
    %sub3A_126 = arith.subf %get3A_3, %div3A_115 : vector<4096xf32>
    %integer_pow3A_127 = arith.mulf %sub3A_126, %sub3A_126 : vector<4096xf32>
    %sub3A_128 = arith.subf %get3A_8, %div3A_125 : vector<4096xf32>
    %integer_pow3A_129 = arith.mulf %sub3A_128, %sub3A_128 : vector<4096xf32>
    %add3A_130 = arith.addf %integer_pow3A_127, %integer_pow3A_129 : vector<4096xf32>
    %lt3A_131 = arith.constant 4.32825473E-5 : f32
    %lt3A_132 = vector.broadcast %lt3A_131 : f32 to vector<4096xf32>
    %lt3A_133 = arith.cmpf olt, %add3A_130, %lt3A_132 : vector<4096xf32>
    %ge3A_134 = arith.constant 0 : i32
    %ge3A_135 = vector.broadcast %ge3A_134 : i32 to vector<4096xi32>
    %ge3A_136 = arith.cmpi sge, %add3A_102, %ge3A_135 : vector<4096xi32>
    %and3A_137 = arith.andi %lt3A_133, %ge3A_136 : vector<4096xi1>
    %lt3A_138 = arith.constant 352 : i32
    %lt3A_139 = vector.broadcast %lt3A_138 : i32 to vector<4096xi32>
    %lt3A_140 = arith.cmpi slt, %add3A_102, %lt3A_139 : vector<4096xi32>
    %and3A_141 = arith.andi %and3A_137, %lt3A_140 : vector<4096xi1>
    %ge3A_142 = arith.constant 0 : i32
    %ge3A_143 = vector.broadcast %ge3A_142 : i32 to vector<4096xi32>
    %ge3A_144 = arith.cmpi sge, %add3A_105, %ge3A_143 : vector<4096xi32>
    %and3A_145 = arith.andi %and3A_141, %ge3A_144 : vector<4096xi1>
    %lt3A_146 = arith.constant 1216 : i32
    %lt3A_147 = vector.broadcast %lt3A_146 : i32 to vector<4096xi32>
    %lt3A_148 = arith.cmpi slt, %add3A_105, %lt3A_147 : vector<4096xi32>
    %and3A_149 = arith.andi %and3A_145, %lt3A_148 : vector<4096xi1>
    %gt3A_150 = arith.constant 0.000000e+00 : f32
    %gt3A_151 = vector.broadcast %gt3A_150 : f32 to vector<4096xf32>
    %gt3A_152 = arith.cmpf ogt, %get3A_13, %gt3A_151 : vector<4096xf32>
    %and3A_153 = arith.andi %and3A_149, %gt3A_152 : vector<4096xi1>
    %div3A_154 = arith.constant 4.32825473E-5 : f32
    %div3A_155 = vector.broadcast %div3A_154 : f32 to vector<4096xf32>
    %div3A_156 = arith.divf %add3A_130, %div3A_155 : vector<4096xf32>
    %jit3A_157 = arith.constant 1.000000e-03 : f32
    %jit3A_158 = arith.constant 1.000000e+00 : f32
    %max3A_159 = vector.broadcast %jit3A_157 : f32 to vector<4096xf32>
    %max3A_160 = arith.maximumf %max3A_159, %div3A_156 : vector<4096xf32>
    %min3A_161 = vector.broadcast %jit3A_158 : f32 to vector<4096xf32>
    %min3A_162 = arith.minimumf %min3A_161, %max3A_160 : vector<4096xf32>
    %sqrt3A_163 = math.sqrt %min3A_162 : vector<4096xf32>
    %sub3A_164 = arith.constant 1.000000e+00 : f32
    %sub3A_165 = vector.broadcast %sub3A_164 : f32 to vector<4096xf32>
    %sub3A_166 = arith.subf %sub3A_165, %sqrt3A_163 : vector<4096xf32>
    %mul3A_167 = arith.constant 8.192000e+03 : f32
    %mul3A_168 = vector.broadcast %mul3A_167 : f32 to vector<4096xf32>
    %mul3A_169 = arith.mulf %sub3A_166, %mul3A_168 : vector<4096xf32>
    %round3A_170 = math.roundeven %mul3A_169 : vector<4096xf32>
    %convert_element_type3A_171 = arith.fptosi %round3A_170 : vector<4096xf32> to vector<4096xi32>
    %jit3A_172 = arith.constant 0 : i32
    %jit3A_173 = arith.constant 351 : i32
    %max3A_174 = vector.broadcast %jit3A_172 : i32 to vector<4096xi32>
    %max3A_175 = arith.maxsi %max3A_174, %add3A_102 : vector<4096xi32>
    %min3A_176 = vector.broadcast %jit3A_173 : i32 to vector<4096xi32>
    %min3A_177 = arith.minsi %min3A_176, %max3A_175 : vector<4096xi32>
    %mul3A_178 = arith.constant 1216 : i32
    %mul3A_179 = vector.broadcast %mul3A_178 : i32 to vector<4096xi32>
    %mul3A_180 = arith.muli %min3A_177, %mul3A_179 : vector<4096xi32>
    %jit3A_181 = arith.constant 0 : i32
    %jit3A_182 = arith.constant 1215 : i32
    %max3A_183 = vector.broadcast %jit3A_181 : i32 to vector<4096xi32>
    %max3A_184 = arith.maxsi %max3A_183, %add3A_105 : vector<4096xi32>
    %min3A_185 = vector.broadcast %jit3A_182 : i32 to vector<4096xi32>
    %min3A_186 = arith.minsi %min3A_185, %max3A_184 : vector<4096xi32>
    %add3A_187 = arith.addi %mul3A_180, %min3A_186 : vector<4096xi32>
    %shift_left3A_188 = arith.constant 19 : i32
    %shift_left3A_189 = vector.broadcast %shift_left3A_188 : i32 to vector<4096xi32>
    %shift_left3A_190 = arith.shli %convert_element_type3A_171, %shift_left3A_189 : vector<4096xi32>
    %or3A_191 = arith.ori %add3A_187, %shift_left3A_190 : vector<4096xi32>
    %jit3A_192 = arith.constant 428032 : i32
    %broadcast_in_dim3A_193 = vector.broadcast %jit3A_192 : i32 to vector<4096xi32>
    %select_n3A_194 = arith.select %and3A_153, %or3A_191, %broadcast_in_dim3A_193 : vector<4096xi1>, vector<4096xi32>
    %add3A_195 = arith.constant -1 : i32
    %add3A_196 = vector.broadcast %add3A_195 : i32 to vector<4096xi32>
    %add3A_197 = arith.addi %get3A_18, %add3A_196 : vector<4096xi32>
    %add3A_198 = arith.constant 1 : i32
    %add3A_199 = vector.broadcast %add3A_198 : i32 to vector<4096xi32>
    %add3A_200 = arith.addi %get3A_23, %add3A_199 : vector<4096xi32>
    %convert_element_type3A_201 = arith.sitofp %add3A_200 : vector<4096xi32> to vector<4096xf32>
    %mul3A_202 = arith.constant 2.000000e+00 : f32
    %mul3A_203 = vector.broadcast %mul3A_202 : f32 to vector<4096xf32>
    %mul3A_204 = arith.mulf %mul3A_203, %convert_element_type3A_201 : vector<4096xf32>
    %sub3A_205 = arith.constant 1.215000e+03 : f32
    %sub3A_206 = vector.broadcast %sub3A_205 : f32 to vector<4096xf32>
    %sub3A_207 = arith.subf %sub3A_206, %mul3A_204 : vector<4096xf32>
    %div3A_208 = arith.constant 3.520000e+02 : f32
    %div3A_209 = vector.broadcast %div3A_208 : f32 to vector<4096xf32>
    %div3A_210 = arith.divf %sub3A_207, %div3A_209 : vector<4096xf32>
    %convert_element_type3A_211 = arith.sitofp %add3A_197 : vector<4096xi32> to vector<4096xf32>
    %mul3A_212 = arith.constant 2.000000e+00 : f32
    %mul3A_213 = vector.broadcast %mul3A_212 : f32 to vector<4096xf32>
    %mul3A_214 = arith.mulf %mul3A_213, %convert_element_type3A_211 : vector<4096xf32>
    %sub3A_215 = arith.constant 3.510000e+02 : f32
    %sub3A_216 = vector.broadcast %sub3A_215 : f32 to vector<4096xf32>
    %sub3A_217 = arith.subf %sub3A_216, %mul3A_214 : vector<4096xf32>
    %div3A_218 = arith.constant 3.520000e+02 : f32
    %div3A_219 = vector.broadcast %div3A_218 : f32 to vector<4096xf32>
    %div3A_220 = arith.divf %sub3A_217, %div3A_219 : vector<4096xf32>
    %sub3A_221 = arith.subf %get3A_3, %div3A_210 : vector<4096xf32>
    %integer_pow3A_222 = arith.mulf %sub3A_221, %sub3A_221 : vector<4096xf32>
    %sub3A_223 = arith.subf %get3A_8, %div3A_220 : vector<4096xf32>
    %integer_pow3A_224 = arith.mulf %sub3A_223, %sub3A_223 : vector<4096xf32>
    %add3A_225 = arith.addf %integer_pow3A_222, %integer_pow3A_224 : vector<4096xf32>
    %lt3A_226 = arith.constant 4.32825473E-5 : f32
    %lt3A_227 = vector.broadcast %lt3A_226 : f32 to vector<4096xf32>
    %lt3A_228 = arith.cmpf olt, %add3A_225, %lt3A_227 : vector<4096xf32>
    %ge3A_229 = arith.constant 0 : i32
    %ge3A_230 = vector.broadcast %ge3A_229 : i32 to vector<4096xi32>
    %ge3A_231 = arith.cmpi sge, %add3A_197, %ge3A_230 : vector<4096xi32>
    %and3A_232 = arith.andi %lt3A_228, %ge3A_231 : vector<4096xi1>
    %lt3A_233 = arith.constant 352 : i32
    %lt3A_234 = vector.broadcast %lt3A_233 : i32 to vector<4096xi32>
    %lt3A_235 = arith.cmpi slt, %add3A_197, %lt3A_234 : vector<4096xi32>
    %and3A_236 = arith.andi %and3A_232, %lt3A_235 : vector<4096xi1>
    %ge3A_237 = arith.constant 0 : i32
    %ge3A_238 = vector.broadcast %ge3A_237 : i32 to vector<4096xi32>
    %ge3A_239 = arith.cmpi sge, %add3A_200, %ge3A_238 : vector<4096xi32>
    %and3A_240 = arith.andi %and3A_236, %ge3A_239 : vector<4096xi1>
    %lt3A_241 = arith.constant 1216 : i32
    %lt3A_242 = vector.broadcast %lt3A_241 : i32 to vector<4096xi32>
    %lt3A_243 = arith.cmpi slt, %add3A_200, %lt3A_242 : vector<4096xi32>
    %and3A_244 = arith.andi %and3A_240, %lt3A_243 : vector<4096xi1>
    %gt3A_245 = arith.constant 0.000000e+00 : f32
    %gt3A_246 = vector.broadcast %gt3A_245 : f32 to vector<4096xf32>
    %gt3A_247 = arith.cmpf ogt, %get3A_13, %gt3A_246 : vector<4096xf32>
    %and3A_248 = arith.andi %and3A_244, %gt3A_247 : vector<4096xi1>
    %div3A_249 = arith.constant 4.32825473E-5 : f32
    %div3A_250 = vector.broadcast %div3A_249 : f32 to vector<4096xf32>
    %div3A_251 = arith.divf %add3A_225, %div3A_250 : vector<4096xf32>
    %jit3A_252 = arith.constant 1.000000e-03 : f32
    %jit3A_253 = arith.constant 1.000000e+00 : f32
    %max3A_254 = vector.broadcast %jit3A_252 : f32 to vector<4096xf32>
    %max3A_255 = arith.maximumf %max3A_254, %div3A_251 : vector<4096xf32>
    %min3A_256 = vector.broadcast %jit3A_253 : f32 to vector<4096xf32>
    %min3A_257 = arith.minimumf %min3A_256, %max3A_255 : vector<4096xf32>
    %sqrt3A_258 = math.sqrt %min3A_257 : vector<4096xf32>
    %sub3A_259 = arith.constant 1.000000e+00 : f32
    %sub3A_260 = vector.broadcast %sub3A_259 : f32 to vector<4096xf32>
    %sub3A_261 = arith.subf %sub3A_260, %sqrt3A_258 : vector<4096xf32>
    %mul3A_262 = arith.constant 8.192000e+03 : f32
    %mul3A_263 = vector.broadcast %mul3A_262 : f32 to vector<4096xf32>
    %mul3A_264 = arith.mulf %sub3A_261, %mul3A_263 : vector<4096xf32>
    %round3A_265 = math.roundeven %mul3A_264 : vector<4096xf32>
    %convert_element_type3A_266 = arith.fptosi %round3A_265 : vector<4096xf32> to vector<4096xi32>
    %jit3A_267 = arith.constant 0 : i32
    %jit3A_268 = arith.constant 351 : i32
    %max3A_269 = vector.broadcast %jit3A_267 : i32 to vector<4096xi32>
    %max3A_270 = arith.maxsi %max3A_269, %add3A_197 : vector<4096xi32>
    %min3A_271 = vector.broadcast %jit3A_268 : i32 to vector<4096xi32>
    %min3A_272 = arith.minsi %min3A_271, %max3A_270 : vector<4096xi32>
    %mul3A_273 = arith.constant 1216 : i32
    %mul3A_274 = vector.broadcast %mul3A_273 : i32 to vector<4096xi32>
    %mul3A_275 = arith.muli %min3A_272, %mul3A_274 : vector<4096xi32>
    %jit3A_276 = arith.constant 0 : i32
    %jit3A_277 = arith.constant 1215 : i32
    %max3A_278 = vector.broadcast %jit3A_276 : i32 to vector<4096xi32>
    %max3A_279 = arith.maxsi %max3A_278, %add3A_200 : vector<4096xi32>
    %min3A_280 = vector.broadcast %jit3A_277 : i32 to vector<4096xi32>
    %min3A_281 = arith.minsi %min3A_280, %max3A_279 : vector<4096xi32>
    %add3A_282 = arith.addi %mul3A_275, %min3A_281 : vector<4096xi32>
    %shift_left3A_283 = arith.constant 19 : i32
    %shift_left3A_284 = vector.broadcast %shift_left3A_283 : i32 to vector<4096xi32>
    %shift_left3A_285 = arith.shli %convert_element_type3A_266, %shift_left3A_284 : vector<4096xi32>
    %or3A_286 = arith.ori %add3A_282, %shift_left3A_285 : vector<4096xi32>
    %jit3A_287 = arith.constant 428032 : i32
    %broadcast_in_dim3A_288 = vector.broadcast %jit3A_287 : i32 to vector<4096xi32>
    %select_n3A_289 = arith.select %and3A_248, %or3A_286, %broadcast_in_dim3A_288 : vector<4096xi1>, vector<4096xi32>
    %add3A_290 = arith.constant 0 : i32
    %add3A_291 = vector.broadcast %add3A_290 : i32 to vector<4096xi32>
    %add3A_292 = arith.addi %get3A_18, %add3A_291 : vector<4096xi32>
    %add3A_293 = arith.constant -1 : i32
    %add3A_294 = vector.broadcast %add3A_293 : i32 to vector<4096xi32>
    %add3A_295 = arith.addi %get3A_23, %add3A_294 : vector<4096xi32>
    %convert_element_type3A_296 = arith.sitofp %add3A_295 : vector<4096xi32> to vector<4096xf32>
    %mul3A_297 = arith.constant 2.000000e+00 : f32
    %mul3A_298 = vector.broadcast %mul3A_297 : f32 to vector<4096xf32>
    %mul3A_299 = arith.mulf %mul3A_298, %convert_element_type3A_296 : vector<4096xf32>
    %sub3A_300 = arith.constant 1.215000e+03 : f32
    %sub3A_301 = vector.broadcast %sub3A_300 : f32 to vector<4096xf32>
    %sub3A_302 = arith.subf %sub3A_301, %mul3A_299 : vector<4096xf32>
    %div3A_303 = arith.constant 3.520000e+02 : f32
    %div3A_304 = vector.broadcast %div3A_303 : f32 to vector<4096xf32>
    %div3A_305 = arith.divf %sub3A_302, %div3A_304 : vector<4096xf32>
    %convert_element_type3A_306 = arith.sitofp %add3A_292 : vector<4096xi32> to vector<4096xf32>
    %mul3A_307 = arith.constant 2.000000e+00 : f32
    %mul3A_308 = vector.broadcast %mul3A_307 : f32 to vector<4096xf32>
    %mul3A_309 = arith.mulf %mul3A_308, %convert_element_type3A_306 : vector<4096xf32>
    %sub3A_310 = arith.constant 3.510000e+02 : f32
    %sub3A_311 = vector.broadcast %sub3A_310 : f32 to vector<4096xf32>
    %sub3A_312 = arith.subf %sub3A_311, %mul3A_309 : vector<4096xf32>
    %div3A_313 = arith.constant 3.520000e+02 : f32
    %div3A_314 = vector.broadcast %div3A_313 : f32 to vector<4096xf32>
    %div3A_315 = arith.divf %sub3A_312, %div3A_314 : vector<4096xf32>
    %sub3A_316 = arith.subf %get3A_3, %div3A_305 : vector<4096xf32>
    %integer_pow3A_317 = arith.mulf %sub3A_316, %sub3A_316 : vector<4096xf32>
    %sub3A_318 = arith.subf %get3A_8, %div3A_315 : vector<4096xf32>
    %integer_pow3A_319 = arith.mulf %sub3A_318, %sub3A_318 : vector<4096xf32>
    %add3A_320 = arith.addf %integer_pow3A_317, %integer_pow3A_319 : vector<4096xf32>
    %lt3A_321 = arith.constant 4.32825473E-5 : f32
    %lt3A_322 = vector.broadcast %lt3A_321 : f32 to vector<4096xf32>
    %lt3A_323 = arith.cmpf olt, %add3A_320, %lt3A_322 : vector<4096xf32>
    %ge3A_324 = arith.constant 0 : i32
    %ge3A_325 = vector.broadcast %ge3A_324 : i32 to vector<4096xi32>
    %ge3A_326 = arith.cmpi sge, %add3A_292, %ge3A_325 : vector<4096xi32>
    %and3A_327 = arith.andi %lt3A_323, %ge3A_326 : vector<4096xi1>
    %lt3A_328 = arith.constant 352 : i32
    %lt3A_329 = vector.broadcast %lt3A_328 : i32 to vector<4096xi32>
    %lt3A_330 = arith.cmpi slt, %add3A_292, %lt3A_329 : vector<4096xi32>
    %and3A_331 = arith.andi %and3A_327, %lt3A_330 : vector<4096xi1>
    %ge3A_332 = arith.constant 0 : i32
    %ge3A_333 = vector.broadcast %ge3A_332 : i32 to vector<4096xi32>
    %ge3A_334 = arith.cmpi sge, %add3A_295, %ge3A_333 : vector<4096xi32>
    %and3A_335 = arith.andi %and3A_331, %ge3A_334 : vector<4096xi1>
    %lt3A_336 = arith.constant 1216 : i32
    %lt3A_337 = vector.broadcast %lt3A_336 : i32 to vector<4096xi32>
    %lt3A_338 = arith.cmpi slt, %add3A_295, %lt3A_337 : vector<4096xi32>
    %and3A_339 = arith.andi %and3A_335, %lt3A_338 : vector<4096xi1>
    %gt3A_340 = arith.constant 0.000000e+00 : f32
    %gt3A_341 = vector.broadcast %gt3A_340 : f32 to vector<4096xf32>
    %gt3A_342 = arith.cmpf ogt, %get3A_13, %gt3A_341 : vector<4096xf32>
    %and3A_343 = arith.andi %and3A_339, %gt3A_342 : vector<4096xi1>
    %div3A_344 = arith.constant 4.32825473E-5 : f32
    %div3A_345 = vector.broadcast %div3A_344 : f32 to vector<4096xf32>
    %div3A_346 = arith.divf %add3A_320, %div3A_345 : vector<4096xf32>
    %jit3A_347 = arith.constant 1.000000e-03 : f32
    %jit3A_348 = arith.constant 1.000000e+00 : f32
    %max3A_349 = vector.broadcast %jit3A_347 : f32 to vector<4096xf32>
    %max3A_350 = arith.maximumf %max3A_349, %div3A_346 : vector<4096xf32>
    %min3A_351 = vector.broadcast %jit3A_348 : f32 to vector<4096xf32>
    %min3A_352 = arith.minimumf %min3A_351, %max3A_350 : vector<4096xf32>
    %sqrt3A_353 = math.sqrt %min3A_352 : vector<4096xf32>
    %sub3A_354 = arith.constant 1.000000e+00 : f32
    %sub3A_355 = vector.broadcast %sub3A_354 : f32 to vector<4096xf32>
    %sub3A_356 = arith.subf %sub3A_355, %sqrt3A_353 : vector<4096xf32>
    %mul3A_357 = arith.constant 8.192000e+03 : f32
    %mul3A_358 = vector.broadcast %mul3A_357 : f32 to vector<4096xf32>
    %mul3A_359 = arith.mulf %sub3A_356, %mul3A_358 : vector<4096xf32>
    %round3A_360 = math.roundeven %mul3A_359 : vector<4096xf32>
    %convert_element_type3A_361 = arith.fptosi %round3A_360 : vector<4096xf32> to vector<4096xi32>
    %jit3A_362 = arith.constant 0 : i32
    %jit3A_363 = arith.constant 351 : i32
    %max3A_364 = vector.broadcast %jit3A_362 : i32 to vector<4096xi32>
    %max3A_365 = arith.maxsi %max3A_364, %add3A_292 : vector<4096xi32>
    %min3A_366 = vector.broadcast %jit3A_363 : i32 to vector<4096xi32>
    %min3A_367 = arith.minsi %min3A_366, %max3A_365 : vector<4096xi32>
    %mul3A_368 = arith.constant 1216 : i32
    %mul3A_369 = vector.broadcast %mul3A_368 : i32 to vector<4096xi32>
    %mul3A_370 = arith.muli %min3A_367, %mul3A_369 : vector<4096xi32>
    %jit3A_371 = arith.constant 0 : i32
    %jit3A_372 = arith.constant 1215 : i32
    %max3A_373 = vector.broadcast %jit3A_371 : i32 to vector<4096xi32>
    %max3A_374 = arith.maxsi %max3A_373, %add3A_295 : vector<4096xi32>
    %min3A_375 = vector.broadcast %jit3A_372 : i32 to vector<4096xi32>
    %min3A_376 = arith.minsi %min3A_375, %max3A_374 : vector<4096xi32>
    %add3A_377 = arith.addi %mul3A_370, %min3A_376 : vector<4096xi32>
    %shift_left3A_378 = arith.constant 19 : i32
    %shift_left3A_379 = vector.broadcast %shift_left3A_378 : i32 to vector<4096xi32>
    %shift_left3A_380 = arith.shli %convert_element_type3A_361, %shift_left3A_379 : vector<4096xi32>
    %or3A_381 = arith.ori %add3A_377, %shift_left3A_380 : vector<4096xi32>
    %jit3A_382 = arith.constant 428032 : i32
    %broadcast_in_dim3A_383 = vector.broadcast %jit3A_382 : i32 to vector<4096xi32>
    %select_n3A_384 = arith.select %and3A_343, %or3A_381, %broadcast_in_dim3A_383 : vector<4096xi1>, vector<4096xi32>
    %add3A_385 = arith.constant 0 : i32
    %add3A_386 = vector.broadcast %add3A_385 : i32 to vector<4096xi32>
    %add3A_387 = arith.addi %get3A_18, %add3A_386 : vector<4096xi32>
    %add3A_388 = arith.constant 0 : i32
    %add3A_389 = vector.broadcast %add3A_388 : i32 to vector<4096xi32>
    %add3A_390 = arith.addi %get3A_23, %add3A_389 : vector<4096xi32>
    %convert_element_type3A_391 = arith.sitofp %add3A_390 : vector<4096xi32> to vector<4096xf32>
    %mul3A_392 = arith.constant 2.000000e+00 : f32
    %mul3A_393 = vector.broadcast %mul3A_392 : f32 to vector<4096xf32>
    %mul3A_394 = arith.mulf %mul3A_393, %convert_element_type3A_391 : vector<4096xf32>
    %sub3A_395 = arith.constant 1.215000e+03 : f32
    %sub3A_396 = vector.broadcast %sub3A_395 : f32 to vector<4096xf32>
    %sub3A_397 = arith.subf %sub3A_396, %mul3A_394 : vector<4096xf32>
    %div3A_398 = arith.constant 3.520000e+02 : f32
    %div3A_399 = vector.broadcast %div3A_398 : f32 to vector<4096xf32>
    %div3A_400 = arith.divf %sub3A_397, %div3A_399 : vector<4096xf32>
    %convert_element_type3A_401 = arith.sitofp %add3A_387 : vector<4096xi32> to vector<4096xf32>
    %mul3A_402 = arith.constant 2.000000e+00 : f32
    %mul3A_403 = vector.broadcast %mul3A_402 : f32 to vector<4096xf32>
    %mul3A_404 = arith.mulf %mul3A_403, %convert_element_type3A_401 : vector<4096xf32>
    %sub3A_405 = arith.constant 3.510000e+02 : f32
    %sub3A_406 = vector.broadcast %sub3A_405 : f32 to vector<4096xf32>
    %sub3A_407 = arith.subf %sub3A_406, %mul3A_404 : vector<4096xf32>
    %div3A_408 = arith.constant 3.520000e+02 : f32
    %div3A_409 = vector.broadcast %div3A_408 : f32 to vector<4096xf32>
    %div3A_410 = arith.divf %sub3A_407, %div3A_409 : vector<4096xf32>
    %sub3A_411 = arith.subf %get3A_3, %div3A_400 : vector<4096xf32>
    %integer_pow3A_412 = arith.mulf %sub3A_411, %sub3A_411 : vector<4096xf32>
    %sub3A_413 = arith.subf %get3A_8, %div3A_410 : vector<4096xf32>
    %integer_pow3A_414 = arith.mulf %sub3A_413, %sub3A_413 : vector<4096xf32>
    %add3A_415 = arith.addf %integer_pow3A_412, %integer_pow3A_414 : vector<4096xf32>
    %lt3A_416 = arith.constant 4.32825473E-5 : f32
    %lt3A_417 = vector.broadcast %lt3A_416 : f32 to vector<4096xf32>
    %lt3A_418 = arith.cmpf olt, %add3A_415, %lt3A_417 : vector<4096xf32>
    %ge3A_419 = arith.constant 0 : i32
    %ge3A_420 = vector.broadcast %ge3A_419 : i32 to vector<4096xi32>
    %ge3A_421 = arith.cmpi sge, %add3A_387, %ge3A_420 : vector<4096xi32>
    %and3A_422 = arith.andi %lt3A_418, %ge3A_421 : vector<4096xi1>
    %lt3A_423 = arith.constant 352 : i32
    %lt3A_424 = vector.broadcast %lt3A_423 : i32 to vector<4096xi32>
    %lt3A_425 = arith.cmpi slt, %add3A_387, %lt3A_424 : vector<4096xi32>
    %and3A_426 = arith.andi %and3A_422, %lt3A_425 : vector<4096xi1>
    %ge3A_427 = arith.constant 0 : i32
    %ge3A_428 = vector.broadcast %ge3A_427 : i32 to vector<4096xi32>
    %ge3A_429 = arith.cmpi sge, %add3A_390, %ge3A_428 : vector<4096xi32>
    %and3A_430 = arith.andi %and3A_426, %ge3A_429 : vector<4096xi1>
    %lt3A_431 = arith.constant 1216 : i32
    %lt3A_432 = vector.broadcast %lt3A_431 : i32 to vector<4096xi32>
    %lt3A_433 = arith.cmpi slt, %add3A_390, %lt3A_432 : vector<4096xi32>
    %and3A_434 = arith.andi %and3A_430, %lt3A_433 : vector<4096xi1>
    %gt3A_435 = arith.constant 0.000000e+00 : f32
    %gt3A_436 = vector.broadcast %gt3A_435 : f32 to vector<4096xf32>
    %gt3A_437 = arith.cmpf ogt, %get3A_13, %gt3A_436 : vector<4096xf32>
    %and3A_438 = arith.andi %and3A_434, %gt3A_437 : vector<4096xi1>
    %div3A_439 = arith.constant 4.32825473E-5 : f32
    %div3A_440 = vector.broadcast %div3A_439 : f32 to vector<4096xf32>
    %div3A_441 = arith.divf %add3A_415, %div3A_440 : vector<4096xf32>
    %jit3A_442 = arith.constant 1.000000e-03 : f32
    %jit3A_443 = arith.constant 1.000000e+00 : f32
    %max3A_444 = vector.broadcast %jit3A_442 : f32 to vector<4096xf32>
    %max3A_445 = arith.maximumf %max3A_444, %div3A_441 : vector<4096xf32>
    %min3A_446 = vector.broadcast %jit3A_443 : f32 to vector<4096xf32>
    %min3A_447 = arith.minimumf %min3A_446, %max3A_445 : vector<4096xf32>
    %sqrt3A_448 = math.sqrt %min3A_447 : vector<4096xf32>
    %sub3A_449 = arith.constant 1.000000e+00 : f32
    %sub3A_450 = vector.broadcast %sub3A_449 : f32 to vector<4096xf32>
    %sub3A_451 = arith.subf %sub3A_450, %sqrt3A_448 : vector<4096xf32>
    %mul3A_452 = arith.constant 8.192000e+03 : f32
    %mul3A_453 = vector.broadcast %mul3A_452 : f32 to vector<4096xf32>
    %mul3A_454 = arith.mulf %sub3A_451, %mul3A_453 : vector<4096xf32>
    %round3A_455 = math.roundeven %mul3A_454 : vector<4096xf32>
    %convert_element_type3A_456 = arith.fptosi %round3A_455 : vector<4096xf32> to vector<4096xi32>
    %jit3A_457 = arith.constant 0 : i32
    %jit3A_458 = arith.constant 351 : i32
    %max3A_459 = vector.broadcast %jit3A_457 : i32 to vector<4096xi32>
    %max3A_460 = arith.maxsi %max3A_459, %add3A_387 : vector<4096xi32>
    %min3A_461 = vector.broadcast %jit3A_458 : i32 to vector<4096xi32>
    %min3A_462 = arith.minsi %min3A_461, %max3A_460 : vector<4096xi32>
    %mul3A_463 = arith.constant 1216 : i32
    %mul3A_464 = vector.broadcast %mul3A_463 : i32 to vector<4096xi32>
    %mul3A_465 = arith.muli %min3A_462, %mul3A_464 : vector<4096xi32>
    %jit3A_466 = arith.constant 0 : i32
    %jit3A_467 = arith.constant 1215 : i32
    %max3A_468 = vector.broadcast %jit3A_466 : i32 to vector<4096xi32>
    %max3A_469 = arith.maxsi %max3A_468, %add3A_390 : vector<4096xi32>
    %min3A_470 = vector.broadcast %jit3A_467 : i32 to vector<4096xi32>
    %min3A_471 = arith.minsi %min3A_470, %max3A_469 : vector<4096xi32>
    %add3A_472 = arith.addi %mul3A_465, %min3A_471 : vector<4096xi32>
    %shift_left3A_473 = arith.constant 19 : i32
    %shift_left3A_474 = vector.broadcast %shift_left3A_473 : i32 to vector<4096xi32>
    %shift_left3A_475 = arith.shli %convert_element_type3A_456, %shift_left3A_474 : vector<4096xi32>
    %or3A_476 = arith.ori %add3A_472, %shift_left3A_475 : vector<4096xi32>
    %jit3A_477 = arith.constant 428032 : i32
    %broadcast_in_dim3A_478 = vector.broadcast %jit3A_477 : i32 to vector<4096xi32>
    %select_n3A_479 = arith.select %and3A_438, %or3A_476, %broadcast_in_dim3A_478 : vector<4096xi1>, vector<4096xi32>
    %add3A_480 = arith.constant 0 : i32
    %add3A_481 = vector.broadcast %add3A_480 : i32 to vector<4096xi32>
    %add3A_482 = arith.addi %get3A_18, %add3A_481 : vector<4096xi32>
    %add3A_483 = arith.constant 1 : i32
    %add3A_484 = vector.broadcast %add3A_483 : i32 to vector<4096xi32>
    %add3A_485 = arith.addi %get3A_23, %add3A_484 : vector<4096xi32>
    %convert_element_type3A_486 = arith.sitofp %add3A_485 : vector<4096xi32> to vector<4096xf32>
    %mul3A_487 = arith.constant 2.000000e+00 : f32
    %mul3A_488 = vector.broadcast %mul3A_487 : f32 to vector<4096xf32>
    %mul3A_489 = arith.mulf %mul3A_488, %convert_element_type3A_486 : vector<4096xf32>
    %sub3A_490 = arith.constant 1.215000e+03 : f32
    %sub3A_491 = vector.broadcast %sub3A_490 : f32 to vector<4096xf32>
    %sub3A_492 = arith.subf %sub3A_491, %mul3A_489 : vector<4096xf32>
    %div3A_493 = arith.constant 3.520000e+02 : f32
    %div3A_494 = vector.broadcast %div3A_493 : f32 to vector<4096xf32>
    %div3A_495 = arith.divf %sub3A_492, %div3A_494 : vector<4096xf32>
    %convert_element_type3A_496 = arith.sitofp %add3A_482 : vector<4096xi32> to vector<4096xf32>
    %mul3A_497 = arith.constant 2.000000e+00 : f32
    %mul3A_498 = vector.broadcast %mul3A_497 : f32 to vector<4096xf32>
    %mul3A_499 = arith.mulf %mul3A_498, %convert_element_type3A_496 : vector<4096xf32>
    %sub3A_500 = arith.constant 3.510000e+02 : f32
    %sub3A_501 = vector.broadcast %sub3A_500 : f32 to vector<4096xf32>
    %sub3A_502 = arith.subf %sub3A_501, %mul3A_499 : vector<4096xf32>
    %div3A_503 = arith.constant 3.520000e+02 : f32
    %div3A_504 = vector.broadcast %div3A_503 : f32 to vector<4096xf32>
    %div3A_505 = arith.divf %sub3A_502, %div3A_504 : vector<4096xf32>
    %sub3A_506 = arith.subf %get3A_3, %div3A_495 : vector<4096xf32>
    %integer_pow3A_507 = arith.mulf %sub3A_506, %sub3A_506 : vector<4096xf32>
    %sub3A_508 = arith.subf %get3A_8, %div3A_505 : vector<4096xf32>
    %integer_pow3A_509 = arith.mulf %sub3A_508, %sub3A_508 : vector<4096xf32>
    %add3A_510 = arith.addf %integer_pow3A_507, %integer_pow3A_509 : vector<4096xf32>
    %lt3A_511 = arith.constant 4.32825473E-5 : f32
    %lt3A_512 = vector.broadcast %lt3A_511 : f32 to vector<4096xf32>
    %lt3A_513 = arith.cmpf olt, %add3A_510, %lt3A_512 : vector<4096xf32>
    %ge3A_514 = arith.constant 0 : i32
    %ge3A_515 = vector.broadcast %ge3A_514 : i32 to vector<4096xi32>
    %ge3A_516 = arith.cmpi sge, %add3A_482, %ge3A_515 : vector<4096xi32>
    %and3A_517 = arith.andi %lt3A_513, %ge3A_516 : vector<4096xi1>
    %lt3A_518 = arith.constant 352 : i32
    %lt3A_519 = vector.broadcast %lt3A_518 : i32 to vector<4096xi32>
    %lt3A_520 = arith.cmpi slt, %add3A_482, %lt3A_519 : vector<4096xi32>
    %and3A_521 = arith.andi %and3A_517, %lt3A_520 : vector<4096xi1>
    %ge3A_522 = arith.constant 0 : i32
    %ge3A_523 = vector.broadcast %ge3A_522 : i32 to vector<4096xi32>
    %ge3A_524 = arith.cmpi sge, %add3A_485, %ge3A_523 : vector<4096xi32>
    %and3A_525 = arith.andi %and3A_521, %ge3A_524 : vector<4096xi1>
    %lt3A_526 = arith.constant 1216 : i32
    %lt3A_527 = vector.broadcast %lt3A_526 : i32 to vector<4096xi32>
    %lt3A_528 = arith.cmpi slt, %add3A_485, %lt3A_527 : vector<4096xi32>
    %and3A_529 = arith.andi %and3A_525, %lt3A_528 : vector<4096xi1>
    %gt3A_530 = arith.constant 0.000000e+00 : f32
    %gt3A_531 = vector.broadcast %gt3A_530 : f32 to vector<4096xf32>
    %gt3A_532 = arith.cmpf ogt, %get3A_13, %gt3A_531 : vector<4096xf32>
    %and3A_533 = arith.andi %and3A_529, %gt3A_532 : vector<4096xi1>
    %div3A_534 = arith.constant 4.32825473E-5 : f32
    %div3A_535 = vector.broadcast %div3A_534 : f32 to vector<4096xf32>
    %div3A_536 = arith.divf %add3A_510, %div3A_535 : vector<4096xf32>
    %jit3A_537 = arith.constant 1.000000e-03 : f32
    %jit3A_538 = arith.constant 1.000000e+00 : f32
    %max3A_539 = vector.broadcast %jit3A_537 : f32 to vector<4096xf32>
    %max3A_540 = arith.maximumf %max3A_539, %div3A_536 : vector<4096xf32>
    %min3A_541 = vector.broadcast %jit3A_538 : f32 to vector<4096xf32>
    %min3A_542 = arith.minimumf %min3A_541, %max3A_540 : vector<4096xf32>
    %sqrt3A_543 = math.sqrt %min3A_542 : vector<4096xf32>
    %sub3A_544 = arith.constant 1.000000e+00 : f32
    %sub3A_545 = vector.broadcast %sub3A_544 : f32 to vector<4096xf32>
    %sub3A_546 = arith.subf %sub3A_545, %sqrt3A_543 : vector<4096xf32>
    %mul3A_547 = arith.constant 8.192000e+03 : f32
    %mul3A_548 = vector.broadcast %mul3A_547 : f32 to vector<4096xf32>
    %mul3A_549 = arith.mulf %sub3A_546, %mul3A_548 : vector<4096xf32>
    %round3A_550 = math.roundeven %mul3A_549 : vector<4096xf32>
    %convert_element_type3A_551 = arith.fptosi %round3A_550 : vector<4096xf32> to vector<4096xi32>
    %jit3A_552 = arith.constant 0 : i32
    %jit3A_553 = arith.constant 351 : i32
    %max3A_554 = vector.broadcast %jit3A_552 : i32 to vector<4096xi32>
    %max3A_555 = arith.maxsi %max3A_554, %add3A_482 : vector<4096xi32>
    %min3A_556 = vector.broadcast %jit3A_553 : i32 to vector<4096xi32>
    %min3A_557 = arith.minsi %min3A_556, %max3A_555 : vector<4096xi32>
    %mul3A_558 = arith.constant 1216 : i32
    %mul3A_559 = vector.broadcast %mul3A_558 : i32 to vector<4096xi32>
    %mul3A_560 = arith.muli %min3A_557, %mul3A_559 : vector<4096xi32>
    %jit3A_561 = arith.constant 0 : i32
    %jit3A_562 = arith.constant 1215 : i32
    %max3A_563 = vector.broadcast %jit3A_561 : i32 to vector<4096xi32>
    %max3A_564 = arith.maxsi %max3A_563, %add3A_485 : vector<4096xi32>
    %min3A_565 = vector.broadcast %jit3A_562 : i32 to vector<4096xi32>
    %min3A_566 = arith.minsi %min3A_565, %max3A_564 : vector<4096xi32>
    %add3A_567 = arith.addi %mul3A_560, %min3A_566 : vector<4096xi32>
    %shift_left3A_568 = arith.constant 19 : i32
    %shift_left3A_569 = vector.broadcast %shift_left3A_568 : i32 to vector<4096xi32>
    %shift_left3A_570 = arith.shli %convert_element_type3A_551, %shift_left3A_569 : vector<4096xi32>
    %or3A_571 = arith.ori %add3A_567, %shift_left3A_570 : vector<4096xi32>
    %jit3A_572 = arith.constant 428032 : i32
    %broadcast_in_dim3A_573 = vector.broadcast %jit3A_572 : i32 to vector<4096xi32>
    %select_n3A_574 = arith.select %and3A_533, %or3A_571, %broadcast_in_dim3A_573 : vector<4096xi1>, vector<4096xi32>
    %add3A_575 = arith.constant 1 : i32
    %add3A_576 = vector.broadcast %add3A_575 : i32 to vector<4096xi32>
    %add3A_577 = arith.addi %get3A_18, %add3A_576 : vector<4096xi32>
    %add3A_578 = arith.constant -1 : i32
    %add3A_579 = vector.broadcast %add3A_578 : i32 to vector<4096xi32>
    %add3A_580 = arith.addi %get3A_23, %add3A_579 : vector<4096xi32>
    %convert_element_type3A_581 = arith.sitofp %add3A_580 : vector<4096xi32> to vector<4096xf32>
    %mul3A_582 = arith.constant 2.000000e+00 : f32
    %mul3A_583 = vector.broadcast %mul3A_582 : f32 to vector<4096xf32>
    %mul3A_584 = arith.mulf %mul3A_583, %convert_element_type3A_581 : vector<4096xf32>
    %sub3A_585 = arith.constant 1.215000e+03 : f32
    %sub3A_586 = vector.broadcast %sub3A_585 : f32 to vector<4096xf32>
    %sub3A_587 = arith.subf %sub3A_586, %mul3A_584 : vector<4096xf32>
    %div3A_588 = arith.constant 3.520000e+02 : f32
    %div3A_589 = vector.broadcast %div3A_588 : f32 to vector<4096xf32>
    %div3A_590 = arith.divf %sub3A_587, %div3A_589 : vector<4096xf32>
    %convert_element_type3A_591 = arith.sitofp %add3A_577 : vector<4096xi32> to vector<4096xf32>
    %mul3A_592 = arith.constant 2.000000e+00 : f32
    %mul3A_593 = vector.broadcast %mul3A_592 : f32 to vector<4096xf32>
    %mul3A_594 = arith.mulf %mul3A_593, %convert_element_type3A_591 : vector<4096xf32>
    %sub3A_595 = arith.constant 3.510000e+02 : f32
    %sub3A_596 = vector.broadcast %sub3A_595 : f32 to vector<4096xf32>
    %sub3A_597 = arith.subf %sub3A_596, %mul3A_594 : vector<4096xf32>
    %div3A_598 = arith.constant 3.520000e+02 : f32
    %div3A_599 = vector.broadcast %div3A_598 : f32 to vector<4096xf32>
    %div3A_600 = arith.divf %sub3A_597, %div3A_599 : vector<4096xf32>
    %sub3A_601 = arith.subf %get3A_3, %div3A_590 : vector<4096xf32>
    %integer_pow3A_602 = arith.mulf %sub3A_601, %sub3A_601 : vector<4096xf32>
    %sub3A_603 = arith.subf %get3A_8, %div3A_600 : vector<4096xf32>
    %integer_pow3A_604 = arith.mulf %sub3A_603, %sub3A_603 : vector<4096xf32>
    %add3A_605 = arith.addf %integer_pow3A_602, %integer_pow3A_604 : vector<4096xf32>
    %lt3A_606 = arith.constant 4.32825473E-5 : f32
    %lt3A_607 = vector.broadcast %lt3A_606 : f32 to vector<4096xf32>
    %lt3A_608 = arith.cmpf olt, %add3A_605, %lt3A_607 : vector<4096xf32>
    %ge3A_609 = arith.constant 0 : i32
    %ge3A_610 = vector.broadcast %ge3A_609 : i32 to vector<4096xi32>
    %ge3A_611 = arith.cmpi sge, %add3A_577, %ge3A_610 : vector<4096xi32>
    %and3A_612 = arith.andi %lt3A_608, %ge3A_611 : vector<4096xi1>
    %lt3A_613 = arith.constant 352 : i32
    %lt3A_614 = vector.broadcast %lt3A_613 : i32 to vector<4096xi32>
    %lt3A_615 = arith.cmpi slt, %add3A_577, %lt3A_614 : vector<4096xi32>
    %and3A_616 = arith.andi %and3A_612, %lt3A_615 : vector<4096xi1>
    %ge3A_617 = arith.constant 0 : i32
    %ge3A_618 = vector.broadcast %ge3A_617 : i32 to vector<4096xi32>
    %ge3A_619 = arith.cmpi sge, %add3A_580, %ge3A_618 : vector<4096xi32>
    %and3A_620 = arith.andi %and3A_616, %ge3A_619 : vector<4096xi1>
    %lt3A_621 = arith.constant 1216 : i32
    %lt3A_622 = vector.broadcast %lt3A_621 : i32 to vector<4096xi32>
    %lt3A_623 = arith.cmpi slt, %add3A_580, %lt3A_622 : vector<4096xi32>
    %and3A_624 = arith.andi %and3A_620, %lt3A_623 : vector<4096xi1>
    %gt3A_625 = arith.constant 0.000000e+00 : f32
    %gt3A_626 = vector.broadcast %gt3A_625 : f32 to vector<4096xf32>
    %gt3A_627 = arith.cmpf ogt, %get3A_13, %gt3A_626 : vector<4096xf32>
    %and3A_628 = arith.andi %and3A_624, %gt3A_627 : vector<4096xi1>
    %div3A_629 = arith.constant 4.32825473E-5 : f32
    %div3A_630 = vector.broadcast %div3A_629 : f32 to vector<4096xf32>
    %div3A_631 = arith.divf %add3A_605, %div3A_630 : vector<4096xf32>
    %jit3A_632 = arith.constant 1.000000e-03 : f32
    %jit3A_633 = arith.constant 1.000000e+00 : f32
    %max3A_634 = vector.broadcast %jit3A_632 : f32 to vector<4096xf32>
    %max3A_635 = arith.maximumf %max3A_634, %div3A_631 : vector<4096xf32>
    %min3A_636 = vector.broadcast %jit3A_633 : f32 to vector<4096xf32>
    %min3A_637 = arith.minimumf %min3A_636, %max3A_635 : vector<4096xf32>
    %sqrt3A_638 = math.sqrt %min3A_637 : vector<4096xf32>
    %sub3A_639 = arith.constant 1.000000e+00 : f32
    %sub3A_640 = vector.broadcast %sub3A_639 : f32 to vector<4096xf32>
    %sub3A_641 = arith.subf %sub3A_640, %sqrt3A_638 : vector<4096xf32>
    %mul3A_642 = arith.constant 8.192000e+03 : f32
    %mul3A_643 = vector.broadcast %mul3A_642 : f32 to vector<4096xf32>
    %mul3A_644 = arith.mulf %sub3A_641, %mul3A_643 : vector<4096xf32>
    %round3A_645 = math.roundeven %mul3A_644 : vector<4096xf32>
    %convert_element_type3A_646 = arith.fptosi %round3A_645 : vector<4096xf32> to vector<4096xi32>
    %jit3A_647 = arith.constant 0 : i32
    %jit3A_648 = arith.constant 351 : i32
    %max3A_649 = vector.broadcast %jit3A_647 : i32 to vector<4096xi32>
    %max3A_650 = arith.maxsi %max3A_649, %add3A_577 : vector<4096xi32>
    %min3A_651 = vector.broadcast %jit3A_648 : i32 to vector<4096xi32>
    %min3A_652 = arith.minsi %min3A_651, %max3A_650 : vector<4096xi32>
    %mul3A_653 = arith.constant 1216 : i32
    %mul3A_654 = vector.broadcast %mul3A_653 : i32 to vector<4096xi32>
    %mul3A_655 = arith.muli %min3A_652, %mul3A_654 : vector<4096xi32>
    %jit3A_656 = arith.constant 0 : i32
    %jit3A_657 = arith.constant 1215 : i32
    %max3A_658 = vector.broadcast %jit3A_656 : i32 to vector<4096xi32>
    %max3A_659 = arith.maxsi %max3A_658, %add3A_580 : vector<4096xi32>
    %min3A_660 = vector.broadcast %jit3A_657 : i32 to vector<4096xi32>
    %min3A_661 = arith.minsi %min3A_660, %max3A_659 : vector<4096xi32>
    %add3A_662 = arith.addi %mul3A_655, %min3A_661 : vector<4096xi32>
    %shift_left3A_663 = arith.constant 19 : i32
    %shift_left3A_664 = vector.broadcast %shift_left3A_663 : i32 to vector<4096xi32>
    %shift_left3A_665 = arith.shli %convert_element_type3A_646, %shift_left3A_664 : vector<4096xi32>
    %or3A_666 = arith.ori %add3A_662, %shift_left3A_665 : vector<4096xi32>
    %jit3A_667 = arith.constant 428032 : i32
    %broadcast_in_dim3A_668 = vector.broadcast %jit3A_667 : i32 to vector<4096xi32>
    %select_n3A_669 = arith.select %and3A_628, %or3A_666, %broadcast_in_dim3A_668 : vector<4096xi1>, vector<4096xi32>
    %add3A_670 = arith.constant 1 : i32
    %add3A_671 = vector.broadcast %add3A_670 : i32 to vector<4096xi32>
    %add3A_672 = arith.addi %get3A_18, %add3A_671 : vector<4096xi32>
    %add3A_673 = arith.constant 0 : i32
    %add3A_674 = vector.broadcast %add3A_673 : i32 to vector<4096xi32>
    %add3A_675 = arith.addi %get3A_23, %add3A_674 : vector<4096xi32>
    %convert_element_type3A_676 = arith.sitofp %add3A_675 : vector<4096xi32> to vector<4096xf32>
    %mul3A_677 = arith.constant 2.000000e+00 : f32
    %mul3A_678 = vector.broadcast %mul3A_677 : f32 to vector<4096xf32>
    %mul3A_679 = arith.mulf %mul3A_678, %convert_element_type3A_676 : vector<4096xf32>
    %sub3A_680 = arith.constant 1.215000e+03 : f32
    %sub3A_681 = vector.broadcast %sub3A_680 : f32 to vector<4096xf32>
    %sub3A_682 = arith.subf %sub3A_681, %mul3A_679 : vector<4096xf32>
    %div3A_683 = arith.constant 3.520000e+02 : f32
    %div3A_684 = vector.broadcast %div3A_683 : f32 to vector<4096xf32>
    %div3A_685 = arith.divf %sub3A_682, %div3A_684 : vector<4096xf32>
    %convert_element_type3A_686 = arith.sitofp %add3A_672 : vector<4096xi32> to vector<4096xf32>
    %mul3A_687 = arith.constant 2.000000e+00 : f32
    %mul3A_688 = vector.broadcast %mul3A_687 : f32 to vector<4096xf32>
    %mul3A_689 = arith.mulf %mul3A_688, %convert_element_type3A_686 : vector<4096xf32>
    %sub3A_690 = arith.constant 3.510000e+02 : f32
    %sub3A_691 = vector.broadcast %sub3A_690 : f32 to vector<4096xf32>
    %sub3A_692 = arith.subf %sub3A_691, %mul3A_689 : vector<4096xf32>
    %div3A_693 = arith.constant 3.520000e+02 : f32
    %div3A_694 = vector.broadcast %div3A_693 : f32 to vector<4096xf32>
    %div3A_695 = arith.divf %sub3A_692, %div3A_694 : vector<4096xf32>
    %sub3A_696 = arith.subf %get3A_3, %div3A_685 : vector<4096xf32>
    %integer_pow3A_697 = arith.mulf %sub3A_696, %sub3A_696 : vector<4096xf32>
    %sub3A_698 = arith.subf %get3A_8, %div3A_695 : vector<4096xf32>
    %integer_pow3A_699 = arith.mulf %sub3A_698, %sub3A_698 : vector<4096xf32>
    %add3A_700 = arith.addf %integer_pow3A_697, %integer_pow3A_699 : vector<4096xf32>
    %lt3A_701 = arith.constant 4.32825473E-5 : f32
    %lt3A_702 = vector.broadcast %lt3A_701 : f32 to vector<4096xf32>
    %lt3A_703 = arith.cmpf olt, %add3A_700, %lt3A_702 : vector<4096xf32>
    %ge3A_704 = arith.constant 0 : i32
    %ge3A_705 = vector.broadcast %ge3A_704 : i32 to vector<4096xi32>
    %ge3A_706 = arith.cmpi sge, %add3A_672, %ge3A_705 : vector<4096xi32>
    %and3A_707 = arith.andi %lt3A_703, %ge3A_706 : vector<4096xi1>
    %lt3A_708 = arith.constant 352 : i32
    %lt3A_709 = vector.broadcast %lt3A_708 : i32 to vector<4096xi32>
    %lt3A_710 = arith.cmpi slt, %add3A_672, %lt3A_709 : vector<4096xi32>
    %and3A_711 = arith.andi %and3A_707, %lt3A_710 : vector<4096xi1>
    %ge3A_712 = arith.constant 0 : i32
    %ge3A_713 = vector.broadcast %ge3A_712 : i32 to vector<4096xi32>
    %ge3A_714 = arith.cmpi sge, %add3A_675, %ge3A_713 : vector<4096xi32>
    %and3A_715 = arith.andi %and3A_711, %ge3A_714 : vector<4096xi1>
    %lt3A_716 = arith.constant 1216 : i32
    %lt3A_717 = vector.broadcast %lt3A_716 : i32 to vector<4096xi32>
    %lt3A_718 = arith.cmpi slt, %add3A_675, %lt3A_717 : vector<4096xi32>
    %and3A_719 = arith.andi %and3A_715, %lt3A_718 : vector<4096xi1>
    %gt3A_720 = arith.constant 0.000000e+00 : f32
    %gt3A_721 = vector.broadcast %gt3A_720 : f32 to vector<4096xf32>
    %gt3A_722 = arith.cmpf ogt, %get3A_13, %gt3A_721 : vector<4096xf32>
    %and3A_723 = arith.andi %and3A_719, %gt3A_722 : vector<4096xi1>
    %div3A_724 = arith.constant 4.32825473E-5 : f32
    %div3A_725 = vector.broadcast %div3A_724 : f32 to vector<4096xf32>
    %div3A_726 = arith.divf %add3A_700, %div3A_725 : vector<4096xf32>
    %jit3A_727 = arith.constant 1.000000e-03 : f32
    %jit3A_728 = arith.constant 1.000000e+00 : f32
    %max3A_729 = vector.broadcast %jit3A_727 : f32 to vector<4096xf32>
    %max3A_730 = arith.maximumf %max3A_729, %div3A_726 : vector<4096xf32>
    %min3A_731 = vector.broadcast %jit3A_728 : f32 to vector<4096xf32>
    %min3A_732 = arith.minimumf %min3A_731, %max3A_730 : vector<4096xf32>
    %sqrt3A_733 = math.sqrt %min3A_732 : vector<4096xf32>
    %sub3A_734 = arith.constant 1.000000e+00 : f32
    %sub3A_735 = vector.broadcast %sub3A_734 : f32 to vector<4096xf32>
    %sub3A_736 = arith.subf %sub3A_735, %sqrt3A_733 : vector<4096xf32>
    %mul3A_737 = arith.constant 8.192000e+03 : f32
    %mul3A_738 = vector.broadcast %mul3A_737 : f32 to vector<4096xf32>
    %mul3A_739 = arith.mulf %sub3A_736, %mul3A_738 : vector<4096xf32>
    %round3A_740 = math.roundeven %mul3A_739 : vector<4096xf32>
    %convert_element_type3A_741 = arith.fptosi %round3A_740 : vector<4096xf32> to vector<4096xi32>
    %jit3A_742 = arith.constant 0 : i32
    %jit3A_743 = arith.constant 351 : i32
    %max3A_744 = vector.broadcast %jit3A_742 : i32 to vector<4096xi32>
    %max3A_745 = arith.maxsi %max3A_744, %add3A_672 : vector<4096xi32>
    %min3A_746 = vector.broadcast %jit3A_743 : i32 to vector<4096xi32>
    %min3A_747 = arith.minsi %min3A_746, %max3A_745 : vector<4096xi32>
    %mul3A_748 = arith.constant 1216 : i32
    %mul3A_749 = vector.broadcast %mul3A_748 : i32 to vector<4096xi32>
    %mul3A_750 = arith.muli %min3A_747, %mul3A_749 : vector<4096xi32>
    %jit3A_751 = arith.constant 0 : i32
    %jit3A_752 = arith.constant 1215 : i32
    %max3A_753 = vector.broadcast %jit3A_751 : i32 to vector<4096xi32>
    %max3A_754 = arith.maxsi %max3A_753, %add3A_675 : vector<4096xi32>
    %min3A_755 = vector.broadcast %jit3A_752 : i32 to vector<4096xi32>
    %min3A_756 = arith.minsi %min3A_755, %max3A_754 : vector<4096xi32>
    %add3A_757 = arith.addi %mul3A_750, %min3A_756 : vector<4096xi32>
    %shift_left3A_758 = arith.constant 19 : i32
    %shift_left3A_759 = vector.broadcast %shift_left3A_758 : i32 to vector<4096xi32>
    %shift_left3A_760 = arith.shli %convert_element_type3A_741, %shift_left3A_759 : vector<4096xi32>
    %or3A_761 = arith.ori %add3A_757, %shift_left3A_760 : vector<4096xi32>
    %jit3A_762 = arith.constant 428032 : i32
    %broadcast_in_dim3A_763 = vector.broadcast %jit3A_762 : i32 to vector<4096xi32>
    %select_n3A_764 = arith.select %and3A_723, %or3A_761, %broadcast_in_dim3A_763 : vector<4096xi1>, vector<4096xi32>
    %add3A_765 = arith.constant 1 : i32
    %add3A_766 = vector.broadcast %add3A_765 : i32 to vector<4096xi32>
    %add3A_767 = arith.addi %get3A_18, %add3A_766 : vector<4096xi32>
    %add3A_768 = arith.constant 1 : i32
    %add3A_769 = vector.broadcast %add3A_768 : i32 to vector<4096xi32>
    %add3A_770 = arith.addi %get3A_23, %add3A_769 : vector<4096xi32>
    %convert_element_type3A_771 = arith.sitofp %add3A_770 : vector<4096xi32> to vector<4096xf32>
    %mul3A_772 = arith.constant 2.000000e+00 : f32
    %mul3A_773 = vector.broadcast %mul3A_772 : f32 to vector<4096xf32>
    %mul3A_774 = arith.mulf %mul3A_773, %convert_element_type3A_771 : vector<4096xf32>
    %sub3A_775 = arith.constant 1.215000e+03 : f32
    %sub3A_776 = vector.broadcast %sub3A_775 : f32 to vector<4096xf32>
    %sub3A_777 = arith.subf %sub3A_776, %mul3A_774 : vector<4096xf32>
    %div3A_778 = arith.constant 3.520000e+02 : f32
    %div3A_779 = vector.broadcast %div3A_778 : f32 to vector<4096xf32>
    %div3A_780 = arith.divf %sub3A_777, %div3A_779 : vector<4096xf32>
    %convert_element_type3A_781 = arith.sitofp %add3A_767 : vector<4096xi32> to vector<4096xf32>
    %mul3A_782 = arith.constant 2.000000e+00 : f32
    %mul3A_783 = vector.broadcast %mul3A_782 : f32 to vector<4096xf32>
    %mul3A_784 = arith.mulf %mul3A_783, %convert_element_type3A_781 : vector<4096xf32>
    %sub3A_785 = arith.constant 3.510000e+02 : f32
    %sub3A_786 = vector.broadcast %sub3A_785 : f32 to vector<4096xf32>
    %sub3A_787 = arith.subf %sub3A_786, %mul3A_784 : vector<4096xf32>
    %div3A_788 = arith.constant 3.520000e+02 : f32
    %div3A_789 = vector.broadcast %div3A_788 : f32 to vector<4096xf32>
    %div3A_790 = arith.divf %sub3A_787, %div3A_789 : vector<4096xf32>
    %sub3A_791 = arith.subf %get3A_3, %div3A_780 : vector<4096xf32>
    %integer_pow3A_792 = arith.mulf %sub3A_791, %sub3A_791 : vector<4096xf32>
    %sub3A_793 = arith.subf %get3A_8, %div3A_790 : vector<4096xf32>
    %integer_pow3A_794 = arith.mulf %sub3A_793, %sub3A_793 : vector<4096xf32>
    %add3A_795 = arith.addf %integer_pow3A_792, %integer_pow3A_794 : vector<4096xf32>
    %lt3A_796 = arith.constant 4.32825473E-5 : f32
    %lt3A_797 = vector.broadcast %lt3A_796 : f32 to vector<4096xf32>
    %lt3A_798 = arith.cmpf olt, %add3A_795, %lt3A_797 : vector<4096xf32>
    %ge3A_799 = arith.constant 0 : i32
    %ge3A_800 = vector.broadcast %ge3A_799 : i32 to vector<4096xi32>
    %ge3A_801 = arith.cmpi sge, %add3A_767, %ge3A_800 : vector<4096xi32>
    %and3A_802 = arith.andi %lt3A_798, %ge3A_801 : vector<4096xi1>
    %lt3A_803 = arith.constant 352 : i32
    %lt3A_804 = vector.broadcast %lt3A_803 : i32 to vector<4096xi32>
    %lt3A_805 = arith.cmpi slt, %add3A_767, %lt3A_804 : vector<4096xi32>
    %and3A_806 = arith.andi %and3A_802, %lt3A_805 : vector<4096xi1>
    %ge3A_807 = arith.constant 0 : i32
    %ge3A_808 = vector.broadcast %ge3A_807 : i32 to vector<4096xi32>
    %ge3A_809 = arith.cmpi sge, %add3A_770, %ge3A_808 : vector<4096xi32>
    %and3A_810 = arith.andi %and3A_806, %ge3A_809 : vector<4096xi1>
    %lt3A_811 = arith.constant 1216 : i32
    %lt3A_812 = vector.broadcast %lt3A_811 : i32 to vector<4096xi32>
    %lt3A_813 = arith.cmpi slt, %add3A_770, %lt3A_812 : vector<4096xi32>
    %and3A_814 = arith.andi %and3A_810, %lt3A_813 : vector<4096xi1>
    %gt3A_815 = arith.constant 0.000000e+00 : f32
    %gt3A_816 = vector.broadcast %gt3A_815 : f32 to vector<4096xf32>
    %gt3A_817 = arith.cmpf ogt, %get3A_13, %gt3A_816 : vector<4096xf32>
    %and3A_818 = arith.andi %and3A_814, %gt3A_817 : vector<4096xi1>
    %div3A_819 = arith.constant 4.32825473E-5 : f32
    %div3A_820 = vector.broadcast %div3A_819 : f32 to vector<4096xf32>
    %div3A_821 = arith.divf %add3A_795, %div3A_820 : vector<4096xf32>
    %jit3A_822 = arith.constant 1.000000e-03 : f32
    %jit3A_823 = arith.constant 1.000000e+00 : f32
    %max3A_824 = vector.broadcast %jit3A_822 : f32 to vector<4096xf32>
    %max3A_825 = arith.maximumf %max3A_824, %div3A_821 : vector<4096xf32>
    %min3A_826 = vector.broadcast %jit3A_823 : f32 to vector<4096xf32>
    %min3A_827 = arith.minimumf %min3A_826, %max3A_825 : vector<4096xf32>
    %sqrt3A_828 = math.sqrt %min3A_827 : vector<4096xf32>
    %sub3A_829 = arith.constant 1.000000e+00 : f32
    %sub3A_830 = vector.broadcast %sub3A_829 : f32 to vector<4096xf32>
    %sub3A_831 = arith.subf %sub3A_830, %sqrt3A_828 : vector<4096xf32>
    %mul3A_832 = arith.constant 8.192000e+03 : f32
    %mul3A_833 = vector.broadcast %mul3A_832 : f32 to vector<4096xf32>
    %mul3A_834 = arith.mulf %sub3A_831, %mul3A_833 : vector<4096xf32>
    %round3A_835 = math.roundeven %mul3A_834 : vector<4096xf32>
    %convert_element_type3A_836 = arith.fptosi %round3A_835 : vector<4096xf32> to vector<4096xi32>
    %jit3A_837 = arith.constant 0 : i32
    %jit3A_838 = arith.constant 351 : i32
    %max3A_839 = vector.broadcast %jit3A_837 : i32 to vector<4096xi32>
    %max3A_840 = arith.maxsi %max3A_839, %add3A_767 : vector<4096xi32>
    %min3A_841 = vector.broadcast %jit3A_838 : i32 to vector<4096xi32>
    %min3A_842 = arith.minsi %min3A_841, %max3A_840 : vector<4096xi32>
    %mul3A_843 = arith.constant 1216 : i32
    %mul3A_844 = vector.broadcast %mul3A_843 : i32 to vector<4096xi32>
    %mul3A_845 = arith.muli %min3A_842, %mul3A_844 : vector<4096xi32>
    %jit3A_846 = arith.constant 0 : i32
    %jit3A_847 = arith.constant 1215 : i32
    %max3A_848 = vector.broadcast %jit3A_846 : i32 to vector<4096xi32>
    %max3A_849 = arith.maxsi %max3A_848, %add3A_770 : vector<4096xi32>
    %min3A_850 = vector.broadcast %jit3A_847 : i32 to vector<4096xi32>
    %min3A_851 = arith.minsi %min3A_850, %max3A_849 : vector<4096xi32>
    %add3A_852 = arith.addi %mul3A_845, %min3A_851 : vector<4096xi32>
    %shift_left3A_853 = arith.constant 19 : i32
    %shift_left3A_854 = vector.broadcast %shift_left3A_853 : i32 to vector<4096xi32>
    %shift_left3A_855 = arith.shli %convert_element_type3A_836, %shift_left3A_854 : vector<4096xi32>
    %or3A_856 = arith.ori %add3A_852, %shift_left3A_855 : vector<4096xi32>
    %jit3A_857 = arith.constant 428032 : i32
    %broadcast_in_dim3A_858 = vector.broadcast %jit3A_857 : i32 to vector<4096xi32>
    %select_n3A_859 = arith.select %and3A_818, %or3A_856, %broadcast_in_dim3A_858 : vector<4096xi1>, vector<4096xi32>
    %stack3A = vector.shape_cast %select_n3A : vector<4096xi32> to vector<1x4096xi32>
    %stack3A_860 = vector.shape_cast %select_n3A_194 : vector<4096xi32> to vector<1x4096xi32>
    %stack3A_861 = vector.shape_cast %select_n3A_289 : vector<4096xi32> to vector<1x4096xi32>
    %stack3A_862 = vector.shape_cast %select_n3A_384 : vector<4096xi32> to vector<1x4096xi32>
    %stack3A_863 = vector.shape_cast %select_n3A_479 : vector<4096xi32> to vector<1x4096xi32>
    %stack3A_864 = vector.shape_cast %select_n3A_574 : vector<4096xi32> to vector<1x4096xi32>
    %stack3A_865 = vector.shape_cast %select_n3A_669 : vector<4096xi32> to vector<1x4096xi32>
    %stack3A_866 = vector.shape_cast %select_n3A_764 : vector<4096xi32> to vector<1x4096xi32>
    %stack3A_867 = vector.shape_cast %select_n3A_859 : vector<4096xi32> to vector<1x4096xi32>
    %stack3A_868 = tpu.concatenate %stack3A, %stack3A_860, %stack3A_861, %stack3A_862, %stack3A_863, %stack3A_864, %stack3A_865, %stack3A_866, %stack3A_867 in 0 : vector<1x4096xi32>, vector<1x4096xi32>, vector<1x4096xi32>, vector<1x4096xi32>, vector<1x4096xi32>, vector<1x4096xi32>, vector<1x4096xi32>, vector<1x4096xi32>, vector<1x4096xi32> -> vector<9x4096xi32>
    %swap3A = arith.constant 0 : index
    %swap3A_869 = arith.constant 0 : index
    %swap3A_870 = arith.constant 0 : index
    %swap3A_871 = arith.constant 0 : index
    %swap3A_872 = vector.load %arg7[%swap3A, %swap3A_869, %swap3A_870, %swap3A_871] : memref<1x1x9x4096xi32, #tpu.memory_space<vmem>>, vector<1x1x9x4096xi32>
    %swap3A_873 = vector.shape_cast %swap3A_872 : vector<1x1x9x4096xi32> to vector<9x4096xi32>
    %swap3A_874 = vector.shape_cast %stack3A_868 : vector<9x4096xi32> to vector<1x1x9x4096xi32>
    tpu.vector_store %arg7[%swap3A, %swap3A_869, %swap3A_870, %swap3A_871], %swap3A_874 {strides = array<i32>} : memref<1x1x9x4096xi32, #tpu.memory_space<vmem>>, vector<1x1x9x4096xi32>,
    return
  }
  func.func @transform_0(%arg0: i32, %arg1: i32) -> (i32, i32, i32) {
    %c0_i32 = arith.constant 0 : i32
    %c0_i32_0 = arith.constant 0 : i32
    return %arg0, %c0_i32, %arg1 : i32, i32, i32
  }
  func.func @transform_1(%arg0: i32, %arg1: i32) -> (i32, i32, i32) {
    %c0_i32 = arith.constant 0 : i32
    %c0_i32_0 = arith.constant 0 : i32
    return %arg0, %c0_i32, %arg1 : i32, i32, i32
  }
  func.func @transform_2(%arg0: i32, %arg1: i32) -> (i32, i32, i32) {
    %c0_i32 = arith.constant 0 : i32
    %c0_i32_0 = arith.constant 0 : i32
    return %arg0, %c0_i32, %arg1 : i32, i32, i32
  }
  func.func @transform_3(%arg0: i32, %arg1: i32) -> (i32, i32, i32) {
    %c0_i32 = arith.constant 0 : i32
    %c0_i32_0 = arith.constant 0 : i32
    return %arg0, %c0_i32, %arg1 : i32, i32, i32
  }
  func.func @transform_4(%arg0: i32, %arg1: i32) -> (i32, i32, i32) {
    %c0_i32 = arith.constant 0 : i32
    %c0_i32_0 = arith.constant 0 : i32
    return %arg0, %c0_i32, %arg1 : i32, i32, i32
  }
  func.func @transform_5(%arg0: i32, %arg1: i32) -> (i32, i32, i32, i32) {
    %c0_i32 = arith.constant 0 : i32
    %c0_i32_0 = arith.constant 0 : i32
    %c0_i32_1 = arith.constant 0 : i32
    return %arg0, %arg1, %c0_i32, %c0_i32_0 : i32, i32, i32, i32
  }
}

</mosaic_0001>

<sc_bundles>
// kernel: kernel.4.cloned.1.call-start
scs
__scs_entry_jumppad:
0x0: {  	(pc) =	sbr.rel $0x88, $3  }
0x1: {  	(tag) =	ssettag $0x0;
	lr =	simm.s32 $0x1  }
0x2: {  	[smem:$0x3F9E] =	sst lr;
	_ =	strace $0xD0000000  }
0x3: {  	_ = 	snop  }
0x4: {  	_ = 	snop  }
0x5: {  	_ = 	snop  }
0x6: {  	_ = 	snop  }
0x7: {  	_ = 	snop  }
__scs_overlays_trampoline_lowered:
0x8: {  	[smem:$0x3FAD] =	sst s0  }
0x9: {  	[smem:$0x3FAE] =	sst s1  }
0xa: {  	[smem:$0x3FAF] =	sst s2  }
0xb: {  	[smem:$0x3FB0] =	sst s3  }
0xc: {  	[smem:$0x3FB1] =	sst s4  }
0xd: {  	[smem:$0x3FB2] =	sst s5  }
0xe: {  	[smem:$0x3FB3] =	sst s6  }
0xf: {  	[smem:$0x3FB4] =	sst s7  }
0x10: {  	[smem:$0x3FB5] =	sst s8  }
0x11: {  	[smem:$0x3FB6] =	sst s9;
	s0 =	simm.s32 @!p0 $0x0  }
0x12: {  	s1 =	sld [smem:$0x3F9C];
	s0 =	simm.s32 @p0 $0x1  }
0x13: {  	[smem:$0x3FB7] =	sst s0;
	s0 =	simm.s32 @!p1 $0x0  }
0x14: {  	s2 =	sld [smem:$0x3F9B];
	s0 =	simm.s32 @p1 $0x1  }
0x15: {  	[smem:$0x3FB8] =	sst s0;
	s0 =	simm.s32 @!p2 $0x0  }
0x16: {  	s3 =	sld [smem:$0x3FDB];
	s0 =	simm.s32 @p2 $0x1  }
0x17: {  	s4 =	simm.s32 $0x1BF5;
	[smem:$0x3FBA] =	sst s0  }
0x18: {  	s0 =	sld [smem:$0x3F9D];
	_ =	swait.ge [sflag:s4], $0x0  }
0x19: {  	s7 =	sld [smem:$0x3F9E]  }
0x1a: {  	s8 =	sadd.s32 $0xFFFFE003, lr  }
0x1b: {  	s9 =	sadd.s32 $0xFFFFFEF7, lr;
	s5 =	simm.s32 $0xFFFFFFFF;
	p2 =	slt.u32 s8, $0xFFFFF086  }
0x1c: {  	p1 =	slt.u32 s9, $0xF7A;
	s5 =	simm.s32 @!p2 $0x0  }
0x1d: {  	s5 =	simm.s32 @p1 $0x1;
	p0 =	seq.s32 s7, s2  }
0x1e: {  	s7 =	smul.u32 @!p0 $0xF7A, s2;
	p2 =	seq.s32 @!p0 s5, $0x0  }
0x1f: {  	s9 =	smul.u32 $0xF7A, s1;
	s8 =	simm.s32 @!p0 $0x1BF5;
	p2 =	por !p2, p0  }
0x20: {  	[sflag:s8] =	ssyncset.s32 @!p0 $0xFFFFF086;
	s6 =	sadd.s32 @!p0 s3, s7;
	s7 =	simm.s32 @!p0 $0x108  }
0x21: {  	s3 =	sadd.s32 s3, s9;
	s6 =	sadd.s32 @!p0 $0x88, s6;
	s7 =	simm.s32 @p2 $0x1082  }
0x22: {  	[simem:s7], [sflag:s8] =	dma.local @!p0 [hbm:s6], $0xF7A  }
0x23: {  	s9 =	sor.u32 $0xD0000000, s2;
	s6 =	simm.s32 $0x108;
	_ =	swait.ge @!p0 [sflag:s8], $0x0  }
0x24: {  	s3 =	sadd.s32 $0x88, s3;
	s6 =	simm.s32 @!p1 $0x1082;
	[sflag:s4] =	ssyncset.s32 $0xFFFFF086  }
0x25: {  	[simem:s6], [sflag:s4] =	dma.local [hbm:s3], $0xF7A  }
0x26: {  	[smem:$0x3F9E] =	sst s1;
	(tag) =	ssettag s2;
	_ =	strace s9  }
0x27: {  	s1 =	sld [smem:$0x3FAE]  }
0x28: {  	s2 =	sld [smem:$0x3FAF]  }
0x29: {  	s4 =	sld [smem:$0x3FB1]  }
0x2a: {  	p0 =	seq.s32 s5, $0x0;
	s5 =	sld [smem:$0x3FB2]  }
0x2b: {  	s6 =	sld [smem:$0x3FB3]  }
0x2c: {  	s7 =	sld [smem:$0x3FB4]  }
0x2d: {  	s3 =	simm.s32 $0x108;
	s8 =	sld [smem:$0x3FB5]  }
0x2e: {  	s3 =	simm.s32 @!p0 $0x1082;
	s9 =	sld [smem:$0x3FB6]  }
0x2f: {  	lr =	sadd.s32 s0, s3;
	s0 =	sld [smem:$0x3FAD]  }
0x30: {  	s3 =	sld [smem:$0x3FB0]  }
0x31: {  	[smem:$0x3FB9] =	sst s10  }
0x32: {  	s10 =	sld [smem:$0x3FB7];
	_ =	sdelay $0x3  }
0x33: {  	p0 =	seq.s32 s10, $0x1;
	s10 =	sld [smem:$0x3FB9];
	_ =	sdelay $0x3  }
0x34: {  	[smem:$0x3FB9] =	sst s10  }
0x35: {  	s10 =	sld [smem:$0x3FB8];
	_ =	sdelay $0x3  }
0x36: {  	p1 =	seq.s32 s10, $0x1;
	s10 =	sld [smem:$0x3FB9];
	_ =	sdelay $0x3  }
0x37: {  	[smem:$0x3FB9] =	sst s10  }
0x38: {  	s10 =	sld [smem:$0x3FBA]  }
0x39: {  	_ = 	snop;
	(pc) =	sbr.ind lr, $3  }
0x3a: {  	_ = 	snop  }
0x3b: {  	_ = 	snop  }
0x3c: {  	p2 =	seq.s32 s10, $0x1;
	s10 =	sld [smem:$0x3FB9]  }
0x3d: {  	_ =	shalt  }
0x3e: {  	_ =	shalt  }
0x3f: {  	_ =	shalt  }
0x40: {  	_ =	shalt  }
0x41: {  	_ =	shalt  }
0x42: {  	_ =	shalt  }
0x43: {  	_ =	shalt  }
0x44: {  	_ =	shalt  }
0x45: {  	_ =	shalt  }
0x46: {  	_ =	shalt  }
0x47: {  	_ =	shalt  }
0x48: {  	_ =	shalt  }
0x49: {  	_ =	shalt  }
0x4a: {  	_ =	shalt  }
0x4b: {  	_ =	shalt  }
0x4c: {  	_ =	shalt  }
0x4d: {  	_ =	shalt  }
0x4e: {  	_ =	shalt  }
0x4f: {  	_ =	shalt  }
0x50: {  	_ =	shalt  }
0x51: {  	_ =	shalt  }
0x52: {  	_ =	shalt  }
0x53: {  	_ =	shalt  }
0x54: {  	_ =	shalt  }
0x55: {  	_ =	shalt  }
0x56: {  	_ =	shalt  }
0x57: {  	_ =	shalt  }
0x58: {  	_ =	shalt  }
0x59: {  	_ =	shalt  }
0x5a: {  	_ =	shalt  }
0x5b: {  	_ =	shalt  }
0x5c: {  	_ =	shalt  }
0x5d: {  	_ =	shalt  }
0x5e: {  	_ =	shalt  }
0x5f: {  	_ =	shalt  }
0x60: {  	_ =	shalt  }
0x61: {  	_ =	shalt  }
0x62: {  	_ =	shalt  }
0x63: {  	_ =	shalt  }
0x64: {  	_ =	shalt  }
0x65: {  	_ =	shalt  }
0x66: {  	_ =	shalt  }
0x67: {  	_ =	shalt  }
0x68: {  	_ =	shalt  }
0x69: {  	_ =	shalt  }
0x6a: {  	_ =	shalt  }
0x6b: {  	_ =	shalt  }
0x6c: {  	_ =	shalt  }
0x6d: {  	_ =	shalt  }
0x6e: {  	_ =	shalt  }
0x6f: {  	_ =	shalt  }
0x70: {  	_ =	shalt  }
0x71: {  	_ =	shalt  }
0x72: {  	_ =	shalt  }
0x73: {  	_ =	shalt  }
0x74: {  	_ =	shalt  }
0x75: {  	_ =	shalt  }
0x76: {  	_ =	shalt  }
0x77: {  	_ =	shalt  }
0x78: {  	_ =	shalt  }
0x79: {  	_ =	shalt  }
0x7a: {  	_ =	shalt  }
0x7b: {  	_ =	shalt  }
0x7c: {  	_ =	shalt  }
0x7d: {  	_ =	shalt  }
0x7e: {  	_ =	shalt  }
0x7f: {  	_ =	shalt  }
0x80: {  	_ =	shalt  }
0x81: {  	_ =	shalt  }
0x82: {  	_ =	shalt  }
0x83: {  	_ =	shalt  }
0x84: {  	_ =	shalt  }
0x85: {  	_ =	shalt  }
0x86: {  	_ =	shalt  }
0x87: {  	_ =	shalt  }
.Lfunc_end0:
.L_simem_size_0:
called_computation.2_lowered:
.L_overlay_start_0:
0x88: {  	s2 =	sld [smem:$0x3FD9]  }
0x89: {  	s3 =	sld [smem:$0x3FFE];
	_ =	sdelay $0x1  }
0x8a: {  	s1 =	srdreg.scid  }
0x8b: {  	s0 =	sand.u32 $0x1, s1  }
0x8c: {  	s17 =	sshll.u32 s0, $0xA;
	s2 =	sadd.s32 s3, s2  }
0x8d: {  	s2 =	sadd.s32 s2, s17  }
0x8e: {  	[smem:$0x3FC5] =	sst s2  }
0x8f: {  	_ = 	snop  }
0x90: {  	s2 =	sld [smem:$0x3FD0];
	(tm) =	ssettm $0x1  }
0x91: {  	s18 =	sld [smem:$0x3FFB];
	_ =	sdelay $0x3  }
0x92: {  	_ =	strace s18  }
0x93: {  	s3 =	sld [smem:$0x3FFC];
	_ =	sdelay $0x3  }
0x94: {  	_ =	strace s3  }
0x95: {  	s3 =	sld [smem:$0x3FFD];
	_ =	sdelay $0x3  }
0x96: {  	_ =	strace s3  }
0x97: {  	_ =	strace $0x8FFFFFFF  }
0x98: {  	s19 =	sld [smem:$0x3FDB];
	_ =	sdelay $0x1  }
0x99: {  	s4 =	simm.s32 $_scs_section_size  }
0x9a: {  	s5 =	simm.s32 $_size__tile_overlayer_lowered;
	s6 =	simm.s32 $_tile_overlayer_lowered  }
0x9b: {  	s22 =	simm.s32 $0x1BFF;
	s21 =	sshll.u32 s6, $0x1;
	s3 =	sadd.s32 s4, s19  }
0x9c: {  	s7 =	simm.s32 $0x0;
	s20 =	sshll.u32 s5, $0x1;
	s5 =	sadd.s32 s21, s3  }
0x9d: {  	[timem:s7], [sflag:s22] =	dma.local [hbm:s5], s20  }
0x9e: {  	_ =	swait.ge [sflag:s22], s20  }
0x9f: {  	s4 =	ssub.s32 $0x0, s20;
	[sflag:s22] =	ssyncset.done $0x0  }
0xa0: {  	[sflag:s22] =	ssyncadd.s32 s4;
	_ =	sdelay $0x1  }
0xa1: {  	s23 =	simm.s32 $0x1B8B  }
0xa2: {  	_ =	swait.ge [sflag:s23], $0x1  }
0xa3: {  	[sflag:s23] =	ssyncset.done $0x0  }
0xa4: {  	s25 =	simm.s32 $0x1B8E;
	s24 =	sld [smem:$0x3FFE];
	[sflag:s23] =	ssyncadd.s32 $0xFFFFFFFF  }
0xa5: {  	s26 =	simm.s32 $execute0_lowered;
	[smem:$0x3FD2] =	sst s25  }
0xa6: {  	s5 =	sshll.u32 s26, $0x1;
	_ =	strace $0x80000049;
	[dreg:$0x1] =	wrdreg $0xFFFFFFFF  }
0xa7: {  	s28 =	simm.s32 $_size_execute0_lowered;
	s3 =	sadd.s32 s3, s5;
	[dreg:$0x0] =	wrdreg $0x0  }
0xa8: {  	s5 =	sshll.u32 s28, $0x1;
	[dreg:$0x2] =	wrdreg s3  }
0xa9: {  	[dreg:$0x3] =	wrdreg s5  }
0xaa: {  	[dreg:$0x4] =	wrdreg $0xC0  }
0xab: {  	_ =	task [dreg:s7], $0x5FFFF  }
0xac: {  	[dreg:$0x1] =	wrdreg $0xFFFFFFFF  }
0xad: {  	[dreg:$0x0] =	wrdreg $0x60  }
0xae: {  	[dreg:$0x2] =	wrdreg s24  }
0xaf: {  	[dreg:$0x3] =	wrdreg s2  }
0xb0: {  	[dreg:$0x4] =	wrdreg $0xB3400  }
0xb1: {  	[dreg:$0x5] =	wrdreg $0x9  }
0xb2: {  	_ =	task.clear_ibuf [dreg:s7], $0x6FFFF;
	_ =	strace $0x90000049  }
0xb3: {  	s29 =	simm.s32 $0x9;
	_ =	strace $0x8000004B  }
0xb4: {  	_ =	swait.ge [sflag:s29], $0x1  }
0xb5: {  	[sflag:s29] =	ssyncadd.s32 $0xFFFFFFFF  }
0xb6: {  	_ =	strace $0x9000004B  }
0xb7: {  	_ =	sfence  }
0xb8: {  	s30 =	sld [smem:$0x0];
	_ =	sdelay $0x2  }
0xb9: {  	s31 =	sshll.u32 s1, $0xD;
	s1 =	sshrl.u32 s1, $0x2  }
0xba: {  	s3 =	sand.u32 $0x4000, s31;
	s1 =	sadd.s32 s1, s30  }
0xbb: {  	s0 =	sor.u32 s3, s0;
	s1 =	sshll.u32 s1, $0x11  }
0xbc: {  	s0 =	sor.u32 s1, s0  }
0xbd: {  	s0 =	sadd.s32 $0x8F2B, s0  }
0xbe: {  	[sflag:s0] =	ssyncadd.remote.s32 $0x1  }
0xbf: {  	_ =	sfence.sel $0xFFFF  }
0xc0: {  	[dreg:$0x0] =	wrdreg $0xFFFFFFFF;
	(pc) =	sbr.abs _section_cstart, $3  }
0xc1: {  	[dreg:$0x1] =	wrdreg $0xFFFFFFFF  }
0xc2: {  	_ =	task.clear_ibuf [dreg:s7], $0x2FFFF;
	_ =	strace $0x9FFFFFFF  }
0xc3: {  	(tm) =	ssettm $0x7FFFFFFF  }
tec
execute0_lowered:
.L_overlay_start_1:
0x0: {  	(tag) =	ssettag $0x1  }
0x1: {  	s0 =	rddreg [dreg:$0x0]  }
0x2: {  	s1 =	rddreg [dreg:$0x1]  }
0x3: {  	s3 =	rddreg [dreg:$0x2];
	s10 =	simm.s32 $0x0;
	s2 =	srdreg.scid  }
0x4: {  	s5 =	stileid.u32;
	[smem:$0x7FF] =	sst s10  }
0x5: {  	s6 =	sand.u32 $0x1, s2;
	s25 =	smul.u32 $0x4C000, s5;
	s4 =	sadd.s32 $0x1600, s0  }
0x6: {  	s7 =	sadd.s32 $0x25600, s0;
	s9 =	sshll.u32 s5, $0xC;
	s11 =	smul.u32 $0x9000, s5  }
0x7: {  	s21 =	smul.u32 $0x2600, s5;
	s5 =	simm.s32 $0x40;
	s26 =	ssub.s32 $0x2, s6  }
0x8: {  	_ =	strace $0x8000004A;
	[dreg:$0x5] =	wrdreg s4;
	s8 =	sshrl.u32 s26, $0x1  }
0x9: {  	[dreg:$0x6] =	wrdreg s9;
	s2 =	sshrl.u32 s25, $0x2;
	s0 =	ssub.s32 s26, s8  }
0xa: {  	[dreg:$0x7] =	wrdreg s11;
	s9 =	sadd.s32 s2, s3;
	s0 =	smax.u32 s0, $0x1  }
0xb: {  	s22 =	smov.u32 s6;
	s12 =	sadd.s32 $0x1000, s9;
	[dreg:$0x8] =	wrdreg s0  }
0xc: {  	s18 =	smul.u32 $0x26000, s6;
	s13 =	sadd.s32 $0x2000, s9;
	[dreg:$0x9] =	wrdreg s12  }
0xd: {  	v0 =	vimm.f32 $8.192000000e+03;
	s4 =	simm.s32 $0x9000;
	s14 =	sadd.s32 $0x3000, s9;
	[dreg:$0xa] =	wrdreg s13  }
0xe: {  	s6 =	simm.s32 $0xA2C0;
	(erf) = vrcp.f32 v0;
	s15 =	sadd.s32 $0x4000, s9;
	[dreg:$0xb] =	wrdreg s14  }
0xf: {  	s11 =	simm.s32 $0x2;
	s16 =	sadd.s32 $0x5000, s9;
	[dreg:$0xc] =	wrdreg s15  }
0x10: {  	s2 =	simm.s32 $0x1;
	s17 =	sadd.s32 $0x6000, s9;
	[dreg:$0xd] =	wrdreg s16  }
0x11: {  	s8 =	simm.s32 $0xA280;
	s19 =	sadd.s32 $0x7000, s9;
	[dreg:$0xe] =	wrdreg s17  }
0x12: {  	v1 =	vimm.s32 $0x0;
	v2 =	vlaneseq.u32;
	v3 =	vimm.s32 $0x1;
	s20 =	sadd.s32 $0x8000, s9;
	s24 =	sadd.s32 $0x9000, s9;
	[dreg:$0xf] =	wrdreg s19  }
0x13: {  	v4 =	vimm.s32 $0x2;
	v5 =	vimm.s32 $0x3;
	v6 =	vimm.s32 $0x4;
	s25 =	sadd.s32 $0xA000, s9;
	s26 =	sadd.s32 $0xB000, s9;
	[dreg:$0x10] =	wrdreg s20  }
0x14: {  	v7 =	vimm.s32 $0x5;
	v8 =	vimm.s32 $0x6;
	v9 =	vimm.s32 $0x7;
	s23 =	sadd.s32 $0xC000, s9;
	s28 =	sadd.s32 $0xF000, s9;
	[dreg:$0x11] =	wrdreg s24  }
0x15: {  	v10 =	vimm.s32 $0x8;
	v11 =	vimm.s32 $0x9;
	v12 =	vimm.s32 $0xA;
	s29 =	sadd.s32 $0x10000, s9;
	s30 =	sadd.s32 $0x11000, s9;
	[dreg:$0x12] =	wrdreg s25  }
0x16: {  	v13 =	vimm.s32 $0xB;
	v14 =	vimm.s32 $0xC;
	v16 =	vimm.s32 $0xD;
	s31 =	sadd.s32 $0x12000, s9;
	[dreg:$0x13] =	wrdreg s26;
	s24 =	sadd.s32 s21, s18  }
0x17: {  	v17 =	vimm.s32 $0xE;
	v18 =	vimm.s32 $0xF;
	v0 =	vimm.f32 $0.0e+00;
	s25 =	sadd.s32 $0xD000, s9;
	s26 =	sadd.s32 $0xE000, s9;
	s0 =	simm.s32 $0xA340;
	v15 =	vpop (erf)  }
.LBB2_1:
0x18: {  	[dreg:$0x4] =	wrdreg s10;
	s10 =	simm.s32 $0x0  }
.LBB2_2:
0x19: {  	s13 =	simm.s32 $0x100;
	s12 =	simm.s32 $0x0  }
.LBB2_3:
0x1a: {  	p0 =	sne.s32 s13, $0x3F00;
	[tilespmem:s12+$0xA370] =	vst v0;
	s14 =	smov.u32 s13;
	s13 =	sadd.s32 $0x100, s13  }
.Ltmp0:
0x1b: {  	[tilespmem:s12+$0xA360] =	vst v0;
	(pc) =	sbr.rel @p0 .LBB2_3-.Ltmp0, $3  }
0x1c: {  	[tilespmem:s12+$0xA340] =	vst v0  }
0x1d: {  	[tilespmem:s12+$0xA350] =	vst v0;
	_ =	sdelay $0x1  }
0x1e: {  	s12 =	sshra.s32 s14, $0x2  }
0x1f: {  	[tilespmem:s12+$0xA370] =	vst v0  }
0x20: {  	[tilespmem:s12+$0xA360] =	vst v0  }
0x21: {  	[tilespmem:s12+$0xA340] =	vst v0  }
0x22: {  	[tilespmem:s12+$0xA350] =	vst v0  }
0x23: {  	[spmem:s9] =	stream.linear.scatter [tilespmem:s0], [sflag:$0x2], $0x1000, $0x38;
	[tilespmem:$0x1E360] =	vst v63  }
0x24: {  	_ =	swait.ge [sflag:s11], $0x1000  }
0x25: {  	[sflag:s11] =	ssyncset.done $0x0  }
0x26: {  	s18 =	rddreg [dreg:$0x9];
	[sflag:s11] =	ssyncadd.s32 $0xFFFFF000  }
0x27: {  	[spmem:s18] =	stream.linear.scatter [tilespmem:s0], [sflag:$0x2], $0x1000, $0x38;
	[tilespmem:$0x1E360] =	vst v63  }
0x28: {  	_ =	swait.ge [sflag:s11], $0x1000  }
0x29: {  	[sflag:s11] =	ssyncset.done $0x0  }
0x2a: {  	s19 =	rddreg [dreg:$0xa];
	[sflag:s11] =	ssyncadd.s32 $0xFFFFF000  }
0x2b: {  	[spmem:s19] =	stream.linear.scatter [tilespmem:s0], [sflag:$0x2], $0x1000, $0x38;
	[tilespmem:$0x1E360] =	vst v63  }
0x2c: {  	_ =	swait.ge [sflag:s11], $0x1000  }
0x2d: {  	[sflag:s11] =	ssyncset.done $0x0  }
0x2e: {  	s20 =	rddreg [dreg:$0xb];
	[sflag:s11] =	ssyncadd.s32 $0xFFFFF000  }
0x2f: {  	[spmem:s20] =	stream.linear.scatter [tilespmem:s0], [sflag:$0x2], $0x1000, $0x38;
	[tilespmem:$0x1E360] =	vst v63  }
0x30: {  	_ =	swait.ge [sflag:s11], $0x1000  }
0x31: {  	[sflag:s11] =	ssyncset.done $0x0  }
0x32: {  	s21 =	rddreg [dreg:$0xc];
	[sflag:s11] =	ssyncadd.s32 $0xFFFFF000  }
0x33: {  	[spmem:s21] =	stream.linear.scatter [tilespmem:s0], [sflag:$0x2], $0x1000, $0x38;
	[tilespmem:$0x1E360] =	vst v63  }
0x34: {  	_ =	swait.ge [sflag:s11], $0x1000  }
0x35: {  	[sflag:s11] =	ssyncset.done $0x0  }
0x36: {  	s13 =	rddreg [dreg:$0xd];
	[sflag:s11] =	ssyncadd.s32 $0xFFFFF000  }
0x37: {  	[spmem:s13] =	stream.linear.scatter [tilespmem:s0], [sflag:$0x2], $0x1000, $0x38;
	[tilespmem:$0x1E360] =	vst v63  }
0x38: {  	_ =	swait.ge [sflag:s11], $0x1000  }
0x39: {  	[sflag:s11] =	ssyncset.done $0x0  }
0x3a: {  	s14 =	rddreg [dreg:$0xe];
	[sflag:s11] =	ssyncadd.s32 $0xFFFFF000  }
0x3b: {  	[spmem:s14] =	stream.linear.scatter [tilespmem:s0], [sflag:$0x2], $0x1000, $0x38;
	[tilespmem:$0x1E360] =	vst v63  }
0x3c: {  	_ =	swait.ge [sflag:s11], $0x1000  }
0x3d: {  	[sflag:s11] =	ssyncset.done $0x0  }
0x3e: {  	s15 =	rddreg [dreg:$0xf];
	[sflag:s11] =	ssyncadd.s32 $0xFFFFF000  }
0x3f: {  	[spmem:s15] =	stream.linear.scatter [tilespmem:s0], [sflag:$0x2], $0x1000, $0x38;
	[tilespmem:$0x1E360] =	vst v63  }
0x40: {  	_ =	swait.ge [sflag:s11], $0x1000  }
0x41: {  	[sflag:s11] =	ssyncset.done $0x0  }
0x42: {  	s16 =	rddreg [dreg:$0x10];
	[sflag:s11] =	ssyncadd.s32 $0xFFFFF000  }
0x43: {  	[spmem:s16] =	stream.linear.scatter [tilespmem:s0], [sflag:$0x2], $0x1000, $0x38;
	[tilespmem:$0x1E360] =	vst v63  }
0x44: {  	_ =	swait.ge [sflag:s11], $0x1000  }
0x45: {  	[sflag:s11] =	ssyncset.done $0x0  }
0x46: {  	s17 =	rddreg [dreg:$0x11];
	[sflag:s11] =	ssyncadd.s32 $0xFFFFF000  }
0x47: {  	[spmem:s17] =	stream.linear.scatter [tilespmem:s0], [sflag:$0x2], $0x1000, $0x38;
	[tilespmem:$0x1E360] =	vst v63  }
0x48: {  	_ =	swait.ge [sflag:s11], $0x1000  }
0x49: {  	[sflag:s11] =	ssyncset.done $0x0  }
0x4a: {  	s18 =	rddreg [dreg:$0x12];
	[sflag:s11] =	ssyncadd.s32 $0xFFFFF000  }
0x4b: {  	[spmem:s18] =	stream.linear.scatter [tilespmem:s0], [sflag:$0x2], $0x1000, $0x38;
	[tilespmem:$0x1E360] =	vst v63  }
0x4c: {  	_ =	swait.ge [sflag:s11], $0x1000  }
0x4d: {  	[sflag:s11] =	ssyncset.done $0x0  }
0x4e: {  	s19 =	rddreg [dreg:$0x13];
	[sflag:s11] =	ssyncadd.s32 $0xFFFFF000  }
0x4f: {  	[spmem:s19] =	stream.linear.scatter [tilespmem:s0], [sflag:$0x2], $0x1000, $0x38;
	[tilespmem:$0x1E360] =	vst v63  }
0x50: {  	_ =	swait.ge [sflag:s11], $0x1000  }
0x51: {  	[sflag:s11] =	ssyncset.done $0x0  }
0x52: {  	[sflag:s11] =	ssyncadd.s32 $0xFFFFF000  }
0x53: {  	[spmem:s23] =	stream.linear.scatter [tilespmem:s0], [sflag:$0x2], $0x1000, $0x38;
	[tilespmem:$0x1E360] =	vst v63  }
0x54: {  	_ =	swait.ge [sflag:s11], $0x1000  }
0x55: {  	[sflag:s11] =	ssyncset.done $0x0  }
0x56: {  	[sflag:s11] =	ssyncadd.s32 $0xFFFFF000  }
0x57: {  	[spmem:s25] =	stream.linear.scatter [tilespmem:s0], [sflag:$0x2], $0x1000, $0x38;
	[tilespmem:$0x1E360] =	vst v63  }
0x58: {  	_ =	swait.ge [sflag:s11], $0x1000  }
0x59: {  	[sflag:s11] =	ssyncset.done $0x0  }
0x5a: {  	[sflag:s11] =	ssyncadd.s32 $0xFFFFF000  }
0x5b: {  	[spmem:s26] =	stream.linear.scatter [tilespmem:s0], [sflag:$0x2], $0x1000, $0x38;
	[tilespmem:$0x1E360] =	vst v63  }
0x5c: {  	_ =	swait.ge [sflag:s11], $0x1000  }
0x5d: {  	[sflag:s11] =	ssyncset.done $0x0  }
0x5e: {  	[sflag:s11] =	ssyncadd.s32 $0xFFFFF000  }
0x5f: {  	[spmem:s28] =	stream.linear.scatter [tilespmem:s0], [sflag:$0x2], $0x1000, $0x38;
	[tilespmem:$0x1E360] =	vst v63  }
0x60: {  	_ =	swait.ge [sflag:s11], $0x1000  }
0x61: {  	[sflag:s11] =	ssyncset.done $0x0  }
0x62: {  	[sflag:s11] =	ssyncadd.s32 $0xFFFFF000  }
0x63: {  	[spmem:s29] =	stream.linear.scatter [tilespmem:s0], [sflag:$0x2], $0x1000, $0x38;
	[tilespmem:$0x1E360] =	vst v63  }
0x64: {  	_ =	swait.ge [sflag:s11], $0x1000  }
0x65: {  	[sflag:s11] =	ssyncset.done $0x0  }
0x66: {  	[sflag:s11] =	ssyncadd.s32 $0xFFFFF000  }
0x67: {  	[spmem:s30] =	stream.linear.scatter [tilespmem:s0], [sflag:$0x2], $0x1000, $0x38;
	[tilespmem:$0x1E360] =	vst v63  }
0x68: {  	_ =	swait.ge [sflag:s11], $0x1000  }
0x69: {  	[sflag:s11] =	ssyncset.done $0x0  }
0x6a: {  	p0 =	sgt.u32 s10, $0xA;
	[sflag:s11] =	ssyncadd.s32 $0xFFFFF000  }
0x6b: {  	[spmem:s31] =	stream.linear.scatter [tilespmem:s0], [sflag:$0x2], $0x1000, $0x38;
	[tilespmem:$0x1E360] =	vst v63  }
0x6c: {  	s12 =	simm.s32 $0x90000;
	p1 =	slt.u32 s10, $0xB;
	_ =	swait.ge [sflag:s11], $0x1000  }
0x6d: {  	s12 =	simm.s32 @!p0 $0x0;
	s13 =	sshll.u32 s10, $0x1;
	s14 =	rddreg [dreg:$0x7]  }
0x6e: {  	[sflag:s11] =	ssyncset.done $0x0;
	s20 =	rddreg [dreg:$0x5];
	s14 =	sadd.s32 s14, s12  }
0x6f: {  	[sflag:s11] =	ssyncadd.s32 $0xFFFFF000;
	s12 =	sadd.s32 $0xFFFFFFEA, s13;
	s14 =	sshrl.u32 s14, $0x3  }
0x70: {  	s12 =	smov.u32 @p1 s13;
	s13 =	simm.s32 $0x0;
	s14 =	sadd.s32 s20, s14  }
0x71: {  	[tilespmem:s13], [sflag:$0x2] =	stream.linear.gather [hbm4b:s14+s13], $0x9000, $0x38;
	[tilespmem:$0x1E360] =	vst v63  }
.Ltmp1:
0x72: {  	s21 =	sor.u32 s22, s12;
	_ =	swait.ge [sflag:s11], $0x9000;
	(pc) =	sbr.rel .LBB2_5-.Ltmp1, $4  }
0x73: {  	s15 =	simm.s32 $0x10000;
	s14 =	smul.u32 $0x4C00, s21;
	[sflag:s11] =	ssyncset.done $0x0  }
0x74: {  	s15 =	simm.s32 @!p0 $0x0;
	s17 =	rddreg [dreg:$0x6];
	[sflag:s11] =	ssyncadd.s32 $0xFFFF7000  }
0x75: {  	s16 =	sadd.s32 $0x4C00, s14;
	s15 =	sor.u32 s17, s15;
	[bflag:$0x0] =	sbarrier.arrive $0xFFFF  }
0x76: {  	v19 =	vmov s14;
	s14 =	simm.s32 $0x20;
	v21 =	vmov s16;
	s17 =	simm.s32 $0x0;
	v20 =	vmov s15;
	s15 =	simm.s32 $0x0  }
.LBB2_13:
0x77: {  	s15 =	sadd.s32 $0x1, s15  }
0x78: {  	p1 =	sne.s32 s15, $0x9  }
.Ltmp2:
0x79: {  	_ = 	snop;
	(pc) =	sbr.rel @!p1 .LBB2_14-.Ltmp2, $2  }
0x7a: {  	_ =	sdelay $0x2  }
0x7b: {  	s13 =	sadd.s32 $0x1000, s13;
	s14 =	sadd.s32 $0x1000, s14  }
.LBB2_5:
0x7c: {  	v22 =	vld [tilespmem:s14+$0xFFFFFFE0];
	_ =	sdelay $0x1  }
0x7d: {  	v23 =	vld [tilespmem:s14+$0xFFFFFFF0];
	_ =	sdelay $0x1  }
0x7e: {  	v24 =	vld [tilespmem:s14+$0x0]  }
0x7f: {  	v22 =	vand.u32 $0x7FFFF, v22  }
0x80: {  	vm0 =	vge.u32 v22, v19;
	vm1 =	vlt.u32 v22, v21  }
0x81: {  	v22 =	vand.u32 $0x7FFFF, v23;
	vm2 =	vmand vm0, vm1  }
0x82: {  	vm0 =	vge.u32 v22, v19;
	vm1 =	vlt.u32 v22, v21;
	v22 =	vsel vm2, $0x1, v1  }
0x83: {  	(xrf0) =	vadd.scan.msk.s32 $0xffff, v22;
	v22 =	vand.u32 $0x7FFFF, v24  }
0x84: {  	vm1 =	vmand vm0, vm1;
	vm0 =	vge.u32 v22, v19;
	vm3 =	vlt.u32 v22, v21  }
0x85: {  	v23 =	vsel vm1, $0x1, v1;
	vm3 =	vmand vm0, vm3  }
0x86: {  	(xrf0) =	vadd.scan.msk.s32 $0xffff, v23;
	v22 =	vsel vm3, $0x1, v1;
	_ =	sdelay $0x1  }
0x87: {  	(xrf0) =	vadd.scan.msk.s32 $0xffff, v22  }
0x88: {  	v25 =	vld [tilespmem:s14+$0x10];
	v22, _, _ =	vpop (xrf0)  }
0x89: {  	(v2sf) =	vpush v22, $0xF;
	_ =	sdelay $0x1  }
0x8a: {  	v23, _, _ =	vpop (xrf0)  }
0x8b: {  	(v2sf) =	vpush v23, $0xF  }
0x8c: {  	v25 =	vand.u32 $0x7FFFF, v25;
	v56, _, _ =	vpop (xrf0)  }
0x8d: {  	vm4 =	vlt.u32 v25, v21;
	vm0 =	vge.u32 v25, v19;
	(v2sf) =	vpush v56, $0xF  }
0x8e: {  	vm0 =	vmand vm0, vm4  }
0x8f: {  	v28 =	vsel vm0, $0x1, v1  }
0x90: {  	(xrf0) =	vadd.scan.msk.s32 $0xffff, v28;
	_ =	sdelay $0x5  }
0x91: {  	v62, _, _ =	vpop (xrf0)  }
0x92: {  	s16 =	spop (v2sf);
	(v2sf) =	vpush v62, $0xF  }
0x93: {  	v26 =	vmov s17;
	s16 =	sadd.s32 s17, s16  }
0x94: {  	v57 =	vadd.s32 $0xFFFFFFFF, v26;
	v58 =	vmov s16  }
0x95: {  	v25 =	vbroadcast v57, $0x0;
	s19 =	spop (v2sf);
	v26 =	vadd.s32 $0xFFFFFFFF, v58  }
0x96: {  	s16 =	sadd.s32 s19, s16;
	v26 =	vbroadcast v26, $0x0  }
0x97: {  	v22 =	vadd.s32 v22, v25;
	v27 =	vmov s16;
	s20 =	spop (v2sf)  }
0x98: {  	v27 =	vadd.s32 $0xFFFFFFFF, v27;
	s18 =	sadd.s32 s20, s16;
	v23 =	vadd.s32 v23, v26  }
0x99: {  	v59 =	vbroadcast v27, $0x0;
	v60 =	vmov s18  }
0x9a: {  	s21 =	sadd.s32 $0x0, s13;
	v25 =	vadd.s32 $0xFFFFFFFF, v60  }
0x9b: {  	v61 =	vor.u32 s21, v2;
	s20 =	sadd.s32 $0x10, s21;
	v24 =	vadd.s32 v56, v59;
	v25 =	vbroadcast v25, $0x0  }
0x9c: {  	[tilespmem:v22+s4+$0x0] =	vst.idx.msk vm2, v61;
	v22 =	vor.u32 s20, v2  }
0x9d: {  	[tilespmem:v23+s4+$0x0] =	vst.idx.msk vm1, v22;
	v23 =	vadd.s32 v62, v25  }
0x9e: {  	s19 =	sadd.s32 $0x20, s21  }
0x9f: {  	v63 =	vor.u32 s19, v2;
	s21 =	sadd.s32 $0x30, s21  }
0xa0: {  	s17 =	smov.u32 s14;
	s16 =	simm.s32 $0x40;
	v22 =	vor.u32 s21, v2;
	[tilespmem:v24+s4+$0x0] =	vst.idx.msk vm3, v63  }
.LBB2_6:
0xa1: {  	p1 =	sne.s32 s16, $0xFC0;
	s17 =	sadd.s32 $0x40, s17;
	s19 =	spop (v2sf)  }
0xa2: {  	[tilespmem:v23+s4+$0x0] =	vst.idx.msk vm0, v22;
	s18 =	sadd.s32 s19, s18;
	s19 =	smov.u32 s16;
	s16 =	sadd.s32 $0x40, s16  }
0xa3: {  	v22 =	vld [tilespmem:s17+$0xFFFFFFE0];
	v23 =	vmov s18  }
0xa4: {  	v24 =	vld [tilespmem:s17+$0xFFFFFFF0]  }
0xa5: {  	v25 =	vld [tilespmem:s17+$0x0];
	_ =	sdelay $0x1  }
0xa6: {  	v26 =	vld [tilespmem:s17+$0x10]  }
0xa7: {  	v22 =	vand.u32 $0x7FFFF, v22  }
0xa8: {  	vm0 =	vge.u32 v22, v19;
	vm1 =	vlt.u32 v22, v21;
	v22 =	vand.u32 $0x7FFFF, v24  }
0xa9: {  	vm3 =	vmand vm0, vm1;
	vm0 =	vge.u32 v22, v19;
	vm1 =	vlt.u32 v22, v21  }
0xaa: {  	v24 =	vand.u32 $0x7FFFF, v25;
	v22 =	vsel vm3, $0x1, v1;
	vm1 =	vmand vm0, vm1  }
0xab: {  	vm0 =	vge.u32 v24, v19;
	vm2 =	vlt.u32 v24, v21;
	v25 =	vsel vm1, $0x1, v1;
	(xrf0) =	vadd.scan.msk.s32 $0xffff, v22  }
0xac: {  	vm2 =	vmand vm0, vm2;
	v22 =	vand.u32 $0x7FFFF, v26;
	(xrf0) =	vadd.scan.msk.s32 $0xffff, v25  }
0xad: {  	v24 =	vsel vm2, $0x1, v1;
	vm0 =	vge.u32 v22, v19;
	vm4 =	vlt.u32 v22, v21  }
0xae: {  	vm0 =	vmand vm0, vm4;
	(xrf0) =	vadd.scan.msk.s32 $0xffff, v24  }
0xaf: {  	v22 =	vadd.s32 $0xFFFFFFFF, v23;
	v24 =	vsel vm0, $0x1, v1  }
0xb0: {  	v22 =	vbroadcast v22, $0x0  }
0xb1: {  	v23, _, _ =	vpop (xrf0)  }
0xb2: {  	v22 =	vadd.s32 v23, v22;
	v25, _, _ =	vpop (xrf0);
	(v2sf) =	vpush v23, $0xF  }
0xb3: {  	(v2sf) =	vpush v25, $0xF  }
0xb4: {  	v23, _, _ =	vpop (xrf0)  }
0xb5: {  	s19 =	sadd.s32 s19, s13;
	(v2sf) =	vpush v23, $0xF  }
0xb6: {  	s20 =	sadd.s32 $0x10, s19;
	s21 =	sadd.s32 $0x20, s19;
	v26 =	vor.u32 s19, v2;
	s19 =	sadd.s32 $0x30, s19  }
0xb7: {  	[tilespmem:v22+s4+$0x0] =	vst.idx.msk vm3, v26;
	v22 =	vor.u32 s19, v2  }
0xb8: {  	(xrf0) =	vadd.scan.msk.s32 $0xffff, v24;
	_ =	sdelay $0x5  }
0xb9: {  	v24, _, _ =	vpop (xrf0)  }
0xba: {  	(v2sf) =	vpush v24, $0xF;
	_ =	sdelay $0x1  }
0xbb: {  	s19 =	spop (v2sf)  }
0xbc: {  	s18 =	sadd.s32 s18, s19;
	s19 =	spop (v2sf)  }
0xbd: {  	v26 =	vmov s18;
	s18 =	sadd.s32 s19, s18  }
0xbe: {  	v26 =	vadd.s32 $0xFFFFFFFF, v26;
	v27 =	vmov s18;
	s19 =	spop (v2sf)  }
0xbf: {  	v26 =	vbroadcast v26, $0x0;
	v27 =	vadd.s32 $0xFFFFFFFF, v27;
	s18 =	sadd.s32 s19, s18  }
0xc0: {  	v27 =	vbroadcast v27, $0x0;
	v28 =	vmov s18  }
0xc1: {  	v25 =	vadd.s32 v25, v26;
	v26 =	vadd.s32 $0xFFFFFFFF, v28  }
0xc2: {  	v27 =	vadd.s32 v23, v27;
	v23 =	vbroadcast v26, $0x0  }
.Ltmp3:
0xc3: {  	(pc) =	sbr.rel @p1 .LBB2_6-.Ltmp3, $4  }
0xc4: {  	v23 =	vadd.s32 v24, v23  }
0xc5: {  	v24 =	vor.u32 s20, v2  }
0xc6: {  	[tilespmem:v25+s4+$0x0] =	vst.idx.msk vm1, v24;
	v24 =	vor.u32 s21, v2  }
0xc7: {  	[tilespmem:v27+s4+$0x0] =	vst.idx.msk vm2, v24  }
0xc8: {  	s16 =	spop (v2sf)  }
0xc9: {  	s17 =	sadd.s32 s16, s18  }
0xca: {  	s16 =	sadd.s32 $0x3F, s17  }
0xcb: {  	s20 =	sand.u32 $0x3F, s16  }
0xcc: {  	s21 =	sshra.s32 s16, $0x1F;
	p2 =	slt.s32 s16, $0x1;
	p1 =	sne.s32 s20, $0x0  }
0xcd: {  	s18 =	sshrl.u32 s21, $0x1A;
	p1 =	por !p2, !p1  }
0xce: {  	s16 =	sadd.s32 s18, s16;
	s18 =	simm.s32 $0x1;
	p1 =	por !p1, !p1  }
0xcf: {  	s16 =	sshra.s32 s16, $0x6;
	s18 =	simm.s32 @!p1 $0x0  }
0xd0: {  	p1 =	sgt.s32 s17, $0x1FF;
	s16 =	ssub.s32 s16, s18  }
0xd1: {  	s16 =	simm.s32 @!p1 $0x0  }
0xd2: {  	p1 =	slt.s32 s16, $0x1  }
.Ltmp4:
0xd3: {  	_ = 	snop;
	(pc) =	sbr.rel @p1 .LBB2_13-.Ltmp4, $2  }
0xd4: {  	_ =	sdelay $0x2  }
0xd5: {  	[tilespmem:v23+s4+$0x0] =	vst.idx.msk vm0, v22  }
0xd6: {  	v22 =	vmov s17;
	s17 =	simm.s32 $0x0;
	s18 =	simm.s32 $0x0  }
.LBB2_9:
0xd7: {  	s19 =	sshll.u32 s18, $0x6  }
0xd8: {  	v23 =	vld [tilespmem:s19+$0x9000]  }
0xd9: {  	v24 =	vor.u32 s19, v2  }
0xda: {  	vm0 =	vlt.s32 v24, v22;
	_ =	sdelay $0x5  }
0xdb: {  	v24 =	vld.idx.msk [tilespmem:v23+s17+$0x0], vm0;
	_ =	sdelay $0x4  }
0xdc: {  	v25 =	vshrl.u32 v24, $0x13  }
0xdd: {  	v23 =	vand.u32 $0xFFF, v23;
	v25 =	vcvt.s32.f32 v25  }
0xde: {  	v23 =	vor.u32 v20, v23;
	v24 =	vand.u32 $0x7FFFF, v24  }
0xdf: {  	v23 =	vnsel vm0, $0x0, v23;
	v24 =	vsub.s32 v24, v19;
	v25 =	vmul.f32 v25, v15  }
0xe0: {  	[tilespmem:$0xA2C0] =	vst v23;
	v24 =	vnsel vm0, $0x4C00, v24  }
0xe1: {  	[tilespmem:$0xA280] =	vst v24;
	v23 =	vnsel vm0, $0x0, v25  }
0xe2: {  	[tilespmem:$0xA300] =	vst v23  }
0xe3: {  	s20 =	sor.u32 $0x10, s19;
	v23 =	vld [tilespmem:s19+$0x9010]  }
0xe4: {  	v58 =	vor.u32 s20, v2  }
0xe5: {  	vm13 =	vlt.s32 v58, v22;
	_ =	sdelay $0x5  }
0xe6: {  	v24 =	vld.idx.msk [tilespmem:v23+s17+$0x0], vm13;
	_ =	sdelay $0x4  }
0xe7: {  	v59 =	vshrl.u32 v24, $0x13  }
0xe8: {  	v23 =	vand.u32 $0xFFF, v23;
	v25 =	vcvt.s32.f32 v59  }
0xe9: {  	v23 =	vor.u32 v20, v23;
	v24 =	vand.u32 $0x7FFFF, v24  }
0xea: {  	v23 =	vnsel vm13, $0x0, v23;
	v24 =	vsub.s32 v24, v19;
	v25 =	vmul.f32 v25, v15  }
0xeb: {  	[tilespmem:$0xA2D0] =	vst v23;
	v24 =	vnsel vm13, $0x4C00, v24  }
0xec: {  	[tilespmem:$0xA290] =	vst v24;
	v23 =	vnsel vm13, $0x0, v25  }
0xed: {  	[tilespmem:$0xA310] =	vst v23  }
0xee: {  	s21 =	sor.u32 $0x20, s19;
	v23 =	vld [tilespmem:s19+$0x9020]  }
0xef: {  	v60 =	vor.u32 s21, v2  }
0xf0: {  	vm14 =	vlt.s32 v60, v22;
	_ =	sdelay $0x5  }
0xf1: {  	v24 =	vld.idx.msk [tilespmem:v23+s17+$0x0], vm14;
	_ =	sdelay $0x4  }
0xf2: {  	v61 =	vshrl.u32 v24, $0x13  }
0xf3: {  	v23 =	vand.u32 $0xFFF, v23;
	v25 =	vcvt.s32.f32 v61  }
0xf4: {  	v23 =	vor.u32 v20, v23;
	v24 =	vand.u32 $0x7FFFF, v24  }
0xf5: {  	v23 =	vnsel vm14, $0x0, v23;
	v24 =	vsub.s32 v24, v19;
	v25 =	vmul.f32 v25, v15  }
0xf6: {  	[tilespmem:$0xA2E0] =	vst v23;
	v24 =	vnsel vm14, $0x4C00, v24  }
0xf7: {  	[tilespmem:$0xA2A0] =	vst v24;
	v23 =	vnsel vm14, $0x0, v25  }
0xf8: {  	[tilespmem:$0xA320] =	vst v23  }
0xf9: {  	s21 =	sor.u32 $0x30, s19;
	v23 =	vld [tilespmem:s19+$0x9030]  }
0xfa: {  	v62 =	vor.u32 s21, v2  }
0xfb: {  	vm15 =	vlt.s32 v62, v22;
	_ =	sdelay $0x5  }
0xfc: {  	v24 =	vld.idx.msk [tilespmem:v23+s17+$0x0], vm15;
	_ =	sdelay $0x4  }
0xfd: {  	v63 =	vshrl.u32 v24, $0x13  }
0xfe: {  	v23 =	vand.u32 $0xFFF, v23;
	v25 =	vcvt.s32.f32 v63  }
0xff: {  	v23 =	vor.u32 v20, v23;
	v24 =	vand.u32 $0x7FFFF, v24  }
0x100: {  	v23 =	vnsel vm15, $0x0, v23;
	v24 =	vsub.s32 v24, v19;
	v25 =	vmul.f32 v25, v15  }
0x101: {  	[tilespmem:$0xA2F0] =	vst v23;
	v24 =	vnsel vm15, $0x4C00, v24  }
0x102: {  	[tilespmem:$0xA2B0] =	vst v24;
	v23 =	vnsel vm15, $0x0, v25  }
0x103: {  	[tilespmem:$0xA330] =	vst v23  }
0x104: {  	[tilespmem:s0], [sflag:$0x1] =	stream.indirect.gather [hbm4b:s7+s5], $0x40, s6, s5, $0xb8;
	[tilespmem:$0x1E360] =	vst v63  }
0x105: {  	_ =	swait.ge [sflag:s2], $0x1000  }
0x106: {  	[sflag:s2] =	ssyncset.done $0x0  }
0x107: {  	s20 =	simm.s32 $0x0;
	s19 =	simm.s32 $0xA540;
	[sflag:s2] =	ssyncadd.s32 $0xFFFFF000  }
.LBB2_10:
0x108: {  	s21 =	sshra.s32 s20, $0x2  }
0x109: {  	v23 =	vld [tilespmem:s21+$0xA300];
	_ =	sdelay $0x1  }
0x10a: {  	v24 =	vld [tilespmem:s19+$0xFFFFFE00];
	_ =	sdelay $0x1  }
0x10b: {  	v59 =	vld [tilespmem:s19+$0xFFFFFE10]  }
0x10c: {  	v25 =	vperm.xlane v23, v1  }
0x10d: {  	v60 =	vld [tilespmem:s19+$0xFFFFFE20]  }
0x10e: {  	v24 =	vmul.f32 v24, v25  }
0x10f: {  	v61 =	vld [tilespmem:s19+$0xFFFFFE30]  }
0x110: {  	[tilespmem:s19+$0xFFFFFE00] =	vst v24;
	v24 =	vmul.f32 v59, v25  }
0x111: {  	v62 =	vld [tilespmem:s19+$0xFFFFFE40]  }
0x112: {  	[tilespmem:s19+$0xFFFFFE10] =	vst v24;
	v24 =	vmul.f32 v60, v25  }
0x113: {  	v28 =	vld [tilespmem:s19+$0xFFFFFE50]  }
0x114: {  	v63 =	vperm.xlane v23, v3;
	[tilespmem:s19+$0xFFFFFE20] =	vst v24;
	v24 =	vmul.f32 v61, v25  }
0x115: {  	v29 =	vld [tilespmem:s19+$0xFFFFFE60]  }
0x116: {  	[tilespmem:s19+$0xFFFFFE30] =	vst v24;
	v24 =	vmul.f32 v62, v63  }
0x117: {  	v30 =	vld [tilespmem:s19+$0xFFFFFE70]  }
0x118: {  	[tilespmem:s19+$0xFFFFFE40] =	vst v24;
	v24 =	vmul.f32 v28, v63  }
0x119: {  	v31 =	vld [tilespmem:s19+$0xFFFFFE80]  }
0x11a: {  	[tilespmem:s19+$0xFFFFFE50] =	vst v24;
	v24 =	vmul.f32 v29, v63  }
0x11b: {  	v33 =	vld [tilespmem:s19+$0xFFFFFE90]  }
0x11c: {  	v32 =	vperm.xlane v23, v4;
	[tilespmem:s19+$0xFFFFFE60] =	vst v24;
	v24 =	vmul.f32 v30, v63  }
0x11d: {  	v34 =	vld [tilespmem:s19+$0xFFFFFEA0]  }
0x11e: {  	[tilespmem:s19+$0xFFFFFE70] =	vst v24;
	v24 =	vmul.f32 v31, v32  }
0x11f: {  	v35 =	vld [tilespmem:s19+$0xFFFFFEB0]  }
0x120: {  	[tilespmem:s19+$0xFFFFFE80] =	vst v24;
	v24 =	vmul.f32 v33, v32  }
0x121: {  	v36 =	vld [tilespmem:s19+$0xFFFFFEC0]  }
0x122: {  	[tilespmem:s19+$0xFFFFFE90] =	vst v24;
	v24 =	vmul.f32 v34, v32  }
0x123: {  	v38 =	vld [tilespmem:s19+$0xFFFFFED0]  }
0x124: {  	v37 =	vperm.xlane v23, v5;
	[tilespmem:s19+$0xFFFFFEA0] =	vst v24;
	v24 =	vmul.f32 v35, v32  }
0x125: {  	v39 =	vld [tilespmem:s19+$0xFFFFFEE0]  }
0x126: {  	[tilespmem:s19+$0xFFFFFEB0] =	vst v24;
	v24 =	vmul.f32 v36, v37  }
0x127: {  	v40 =	vld [tilespmem:s19+$0xFFFFFEF0]  }
0x128: {  	[tilespmem:s19+$0xFFFFFEC0] =	vst v24;
	v24 =	vmul.f32 v38, v37  }
0x129: {  	v41 =	vld [tilespmem:s19+$0xFFFFFF00]  }
0x12a: {  	[tilespmem:s19+$0xFFFFFED0] =	vst v24;
	v24 =	vmul.f32 v39, v37  }
0x12b: {  	v43 =	vld [tilespmem:s19+$0xFFFFFF10]  }
0x12c: {  	v42 =	vperm.xlane v23, v6;
	[tilespmem:s19+$0xFFFFFEE0] =	vst v24;
	v24 =	vmul.f32 v40, v37  }
0x12d: {  	v44 =	vld [tilespmem:s19+$0xFFFFFF20]  }
0x12e: {  	[tilespmem:s19+$0xFFFFFEF0] =	vst v24;
	v24 =	vmul.f32 v41, v42  }
0x12f: {  	v45 =	vld [tilespmem:s19+$0xFFFFFF30]  }
0x130: {  	[tilespmem:s19+$0xFFFFFF00] =	vst v24;
	v24 =	vmul.f32 v43, v42  }
0x131: {  	v46 =	vld [tilespmem:s19+$0xFFFFFF40]  }
0x132: {  	[tilespmem:s19+$0xFFFFFF10] =	vst v24;
	v24 =	vmul.f32 v44, v42  }
0x133: {  	v48 =	vld [tilespmem:s19+$0xFFFFFF50]  }
0x134: {  	v47 =	vperm.xlane v23, v7;
	[tilespmem:s19+$0xFFFFFF20] =	vst v24;
	v24 =	vmul.f32 v45, v42  }
0x135: {  	v49 =	vld [tilespmem:s19+$0xFFFFFF60]  }
0x136: {  	[tilespmem:s19+$0xFFFFFF30] =	vst v24;
	v24 =	vmul.f32 v46, v47  }
0x137: {  	v50 =	vld [tilespmem:s19+$0xFFFFFF70]  }
0x138: {  	[tilespmem:s19+$0xFFFFFF40] =	vst v24;
	v24 =	vmul.f32 v48, v47  }
0x139: {  	v51 =	vld [tilespmem:s19+$0xFFFFFF80]  }
0x13a: {  	[tilespmem:s19+$0xFFFFFF50] =	vst v24;
	v24 =	vmul.f32 v49, v47  }
0x13b: {  	v53 =	vld [tilespmem:s19+$0xFFFFFF90]  }
0x13c: {  	v52 =	vperm.xlane v23, v8;
	[tilespmem:s19+$0xFFFFFF60] =	vst v24;
	v24 =	vmul.f32 v50, v47  }
0x13d: {  	v54 =	vld [tilespmem:s19+$0xFFFFFFA0]  }
0x13e: {  	[tilespmem:s19+$0xFFFFFF70] =	vst v24;
	v24 =	vmul.f32 v51, v52  }
0x13f: {  	v55 =	vld [tilespmem:s19+$0xFFFFFFB0]  }
0x140: {  	[tilespmem:s19+$0xFFFFFF80] =	vst v24;
	v24 =	vmul.f32 v53, v52  }
0x141: {  	v56 =	vld [tilespmem:s19+$0xFFFFFFC0]  }
0x142: {  	[tilespmem:s19+$0xFFFFFF90] =	vst v24;
	v24 =	vmul.f32 v54, v52  }
0x143: {  	v58 =	vld [tilespmem:s19+$0xFFFFFFD0]  }
0x144: {  	v57 =	vperm.xlane v23, v9;
	[tilespmem:s19+$0xFFFFFFA0] =	vst v24;
	v24 =	vmul.f32 v55, v52  }
0x145: {  	v59 =	vld [tilespmem:s19+$0xFFFFFFE0]  }
0x146: {  	[tilespmem:s19+$0xFFFFFFB0] =	vst v24;
	v24 =	vmul.f32 v56, v57  }
0x147: {  	v60 =	vld [tilespmem:s19+$0xFFFFFFF0]  }
0x148: {  	[tilespmem:s19+$0xFFFFFFC0] =	vst v24;
	v24 =	vmul.f32 v58, v57  }
0x149: {  	v61 =	vld [tilespmem:s19+$0x0]  }
0x14a: {  	[tilespmem:s19+$0xFFFFFFD0] =	vst v24;
	v24 =	vmul.f32 v59, v57  }
0x14b: {  	v63 =	vld [tilespmem:s19+$0x10]  }
0x14c: {  	v62 =	vperm.xlane v23, v10;
	[tilespmem:s19+$0xFFFFFFE0] =	vst v24;
	v24 =	vmul.f32 v60, v57  }
0x14d: {  	v28 =	vld [tilespmem:s19+$0x20]  }
0x14e: {  	[tilespmem:s19+$0xFFFFFFF0] =	vst v24;
	v24 =	vmul.f32 v61, v62  }
0x14f: {  	v29 =	vld [tilespmem:s19+$0x30]  }
0x150: {  	[tilespmem:s19+$0x0] =	vst v24;
	v24 =	vmul.f32 v63, v62  }
0x151: {  	v30 =	vld [tilespmem:s19+$0x40]  }
0x152: {  	[tilespmem:s19+$0x10] =	vst v24;
	v24 =	vmul.f32 v28, v62  }
0x153: {  	v32 =	vld [tilespmem:s19+$0x50]  }
0x154: {  	v31 =	vperm.xlane v23, v11;
	[tilespmem:s19+$0x20] =	vst v24;
	v24 =	vmul.f32 v29, v62  }
0x155: {  	v33 =	vld [tilespmem:s19+$0x60]  }
0x156: {  	[tilespmem:s19+$0x30] =	vst v24;
	v24 =	vmul.f32 v30, v31  }
0x157: {  	v34 =	vld [tilespmem:s19+$0x70]  }
0x158: {  	[tilespmem:s19+$0x40] =	vst v24;
	v24 =	vmul.f32 v32, v31  }
0x159: {  	v35 =	vld [tilespmem:s19+$0x80]  }
0x15a: {  	[tilespmem:s19+$0x50] =	vst v24;
	v24 =	vmul.f32 v33, v31  }
0x15b: {  	v37 =	vld [tilespmem:s19+$0x90]  }
0x15c: {  	v36 =	vperm.xlane v23, v12;
	[tilespmem:s19+$0x60] =	vst v24;
	v24 =	vmul.f32 v34, v31  }
0x15d: {  	v38 =	vld [tilespmem:s19+$0xA0]  }
0x15e: {  	[tilespmem:s19+$0x70] =	vst v24;
	v24 =	vmul.f32 v35, v36  }
0x15f: {  	v39 =	vld [tilespmem:s19+$0xB0]  }
0x160: {  	[tilespmem:s19+$0x80] =	vst v24;
	v24 =	vmul.f32 v37, v36  }
0x161: {  	v40 =	vld [tilespmem:s19+$0xC0]  }
0x162: {  	[tilespmem:s19+$0x90] =	vst v24;
	v24 =	vmul.f32 v38, v36  }
0x163: {  	v42 =	vld [tilespmem:s19+$0xD0]  }
0x164: {  	v41 =	vperm.xlane v23, v13;
	[tilespmem:s19+$0xA0] =	vst v24;
	v24 =	vmul.f32 v39, v36  }
0x165: {  	v43 =	vld [tilespmem:s19+$0xE0]  }
0x166: {  	[tilespmem:s19+$0xB0] =	vst v24;
	v24 =	vmul.f32 v40, v41  }
0x167: {  	v44 =	vld [tilespmem:s19+$0xF0]  }
0x168: {  	[tilespmem:s19+$0xC0] =	vst v24;
	v24 =	vmul.f32 v42, v41  }
0x169: {  	v45 =	vld [tilespmem:s19+$0x100]  }
0x16a: {  	[tilespmem:s19+$0xD0] =	vst v24;
	v24 =	vmul.f32 v43, v41  }
0x16b: {  	v47 =	vld [tilespmem:s19+$0x110]  }
0x16c: {  	v46 =	vperm.xlane v23, v14;
	[tilespmem:s19+$0xE0] =	vst v24;
	v24 =	vmul.f32 v44, v41  }
0x16d: {  	v48 =	vld [tilespmem:s19+$0x120]  }
0x16e: {  	[tilespmem:s19+$0xF0] =	vst v24;
	v24 =	vmul.f32 v45, v46  }
0x16f: {  	v49 =	vld [tilespmem:s19+$0x130]  }
0x170: {  	[tilespmem:s19+$0x100] =	vst v24;
	v24 =	vmul.f32 v47, v46  }
0x171: {  	v50 =	vld [tilespmem:s19+$0x140]  }
0x172: {  	[tilespmem:s19+$0x110] =	vst v24;
	v24 =	vmul.f32 v48, v46  }
0x173: {  	v52 =	vld [tilespmem:s19+$0x150]  }
0x174: {  	v51 =	vperm.xlane v23, v16;
	[tilespmem:s19+$0x120] =	vst v24;
	v24 =	vmul.f32 v49, v46  }
0x175: {  	v53 =	vld [tilespmem:s19+$0x160]  }
0x176: {  	[tilespmem:s19+$0x130] =	vst v24;
	v24 =	vmul.f32 v50, v51  }
0x177: {  	v54 =	vld [tilespmem:s19+$0x170]  }
0x178: {  	[tilespmem:s19+$0x140] =	vst v24;
	v24 =	vmul.f32 v52, v51  }
0x179: {  	v55 =	vld [tilespmem:s19+$0x180]  }
0x17a: {  	[tilespmem:s19+$0x150] =	vst v24;
	v24 =	vmul.f32 v53, v51  }
0x17b: {  	v57 =	vld [tilespmem:s19+$0x190]  }
0x17c: {  	v56 =	vperm.xlane v23, v17;
	[tilespmem:s19+$0x160] =	vst v24;
	v24 =	vmul.f32 v54, v51  }
0x17d: {  	v58 =	vld [tilespmem:s19+$0x1A0]  }
0x17e: {  	[tilespmem:s19+$0x170] =	vst v24;
	v24 =	vmul.f32 v55, v56  }
0x17f: {  	v59 =	vld [tilespmem:s19+$0x1B0]  }
0x180: {  	[tilespmem:s19+$0x180] =	vst v24;
	v24 =	vmul.f32 v57, v56  }
0x181: {  	v60 =	vld [tilespmem:s19+$0x1C0]  }
0x182: {  	[tilespmem:s19+$0x190] =	vst v24;
	v24 =	vmul.f32 v58, v56  }
0x183: {  	v61 =	vld [tilespmem:s19+$0x1D0]  }
0x184: {  	v23 =	vperm.xlane v23, v18;
	[tilespmem:s19+$0x1A0] =	vst v24;
	v24 =	vmul.f32 v59, v56  }
0x185: {  	v62 =	vld [tilespmem:s19+$0x1E0]  }
0x186: {  	v63 =	vld [tilespmem:s19+$0x1F0];
	[tilespmem:s19+$0x1B0] =	vst v24;
	v24 =	vmul.f32 v60, v23;
	_ =	sdelay $0x1  }
0x187: {  	p1 =	sne.s32 s20, $0xC0;
	[tilespmem:s19+$0x1C0] =	vst v24;
	v24 =	vmul.f32 v61, v23  }
.Ltmp5:
0x188: {  	_ = 	snop;
	(pc) =	sbr.rel @p1 .LBB2_10-.Ltmp5, $4  }
0x189: {  	[tilespmem:s19+$0x1D0] =	vst v24;
	v24 =	vmul.f32 v62, v23  }
0x18a: {  	v23 =	vmul.f32 v63, v23  }
0x18b: {  	[tilespmem:s19+$0x1E0] =	vst v24  }
0x18c: {  	s20 =	sadd.s32 $0x40, s20;
	[tilespmem:s19+$0x1F0] =	vst v23;
	s19 =	sadd.s32 $0x400, s19  }
0x18d: {  	s18 =	sadd.s32 $0x1, s18  }
0x18e: {  	p1 =	sne.s32 s18, s16  }
.Ltmp6:
0x18f: {  	_ = 	snop;
	(pc) =	sbr.rel @p1 .LBB2_9-.Ltmp6, $4  }
0x190: {  	[spmem:s3] =	stream.indirect.scatter.add.f32 [tilespmem:s0], [sflag:$0x2], $0x40, s8, s5, $0xb8;
	[tilespmem:$0x1E360] =	vst v63  }
0x191: {  	_ =	swait.ge [sflag:s11], $0x1000  }
0x192: {  	[sflag:s11] =	ssyncset.done $0x0  }
0x193: {  	[sflag:s11] =	ssyncadd.s32 $0xFFFFF000  }
.Ltmp7:
0x194: {  	(pc) =	sbr.rel .LBB2_13-.Ltmp7, $2  }
0x195: {  	_ =	sdelay $0x2  }
0x196: {  	s17 =	simm.s32 $0x0  }
.LBB2_14:
0x197: {  	s13 =	sadd.s32 $0x3F, s17  }
0x198: {  	s14 =	sand.u32 $0x3F, s13  }
0x199: {  	s21 =	sshra.s32 s13, $0x1F;
	p2 =	slt.s32 s13, $0x1;
	p1 =	sne.s32 s14, $0x0  }
0x19a: {  	s14 =	sshrl.u32 s21, $0x1A;
	p1 =	por !p2, !p1  }
0x19b: {  	s13 =	sadd.s32 s14, s13;
	s14 =	simm.s32 $0x1;
	p1 =	por !p1, !p1  }
0x19c: {  	s13 =	sshra.s32 s13, $0x6;
	s14 =	simm.s32 @!p1 $0x0  }
0x19d: {  	p1 =	slt.s32 s17, $0x1;
	s13 =	ssub.s32 s13, s14  }
0x19e: {  	p2 =	slt.s32 @!p1 s13, $0x1  }
0x19f: {  	p1 =	por p1, p2  }
.Ltmp8:
0x1a0: {  	_ = 	snop;
	(pc) =	sbr.rel @p1 .LBB2_19-.Ltmp8, $1  }
0x1a1: {  	_ =	sdelay $0x3  }
0x1a2: {  	v21 =	vmov s17;
	s14 =	simm.s32 $0x0;
	s15 =	simm.s32 $0x0  }
.LBB2_16:
0x1a3: {  	s16 =	sshll.u32 s15, $0x6  }
0x1a4: {  	v22 =	vld [tilespmem:s16+$0x9000]  }
0x1a5: {  	v23 =	vor.u32 s16, v2  }
0x1a6: {  	vm0 =	vlt.s32 v23, v21;
	_ =	sdelay $0x5  }
0x1a7: {  	v23 =	vld.idx.msk [tilespmem:v22+s14+$0x0], vm0;
	_ =	sdelay $0x4  }
0x1a8: {  	v24 =	vshrl.u32 v23, $0x13  }
0x1a9: {  	v22 =	vand.u32 $0xFFF, v22;
	v24 =	vcvt.s32.f32 v24  }
0x1aa: {  	v22 =	vor.u32 v20, v22;
	v23 =	vand.u32 $0x7FFFF, v23  }
0x1ab: {  	v22 =	vnsel vm0, $0x0, v22;
	v23 =	vsub.s32 v23, v19;
	v24 =	vmul.f32 v24, v15  }
0x1ac: {  	[tilespmem:$0xA2C0] =	vst v22;
	v23 =	vnsel vm0, $0x4C00, v23  }
0x1ad: {  	[tilespmem:$0xA280] =	vst v23;
	v22 =	vnsel vm0, $0x0, v24  }
0x1ae: {  	[tilespmem:$0xA300] =	vst v22  }
0x1af: {  	s17 =	sor.u32 $0x10, s16;
	v22 =	vld [tilespmem:s16+$0x9010]  }
0x1b0: {  	v23 =	vor.u32 s17, v2  }
0x1b1: {  	vm13 =	vlt.s32 v23, v21;
	_ =	sdelay $0x5  }
0x1b2: {  	v23 =	vld.idx.msk [tilespmem:v22+s14+$0x0], vm13;
	_ =	sdelay $0x4  }
0x1b3: {  	v61 =	vshrl.u32 v23, $0x13  }
0x1b4: {  	v22 =	vand.u32 $0xFFF, v22;
	v24 =	vcvt.s32.f32 v61  }
0x1b5: {  	v22 =	vor.u32 v20, v22;
	v23 =	vand.u32 $0x7FFFF, v23  }
0x1b6: {  	v22 =	vnsel vm13, $0x0, v22;
	v23 =	vsub.s32 v23, v19;
	v24 =	vmul.f32 v24, v15  }
0x1b7: {  	[tilespmem:$0xA2D0] =	vst v22;
	v23 =	vnsel vm13, $0x4C00, v23  }
0x1b8: {  	[tilespmem:$0xA290] =	vst v23;
	v22 =	vnsel vm13, $0x0, v24  }
0x1b9: {  	[tilespmem:$0xA310] =	vst v22  }
0x1ba: {  	s20 =	sor.u32 $0x20, s16;
	v22 =	vld [tilespmem:s16+$0x9020]  }
0x1bb: {  	v23 =	vor.u32 s20, v2  }
0x1bc: {  	vm14 =	vlt.s32 v23, v21;
	_ =	sdelay $0x5  }
0x1bd: {  	v23 =	vld.idx.msk [tilespmem:v22+s14+$0x0], vm14;
	_ =	sdelay $0x4  }
0x1be: {  	v62 =	vshrl.u32 v23, $0x13  }
0x1bf: {  	v22 =	vand.u32 $0xFFF, v22;
	v24 =	vcvt.s32.f32 v62  }
0x1c0: {  	v22 =	vor.u32 v20, v22;
	v23 =	vand.u32 $0x7FFFF, v23  }
0x1c1: {  	v22 =	vnsel vm14, $0x0, v22;
	v23 =	vsub.s32 v23, v19;
	v24 =	vmul.f32 v24, v15  }
0x1c2: {  	[tilespmem:$0xA2E0] =	vst v22;
	v23 =	vnsel vm14, $0x4C00, v23  }
0x1c3: {  	[tilespmem:$0xA2A0] =	vst v23;
	v22 =	vnsel vm14, $0x0, v24  }
0x1c4: {  	[tilespmem:$0xA320] =	vst v22  }
0x1c5: {  	s21 =	sor.u32 $0x30, s16;
	v22 =	vld [tilespmem:s16+$0x9030]  }
0x1c6: {  	v23 =	vor.u32 s21, v2  }
0x1c7: {  	vm15 =	vlt.s32 v23, v21;
	_ =	sdelay $0x5  }
0x1c8: {  	v23 =	vld.idx.msk [tilespmem:v22+s14+$0x0], vm15;
	_ =	sdelay $0x4  }
0x1c9: {  	v63 =	vshrl.u32 v23, $0x13  }
0x1ca: {  	v22 =	vand.u32 $0xFFF, v22;
	v24 =	vcvt.s32.f32 v63  }
0x1cb: {  	v22 =	vor.u32 v20, v22;
	v23 =	vand.u32 $0x7FFFF, v23  }
0x1cc: {  	v22 =	vnsel vm15, $0x0, v22;
	v23 =	vsub.s32 v23, v19;
	v24 =	vmul.f32 v24, v15  }
0x1cd: {  	[tilespmem:$0xA2F0] =	vst v22;
	v23 =	vnsel vm15, $0x4C00, v23  }
0x1ce: {  	[tilespmem:$0xA2B0] =	vst v23;
	v22 =	vnsel vm15, $0x0, v24  }
0x1cf: {  	[tilespmem:$0xA330] =	vst v22  }
0x1d0: {  	[tilespmem:s0], [sflag:$0x1] =	stream.indirect.gather [hbm4b:s7+s5], $0x40, s6, s5, $0xb8;
	[tilespmem:$0x1E360] =	vst v63  }
0x1d1: {  	_ =	swait.ge [sflag:s2], $0x1000  }
0x1d2: {  	[sflag:s2] =	ssyncset.done $0x0  }
0x1d3: {  	s17 =	simm.s32 $0x0;
	s16 =	simm.s32 $0xA540;
	[sflag:s2] =	ssyncadd.s32 $0xFFFFF000  }
.LBB2_17:
0x1d4: {  	s18 =	sshra.s32 s17, $0x2  }
0x1d5: {  	v22 =	vld [tilespmem:s18+$0xA300];
	_ =	sdelay $0x1  }
0x1d6: {  	v23 =	vld [tilespmem:s16+$0xFFFFFE00];
	_ =	sdelay $0x2  }
0x1d7: {  	v24 =	vperm.xlane v22, v1;
	_ =	sdelay $0x1  }
0x1d8: {  	v23 =	vmul.f32 v23, v24;
	_ =	sdelay $0x1  }
0x1d9: {  	[tilespmem:s16+$0xFFFFFE00] =	vst v23;
	v23 =	vld [tilespmem:s16+$0xFFFFFE10];
	_ =	sdelay $0x4  }
0x1da: {  	v23 =	vmul.f32 v23, v24;
	_ =	sdelay $0x1  }
0x1db: {  	[tilespmem:s16+$0xFFFFFE10] =	vst v23;
	v23 =	vld [tilespmem:s16+$0xFFFFFE20];
	_ =	sdelay $0x4  }
0x1dc: {  	v23 =	vmul.f32 v23, v24;
	_ =	sdelay $0x1  }
0x1dd: {  	[tilespmem:s16+$0xFFFFFE20] =	vst v23;
	v23 =	vld [tilespmem:s16+$0xFFFFFE30];
	_ =	sdelay $0x4  }
0x1de: {  	v23 =	vmul.f32 v23, v24;
	_ =	sdelay $0x1  }
0x1df: {  	[tilespmem:s16+$0xFFFFFE30] =	vst v23;
	v23 =	vld [tilespmem:s16+$0xFFFFFE40];
	_ =	sdelay $0x2  }
0x1e0: {  	v50 =	vperm.xlane v22, v3;
	_ =	sdelay $0x1  }
0x1e1: {  	v23 =	vmul.f32 v23, v50;
	_ =	sdelay $0x1  }
0x1e2: {  	[tilespmem:s16+$0xFFFFFE40] =	vst v23;
	v23 =	vld [tilespmem:s16+$0xFFFFFE50];
	_ =	sdelay $0x4  }
0x1e3: {  	v23 =	vmul.f32 v23, v50;
	_ =	sdelay $0x1  }
0x1e4: {  	[tilespmem:s16+$0xFFFFFE50] =	vst v23;
	v23 =	vld [tilespmem:s16+$0xFFFFFE60];
	_ =	sdelay $0x4  }
0x1e5: {  	v23 =	vmul.f32 v23, v50;
	_ =	sdelay $0x1  }
0x1e6: {  	[tilespmem:s16+$0xFFFFFE60] =	vst v23;
	v23 =	vld [tilespmem:s16+$0xFFFFFE70];
	_ =	sdelay $0x4  }
0x1e7: {  	v23 =	vmul.f32 v23, v50;
	_ =	sdelay $0x1  }
0x1e8: {  	[tilespmem:s16+$0xFFFFFE70] =	vst v23;
	v23 =	vld [tilespmem:s16+$0xFFFFFE80];
	_ =	sdelay $0x2  }
0x1e9: {  	v51 =	vperm.xlane v22, v4;
	_ =	sdelay $0x1  }
0x1ea: {  	v23 =	vmul.f32 v23, v51;
	_ =	sdelay $0x1  }
0x1eb: {  	[tilespmem:s16+$0xFFFFFE80] =	vst v23;
	v23 =	vld [tilespmem:s16+$0xFFFFFE90];
	_ =	sdelay $0x4  }
0x1ec: {  	v23 =	vmul.f32 v23, v51;
	_ =	sdelay $0x1  }
0x1ed: {  	[tilespmem:s16+$0xFFFFFE90] =	vst v23;
	v23 =	vld [tilespmem:s16+$0xFFFFFEA0];
	_ =	sdelay $0x4  }
0x1ee: {  	v23 =	vmul.f32 v23, v51;
	_ =	sdelay $0x1  }
0x1ef: {  	[tilespmem:s16+$0xFFFFFEA0] =	vst v23;
	v23 =	vld [tilespmem:s16+$0xFFFFFEB0];
	_ =	sdelay $0x4  }
0x1f0: {  	v23 =	vmul.f32 v23, v51;
	_ =	sdelay $0x1  }
0x1f1: {  	[tilespmem:s16+$0xFFFFFEB0] =	vst v23;
	v23 =	vld [tilespmem:s16+$0xFFFFFEC0];
	_ =	sdelay $0x2  }
0x1f2: {  	v52 =	vperm.xlane v22, v5;
	_ =	sdelay $0x1  }
0x1f3: {  	v23 =	vmul.f32 v23, v52;
	_ =	sdelay $0x1  }
0x1f4: {  	[tilespmem:s16+$0xFFFFFEC0] =	vst v23;
	v23 =	vld [tilespmem:s16+$0xFFFFFED0];
	_ =	sdelay $0x4  }
0x1f5: {  	v23 =	vmul.f32 v23, v52;
	_ =	sdelay $0x1  }
0x1f6: {  	[tilespmem:s16+$0xFFFFFED0] =	vst v23;
	v23 =	vld [tilespmem:s16+$0xFFFFFEE0];
	_ =	sdelay $0x4  }
0x1f7: {  	v23 =	vmul.f32 v23, v52;
	_ =	sdelay $0x1  }
0x1f8: {  	[tilespmem:s16+$0xFFFFFEE0] =	vst v23;
	v23 =	vld [tilespmem:s16+$0xFFFFFEF0];
	_ =	sdelay $0x4  }
0x1f9: {  	v23 =	vmul.f32 v23, v52;
	_ =	sdelay $0x1  }
0x1fa: {  	[tilespmem:s16+$0xFFFFFEF0] =	vst v23;
	v23 =	vld [tilespmem:s16+$0xFFFFFF00];
	_ =	sdelay $0x2  }
0x1fb: {  	v53 =	vperm.xlane v22, v6;
	_ =	sdelay $0x1  }
0x1fc: {  	v23 =	vmul.f32 v23, v53;
	_ =	sdelay $0x1  }
0x1fd: {  	[tilespmem:s16+$0xFFFFFF00] =	vst v23;
	v23 =	vld [tilespmem:s16+$0xFFFFFF10];
	_ =	sdelay $0x4  }
0x1fe: {  	v23 =	vmul.f32 v23, v53;
	_ =	sdelay $0x1  }
0x1ff: {  	[tilespmem:s16+$0xFFFFFF10] =	vst v23;
	v23 =	vld [tilespmem:s16+$0xFFFFFF20];
	_ =	sdelay $0x4  }
0x200: {  	v23 =	vmul.f32 v23, v53;
	_ =	sdelay $0x1  }
0x201: {  	[tilespmem:s16+$0xFFFFFF20] =	vst v23;
	v23 =	vld [tilespmem:s16+$0xFFFFFF30];
	_ =	sdelay $0x4  }
0x202: {  	v23 =	vmul.f32 v23, v53;
	_ =	sdelay $0x1  }
0x203: {  	[tilespmem:s16+$0xFFFFFF30] =	vst v23;
	v23 =	vld [tilespmem:s16+$0xFFFFFF40];
	_ =	sdelay $0x2  }
0x204: {  	v54 =	vperm.xlane v22, v7;
	_ =	sdelay $0x1  }
0x205: {  	v23 =	vmul.f32 v23, v54;
	_ =	sdelay $0x1  }
0x206: {  	[tilespmem:s16+$0xFFFFFF40] =	vst v23;
	v23 =	vld [tilespmem:s16+$0xFFFFFF50];
	_ =	sdelay $0x4  }
0x207: {  	v23 =	vmul.f32 v23, v54;
	_ =	sdelay $0x1  }
0x208: {  	[tilespmem:s16+$0xFFFFFF50] =	vst v23;
	v23 =	vld [tilespmem:s16+$0xFFFFFF60];
	_ =	sdelay $0x4  }
0x209: {  	v23 =	vmul.f32 v23, v54;
	_ =	sdelay $0x1  }
0x20a: {  	[tilespmem:s16+$0xFFFFFF60] =	vst v23;
	v23 =	vld [tilespmem:s16+$0xFFFFFF70];
	_ =	sdelay $0x4  }
0x20b: {  	v23 =	vmul.f32 v23, v54;
	_ =	sdelay $0x1  }
0x20c: {  	[tilespmem:s16+$0xFFFFFF70] =	vst v23;
	v23 =	vld [tilespmem:s16+$0xFFFFFF80];
	_ =	sdelay $0x2  }
0x20d: {  	v55 =	vperm.xlane v22, v8;
	_ =	sdelay $0x1  }
0x20e: {  	v23 =	vmul.f32 v23, v55;
	_ =	sdelay $0x1  }
0x20f: {  	[tilespmem:s16+$0xFFFFFF80] =	vst v23;
	v23 =	vld [tilespmem:s16+$0xFFFFFF90];
	_ =	sdelay $0x4  }
0x210: {  	v23 =	vmul.f32 v23, v55;
	_ =	sdelay $0x1  }
0x211: {  	[tilespmem:s16+$0xFFFFFF90] =	vst v23;
	v23 =	vld [tilespmem:s16+$0xFFFFFFA0];
	_ =	sdelay $0x4  }
0x212: {  	v23 =	vmul.f32 v23, v55;
	_ =	sdelay $0x1  }
0x213: {  	[tilespmem:s16+$0xFFFFFFA0] =	vst v23;
	v23 =	vld [tilespmem:s16+$0xFFFFFFB0];
	_ =	sdelay $0x4  }
0x214: {  	v23 =	vmul.f32 v23, v55;
	_ =	sdelay $0x1  }
0x215: {  	[tilespmem:s16+$0xFFFFFFB0] =	vst v23;
	v23 =	vld [tilespmem:s16+$0xFFFFFFC0];
	_ =	sdelay $0x2  }
0x216: {  	v56 =	vperm.xlane v22, v9;
	_ =	sdelay $0x1  }
0x217: {  	v23 =	vmul.f32 v23, v56;
	_ =	sdelay $0x1  }
0x218: {  	[tilespmem:s16+$0xFFFFFFC0] =	vst v23;
	v23 =	vld [tilespmem:s16+$0xFFFFFFD0];
	_ =	sdelay $0x4  }
0x219: {  	v23 =	vmul.f32 v23, v56;
	_ =	sdelay $0x1  }
0x21a: {  	[tilespmem:s16+$0xFFFFFFD0] =	vst v23;
	v23 =	vld [tilespmem:s16+$0xFFFFFFE0];
	_ =	sdelay $0x4  }
0x21b: {  	v23 =	vmul.f32 v23, v56;
	_ =	sdelay $0x1  }
0x21c: {  	[tilespmem:s16+$0xFFFFFFE0] =	vst v23;
	v23 =	vld [tilespmem:s16+$0xFFFFFFF0];
	_ =	sdelay $0x4  }
0x21d: {  	v23 =	vmul.f32 v23, v56;
	_ =	sdelay $0x1  }
0x21e: {  	[tilespmem:s16+$0xFFFFFFF0] =	vst v23;
	v23 =	vld [tilespmem:s16+$0x0];
	_ =	sdelay $0x2  }
0x21f: {  	v57 =	vperm.xlane v22, v10;
	_ =	sdelay $0x1  }
0x220: {  	v23 =	vmul.f32 v23, v57;
	_ =	sdelay $0x1  }
0x221: {  	[tilespmem:s16+$0x0] =	vst v23;
	v23 =	vld [tilespmem:s16+$0x10];
	_ =	sdelay $0x4  }
0x222: {  	v23 =	vmul.f32 v23, v57;
	_ =	sdelay $0x1  }
0x223: {  	[tilespmem:s16+$0x10] =	vst v23;
	v23 =	vld [tilespmem:s16+$0x20];
	_ =	sdelay $0x4  }
0x224: {  	v23 =	vmul.f32 v23, v57;
	_ =	sdelay $0x1  }
0x225: {  	[tilespmem:s16+$0x20] =	vst v23;
	v23 =	vld [tilespmem:s16+$0x30];
	_ =	sdelay $0x4  }
0x226: {  	v23 =	vmul.f32 v23, v57;
	_ =	sdelay $0x1  }
0x227: {  	[tilespmem:s16+$0x30] =	vst v23;
	v23 =	vld [tilespmem:s16+$0x40];
	_ =	sdelay $0x2  }
0x228: {  	v58 =	vperm.xlane v22, v11;
	_ =	sdelay $0x1  }
0x229: {  	v23 =	vmul.f32 v23, v58;
	_ =	sdelay $0x1  }
0x22a: {  	[tilespmem:s16+$0x40] =	vst v23;
	v23 =	vld [tilespmem:s16+$0x50];
	_ =	sdelay $0x4  }
0x22b: {  	v23 =	vmul.f32 v23, v58;
	_ =	sdelay $0x1  }
0x22c: {  	[tilespmem:s16+$0x50] =	vst v23;
	v23 =	vld [tilespmem:s16+$0x60];
	_ =	sdelay $0x4  }
0x22d: {  	v23 =	vmul.f32 v23, v58;
	_ =	sdelay $0x1  }
0x22e: {  	[tilespmem:s16+$0x60] =	vst v23;
	v23 =	vld [tilespmem:s16+$0x70];
	_ =	sdelay $0x4  }
0x22f: {  	v23 =	vmul.f32 v23, v58;
	_ =	sdelay $0x1  }
0x230: {  	[tilespmem:s16+$0x70] =	vst v23;
	v23 =	vld [tilespmem:s16+$0x80];
	_ =	sdelay $0x2  }
0x231: {  	v59 =	vperm.xlane v22, v12;
	_ =	sdelay $0x1  }
0x232: {  	v23 =	vmul.f32 v23, v59;
	_ =	sdelay $0x1  }
0x233: {  	[tilespmem:s16+$0x80] =	vst v23;
	v23 =	vld [tilespmem:s16+$0x90];
	_ =	sdelay $0x4  }
0x234: {  	v23 =	vmul.f32 v23, v59;
	_ =	sdelay $0x1  }
0x235: {  	[tilespmem:s16+$0x90] =	vst v23;
	v23 =	vld [tilespmem:s16+$0xA0];
	_ =	sdelay $0x4  }
0x236: {  	v23 =	vmul.f32 v23, v59;
	_ =	sdelay $0x1  }
0x237: {  	[tilespmem:s16+$0xA0] =	vst v23;
	v23 =	vld [tilespmem:s16+$0xB0];
	_ =	sdelay $0x4  }
0x238: {  	v23 =	vmul.f32 v23, v59;
	_ =	sdelay $0x1  }
0x239: {  	[tilespmem:s16+$0xB0] =	vst v23;
	v23 =	vld [tilespmem:s16+$0xC0];
	_ =	sdelay $0x2  }
0x23a: {  	v60 =	vperm.xlane v22, v13;
	_ =	sdelay $0x1  }
0x23b: {  	v23 =	vmul.f32 v23, v60;
	_ =	sdelay $0x1  }
0x23c: {  	[tilespmem:s16+$0xC0] =	vst v23;
	v23 =	vld [tilespmem:s16+$0xD0];
	_ =	sdelay $0x4  }
0x23d: {  	v23 =	vmul.f32 v23, v60;
	_ =	sdelay $0x1  }
0x23e: {  	[tilespmem:s16+$0xD0] =	vst v23;
	v23 =	vld [tilespmem:s16+$0xE0];
	_ =	sdelay $0x4  }
0x23f: {  	v23 =	vmul.f32 v23, v60;
	_ =	sdelay $0x1  }
0x240: {  	[tilespmem:s16+$0xE0] =	vst v23;
	v23 =	vld [tilespmem:s16+$0xF0];
	_ =	sdelay $0x4  }
0x241: {  	v23 =	vmul.f32 v23, v60;
	_ =	sdelay $0x1  }
0x242: {  	[tilespmem:s16+$0xF0] =	vst v23;
	v23 =	vld [tilespmem:s16+$0x100];
	_ =	sdelay $0x2  }
0x243: {  	v61 =	vperm.xlane v22, v14;
	_ =	sdelay $0x1  }
0x244: {  	v23 =	vmul.f32 v23, v61;
	_ =	sdelay $0x1  }
0x245: {  	[tilespmem:s16+$0x100] =	vst v23;
	v23 =	vld [tilespmem:s16+$0x110];
	_ =	sdelay $0x4  }
0x246: {  	v23 =	vmul.f32 v23, v61;
	_ =	sdelay $0x1  }
0x247: {  	[tilespmem:s16+$0x110] =	vst v23;
	v23 =	vld [tilespmem:s16+$0x120];
	_ =	sdelay $0x4  }
0x248: {  	v23 =	vmul.f32 v23, v61;
	_ =	sdelay $0x1  }
0x249: {  	[tilespmem:s16+$0x120] =	vst v23;
	v23 =	vld [tilespmem:s16+$0x130];
	_ =	sdelay $0x4  }
0x24a: {  	v23 =	vmul.f32 v23, v61;
	_ =	sdelay $0x1  }
0x24b: {  	[tilespmem:s16+$0x130] =	vst v23;
	v23 =	vld [tilespmem:s16+$0x140];
	_ =	sdelay $0x2  }
0x24c: {  	v62 =	vperm.xlane v22, v16;
	_ =	sdelay $0x1  }
0x24d: {  	v23 =	vmul.f32 v23, v62;
	_ =	sdelay $0x1  }
0x24e: {  	[tilespmem:s16+$0x140] =	vst v23;
	v23 =	vld [tilespmem:s16+$0x150];
	_ =	sdelay $0x4  }
0x24f: {  	v23 =	vmul.f32 v23, v62;
	_ =	sdelay $0x1  }
0x250: {  	[tilespmem:s16+$0x150] =	vst v23;
	v23 =	vld [tilespmem:s16+$0x160];
	_ =	sdelay $0x4  }
0x251: {  	v23 =	vmul.f32 v23, v62;
	_ =	sdelay $0x1  }
0x252: {  	[tilespmem:s16+$0x160] =	vst v23;
	v23 =	vld [tilespmem:s16+$0x170];
	_ =	sdelay $0x4  }
0x253: {  	v23 =	vmul.f32 v23, v62;
	_ =	sdelay $0x1  }
0x254: {  	[tilespmem:s16+$0x170] =	vst v23;
	v23 =	vld [tilespmem:s16+$0x180];
	_ =	sdelay $0x2  }
0x255: {  	v63 =	vperm.xlane v22, v17;
	_ =	sdelay $0x1  }
0x256: {  	v23 =	vmul.f32 v23, v63;
	_ =	sdelay $0x1  }
0x257: {  	[tilespmem:s16+$0x180] =	vst v23;
	v23 =	vld [tilespmem:s16+$0x190];
	_ =	sdelay $0x4  }
0x258: {  	v23 =	vmul.f32 v23, v63;
	_ =	sdelay $0x1  }
0x259: {  	[tilespmem:s16+$0x190] =	vst v23;
	v23 =	vld [tilespmem:s16+$0x1A0];
	_ =	sdelay $0x4  }
0x25a: {  	v23 =	vmul.f32 v23, v63;
	_ =	sdelay $0x1  }
0x25b: {  	[tilespmem:s16+$0x1A0] =	vst v23;
	v23 =	vld [tilespmem:s16+$0x1B0];
	_ =	sdelay $0x4  }
0x25c: {  	v23 =	vmul.f32 v23, v63;
	_ =	sdelay $0x1  }
0x25d: {  	[tilespmem:s16+$0x1B0] =	vst v23;
	v23 =	vld [tilespmem:s16+$0x1C0];
	_ =	sdelay $0x2  }
0x25e: {  	v22 =	vperm.xlane v22, v18;
	_ =	sdelay $0x1  }
0x25f: {  	v23 =	vmul.f32 v23, v22;
	_ =	sdelay $0x1  }
0x260: {  	[tilespmem:s16+$0x1C0] =	vst v23;
	v23 =	vld [tilespmem:s16+$0x1D0];
	_ =	sdelay $0x4  }
0x261: {  	v23 =	vmul.f32 v23, v22;
	_ =	sdelay $0x1  }
0x262: {  	[tilespmem:s16+$0x1D0] =	vst v23;
	v23 =	vld [tilespmem:s16+$0x1E0];
	_ =	sdelay $0x4  }
0x263: {  	v23 =	vmul.f32 v23, v22;
	_ =	sdelay $0x1  }
0x264: {  	[tilespmem:s16+$0x1E0] =	vst v23;
	v23 =	vld [tilespmem:s16+$0x1F0];
	_ =	sdelay $0x1  }
0x265: {  	p1 =	sne.s32 s17, $0xC0  }
.Ltmp9:
0x266: {  	_ = 	snop;
	(pc) =	sbr.rel @p1 .LBB2_17-.Ltmp9, $3  }
0x267: {  	_ = 	snop  }
0x268: {  	v22 =	vmul.f32 v23, v22;
	_ =	sdelay $0x1  }
0x269: {  	s17 =	sadd.s32 $0x40, s17;
	[tilespmem:s16+$0x1F0] =	vst v22;
	s16 =	sadd.s32 $0x400, s16  }
0x26a: {  	s15 =	sadd.s32 $0x1, s15  }
0x26b: {  	p1 =	sgt.s32 s13, s15  }
.Ltmp10:
0x26c: {  	_ = 	snop;
	(pc) =	sbr.rel @p1 .LBB2_16-.Ltmp10, $4  }
0x26d: {  	[spmem:s3] =	stream.indirect.scatter.add.f32 [tilespmem:s0], [sflag:$0x2], $0x40, s8, s5, $0xb8;
	[tilespmem:$0x1E360] =	vst v63  }
0x26e: {  	_ =	swait.ge [sflag:s11], $0x1000  }
0x26f: {  	[sflag:s11] =	ssyncset.done $0x0  }
0x270: {  	[sflag:s11] =	ssyncadd.s32 $0xFFFFF000  }
.LBB2_19:
0x271: {  	s12 =	smul.u32 $0x26000, s12  }
0x272: {  	s13 =	simm.s32 $0x344000  }
0x273: {  	s13 =	simm.s32 @!p0 $0x50;
	s12 =	sadd.s32 s12, s24  }
0x274: {  	s14 =	stileid.u32;
	s12 =	sadd.s32 s13, s12  }
0x275: {  	[bflag:$0x0] =	sbarrier.arrive $0xFFFF;
	s14 =	sshll.u32 s14, $0x6;
	s13 =	sadd.s32 $0x0, s12  }
0x276: {  	s16 =	sshrl.u32 s9, $0x3;
	s15 =	sand.u32 $0x1FFFFE00, s13;
	s13 =	sor.u32 $0x1C02, s14  }
0x277: {  	s14 =	simm.s32 $0x200;
	s21 =	sadd.s32 s1, s15;
	s15 =	smov.u32 s9  }
0x278: {  	[hbm:s21], [sflag:s13] =	dma.local [spmem:s16], $0x200  }
.LBB2_20:
0x279: {  	p0 =	sne.s32 s14, $0x2400  }
.Ltmp11:
0x27a: {  	_ =	swait.ge [sflag:s11], $0x200;
	s15 =	sadd.s32 $0x1000, s15;
	(pc) =	sbr.rel @p0 .LBB2_20-.Ltmp11, $4  }
0x27b: {  	s16 =	sadd.s32 s14, s12;
	s17 =	sshrl.u32 s15, $0x3;
	[sflag:s11] =	ssyncset.done $0x0  }
0x27c: {  	s16 =	sand.u32 $0x1FFFFE00, s16;
	[sflag:s11] =	ssyncadd.s32 $0xFFFFFE00  }
0x27d: {  	s14 =	sadd.s32 $0x200, s14;
	s16 =	sadd.s32 s1, s16  }
0x27e: {  	[hbm:s16], [sflag:s13] =	dma.local [spmem:s17], $0x200  }
0x27f: {  	s10 =	sadd.s32 $0x1, s10  }
0x280: {  	p0 =	sne.s32 s10, $0x16  }
.Ltmp12:
0x281: {  	_ =	swait.ge [sflag:s11], $0x200;
	(pc) =	sbr.rel @p0 .LBB2_2-.Ltmp12, $3  }
0x282: {  	[sflag:s11] =	ssyncset.done $0x0  }
0x283: {  	[sflag:s11] =	ssyncadd.s32 $0xFFFFFE00  }
0x284: {  	[bflag:$0x0] =	sbarrier.arrive $0xFFFF;
	_ =	sdelay $0x1  }
0x285: {  	s10 =	rddreg [dreg:$0x4]  }
0x286: {  	s12 =	rddreg [dreg:$0x8];
	s10 =	sadd.s32 $0x1, s10  }
0x287: {  	p0 =	sne.s32 s10, s12  }
.Ltmp13:
0x288: {  	_ = 	snop;
	(pc) =	sbr.rel @p0 .LBB2_1-.Ltmp13, $1  }
0x289: {  	_ =	sdelay $0x3  }
0x28a: {  	_ =	sfence.sel $0x180000  }
0x28b: {  	[bflag:$0x0] =	sbarrier.arrive $0xFFFF  }
0x28c: {  	_ =	strace $0x9000004A  }
0x28d: {  	s0 =	stileid.u32;
	[bflag:$0x2] =	sbarrier.arrive $0xFFFF  }
0x28e: {  	p0 =	sne.s32 s0, $0x0;
	s0 =	rddreg [dreg:$0x3]  }
0x28f: {  	s0 =	sadd.s32 @!p0 $0x100000, s0  }
0x290: {  	[sflag:s0] =	ssyncadd.tile.s32 @!p0 $0x1;
	_ =	shalt  }
.Lfunc_end2:
_tile_overlayer_lowered:
.L_overlay_start_2:
0x291: {  	(tag) =	ssettag $0x2  }
0x292: {  	s0 =	rddreg [dreg:$0x0];
	s2 =	stileid.u32  }
0x293: {  	s1 =	rddreg [dreg:$0x1];
	p0 =	sne.s32 s2, $0x0  }
0x294: {  	s3 =	rddreg [dreg:$0x2];
	[bflag:$0x3] =	sbarrier.arrive $0xFFFF;
	s2 =	simm.s32 @!p0 $0x1C02  }
0x295: {  	[timem:s3], [sflag:s2] =	dma.local @!p0 [hbm:s0], s1  }
0x296: {  	s0 =	simm.s32 @!p0 $0x2  }
0x297: {  	_ =	swait.ge @!p0 [sflag:s0], s1  }
0x298: {  	s1 =	ssub.s32 @!p0 $0x0, s1;
	[sflag:s0] =	ssyncset.done @!p0 $0x0  }
0x299: {  	[sflag:s0] =	ssyncadd.s32 @!p0 s1  }
0x29a: {  	[bflag:$0x3] =	sbarrier.arrive $0xFFFF  }
0x29b: {  	_ =	shalt  }

// kernel: sparse-core-data-format-call.1.cloned.1.call-start
scs
called_computation.1_lowered:
.L_overlay_start_0:
0x0: {  	s2 =	sld [smem:$0x3FD9]  }
0x1: {  	s3 =	sld [smem:$0x3FFE];
	_ =	sdelay $0x1  }
0x2: {  	s1 =	srdreg.scid  }
0x3: {  	s0 =	sand.u32 $0x1, s1  }
0x4: {  	s19 =	sshll.u32 s0, $0xA;
	s2 =	sadd.s32 s3, s2  }
0x5: {  	s2 =	sadd.s32 s2, s19  }
0x6: {  	[smem:$0x3FC5] =	sst s2  }
0x7: {  	_ = 	snop  }
0x8: {  	s2 =	sld [smem:$0x3FC9]  }
0x9: {  	s20 =	sld [smem:$0x3FD0];
	(tm) =	ssettm $0x1  }
0xa: {  	s4 =	sld [smem:$0x3FFB];
	_ =	sdelay $0x3  }
0xb: {  	_ =	strace s4  }
0xc: {  	s4 =	sld [smem:$0x3FFC];
	_ =	sdelay $0x3  }
0xd: {  	_ =	strace s4  }
0xe: {  	s4 =	sld [smem:$0x3FFD];
	_ =	sdelay $0x3  }
0xf: {  	_ =	strace s4  }
0x10: {  	_ =	strace $0x8FFFFFFF  }
0x11: {  	s21 =	sld [smem:$0x3FDB];
	_ =	sdelay $0x1  }
0x12: {  	s5 =	simm.s32 $_scs_section_size  }
0x13: {  	s6 =	simm.s32 $_size__tile_overlayer_lowered;
	s7 =	simm.s32 $_tile_overlayer_lowered  }
0x14: {  	s24 =	simm.s32 $0x1BFF;
	s23 =	sshll.u32 s7, $0x1;
	s4 =	sadd.s32 s5, s21  }
0x15: {  	s8 =	simm.s32 $0x0;
	s22 =	sshll.u32 s6, $0x1;
	s6 =	sadd.s32 s23, s4  }
0x16: {  	[timem:s8], [sflag:s24] =	dma.local [hbm:s6], s22  }
0x17: {  	_ =	swait.ge [sflag:s24], s22  }
0x18: {  	s5 =	ssub.s32 $0x0, s22;
	[sflag:s24] =	ssyncset.done $0x0  }
0x19: {  	[sflag:s24] =	ssyncadd.s32 s5;
	_ =	sdelay $0x1  }
0x1a: {  	s25 =	simm.s32 $0x1B8B  }
0x1b: {  	_ =	swait.ge [sflag:s25], $0x1  }
0x1c: {  	[sflag:s25] =	ssyncset.done $0x0  }
0x1d: {  	s26 =	simm.s32 $0x1B8E;
	[sflag:s25] =	ssyncadd.s32 $0xFFFFFFFF  }
0x1e: {  	s27 =	simm.s32 $execute0_lowered;
	[smem:$0x3FD2] =	sst s26  }
0x1f: {  	s5 =	sshll.u32 s27, $0x1;
	_ =	strace $0x80000046;
	[dreg:$0x1] =	wrdreg $0xFFFFFFFF  }
0x20: {  	s28 =	simm.s32 $_size_execute0_lowered;
	s4 =	sadd.s32 s4, s5;
	[dreg:$0x0] =	wrdreg $0x0  }
0x21: {  	s5 =	sshll.u32 s28, $0x1;
	[dreg:$0x2] =	wrdreg s4  }
0x22: {  	[dreg:$0x3] =	wrdreg s5  }
0x23: {  	[dreg:$0x4] =	wrdreg $0xC0  }
0x24: {  	_ =	task [dreg:s8], $0x5FFFF  }
0x25: {  	[dreg:$0x1] =	wrdreg $0xFFFFFFFF  }
0x26: {  	[dreg:$0x0] =	wrdreg $0x60  }
0x27: {  	[dreg:$0x2] =	wrdreg s2  }
0x28: {  	[dreg:$0x3] =	wrdreg s20  }
0x29: {  	[dreg:$0x4] =	wrdreg $0x9  }
0x2a: {  	_ =	task.clear_ibuf [dreg:s8], $0x5FFFF;
	_ =	strace $0x90000046  }
0x2b: {  	s29 =	simm.s32 $0x9;
	_ =	strace $0x80000048  }
0x2c: {  	_ =	swait.ge [sflag:s29], $0x1  }
0x2d: {  	[sflag:s29] =	ssyncadd.s32 $0xFFFFFFFF  }
0x2e: {  	_ =	strace $0x90000048  }
0x2f: {  	_ =	sfence  }
0x30: {  	s30 =	sld [smem:$0x0];
	_ =	sdelay $0x2  }
0x31: {  	s31 =	sshll.u32 s1, $0xD;
	s1 =	sshrl.u32 s1, $0x2  }
0x32: {  	s3 =	sand.u32 $0x4000, s31;
	s1 =	sadd.s32 s1, s30  }
0x33: {  	s0 =	sor.u32 s3, s0;
	s1 =	sshll.u32 s1, $0x11  }
0x34: {  	s0 =	sor.u32 s1, s0  }
0x35: {  	s0 =	sadd.s32 $0x8F2B, s0  }
0x36: {  	[sflag:s0] =	ssyncadd.remote.s32 $0x1  }
0x37: {  	_ =	sfence.sel $0xFFFF  }
0x38: {  	[dreg:$0x0] =	wrdreg $0xFFFFFFFF;
	(pc) =	sbr.abs _section_cstart, $3  }
0x39: {  	[dreg:$0x1] =	wrdreg $0xFFFFFFFF  }
0x3a: {  	_ =	task.clear_ibuf [dreg:s8], $0x2FFFF;
	_ =	strace $0x9FFFFFFF  }
0x3b: {  	(tm) =	ssettm $0x7FFFFFFF  }
tec
execute0_lowered:
.L_overlay_start_1:
0x0: {  	(tag) =	ssettag $0x1  }
0x1: {  	s0 =	stileid.u32;
	s1 =	srdreg.scid  }
0x2: {  	s5 =	rddreg [dreg:$0x1];
	s31 =	simm.s32 $0x2;
	s16 =	simm.s32 $0x0  }
0x3: {  	s14 =	simm.s32 $0x0;
	s2 =	sshll.u32 s0, $0x7;
	s1 =	sshll.u32 s1, $0xB  }
0x4: {  	s15 =	simm.s32 $0x0;
	s3 =	sand.u32 $0x1, s0;
	s1 =	sor.u32 s2, s1  }
0x5: {  	s11 =	simm.s32 $0x0;
	s6 =	ssub.s32 $0x2, s3;
	s1 =	sand.u32 $0xF00, s1  }
0x6: {  	s8 =	sshrl.u32 s6, $0x1;
	s6 =	sand.u32 $0x1, s6;
	s4 =	ssub.s32 $0x10000, s1  }
0x7: {  	s2 =	rddreg [dreg:$0x0];
	s8 =	sadd.s32 s6, s8;
	s7 =	sand.u32 $0xF00, s4  }
0x8: {  	s6 =	simm.s32 $0x1;
	p0 =	sne.s32 s7, $0x0;
	s7 =	simm.s32 $0x1  }
.Ltmp0:
0x9: {  	s9 =	sshrl.u32 s4, $0xC;
	s7 =	simm.s32 @!p0 $0x0;
	(pc) =	sbr.rel .LBB1_1-.Ltmp0, $4  }
0xa: {  	s4 =	rddreg [dreg:$0x2];
	_ =	strace $0x80000047;
	s7 =	sadd.s32 s7, s9  }
0xb: {  	s13 =	simm.s32 $0x0;
	[sflag:s6] =	ssyncpa.u1 $0x0;
	s7 =	smul.u32 s8, s7  }
0xc: {  	s12 =	smov.u32 s3;
	s10 =	smov.u32 s1;
	[sflag:s31] =	ssyncpa.u1 $0x0  }
0xd: {  	p0 =	por $0x0, $0x0;
	s9 =	simm.s32 $0x80;
	s8 =	sadd.s32 $0x1, s7  }
.LBB1_4:
0xe: {  	_ = 	snop  }
0xf: {  	[tilespmem:s21+$0x1860 ss:$0x41] =	vst.msk $0xffff, v8  }
0x10: {  	[tilespmem:s21+$0x1C70 ss:$0x41] =	vst.msk $0xffff, v7  }
0x11: {  	[tilespmem:s21+$0x2490 ss:$0x41] =	vst.msk $0xffff, v1  }
0x12: {  	s24 =	sor.u32 s27, s26;
	v47 =	vld.idx.msk [tilespmem:v0+s19+$0x470 ss:$0x1], $0xffff;
	[tilespmem:s21+$0x28A0 ss:$0x41] =	vst.msk $0xffff, v2  }
0x13: {  	[tilespmem:s21+$0x2CB0 ss:$0x41] =	vst.msk $0xffff, v3;
	v57 =	vld.idx.msk [tilespmem:v0+s24+$0x410 ss:$0x1], $0xffff  }
0x14: {  	[tilespmem:s21+$0x30C0 ss:$0x41] =	vst.msk $0xffff, v4;
	v58 =	vld.idx.msk [tilespmem:v0+s24+$0x420 ss:$0x1], $0xffff  }
0x15: {  	[tilespmem:s21+$0x34D0 ss:$0x41] =	vst.msk $0xffff, v5;
	v59 =	vld.idx.msk [tilespmem:v0+s24+$0x430 ss:$0x1], $0xffff  }
0x16: {  	s27 =	sshra.s32 s22, $0x2;
	[tilespmem:s21+$0x38E0 ss:$0x41] =	vst.msk $0xffff, v6;
	v60 =	vld.idx.msk [tilespmem:v0+s24+$0x440 ss:$0x1], $0xffff  }
0x17: {  	s25 =	sand.u32 $0x3B00, s24;
	s19 =	sadd.s32 s27, s20;
	v61 =	vld.idx.msk [tilespmem:v0+s24+$0x450 ss:$0x1], $0xffff;
	[tilespmem:s21+$0x3CF0 ss:$0x41] =	vst.msk $0xffff, v47  }
0x18: {  	s23 =	sand.u32 $0x80, s23;
	v62 =	vld.idx.msk [tilespmem:v0+s24+$0x460 ss:$0x1], $0xffff;
	s18 =	sadd.s32 s25, s18;
	[tilespmem:s19+$0x2490 ss:$0x41] =	vst.msk $0xffff, v57  }
0x19: {  	v63 =	vld.idx.msk [tilespmem:v0+s24+$0x470 ss:$0x1], $0xffff;
	s18 =	sadd.s32 s23, s18;
	[tilespmem:s19+$0x28A0 ss:$0x41] =	vst.msk $0xffff, v58  }
0x1a: {  	v48 =	vld [tilespmem:s18+$0x400];
	[tilespmem:s19+$0x2CB0 ss:$0x41] =	vst.msk $0xffff, v59  }
0x1b: {  	v49 =	vld [tilespmem:s18+$0x0];
	[tilespmem:s19+$0x30C0 ss:$0x41] =	vst.msk $0xffff, v60  }
0x1c: {  	v50 =	vld [tilespmem:s18+$0x10];
	[tilespmem:s19+$0x34D0 ss:$0x41] =	vst.msk $0xffff, v61  }
0x1d: {  	v51 =	vld [tilespmem:s18+$0x20];
	[tilespmem:s19+$0x38E0 ss:$0x41] =	vst.msk $0xffff, v62  }
0x1e: {  	v52 =	vld [tilespmem:s18+$0x30];
	[tilespmem:s19+$0x3CF0 ss:$0x41] =	vst.msk $0xffff, v63  }
0x1f: {  	v53 =	vld [tilespmem:s18+$0x40];
	[tilespmem:s19+$0x2080 ss:$0x41] =	vst.msk $0xffff, v48  }
0x20: {  	v54 =	vld [tilespmem:s18+$0x50];
	[tilespmem:s19+$0x0 ss:$0x41] =	vst.msk $0xffff, v49  }
0x21: {  	s16 =	sshll.u32 s16, $0x7;
	s28 =	sshll.u32 s14, $0x3;
	v55 =	vld [tilespmem:s18+$0x60];
	[tilespmem:s19+$0x410 ss:$0x41] =	vst.msk $0xffff, v50  }
0x22: {  	s29 =	sand.u32 $0x7FFC00, s16;
	v56 =	vld [tilespmem:s18+$0x70];
	s18 =	sand.u32 $0x7FFC00, s28;
	[tilespmem:s19+$0x820 ss:$0x41] =	vst.msk $0xffff, v51  }
0x23: {  	s15 =	sshll.u32 s15, $0x14;
	s16 =	sand.u32 $0x380, s16;
	s18 =	sadd.s32 s18, s29;
	[tilespmem:s19+$0xC30 ss:$0x41] =	vst.msk $0xffff, v52  }
0x24: {  	s30 =	sshrl.u32 s14, $0x3;
	s31 =	sand.u32 $0x7, s14;
	s16 =	sor.u32 s16, s18;
	[tilespmem:s19+$0x1040 ss:$0x41] =	vst.msk $0xffff, v53  }
0x25: {  	s15 =	sadd.s32 s5, s15;
	s18 =	sand.u32 $0xF, s30;
	s16 =	sshrl.u32 s16, $0x3;
	[tilespmem:s19+$0x1450 ss:$0x41] =	vst.msk $0xffff, v54  }
0x26: {  	s14 =	sshll.u32 s31, $0x12;
	s15 =	sadd.s32 s18, s15;
	s16 =	sand.u32 $0xFFFF0, s16;
	[tilespmem:s19+$0x1860 ss:$0x41] =	vst.msk $0xffff, v55  }
0x27: {  	s14 =	sor.u32 $0x40, s14;
	[tilespmem:s19+$0x1C70 ss:$0x41] =	vst.msk $0xffff, v56;
	s15 =	sadd.s32 s16, s15  }
0x28: {  	[hbm4b:s15+s14] =	stream.strided.scatter [tilespmem:s17], [sflag:$0x2], $0x4000, s9, s14, $0x18;
	[tilespmem:$0x10200] =	vst v63  }
.LBB1_5:
0x29: {  	s17 =	sadd.s32 $0x1000, s10  }
0x2a: {  	s14 =	sadd.s32 $0x40, s11;
	s18 =	smov.u32 s11;
	p2 =	sgt.s32 s17, $0xFFFF  }
0x2b: {  	s18 =	smov.u32 @p2 s14  }
0x2c: {  	s20 =	smov.u32 s12;
	s14 =	sadd.s32 $0x2, s12;
	p3 =	sgt.s32 s18, $0x3F  }
0x2d: {  	s20 =	smov.u32 @p3 s14  }
0x2e: {  	s17 =	smov.u32 @p2 s1;
	p2 =	sgt.s32 s20, $0x1  }
0x2f: {  	p1 =	slt.u32 s13, $0x2;
	s20 =	smov.u32 @p2 s3;
	p2 =	sne.s32 s13, s8  }
.Ltmp1:
0x30: {  	s19 =	simm.s32 @!p1 $0x2;
	(pc) =	sbr.rel @!p2 .LBB1_6-.Ltmp1, $4  }
0x31: {  	s16 =	smov.u32 s10;
	s15 =	smov.u32 s12;
	_ =	swait.ge @!p1 [sflag:s19], $0x4000  }
0x32: {  	p0 =	por !p0, !p0;
	[sflag:s19] =	ssyncset.done @!p1 $0x0;
	s10 =	smov.u32 s17  }
0x33: {  	s18 =	simm.s32 @p3 $0x0;
	s14 =	smov.u32 s11;
	[sflag:s19] =	ssyncadd.s32 @!p1 $0xFFFFC000  }
0x34: {  	s11 =	smov.u32 s18;
	s13 =	sadd.s32 $0x1, s13;
	s12 =	smov.u32 s20  }
.LBB1_1:
0x35: {  	p1 =	sge.u32 s13, s7;
	s31 =	sadd.s32 $0xFFFFFFFF, s13  }
0x36: {  	s17 =	sxor.u32 @!p1 $0xFFFFFFFF, s13;
	s18 =	sand.u32 @!p1 $0x78, s10;
	s19 =	sshll.u32 @!p1 s11, $0x10  }
0x37: {  	s20 =	sshll.u32 @!p1 s11, $0x7;
	s21 =	sshll.u32 @!p1 s10, $0x3;
	s17 =	sshll.u32 @!p1 s17, $0xE  }
0x38: {  	s19 =	sand.u32 @!p1 $0x380000, s19;
	s20 =	sand.u32 @!p1 $0x380, s20;
	s17 =	sand.u32 @!p1 $0x4000, s17  }
0x39: {  	s19 =	sadd.s32 @!p1 s19, s21;
	s21 =	sand.u32 @!p1 $0xFC00, s21;
	s18 =	sor.u32 @!p1 s20, s18  }
0x3a: {  	s20 =	sshll.u32 @!p1 s12, $0x13;
	s18 =	sor.u32 @!p1 s21, s18;
	s19 =	sshrl.u32 @!p1 s19, $0x3  }
0x3b: {  	s20 =	sadd.s32 @!p1 s2, s20;
	s21 =	sand.u32 @!p1 $0x7, s10;
	s19 =	sand.u32 @!p1 $0x7E000, s19  }
0x3c: {  	s18 =	sshrl.u32 @!p1 s18, $0x3;
	s19 =	sadd.s32 @!p1 s19, s20;
	s20 =	sshll.u32 @!p1 s21, $0x12  }
0x3d: {  	s18 =	sadd.s32 @!p1 s18, s19;
	s19 =	sor.u32 @!p1 $0x800, s20;
	s20 =	simm.s32 @!p1 $0x80000  }
0x3e: {  	[tilespmem:s17], [sflag:$0x1] =	stream.strided.gather @!p1 [hbm4b:s18+s19], $0x4000, s20, s19, $0x38;
	[tilespmem:$0x10200] =	vst v63  }
0x3f: {  	p1 =	sge.u32 s31, s7  }
.Ltmp2:
0x40: {  	_ = 	snop;
	(pc) =	sbr.rel @p1 .LBB1_5-.Ltmp2, $1  }
0x41: {  	_ =	sdelay $0x3  }
0x42: {  	s20 =	simm.s32 $0x0  }
0x43: {  	s19 =	sand.u32 $0x3800, s20;
	s21 =	sand.u32 $0x380, s20  }
0x44: {  	s17 =	sand.u32 $0x1, s13;
	s19 =	sor.u32 s21, s19  }
0x45: {  	_ =	swait.ge [sflag:s6], $0x4000;
	s18 =	sshll.u32 s17, $0xE;
	s21 =	sand.u32 $0x3B00, s19  }
0x46: {  	[sflag:s6] =	ssyncset.done $0x0;
	s20 =	sand.u32 $0x80, s20;
	s21 =	sadd.s32 s21, s18  }
0x47: {  	[sflag:s6] =	ssyncadd.s32 $0xFFFFC000;
	s23 =	sadd.s32 s20, s21  }
0x48: {  	v4 =	vld [tilespmem:s23+$0x400]  }
0x49: {  	s22 =	simm.s32 $0x1;
	v5 =	vld [tilespmem:s23+$0x0]  }
0x4a: {  	s22 =	simm.s32 @!p0 $0x0;
	v6 =	vld [tilespmem:s23+$0x10]  }
0x4b: {  	v0 =	vmov s18;
	s31 =	smul.u32 $0x10400, s22;
	v7 =	vld [tilespmem:s23+$0x20]  }
0x4c: {  	v9 =	vld [tilespmem:s23+$0x30]  }
0x4d: {  	s20 =	sshrl.u32 s31, $0x2;
	v10 =	vld [tilespmem:s23+$0x40]  }
0x4e: {  	s20 =	sor.u32 $0x8000, s20;
	v11 =	vld [tilespmem:s23+$0x50]  }
0x4f: {  	v8 =	vld [tilespmem:s23+$0x60];
	s21 =	sadd.s32 $0x0, s20  }
0x50: {  	v1 =	vld.idx.msk [tilespmem:v0+s19+$0x410 ss:$0x1], $0xffff;
	[tilespmem:s21+$0x2080 ss:$0x41] =	vst.msk $0xffff, v4  }
0x51: {  	v2 =	vld.idx.msk [tilespmem:v0+s19+$0x420 ss:$0x1], $0xffff;
	[tilespmem:s21+$0x0 ss:$0x41] =	vst.msk $0xffff, v5  }
0x52: {  	v3 =	vld.idx.msk [tilespmem:v0+s19+$0x430 ss:$0x1], $0xffff;
	[tilespmem:s21+$0x410 ss:$0x41] =	vst.msk $0xffff, v6  }
0x53: {  	s17 =	smul.u32 $0x10400, s17;
	[tilespmem:s21+$0x820 ss:$0x41] =	vst.msk $0xffff, v7;
	v7 =	vld [tilespmem:s23+$0x70]  }
0x54: {  	s24 =	simm.s32 $0x100;
	s25 =	simm.s32 $0x8;
	[tilespmem:s21+$0xC30 ss:$0x41] =	vst.msk $0xffff, v9;
	v4 =	vld.idx.msk [tilespmem:v0+s19+$0x440 ss:$0x1], $0xffff  }
0x55: {  	s26 =	sand.u32 $0x3800, s24;
	s17 =	sshrl.u32 s17, $0x2;
	[tilespmem:s21+$0x1040 ss:$0x41] =	vst.msk $0xffff, v10;
	v5 =	vld.idx.msk [tilespmem:v0+s19+$0x450 ss:$0x1], $0xffff;
	s23 =	simm.s32 $0x80  }
0x56: {  	s22 =	simm.s32 $0x4;
	s17 =	sor.u32 $0x8000, s17;
	[tilespmem:s21+$0x1450 ss:$0x41] =	vst.msk $0xffff, v11;
	v6 =	vld.idx.msk [tilespmem:v0+s19+$0x460 ss:$0x1], $0xffff;
	s27 =	sand.u32 $0x380, s23  }
.LBB1_3:
0x57: {  	p1 =	sne.s32 s25, $0xFC;
	[tilespmem:s21+$0x1860 ss:$0x41] =	vst.msk $0xffff, v8;
	v8 =	vld.idx.msk [tilespmem:v0+s19+$0x470 ss:$0x1], $0xffff;
	s19 =	sor.u32 s27, s26  }
0x58: {  	s26 =	sand.u32 $0x3B00, s19;
	v9 =	vld.idx.msk [tilespmem:v0+s19+$0x410 ss:$0x1], $0xffff;
	[tilespmem:s21+$0x1C70 ss:$0x41] =	vst.msk $0xffff, v7  }
0x59: {  	s27 =	sand.u32 $0x80, s23;
	s26 =	sadd.s32 s26, s18;
	v7 =	vld.idx.msk [tilespmem:v0+s19+$0x420 ss:$0x1], $0xffff;
	[tilespmem:s21+$0x2490 ss:$0x41] =	vst.msk $0xffff, v1  }
0x5a: {  	s26 =	sadd.s32 s27, s26;
	v10 =	vld.idx.msk [tilespmem:v0+s19+$0x430 ss:$0x1], $0xffff;
	[tilespmem:s21+$0x28A0 ss:$0x41] =	vst.msk $0xffff, v2  }
0x5b: {  	v11 =	vld [tilespmem:s26+$0x400];
	[tilespmem:s21+$0x2CB0 ss:$0x41] =	vst.msk $0xffff, v3  }
0x5c: {  	v12 =	vld [tilespmem:s26+$0x0];
	[tilespmem:s21+$0x30C0 ss:$0x41] =	vst.msk $0xffff, v4  }
0x5d: {  	v4 =	vld [tilespmem:s26+$0x10];
	[tilespmem:s21+$0x34D0 ss:$0x41] =	vst.msk $0xffff, v5  }
0x5e: {  	s27 =	sshra.s32 s22, $0x2;
	s22 =	smov.u32 s25;
	v1 =	vmov v9;
	v5 =	vld [tilespmem:s26+$0x20];
	[tilespmem:s21+$0x38E0 ss:$0x41] =	vst.msk $0xffff, v6  }
0x5f: {  	v2 =	vmov v7;
	v6 =	vld [tilespmem:s26+$0x30];
	[tilespmem:s21+$0x3CF0 ss:$0x41] =	vst.msk $0xffff, v8;
	s21 =	sadd.s32 s27, s20  }
0x60: {  	v3 =	vmov v10;
	v9 =	vld [tilespmem:s26+$0x40];
	[tilespmem:s21+$0x2080 ss:$0x41] =	vst.msk $0xffff, v11  }
0x61: {  	[tilespmem:s21+$0x0 ss:$0x41] =	vst.msk $0xffff, v12;
	v10 =	vld [tilespmem:s26+$0x50]  }
.Ltmp3:
0x62: {  	[tilespmem:s21+$0x410 ss:$0x41] =	vst.msk $0xffff, v4;
	v8 =	vld [tilespmem:s26+$0x60];
	(pc) =	sbr.rel @p1 .LBB1_3-.Ltmp3, $4  }
0x63: {  	[tilespmem:s21+$0x820 ss:$0x41] =	vst.msk $0xffff, v5;
	v7 =	vld [tilespmem:s26+$0x70]  }
0x64: {  	[tilespmem:s21+$0xC30 ss:$0x41] =	vst.msk $0xffff, v6;
	v4 =	vld.idx.msk [tilespmem:v0+s19+$0x440 ss:$0x1], $0xffff  }
0x65: {  	s23 =	sadd.s32 $0x80, s23;
	s24 =	sadd.s32 $0x100, s24;
	[tilespmem:s21+$0x1040 ss:$0x41] =	vst.msk $0xffff, v9;
	v5 =	vld.idx.msk [tilespmem:v0+s19+$0x450 ss:$0x1], $0xffff  }
0x66: {  	s25 =	sadd.s32 $0x4, s25;
	s27 =	sand.u32 $0x380, s23;
	s26 =	sand.u32 $0x3800, s24;
	[tilespmem:s21+$0x1450 ss:$0x41] =	vst.msk $0xffff, v10;
	v6 =	vld.idx.msk [tilespmem:v0+s19+$0x460 ss:$0x1], $0xffff  }
.Ltmp4:
0x67: {  	_ = 	snop;
	(pc) =	sbr.rel .LBB1_4-.Ltmp4, $1  }
0x68: {  	_ =	sdelay $0x3  }
.LBB1_6:
0x69: {  	_ =	sfence.sel $0x180000  }
0x6a: {  	s1 =	simm.s32 $0x1;
	[bflag:$0x0] =	sbarrier.arrive $0xFFFF  }
0x6b: {  	s31 =	simm.s32 $0x2;
	[sflag:s1] =	ssyncpa.u1 $0x1  }
0x6c: {  	[sflag:s31] =	ssyncpa.u1 $0x1  }
0x6d: {  	p0 =	sne.s32 s0, $0x0;
	_ =	strace $0x90000047  }
0x6e: {  	s0 =	sadd.s32 @!p0 $0x100000, s4;
	[bflag:$0x2] =	sbarrier.arrive $0xFFFF  }
0x6f: {  	[sflag:s0] =	ssyncadd.tile.s32 @!p0 $0x1;
	_ =	shalt  }
.Lfunc_end1:
_tile_overlayer_lowered:
.L_overlay_start_2:
0x70: {  	(tag) =	ssettag $0x2  }
0x71: {  	s0 =	rddreg [dreg:$0x0];
	s2 =	stileid.u32  }
0x72: {  	s1 =	rddreg [dreg:$0x1];
	p0 =	sne.s32 s2, $0x0  }
0x73: {  	s3 =	rddreg [dreg:$0x2];
	[bflag:$0x3] =	sbarrier.arrive $0xFFFF;
	s2 =	simm.s32 @!p0 $0x1C01  }
0x74: {  	[timem:s3], [sflag:s2] =	dma.local @!p0 [hbm:s0], s1  }
0x75: {  	s0 =	simm.s32 @!p0 $0x1  }
0x76: {  	_ =	swait.ge @!p0 [sflag:s0], s1  }
0x77: {  	s1 =	ssub.s32 @!p0 $0x0, s1;
	[sflag:s0] =	ssyncset.done @!p0 $0x0  }
0x78: {  	[sflag:s0] =	ssyncadd.s32 @!p0 s1  }
0x79: {  	[bflag:$0x3] =	sbarrier.arrive $0xFFFF  }
0x7a: {  	_ =	shalt  }

// kernel: sparse-core-data-format-call.cloned.1.call-start
scs
called_computation_lowered:
.L_overlay_start_0:
0x0: {  	s2 =	sld [smem:$0x3FD9]  }
0x1: {  	s3 =	sld [smem:$0x3FFE];
	_ =	sdelay $0x1  }
0x2: {  	s1 =	srdreg.scid  }
0x3: {  	s0 =	sand.u32 $0x1, s1  }
0x4: {  	s18 =	sshll.u32 s0, $0xA;
	s2 =	sadd.s32 s3, s2  }
0x5: {  	s2 =	sadd.s32 s2, s18  }
0x6: {  	[smem:$0x3FC5] =	sst s2  }
0x7: {  	_ = 	snop  }
0x8: {  	s2 =	sld [smem:$0x3FD0];
	(tm) =	ssettm $0x1  }
0x9: {  	s19 =	sld [smem:$0x3FFB];
	_ =	sdelay $0x3  }
0xa: {  	_ =	strace s19  }
0xb: {  	s3 =	sld [smem:$0x3FFC];
	_ =	sdelay $0x3  }
0xc: {  	_ =	strace s3  }
0xd: {  	s3 =	sld [smem:$0x3FFD];
	_ =	sdelay $0x3  }
0xe: {  	_ =	strace s3  }
0xf: {  	_ =	strace $0x8FFFFFFF  }
0x10: {  	s20 =	sld [smem:$0x3FDB];
	_ =	sdelay $0x1  }
0x11: {  	s4 =	simm.s32 $_scs_section_size  }
0x12: {  	s5 =	simm.s32 $_size__tile_overlayer_lowered;
	s6 =	simm.s32 $_tile_overlayer_lowered  }
0x13: {  	s23 =	simm.s32 $0x1BFF;
	s22 =	sshll.u32 s6, $0x1;
	s3 =	sadd.s32 s4, s20  }
0x14: {  	s7 =	simm.s32 $0x0;
	s21 =	sshll.u32 s5, $0x1;
	s5 =	sadd.s32 s22, s3  }
0x15: {  	[timem:s7], [sflag:s23] =	dma.local [hbm:s5], s21  }
0x16: {  	_ =	swait.ge [sflag:s23], s21  }
0x17: {  	s4 =	ssub.s32 $0x0, s21;
	[sflag:s23] =	ssyncset.done $0x0  }
0x18: {  	[sflag:s23] =	ssyncadd.s32 s4;
	_ =	sdelay $0x1  }
0x19: {  	s24 =	simm.s32 $0x1B8B  }
0x1a: {  	_ =	swait.ge [sflag:s24], $0x1  }
0x1b: {  	[sflag:s24] =	ssyncset.done $0x0  }
0x1c: {  	s26 =	simm.s32 $0x1B8E;
	s25 =	sld [smem:$0x3FFE];
	[sflag:s24] =	ssyncadd.s32 $0xFFFFFFFF  }
0x1d: {  	s27 =	simm.s32 $execute0_lowered;
	[smem:$0x3FD2] =	sst s26  }
0x1e: {  	s5 =	sshll.u32 s27, $0x1;
	_ =	strace $0x8000004C;
	[dreg:$0x1] =	wrdreg $0xFFFFFFFF  }
0x1f: {  	s28 =	simm.s32 $_size_execute0_lowered;
	s3 =	sadd.s32 s3, s5;
	[dreg:$0x0] =	wrdreg $0x0  }
0x20: {  	s5 =	sshll.u32 s28, $0x1;
	[dreg:$0x2] =	wrdreg s3  }
0x21: {  	[dreg:$0x3] =	wrdreg s5  }
0x22: {  	[dreg:$0x4] =	wrdreg $0xC0  }
0x23: {  	_ =	task [dreg:s7], $0x5FFFF  }
0x24: {  	[dreg:$0x1] =	wrdreg $0xFFFFFFFF  }
0x25: {  	[dreg:$0x0] =	wrdreg $0x60  }
0x26: {  	[dreg:$0x2] =	wrdreg s25  }
0x27: {  	[dreg:$0x3] =	wrdreg s2  }
0x28: {  	[dreg:$0x4] =	wrdreg $0x9  }
0x29: {  	_ =	task.clear_ibuf [dreg:s7], $0x5FFFF;
	_ =	strace $0x9000004C  }
0x2a: {  	s29 =	simm.s32 $0x9;
	_ =	strace $0x8000004E  }
0x2b: {  	_ =	swait.ge [sflag:s29], $0x1  }
0x2c: {  	[sflag:s29] =	ssyncadd.s32 $0xFFFFFFFF  }
0x2d: {  	_ =	strace $0x9000004E  }
0x2e: {  	_ =	sfence  }
0x2f: {  	s30 =	sld [smem:$0x0];
	_ =	sdelay $0x2  }
0x30: {  	s31 =	sshll.u32 s1, $0xD;
	s1 =	sshrl.u32 s1, $0x2  }
0x31: {  	s3 =	sand.u32 $0x4000, s31;
	s1 =	sadd.s32 s1, s30  }
0x32: {  	s0 =	sor.u32 s3, s0;
	s1 =	sshll.u32 s1, $0x11  }
0x33: {  	s0 =	sor.u32 s1, s0  }
0x34: {  	s0 =	sadd.s32 $0x8F2B, s0  }
0x35: {  	[sflag:s0] =	ssyncadd.remote.s32 $0x1  }
0x36: {  	_ =	sfence.sel $0xFFFF  }
0x37: {  	[dreg:$0x0] =	wrdreg $0xFFFFFFFF;
	(pc) =	sbr.abs _section_cstart, $3  }
0x38: {  	[dreg:$0x1] =	wrdreg $0xFFFFFFFF  }
0x39: {  	_ =	task.clear_ibuf [dreg:s7], $0x2FFFF;
	_ =	strace $0x9FFFFFFF  }
0x3a: {  	(tm) =	ssettm $0x7FFFFFFF  }
0x3b: {  	_ =	shalt  }
tec
execute0_lowered:
.L_overlay_start_1:
0x0: {  	(tag) =	ssettag $0x1  }
0x1: {  	s4 =	rddreg [dreg:$0x0]  }
0x2: {  	s2 =	rddreg [dreg:$0x1]  }
0x3: {  	s1 =	stileid.u32;
	s0 =	rddreg [dreg:$0x2];
	_ =	strace $0x8000004D  }
0x4: {  	s5 =	srdreg.scid;
	s8 =	simm.s32 $0x2;
	s15 =	simm.s32 $0x0  }
0x5: {  	p0 =	por $0x0, $0x0;
	s9 =	simm.s32 $0x6E000;
	s16 =	simm.s32 $0x0  }
0x6: {  	s14 =	simm.s32 $0x0;
	s10 =	simm.s32 $0x0;
	s3 =	sand.u32 $0x1, s1  }
0x7: {  	s13 =	simm.s32 $0x0;
	s5 =	sshll.u32 s5, $0x4;
	s6 =	ssub.s32 $0x2, s3  }
.Ltmp0:
0x8: {  	s7 =	sshrl.u32 s6, $0x1;
	s6 =	sand.u32 $0x1, s6;
	(pc) =	sbr.rel .LBB1_1-.Ltmp0, $4  }
0x9: {  	s4 =	sadd.s32 $0x1600, s4;
	s5 =	sand.u32 $0x10, s5;
	s6 =	sadd.s32 s6, s7  }
0xa: {  	s31 =	sor.u32 s1, s5;
	s5 =	simm.s32 $0x1;
	s6 =	smul.u32 $0xDC, s6  }
0xb: {  	s12 =	smov.u32 s3;
	s7 =	sshrl.u32 s31, $0x1;
	[sflag:s5] =	ssyncpa.u1 $0x0  }
0xc: {  	[sflag:s8] =	ssyncpa.u1 $0x0;
	s11 =	smov.u32 s7;
	s8 =	sor.u32 $0x1, s6  }
.LBB1_4:
0xd: {  	s19 =	sshrl.u32 s16, $0x3  }
0xe: {  	s20 =	sshll.u32 s15, $0x3;
	s19 =	smul.u32 $0x2800, s19  }
0xf: {  	s25 =	sshll.u32 s16, $0x7;
	s20 =	sand.u32 $0xFFFFFC00, s20  }
0x10: {  	s16 =	sand.u32 $0x380, s25;
	s19 =	sadd.s32 s19, s20  }
0x11: {  	s16 =	sor.u32 s16, s19  }
0x12: {  	s26 =	sand.u32 $0x7F, s15;
	s19 =	smulhi.u32 $0xCCCCCCCD, s16  }
0x13: {  	s15 =	sor.u32 s26, s16  }
0x14: {  	s16 =	smulhi.u32 $0xCCCCCCCD, s15;
	s19 =	sshrl.u32 s19, $0xA  }
0x15: {  	s27 =	smulhi.u32 $0xBA2E8C, s19;
	_ =	sdelay $0x1  }
0x16: {  	s16 =	sshrl.u32 s16, $0xA;
	s20 =	smul.u32 $0x160, s27  }
0x17: {  	s16 =	smul.u32 $0x500, s16  }
0x18: {  	s14 =	smul.u32 $0x370000, s14;
	s19 =	ssub.s32 s19, s20  }
0x19: {  	s15 =	ssub.s32 s15, s16;
	s28 =	smul.u32 $0xA0, s19  }
0x1a: {  	[tilespmem:s18+$0x810 ss:$0x81] =	vst.msk $0xffff, v2;
	s14 =	sadd.s32 s2, s14;
	s29 =	sand.u32 $0x7, s15  }
0x1b: {  	[tilespmem:s18+$0x1020 ss:$0x81] =	vst.msk $0xffff, v0;
	s15 =	sshrl.u32 s15, $0x3;
	s30 =	sshll.u32 s29, $0x12;
	s14 =	sadd.s32 s28, s14  }
0x1c: {  	[tilespmem:s18+$0x0 ss:$0x81] =	vst.msk $0xffff, v1;
	s31 =	sor.u32 $0x80, s30;
	s14 =	sadd.s32 s15, s14  }
0x1d: {  	[hbm4b:s14+s31] =	stream.strided.scatter [tilespmem:s17], [sflag:$0x2], $0x2000, s9, s31, $0x20;
	[tilespmem:$0x8080] =	vst v63  }
.LBB1_5:
0x1e: {  	s17 =	sadd.s32 $0x80, s10  }
0x1f: {  	s14 =	sadd.s32 $0x10, s11;
	s18 =	smov.u32 s11;
	p2 =	sgt.s32 s17, $0x4BF  }
0x20: {  	s18 =	smov.u32 @p2 s14  }
0x21: {  	s20 =	smov.u32 s12;
	s14 =	sadd.s32 $0x2, s12;
	p3 =	sgt.s32 s18, $0x15F  }
0x22: {  	s20 =	smov.u32 @p3 s14  }
0x23: {  	s17 =	simm.s32 @p2 $0x0;
	p2 =	sgt.s32 s20, $0x1  }
0x24: {  	p1 =	slt.u32 s13, $0x2;
	s20 =	smov.u32 @p2 s3;
	p2 =	sne.s32 s13, s8  }
.Ltmp1:
0x25: {  	s19 =	simm.s32 @!p1 $0x2;
	(pc) =	sbr.rel @!p2 .LBB1_6-.Ltmp1, $4  }
0x26: {  	s15 =	smov.u32 s10;
	s16 =	smov.u32 s11;
	_ =	swait.ge @!p1 [sflag:s19], $0x2000  }
0x27: {  	p0 =	por !p0, !p0;
	[sflag:s19] =	ssyncset.done @!p1 $0x0;
	s10 =	smov.u32 s17  }
0x28: {  	s18 =	smov.u32 @p3 s7;
	s14 =	smov.u32 s12;
	[sflag:s19] =	ssyncadd.s32 @!p1 $0xFFFFE000  }
0x29: {  	s11 =	smov.u32 s18;
	s13 =	sadd.s32 $0x1, s13;
	s12 =	smov.u32 s20  }
.LBB1_1:
0x2a: {  	p1 =	sge.u32 s13, s6  }
0x2b: {  	s19 =	smov.u32 s12;
	s21 =	smov.u32 s11;
	s17 =	sand.u32 @!p1 $0x1FFFFFF, s10  }
0x2c: {  	p2 =	sgt.s32 @!p1 s12, $0x1;
	s20 =	sshra.s32 @!p1 s12, $0x1F;
	s22 =	sshra.s32 @!p1 s11, $0x1F  }
0x2d: {  	s18 =	smulhi.u32 @!p1 $0x6BCA1B, s17;
	p2 =	por !p2, p1;
	s20 =	sand.u32 @!p1 s20, s12  }
0x2e: {  	s22 =	sand.u32 @!p1 s22, s11;
	s19 =	simm.s32 @p2 $0x1;
	p2 =	sgt.s32 @!p1 s11, $0x15F  }
0x2f: {  	s20 =	sxor.u32 @!p1 $0xFFFFFFFF, s20;
	s18 =	sshrl.u32 @!p1 s18, $0x1;
	p2 =	por !p2, p1  }
0x30: {  	s19 =	sadd.s32 @!p1 s20, s19;
	s21 =	simm.s32 @p2 $0x15F;
	p2 =	sgt.s32 @!p1 s10, $0x440  }
0x31: {  	s21 =	ssub.s32 @!p1 s21, s22;
	p2 =	por !p2, p1;
	s22 =	smov.u32 s10  }
0x32: {  	s18 =	smul.u32 @!p1 $0x4C0, s18;
	s20 =	sadd.s32 @!p1 $0xFFFFFEA1, s21;
	s22 =	simm.s32 @p2 $0x440  }
0x33: {  	p2 =	sgt.s32 @!p1 s19, $0x0;
	s21 =	ssub.s32 @!p1 $0x160, s21;
	s19 =	sshll.u32 @!p1 s19, $0x6  }
0x34: {  	p3 =	sgt.s32 @!p1 s20, $0x0;
	s20 =	sshra.s32 @!p1 s10, $0x1F;
	s19 =	ssub.s32 @!p1 $0x40, s19  }
0x35: {  	p2 =	por !p2, p1;
	s20 =	sand.u32 @!p1 s20, s10;
	p3 =	por !p3, p1  }
0x36: {  	s19 =	simm.s32 @!p2 $0x0;
	s20 =	ssub.s32 @!p1 s22, s20;
	s21 =	simm.s32 @!p3 $0x0  }
0x37: {  	s31 =	sadd.s32 $0xFFFFFFFF, s13;
	s22 =	sadd.s32 @!p1 $0xFFFFFBC0, s20;
	s19 =	smul.u32 @!p1 s21, s19  }
0x38: {  	s17 =	ssub.s32 @!p1 s17, s18;
	s21 =	smul.u32 @!p1 $0x688000, s12;
	p3 =	sgt.s32 @!p1 s22, $0x7F  }
0x39: {  	s20 =	ssub.s32 @!p1 $0x4C0, s20;
	s22 =	smul.u32 @!p1 $0x4C00, s11;
	p2 =	por !p3, p1  }
0x3a: {  	s17 =	sshll.u32 @!p1 s17, $0x4;
	s18 =	sadd.s32 @!p1 s4, s21;
	s20 =	simm.s32 @!p2 $0x0  }
0x3b: {  	s18 =	sadd.s32 @!p1 s22, s18;
	s19 =	smul.u32 @!p1 s20, s19;
	s20 =	sxor.u32 @!p1 $0xFFFFFFFF, s13  }
0x3c: {  	s21 =	simm.s32 @!p1 $0x80;
	s17 =	sadd.s32 @!p1 s17, s18;
	s20 =	sshll.u32 @!p1 s20, $0xD  }
0x3d: {  	s18 =	simm.s32 @!p1 $0x40;
	s20 =	sand.u32 @!p1 $0x2000, s20;
	s19 =	sand.u32 @!p1 $0x3FFFFFC0, s19  }
0x3e: {  	[tilespmem:s20], [sflag:$0x1] =	stream.strided.gather @!p1 [hbm4b:s17+s18], s19, s21, s18, $0x38;
	[tilespmem:$0x8080] =	vst v63  }
0x3f: {  	p1 =	sge.u32 s31, s6  }
.Ltmp2:
0x40: {  	_ = 	snop;
	(pc) =	sbr.rel @p1 .LBB1_5-.Ltmp2, $1  }
0x41: {  	_ =	sdelay $0x3  }
0x42: {  	p1 =	sgt.s32 s14, $0x1  }
0x43: {  	s17 =	smov.u32 s14;
	s18 =	sshra.s32 s14, $0x1F;
	s19 =	smov.u32 s16  }
0x44: {  	s20 =	sshra.s32 s16, $0x1F;
	p2 =	sgt.s32 s15, $0x440;
	s21 =	sshra.s32 s15, $0x1F  }
0x45: {  	s17 =	simm.s32 @!p1 $0x1;
	s18 =	sand.u32 s18, s14;
	p1 =	sgt.s32 s16, $0x15F  }
0x46: {  	s24 =	sand.u32 s20, s16;
	s18 =	sxor.u32 $0xFFFFFFFF, s18;
	s19 =	simm.s32 @!p1 $0x15F  }
0x47: {  	s26 =	sand.u32 s21, s15;
	s17 =	sadd.s32 s18, s17;
	s18 =	ssub.s32 s19, s24  }
0x48: {  	s19 =	smov.u32 s15;
	p1 =	sgt.s32 s17, $0x0;
	s25 =	sadd.s32 $0xFFFFFEA1, s18  }
0x49: {  	s19 =	simm.s32 @!p2 $0x440;
	s17 =	sshll.u32 s17, $0x6;
	s18 =	ssub.s32 $0x160, s18  }
0x4a: {  	p2 =	sgt.s32 s25, $0x0;
	s19 =	ssub.s32 s19, s26;
	s17 =	ssub.s32 $0x40, s17  }
0x4b: {  	s18 =	simm.s32 @p2 $0x0;
	s20 =	sadd.s32 $0xFFFFFBC0, s19;
	s17 =	simm.s32 @p1 $0x0  }
0x4c: {  	s19 =	ssub.s32 $0x4C0, s19;
	p1 =	sgt.s32 s20, $0x7F;
	s17 =	smul.u32 s18, s17  }
0x4d: {  	s19 =	simm.s32 @p1 $0x0  }
0x4e: {  	s17 =	smul.u32 s19, s17;
	_ =	sdelay $0x1  }
0x4f: {  	s18 =	simm.s32 $0x1;
	s17 =	sand.u32 $0x3FFFFFC0, s17  }
0x50: {  	s18 =	simm.s32 @!p0 $0x0;
	_ =	swait.ge [sflag:s5], s17  }
0x51: {  	s27 =	sshll.u32 s18, $0xD;
	s17 =	ssub.s32 $0x0, s17;
	[sflag:s5] =	ssyncset.done $0x0  }
0x52: {  	s28 =	sor.u32 $0x20, s27;
	[sflag:s5] =	ssyncadd.s32 s17  }
0x53: {  	s29 =	smul.u32 $0x8100, s18;
	v3 =	vld [tilespmem:s28+$0x10]  }
0x54: {  	s30 =	sand.u32 $0x1, s13;
	v2 =	vld [tilespmem:s28+$0xFFFFFFF0]  }
0x55: {  	s18 =	smul.u32 $0x8100, s30;
	s17 =	sshrl.u32 s29, $0x2;
	v0 =	vld [tilespmem:s28+$0x0]  }
0x56: {  	s19 =	sor.u32 $0x4000, s17;
	v1 =	vld [tilespmem:s28+$0xFFFFFFE0]  }
0x57: {  	s31 =	sshrl.u32 s18, $0x2;
	s18 =	sadd.s32 $0x0, s19  }
0x58: {  	s20 =	simm.s32 $0x4;
	s21 =	sadd.s32 $0x40, s28;
	s17 =	sor.u32 $0x4000, s31;
	[tilespmem:s18+$0x1830 ss:$0x81] =	vst.msk $0xffff, v3  }
.LBB1_3:
0x59: {  	v3 =	vld [tilespmem:s21+$0x10];
	p1 =	sne.s32 s20, $0x1FC;
	[tilespmem:s18+$0x810 ss:$0x81] =	vst.msk $0xffff, v2;
	s22 =	smov.u32 s20;
	s20 =	sadd.s32 $0x4, s20  }
.Ltmp3:
0x5a: {  	v2 =	vld [tilespmem:s21+$0xFFFFFFF0];
	[tilespmem:s18+$0x1020 ss:$0x81] =	vst.msk $0xffff, v0;
	(pc) =	sbr.rel @p1 .LBB1_3-.Ltmp3, $4  }
0x5b: {  	v0 =	vld [tilespmem:s21+$0x0];
	[tilespmem:s18+$0x0 ss:$0x81] =	vst.msk $0xffff, v1  }
0x5c: {  	s18 =	sshra.s32 s22, $0x2;
	v1 =	vld [tilespmem:s21+$0xFFFFFFE0]  }
0x5d: {  	s18 =	sadd.s32 s18, s19  }
0x5e: {  	s21 =	sadd.s32 $0x40, s21;
	[tilespmem:s18+$0x1830 ss:$0x81] =	vst.msk $0xffff, v3  }
.Ltmp4:
0x5f: {  	_ = 	snop;
	(pc) =	sbr.rel .LBB1_4-.Ltmp4, $1  }
0x60: {  	_ =	sdelay $0x3  }
.LBB1_6:
0x61: {  	_ =	sfence.sel $0x180000  }
0x62: {  	s2 =	simm.s32 $0x1;
	[bflag:$0x0] =	sbarrier.arrive $0xFFFF  }
0x63: {  	s31 =	simm.s32 $0x2;
	[sflag:s2] =	ssyncpa.u1 $0x1  }
0x64: {  	[sflag:s31] =	ssyncpa.u1 $0x1  }
0x65: {  	p0 =	sne.s32 s1, $0x0;
	_ =	strace $0x9000004D  }
0x66: {  	s0 =	sadd.s32 @!p0 $0x100000, s0;
	[bflag:$0x2] =	sbarrier.arrive $0xFFFF  }
0x67: {  	[sflag:s0] =	ssyncadd.tile.s32 @!p0 $0x1;
	_ =	shalt  }
.Lfunc_end1:
_tile_overlayer_lowered:
.L_overlay_start_2:
0x68: {  	(tag) =	ssettag $0x2  }
0x69: {  	s0 =	rddreg [dreg:$0x0];
	s2 =	stileid.u32  }
0x6a: {  	s1 =	rddreg [dreg:$0x1];
	p0 =	sne.s32 s2, $0x0  }
0x6b: {  	s3 =	rddreg [dreg:$0x2];
	[bflag:$0x3] =	sbarrier.arrive $0xFFFF;
	s2 =	simm.s32 @!p0 $0x1C01  }
0x6c: {  	[timem:s3], [sflag:s2] =	dma.local @!p0 [hbm:s0], s1  }
0x6d: {  	s0 =	simm.s32 @!p0 $0x1  }
0x6e: {  	_ =	swait.ge @!p0 [sflag:s0], s1  }
0x6f: {  	s1 =	ssub.s32 @!p0 $0x0, s1;
	[sflag:s0] =	ssyncset.done @!p0 $0x0  }
0x70: {  	[sflag:s0] =	ssyncadd.s32 @!p0 s1  }
0x71: {  	[bflag:$0x3] =	sbarrier.arrive $0xFFFF  }
0x72: {  	_ =	shalt  }

</sc_bundles>
